<compile_context>
chip_gen: v7x
topology: tpu7x:2x2x1
jax: 0.10.2.dev20260603
libtpu: 0.0.44.dev20260713+nightly
codegen_flags: <defaults>
</compile_context>

<pallas_src>
import functools

import jax
import jax.numpy as jnp
from jax import lax
from jax.experimental import pallas as pl
from jax.experimental.pallas import tpu as pltpu
from jax.experimental.pallas import tpu_sc as plsc

_EPS = 1e-10
_LN2 = 0.6931471805599453
_NW = 32
_CHUNK = 8192

_LOG_POLY = (
    0.12485586851835251,
    -0.18030452728271484,
    0.20199713110923767,
    -0.2497013807296753,
    0.33331483602523804,
)


def _flog(x):
    xi = plsc.bitcast(x, jnp.int32)
    k = lax.shift_right_arithmetic(xi - 0x3F3504F3, 23)
    m = plsc.bitcast(xi - lax.shift_left(k, 23), jnp.float32)
    f = m - 1.0
    z = f * f
    p = jnp.float32(_LOG_POLY[0])
    for c in _LOG_POLY[1:]:
        p = p * f + jnp.float32(c)
    return k.astype(jnp.float32) * jnp.float32(_LN2) + (f - 0.5 * z + z * f * p)


def _sc_gumbel(lf, uf):
    total = lf.shape[0]
    per_w = total // _NW
    n_chunks = per_w // _CHUNK
    assert n_chunks % 2 == 0
    mesh = plsc.VectorSubcoreMesh(core_axis_name="c", subcore_axis_name="s")

    @functools.partial(
        pl.kernel,
        mesh=mesh,
        compiler_params=pltpu.CompilerParams(needs_layout_passes=False),
        out_type=[
            jax.ShapeDtypeStruct((total,), jnp.float32),
            jax.ShapeDtypeStruct((total,), jnp.float32),
        ],
        scratch_types=[
            pltpu.VMEM((_CHUNK,), jnp.float32),
            pltpu.VMEM((_CHUNK,), jnp.float32),
            pltpu.VMEM((_CHUNK,), jnp.float32),
            pltpu.VMEM((_CHUNK,), jnp.float32),
            pltpu.VMEM((_CHUNK,), jnp.float32),
            pltpu.VMEM((_CHUNK,), jnp.float32),
            pltpu.VMEM((_CHUNK,), jnp.float32),
            pltpu.VMEM((_CHUNK,), jnp.float32),
            pltpu.SemaphoreType.DMA,
            pltpu.SemaphoreType.DMA,
            pltpu.SemaphoreType.DMA,
            pltpu.SemaphoreType.DMA,
        ],
    )
    def k(l_hbm, u_hbm, h_hbm, y_hbm,
          lA, uA, hA, yA, lB, uB, hB, yB,
          sinA, sinB, soutA, soutB):
        wid = lax.axis_index("s") * 2 + lax.axis_index("c")
        base = wid * per_w
        bufs = ((lA, uA, hA, yA, sinA, soutA), (lB, uB, hB, yB, sinB, soutB))

        def start_in(sl, ci):
            off = base + ci * _CHUNK
            lb_, ub_, _, _, si, _ = bufs[sl]
            pltpu.async_copy(l_hbm.at[pl.ds(off, _CHUNK)], lb_, si)
            pltpu.async_copy(u_hbm.at[pl.ds(off, _CHUNK)], ub_, si)

        def wait_in(sl, ci):
            off = base + ci * _CHUNK
            lb_, ub_, _, _, si, _ = bufs[sl]
            pltpu.make_async_copy(l_hbm.at[pl.ds(off, _CHUNK)], lb_, si).wait()
            pltpu.make_async_copy(u_hbm.at[pl.ds(off, _CHUNK)], ub_, si).wait()

        def start_out(sl, ci):
            off = base + ci * _CHUNK
            _, _, hb_, yb_, _, so = bufs[sl]
            pltpu.async_copy(hb_, h_hbm.at[pl.ds(off, _CHUNK)], so)
            pltpu.async_copy(yb_, y_hbm.at[pl.ds(off, _CHUNK)], so)

        def wait_out(sl, ci):
            off = base + ci * _CHUNK
            _, _, hb_, yb_, _, so = bufs[sl]
            pltpu.make_async_copy(hb_, h_hbm.at[pl.ds(off, _CHUNK)], so).wait()
            pltpu.make_async_copy(yb_, y_hbm.at[pl.ds(off, _CHUNK)], so).wait()

        def compute(sl):
            lbuf, ubuf, hbuf, ybuf, _, _ = bufs[sl]

            def pair_body(pg, c2):
                a0 = pg * 256
                for t in range(8):
                    ao = a0 + t * 16
                    bo = ao + 128
                    la = lbuf[pl.ds(ao, 16)]
                    lb = lbuf[pl.ds(bo, 16)]
                    ua = ubuf[pl.ds(ao, 16)]
                    ub = ubuf[pl.ds(bo, 16)]
                    wa = _flog(ua + jnp.float32(_EPS))
                    wb = _flog(ub + jnp.float32(_EPS))
                    ea = jnp.exp((lb - la) * 2.0) * (wa * wa)
                    wb2 = wb * wb
                    ya = wb2 / (wb2 + ea)
                    ha = jnp.where(ea <= wb2, jnp.float32(1.0), jnp.float32(0.0))
                    ybuf[pl.ds(ao, 16)] = ya
                    ybuf[pl.ds(bo, 16)] = 1.0 - ya
                    hbuf[pl.ds(ao, 16)] = ha
                    hbuf[pl.ds(bo, 16)] = 1.0 - ha
                return c2

            lax.fori_loop(0, _CHUNK // 256, pair_body, 0)

        def process(sl, ci):
            wait_in(sl, ci)

            @pl.when(ci >= 2)
            def _():
                wait_out(sl, ci - 2)

            compute(sl)
            start_out(sl, ci)

            @pl.when(ci + 2 < n_chunks)
            def _():
                start_in(sl, ci + 2)

        start_in(0, 0)
        start_in(1, 1)

        def body2(i, carry):
            process(0, 2 * i)
            process(1, 2 * i + 1)
            return carry

        lax.fori_loop(0, n_chunks // 2, body2, 0)
        wait_out(0, n_chunks - 2)
        wait_out(1, n_chunks - 1)

    return k(lf, uf)


def _to_rows(x):
    m, n, two = x.shape
    nb = n // 128
    return x.reshape(m, nb, 128, two).transpose(0, 1, 3, 2).reshape(m * nb * two, 128)


def _from_rows(x, m, n, two):
    nb = n // 128
    return x.reshape(m, nb, two, 128).transpose(0, 1, 3, 2).reshape(m, n, two)


def kernel(logits, u):
    m, n, two = logits.shape
    lf = _to_rows(logits).reshape(-1)
    uf = _to_rows(u).reshape(-1)
    hard, y = _sc_gumbel(lf, uf)
    nrows = m * (n // 128) * two
    return (
        _from_rows(hard.reshape(nrows, 128), m, n, two),
        _from_rows(y.reshape(nrows, 128), m, n, two),
    )

# --- scband reference (transcript-rebuilt; emitter-appended) ---
"""Pipeline reference for scband-gumbel-softmax-layer-44744969290118 (READ-ONLY COPY).

The authoritative reference and input builder live on the scoring server;
editing this copy changes nothing except your own understanding.
"""

import jax, jax.numpy as jnp
import numpy as np

M, N = 16384, 1024
TEMPERATURE = 0.5
HARD = True


def setup_inputs(seed: int = 0) -> dict:
    key = jax.random.key(seed)
    k1, k2 = jax.random.split(key)
    logits = jax.random.normal(k1, (M, N, 2), dtype=jnp.float32)
    u = jax.random.uniform(k2, (M, N, 2), dtype=jnp.float32)
    return {"logits": logits, "u": u}


def reference(logits, u):
    # training-mode gumbel-softmax: gumbel noise derived from uniform sample u
    gumbels = -jnp.log(-jnp.log(u + 1e-10) + 1e-10)
    scaled = (logits + gumbels) / TEMPERATURE
    y = jax.nn.softmax(scaled, axis=-1)
    if HARD:
        # scatter 1.0 at argmax along last dim (torch scatter_ equivalent)
        idx = jnp.argmax(y, axis=-1)
        y_hard = jax.nn.one_hot(idx, y.shape[-1], dtype=y.dtype)
        samples = jax.lax.stop_gradient(y_hard - y) + y
    else:
        samples = y
    return (samples, y)

if __name__ == "__main__":
    import jax
    _d = setup_inputs()
    print(jax.jit(kernel)(*tuple(_d.values())))

</pallas_src>

<mosaic_0001>
#map = affine_map<(d0, d1) -> (0)>
module attributes {stable_mosaic.version = 14 : i64} {
  func.func @k(%arg0: i32, %arg1: i32, %arg2: memref<33554432xf32, #tpu.memory_space<hbm>>, %arg3: memref<33554432xf32, #tpu.memory_space<hbm>>, %arg4: memref<33554432xf32, #tpu.memory_space<hbm>>, %arg5: memref<33554432xf32, #tpu.memory_space<hbm>>, %arg6: memref<8192xf32, #tpu.memory_space<vmem>>, %arg7: memref<8192xf32, #tpu.memory_space<vmem>>, %arg8: memref<8192xf32, #tpu.memory_space<vmem>>, %arg9: memref<8192xf32, #tpu.memory_space<vmem>>, %arg10: memref<8192xf32, #tpu.memory_space<vmem>>, %arg11: memref<8192xf32, #tpu.memory_space<vmem>>, %arg12: memref<8192xf32, #tpu.memory_space<vmem>>, %arg13: memref<8192xf32, #tpu.memory_space<vmem>>, %arg14: memref<!tpu.dma_semaphore, #tpu.memory_space<semaphore_mem>>, %arg15: memref<!tpu.dma_semaphore, #tpu.memory_space<semaphore_mem>>, %arg16: memref<!tpu.dma_semaphore, #tpu.memory_space<semaphore_mem>>, %arg17: memref<!tpu.dma_semaphore, #tpu.memory_space<semaphore_mem>>) attributes {dimension_semantics = [#tpu.dimension_semantics<core_parallel>, #tpu.dimension_semantics<subcore_parallel>], iteration_bounds = array<i64: 2, 16>, scalar_prefetch = 0 : i64, scratch_operands = 12 : i64, tpu.core_type = #tpu.core_type<sc_vector_subcore>, window_params = [{transform_indices = #map}, {transform_indices = #map}, {transform_indices = #map}, {transform_indices = #map}]} {
    %mul3A = arith.constant 2 : i32
    %mul3A_0 = arith.muli %arg1, %mul3A : i32
    %add3A = arith.addi %mul3A_0, %arg0 : i32
    %mul3A_1 = arith.constant 1048576 : i32
    %mul3A_2 = arith.muli %add3A, %mul3A_1 : i32
    %add3A_3 = arith.constant 0 : i32
    %add3A_4 = arith.addi %mul3A_2, %add3A_3 : i32
    %dma_start3A = tpu.memref_slice %arg2[%add3A_4] : memref<33554432xf32, #tpu.memory_space<hbm>> -> memref<8192xf32, #tpu.memory_space<hbm>>
    %dma_start3A_5 = tpu.memref_slice %arg2[%add3A_4] : memref<33554432xf32, #tpu.memory_space<hbm>> -> memref<8192xf32, #tpu.memory_space<hbm>>
    tpu.enqueue_dma source(%dma_start3A_5 : memref<8192xf32, #tpu.memory_space<hbm>>) target(%arg6 : memref<8192xf32, #tpu.memory_space<vmem>>) target_semaphore(%arg14 : memref<!tpu.dma_semaphore, #tpu.memory_space<semaphore_mem>>)
    %dma_start3A_6 = tpu.memref_slice %arg3[%add3A_4] : memref<33554432xf32, #tpu.memory_space<hbm>> -> memref<8192xf32, #tpu.memory_space<hbm>>
    %dma_start3A_7 = tpu.memref_slice %arg3[%add3A_4] : memref<33554432xf32, #tpu.memory_space<hbm>> -> memref<8192xf32, #tpu.memory_space<hbm>>
    tpu.enqueue_dma source(%dma_start3A_7 : memref<8192xf32, #tpu.memory_space<hbm>>) target(%arg7 : memref<8192xf32, #tpu.memory_space<vmem>>) target_semaphore(%arg14 : memref<!tpu.dma_semaphore, #tpu.memory_space<semaphore_mem>>)
    %add3A_8 = arith.constant 8192 : i32
    %add3A_9 = arith.addi %mul3A_2, %add3A_8 : i32
    %dma_start3A_10 = tpu.memref_slice %arg2[%add3A_9] : memref<33554432xf32, #tpu.memory_space<hbm>> -> memref<8192xf32, #tpu.memory_space<hbm>>
    %dma_start3A_11 = tpu.memref_slice %arg2[%add3A_9] : memref<33554432xf32, #tpu.memory_space<hbm>> -> memref<8192xf32, #tpu.memory_space<hbm>>
    tpu.enqueue_dma source(%dma_start3A_11 : memref<8192xf32, #tpu.memory_space<hbm>>) target(%arg10 : memref<8192xf32, #tpu.memory_space<vmem>>) target_semaphore(%arg15 : memref<!tpu.dma_semaphore, #tpu.memory_space<semaphore_mem>>)
    %dma_start3A_12 = tpu.memref_slice %arg3[%add3A_9] : memref<33554432xf32, #tpu.memory_space<hbm>> -> memref<8192xf32, #tpu.memory_space<hbm>>
    %dma_start3A_13 = tpu.memref_slice %arg3[%add3A_9] : memref<33554432xf32, #tpu.memory_space<hbm>> -> memref<8192xf32, #tpu.memory_space<hbm>>
    tpu.enqueue_dma source(%dma_start3A_13 : memref<8192xf32, #tpu.memory_space<hbm>>) target(%arg11 : memref<8192xf32, #tpu.memory_space<vmem>>) target_semaphore(%arg15 : memref<!tpu.dma_semaphore, #tpu.memory_space<semaphore_mem>>)
    %scan3A = arith.constant 0 : i32
    %scan3A_14 = arith.constant 0 : i32
    %scan3A_15 = arith.constant 64 : i32
    %scan3A_16 = arith.addi %scan3A_14, %scan3A_15 : i32
    %scan3A_17 = arith.constant 1 : i32
    scf.for %scan3A_30 = %scan3A_14 to %scan3A_16 step %scan3A_17  : i32 {
      %mul3A_31 = arith.constant 2 : i32
      %mul3A_32 = arith.muli %mul3A_31, %scan3A_30 : i32
      %mul3A_33 = arith.constant 8192 : i32
      %mul3A_34 = arith.muli %mul3A_32, %mul3A_33 : i32
      %add3A_35 = arith.addi %mul3A_2, %mul3A_34 : i32
      %dma_wait3A_36 = tpu.memref_slice %arg2[%add3A_35] : memref<33554432xf32, #tpu.memory_space<hbm>> -> memref<8192xf32, #tpu.memory_space<hbm>>
      %dma_wait3A_37 = tpu.memref_slice %arg2[%add3A_35] : memref<33554432xf32, #tpu.memory_space<hbm>> -> memref<8192xf32, #tpu.memory_space<hbm>>
      tpu.wait_dma2 semaphore(%arg14 : memref<!tpu.dma_semaphore, #tpu.memory_space<semaphore_mem>>) src(%dma_wait3A_37 : memref<8192xf32, #tpu.memory_space<hbm>>) dst(%arg6 : memref<8192xf32, #tpu.memory_space<vmem>>)
      %dma_wait3A_38 = tpu.memref_slice %arg3[%add3A_35] : memref<33554432xf32, #tpu.memory_space<hbm>> -> memref<8192xf32, #tpu.memory_space<hbm>>
      %dma_wait3A_39 = tpu.memref_slice %arg3[%add3A_35] : memref<33554432xf32, #tpu.memory_space<hbm>> -> memref<8192xf32, #tpu.memory_space<hbm>>
      tpu.wait_dma2 semaphore(%arg14 : memref<!tpu.dma_semaphore, #tpu.memory_space<semaphore_mem>>) src(%dma_wait3A_39 : memref<8192xf32, #tpu.memory_space<hbm>>) dst(%arg7 : memref<8192xf32, #tpu.memory_space<vmem>>)
      %ge3A = arith.constant 2 : i32
      %ge3A_40 = arith.cmpi sge, %mul3A_32, %ge3A : i32
      %convert_element_type3A = arith.extui %ge3A_40 : i1 to i32
      %cond3A = arith.constant 0 : i32
      %cond3A_41 = arith.cmpi ne, %convert_element_type3A, %cond3A : i32
      scf.if %cond3A_41 {
        %sub3A = arith.constant 2 : i32
        %sub3A_97 = arith.subi %mul3A_32, %sub3A : i32
        %mul3A_98 = arith.constant 8192 : i32
        %mul3A_99 = arith.muli %sub3A_97, %mul3A_98 : i32
        %add3A_100 = arith.addi %mul3A_2, %mul3A_99 : i32
        %dma_wait3A_101 = tpu.memref_slice %arg4[%add3A_100] : memref<33554432xf32, #tpu.memory_space<hbm>> -> memref<8192xf32, #tpu.memory_space<hbm>>
        %dma_wait3A_102 = tpu.memref_slice %arg4[%add3A_100] : memref<33554432xf32, #tpu.memory_space<hbm>> -> memref<8192xf32, #tpu.memory_space<hbm>>
        tpu.wait_dma2 semaphore(%arg16 : memref<!tpu.dma_semaphore, #tpu.memory_space<semaphore_mem>>) src(%arg8 : memref<8192xf32, #tpu.memory_space<vmem>>) dst(%dma_wait3A_102 : memref<8192xf32, #tpu.memory_space<hbm>>)
        %dma_wait3A_103 = tpu.memref_slice %arg5[%add3A_100] : memref<33554432xf32, #tpu.memory_space<hbm>> -> memref<8192xf32, #tpu.memory_space<hbm>>
        %dma_wait3A_104 = tpu.memref_slice %arg5[%add3A_100] : memref<33554432xf32, #tpu.memory_space<hbm>> -> memref<8192xf32, #tpu.memory_space<hbm>>
        tpu.wait_dma2 semaphore(%arg16 : memref<!tpu.dma_semaphore, #tpu.memory_space<semaphore_mem>>) src(%arg9 : memref<8192xf32, #tpu.memory_space<vmem>>) dst(%dma_wait3A_104 : memref<8192xf32, #tpu.memory_space<hbm>>)
      } else {
      }
      %scan3A_42 = arith.constant 0 : i32
      %scan3A_43 = arith.constant 0 : i32
      %scan3A_44 = arith.constant 32 : i32
      %scan3A_45 = arith.addi %scan3A_43, %scan3A_44 : i32
      %scan3A_46 = arith.constant 1 : i32
      scf.for %scan3A_97 = %scan3A_43 to %scan3A_45 step %scan3A_46  : i32 {
        %mul3A_98 = arith.constant 256 : i32
        %mul3A_99 = arith.muli %scan3A_97, %mul3A_98 : i32
        %add3A_100 = arith.constant 0 : i32
        %add3A_101 = arith.addi %mul3A_99, %add3A_100 : i32
        %add3A_102 = arith.constant 128 : i32
        %add3A_103 = arith.addi %add3A_101, %add3A_102 : i32
        %get3A = arith.index_cast %add3A_101 : i32 to index
        %get3A_104 = tpu.vector_load %arg6[%get3A] {strides = array<i32>} : memref<8192xf32, #tpu.memory_space<vmem>>, vector<16xf32>,
        %get3A_105 = arith.index_cast %add3A_103 : i32 to index
        %get3A_106 = tpu.vector_load %arg6[%get3A_105] {strides = array<i32>} : memref<8192xf32, #tpu.memory_space<vmem>>, vector<16xf32>,
        %get3A_107 = arith.index_cast %add3A_101 : i32 to index
        %get3A_108 = tpu.vector_load %arg7[%get3A_107] {strides = array<i32>} : memref<8192xf32, #tpu.memory_space<vmem>>, vector<16xf32>,
        %get3A_109 = arith.index_cast %add3A_103 : i32 to index
        %get3A_110 = tpu.vector_load %arg7[%get3A_109] {strides = array<i32>} : memref<8192xf32, #tpu.memory_space<vmem>>, vector<16xf32>,
        %add3A_111 = arith.constant 1.000000e-10 : f32
        %add3A_112 = vector.broadcast %add3A_111 : f32 to vector<16xf32>
        %add3A_113 = arith.addf %get3A_108, %add3A_112 : vector<16xf32>
        %bitcast3A = vector.bitcast %add3A_113 : vector<16xf32> to vector<16xi32>
        %sub3A = arith.constant 1060439283 : i32
        %sub3A_114 = vector.broadcast %sub3A : i32 to vector<16xi32>
        %sub3A_115 = arith.subi %bitcast3A, %sub3A_114 : vector<16xi32>
        %shift_right_arithmetic3A = arith.constant 23 : i32
        %shift_right_arithmetic3A_116 = vector.broadcast %shift_right_arithmetic3A : i32 to vector<16xi32>
        %shift_right_arithmetic3A_117 = arith.shrsi %sub3A_115, %shift_right_arithmetic3A_116 : vector<16xi32>
        %shift_left3A = arith.constant 23 : i32
        %shift_left3A_118 = vector.broadcast %shift_left3A : i32 to vector<16xi32>
        %shift_left3A_119 = arith.shli %shift_right_arithmetic3A_117, %shift_left3A_118 : vector<16xi32>
        %sub3A_120 = arith.subi %bitcast3A, %shift_left3A_119 : vector<16xi32>
        %bitcast3A_121 = vector.bitcast %sub3A_120 : vector<16xi32> to vector<16xf32>
        %sub3A_122 = arith.constant 1.000000e+00 : f32
        %sub3A_123 = vector.broadcast %sub3A_122 : f32 to vector<16xf32>
        %sub3A_124 = arith.subf %bitcast3A_121, %sub3A_123 : vector<16xf32>
        %mul3A_125 = arith.mulf %sub3A_124, %sub3A_124 : vector<16xf32>
        %mul3A_126 = arith.constant 0.124855869 : f32
        %mul3A_127 = vector.broadcast %mul3A_126 : f32 to vector<16xf32>
        %mul3A_128 = arith.mulf %mul3A_127, %sub3A_124 : vector<16xf32>
        %add3A_129 = arith.constant -0.180304527 : f32
        %add3A_130 = vector.broadcast %add3A_129 : f32 to vector<16xf32>
        %add3A_131 = arith.addf %mul3A_128, %add3A_130 : vector<16xf32>
        %mul3A_132 = arith.mulf %add3A_131, %sub3A_124 : vector<16xf32>
        %add3A_133 = arith.constant 0.201997131 : f32
        %add3A_134 = vector.broadcast %add3A_133 : f32 to vector<16xf32>
        %add3A_135 = arith.addf %mul3A_132, %add3A_134 : vector<16xf32>
        %mul3A_136 = arith.mulf %add3A_135, %sub3A_124 : vector<16xf32>
        %add3A_137 = arith.constant -0.249701381 : f32
        %add3A_138 = vector.broadcast %add3A_137 : f32 to vector<16xf32>
        %add3A_139 = arith.addf %mul3A_136, %add3A_138 : vector<16xf32>
        %mul3A_140 = arith.mulf %add3A_139, %sub3A_124 : vector<16xf32>
        %add3A_141 = arith.constant 0.333314836 : f32
        %add3A_142 = vector.broadcast %add3A_141 : f32 to vector<16xf32>
        %add3A_143 = arith.addf %mul3A_140, %add3A_142 : vector<16xf32>
        %convert_element_type3A_144 = arith.sitofp %shift_right_arithmetic3A_117 : vector<16xi32> to vector<16xf32>
        %mul3A_145 = arith.constant 0.693147182 : f32
        %mul3A_146 = vector.broadcast %mul3A_145 : f32 to vector<16xf32>
        %mul3A_147 = arith.mulf %convert_element_type3A_144, %mul3A_146 : vector<16xf32>
        %mul3A_148 = arith.constant 5.000000e-01 : f32
        %mul3A_149 = vector.broadcast %mul3A_148 : f32 to vector<16xf32>
        %mul3A_150 = arith.mulf %mul3A_149, %mul3A_125 : vector<16xf32>
        %sub3A_151 = arith.subf %sub3A_124, %mul3A_150 : vector<16xf32>
        %mul3A_152 = arith.mulf %mul3A_125, %sub3A_124 : vector<16xf32>
        %mul3A_153 = arith.mulf %mul3A_152, %add3A_143 : vector<16xf32>
        %add3A_154 = arith.addf %sub3A_151, %mul3A_153 : vector<16xf32>
        %add3A_155 = arith.addf %mul3A_147, %add3A_154 : vector<16xf32>
        %add3A_156 = arith.constant 1.000000e-10 : f32
        %add3A_157 = vector.broadcast %add3A_156 : f32 to vector<16xf32>
        %add3A_158 = arith.addf %get3A_110, %add3A_157 : vector<16xf32>
        %bitcast3A_159 = vector.bitcast %add3A_158 : vector<16xf32> to vector<16xi32>
        %sub3A_160 = arith.constant 1060439283 : i32
        %sub3A_161 = vector.broadcast %sub3A_160 : i32 to vector<16xi32>
        %sub3A_162 = arith.subi %bitcast3A_159, %sub3A_161 : vector<16xi32>
        %shift_right_arithmetic3A_163 = arith.constant 23 : i32
        %shift_right_arithmetic3A_164 = vector.broadcast %shift_right_arithmetic3A_163 : i32 to vector<16xi32>
        %shift_right_arithmetic3A_165 = arith.shrsi %sub3A_162, %shift_right_arithmetic3A_164 : vector<16xi32>
        %shift_left3A_166 = arith.constant 23 : i32
        %shift_left3A_167 = vector.broadcast %shift_left3A_166 : i32 to vector<16xi32>
        %shift_left3A_168 = arith.shli %shift_right_arithmetic3A_165, %shift_left3A_167 : vector<16xi32>
        %sub3A_169 = arith.subi %bitcast3A_159, %shift_left3A_168 : vector<16xi32>
        %bitcast3A_170 = vector.bitcast %sub3A_169 : vector<16xi32> to vector<16xf32>
        %sub3A_171 = arith.constant 1.000000e+00 : f32
        %sub3A_172 = vector.broadcast %sub3A_171 : f32 to vector<16xf32>
        %sub3A_173 = arith.subf %bitcast3A_170, %sub3A_172 : vector<16xf32>
        %mul3A_174 = arith.mulf %sub3A_173, %sub3A_173 : vector<16xf32>
        %mul3A_175 = arith.constant 0.124855869 : f32
        %mul3A_176 = vector.broadcast %mul3A_175 : f32 to vector<16xf32>
        %mul3A_177 = arith.mulf %mul3A_176, %sub3A_173 : vector<16xf32>
        %add3A_178 = arith.constant -0.180304527 : f32
        %add3A_179 = vector.broadcast %add3A_178 : f32 to vector<16xf32>
        %add3A_180 = arith.addf %mul3A_177, %add3A_179 : vector<16xf32>
        %mul3A_181 = arith.mulf %add3A_180, %sub3A_173 : vector<16xf32>
        %add3A_182 = arith.constant 0.201997131 : f32
        %add3A_183 = vector.broadcast %add3A_182 : f32 to vector<16xf32>
        %add3A_184 = arith.addf %mul3A_181, %add3A_183 : vector<16xf32>
        %mul3A_185 = arith.mulf %add3A_184, %sub3A_173 : vector<16xf32>
        %add3A_186 = arith.constant -0.249701381 : f32
        %add3A_187 = vector.broadcast %add3A_186 : f32 to vector<16xf32>
        %add3A_188 = arith.addf %mul3A_185, %add3A_187 : vector<16xf32>
        %mul3A_189 = arith.mulf %add3A_188, %sub3A_173 : vector<16xf32>
        %add3A_190 = arith.constant 0.333314836 : f32
        %add3A_191 = vector.broadcast %add3A_190 : f32 to vector<16xf32>
        %add3A_192 = arith.addf %mul3A_189, %add3A_191 : vector<16xf32>
        %convert_element_type3A_193 = arith.sitofp %shift_right_arithmetic3A_165 : vector<16xi32> to vector<16xf32>
        %mul3A_194 = arith.constant 0.693147182 : f32
        %mul3A_195 = vector.broadcast %mul3A_194 : f32 to vector<16xf32>
        %mul3A_196 = arith.mulf %convert_element_type3A_193, %mul3A_195 : vector<16xf32>
        %mul3A_197 = arith.constant 5.000000e-01 : f32
        %mul3A_198 = vector.broadcast %mul3A_197 : f32 to vector<16xf32>
        %mul3A_199 = arith.mulf %mul3A_198, %mul3A_174 : vector<16xf32>
        %sub3A_200 = arith.subf %sub3A_173, %mul3A_199 : vector<16xf32>
        %mul3A_201 = arith.mulf %mul3A_174, %sub3A_173 : vector<16xf32>
        %mul3A_202 = arith.mulf %mul3A_201, %add3A_192 : vector<16xf32>
        %add3A_203 = arith.addf %sub3A_200, %mul3A_202 : vector<16xf32>
        %add3A_204 = arith.addf %mul3A_196, %add3A_203 : vector<16xf32>
        %sub3A_205 = arith.subf %get3A_106, %get3A_104 : vector<16xf32>
        %mul3A_206 = arith.constant 2.000000e+00 : f32
        %mul3A_207 = vector.broadcast %mul3A_206 : f32 to vector<16xf32>
        %mul3A_208 = arith.mulf %sub3A_205, %mul3A_207 : vector<16xf32>
        %exp3A = math.exp %mul3A_208 : vector<16xf32>
        %mul3A_209 = arith.mulf %add3A_155, %add3A_155 : vector<16xf32>
        %mul3A_210 = arith.mulf %exp3A, %mul3A_209 : vector<16xf32>
        %mul3A_211 = arith.mulf %add3A_204, %add3A_204 : vector<16xf32>
        %add3A_212 = arith.addf %mul3A_211, %mul3A_210 : vector<16xf32>
        %div3A = arith.divf %mul3A_211, %add3A_212 : vector<16xf32>
        %le3A = arith.cmpf ole, %mul3A_210, %mul3A_211 : vector<16xf32>
        %jit3A = arith.constant 1.000000e+00 : f32
        %jit3A_213 = arith.constant 0.000000e+00 : f32
        %broadcast_in_dim3A = vector.broadcast %jit3A : f32 to vector<16xf32>
        %broadcast_in_dim3A_214 = vector.broadcast %jit3A_213 : f32 to vector<16xf32>
        %select_n3A = arith.select %le3A, %broadcast_in_dim3A, %broadcast_in_dim3A_214 : vector<16xi1>, vector<16xf32>
        %swap3A = arith.index_cast %add3A_101 : i32 to index
        %swap3A_215 = tpu.vector_load %arg9[%swap3A] {strides = array<i32>} : memref<8192xf32, #tpu.memory_space<vmem>>, vector<16xf32>,
        tpu.vector_store %arg9[%swap3A], %div3A {strides = array<i32>} : memref<8192xf32, #tpu.memory_space<vmem>>, vector<16xf32>,
        %sub3A_216 = arith.constant 1.000000e+00 : f32
        %sub3A_217 = vector.broadcast %sub3A_216 : f32 to vector<16xf32>
        %sub3A_218 = arith.subf %sub3A_217, %div3A : vector<16xf32>
        %swap3A_219 = arith.index_cast %add3A_103 : i32 to index
        %swap3A_220 = tpu.vector_load %arg9[%swap3A_219] {strides = array<i32>} : memref<8192xf32, #tpu.memory_space<vmem>>, vector<16xf32>,
        tpu.vector_store %arg9[%swap3A_219], %sub3A_218 {strides = array<i32>} : memref<8192xf32, #tpu.memory_space<vmem>>, vector<16xf32>,
        %swap3A_221 = arith.index_cast %add3A_101 : i32 to index
        %swap3A_222 = tpu.vector_load %arg8[%swap3A_221] {strides = array<i32>} : memref<8192xf32, #tpu.memory_space<vmem>>, vector<16xf32>,
        tpu.vector_store %arg8[%swap3A_221], %select_n3A {strides = array<i32>} : memref<8192xf32, #tpu.memory_space<vmem>>, vector<16xf32>,
        %sub3A_223 = arith.constant 1.000000e+00 : f32
        %sub3A_224 = vector.broadcast %sub3A_223 : f32 to vector<16xf32>
        %sub3A_225 = arith.subf %sub3A_224, %select_n3A : vector<16xf32>
        %swap3A_226 = arith.index_cast %add3A_103 : i32 to index
        %swap3A_227 = tpu.vector_load %arg8[%swap3A_226] {strides = array<i32>} : memref<8192xf32, #tpu.memory_space<vmem>>, vector<16xf32>,
        tpu.vector_store %arg8[%swap3A_226], %sub3A_225 {strides = array<i32>} : memref<8192xf32, #tpu.memory_space<vmem>>, vector<16xf32>,
        %add3A_228 = arith.constant 16 : i32
        %add3A_229 = arith.addi %mul3A_99, %add3A_228 : i32
        %add3A_230 = arith.constant 128 : i32
        %add3A_231 = arith.addi %add3A_229, %add3A_230 : i32
        %get3A_232 = arith.index_cast %add3A_229 : i32 to index
        %get3A_233 = tpu.vector_load %arg6[%get3A_232] {strides = array<i32>} : memref<8192xf32, #tpu.memory_space<vmem>>, vector<16xf32>,
        %get3A_234 = arith.index_cast %add3A_231 : i32 to index
        %get3A_235 = tpu.vector_load %arg6[%get3A_234] {strides = array<i32>} : memref<8192xf32, #tpu.memory_space<vmem>>, vector<16xf32>,
        %get3A_236 = arith.index_cast %add3A_229 : i32 to index
        %get3A_237 = tpu.vector_load %arg7[%get3A_236] {strides = array<i32>} : memref<8192xf32, #tpu.memory_space<vmem>>, vector<16xf32>,
        %get3A_238 = arith.index_cast %add3A_231 : i32 to index
        %get3A_239 = tpu.vector_load %arg7[%get3A_238] {strides = array<i32>} : memref<8192xf32, #tpu.memory_space<vmem>>, vector<16xf32>,
        %add3A_240 = arith.constant 1.000000e-10 : f32
        %add3A_241 = vector.broadcast %add3A_240 : f32 to vector<16xf32>
        %add3A_242 = arith.addf %get3A_237, %add3A_241 : vector<16xf32>
        %bitcast3A_243 = vector.bitcast %add3A_242 : vector<16xf32> to vector<16xi32>
        %sub3A_244 = arith.constant 1060439283 : i32
        %sub3A_245 = vector.broadcast %sub3A_244 : i32 to vector<16xi32>
        %sub3A_246 = arith.subi %bitcast3A_243, %sub3A_245 : vector<16xi32>
        %shift_right_arithmetic3A_247 = arith.constant 23 : i32
        %shift_right_arithmetic3A_248 = vector.broadcast %shift_right_arithmetic3A_247 : i32 to vector<16xi32>
        %shift_right_arithmetic3A_249 = arith.shrsi %sub3A_246, %shift_right_arithmetic3A_248 : vector<16xi32>
        %shift_left3A_250 = arith.constant 23 : i32
        %shift_left3A_251 = vector.broadcast %shift_left3A_250 : i32 to vector<16xi32>
        %shift_left3A_252 = arith.shli %shift_right_arithmetic3A_249, %shift_left3A_251 : vector<16xi32>
        %sub3A_253 = arith.subi %bitcast3A_243, %shift_left3A_252 : vector<16xi32>
        %bitcast3A_254 = vector.bitcast %sub3A_253 : vector<16xi32> to vector<16xf32>
        %sub3A_255 = arith.constant 1.000000e+00 : f32
        %sub3A_256 = vector.broadcast %sub3A_255 : f32 to vector<16xf32>
        %sub3A_257 = arith.subf %bitcast3A_254, %sub3A_256 : vector<16xf32>
        %mul3A_258 = arith.mulf %sub3A_257, %sub3A_257 : vector<16xf32>
        %mul3A_259 = arith.constant 0.124855869 : f32
        %mul3A_260 = vector.broadcast %mul3A_259 : f32 to vector<16xf32>
        %mul3A_261 = arith.mulf %mul3A_260, %sub3A_257 : vector<16xf32>
        %add3A_262 = arith.constant -0.180304527 : f32
        %add3A_263 = vector.broadcast %add3A_262 : f32 to vector<16xf32>
        %add3A_264 = arith.addf %mul3A_261, %add3A_263 : vector<16xf32>
        %mul3A_265 = arith.mulf %add3A_264, %sub3A_257 : vector<16xf32>
        %add3A_266 = arith.constant 0.201997131 : f32
        %add3A_267 = vector.broadcast %add3A_266 : f32 to vector<16xf32>
        %add3A_268 = arith.addf %mul3A_265, %add3A_267 : vector<16xf32>
        %mul3A_269 = arith.mulf %add3A_268, %sub3A_257 : vector<16xf32>
        %add3A_270 = arith.constant -0.249701381 : f32
        %add3A_271 = vector.broadcast %add3A_270 : f32 to vector<16xf32>
        %add3A_272 = arith.addf %mul3A_269, %add3A_271 : vector<16xf32>
        %mul3A_273 = arith.mulf %add3A_272, %sub3A_257 : vector<16xf32>
        %add3A_274 = arith.constant 0.333314836 : f32
        %add3A_275 = vector.broadcast %add3A_274 : f32 to vector<16xf32>
        %add3A_276 = arith.addf %mul3A_273, %add3A_275 : vector<16xf32>
        %convert_element_type3A_277 = arith.sitofp %shift_right_arithmetic3A_249 : vector<16xi32> to vector<16xf32>
        %mul3A_278 = arith.constant 0.693147182 : f32
        %mul3A_279 = vector.broadcast %mul3A_278 : f32 to vector<16xf32>
        %mul3A_280 = arith.mulf %convert_element_type3A_277, %mul3A_279 : vector<16xf32>
        %mul3A_281 = arith.constant 5.000000e-01 : f32
        %mul3A_282 = vector.broadcast %mul3A_281 : f32 to vector<16xf32>
        %mul3A_283 = arith.mulf %mul3A_282, %mul3A_258 : vector<16xf32>
        %sub3A_284 = arith.subf %sub3A_257, %mul3A_283 : vector<16xf32>
        %mul3A_285 = arith.mulf %mul3A_258, %sub3A_257 : vector<16xf32>
        %mul3A_286 = arith.mulf %mul3A_285, %add3A_276 : vector<16xf32>
        %add3A_287 = arith.addf %sub3A_284, %mul3A_286 : vector<16xf32>
        %add3A_288 = arith.addf %mul3A_280, %add3A_287 : vector<16xf32>
        %add3A_289 = arith.constant 1.000000e-10 : f32
        %add3A_290 = vector.broadcast %add3A_289 : f32 to vector<16xf32>
        %add3A_291 = arith.addf %get3A_239, %add3A_290 : vector<16xf32>
        %bitcast3A_292 = vector.bitcast %add3A_291 : vector<16xf32> to vector<16xi32>
        %sub3A_293 = arith.constant 1060439283 : i32
        %sub3A_294 = vector.broadcast %sub3A_293 : i32 to vector<16xi32>
        %sub3A_295 = arith.subi %bitcast3A_292, %sub3A_294 : vector<16xi32>
        %shift_right_arithmetic3A_296 = arith.constant 23 : i32
        %shift_right_arithmetic3A_297 = vector.broadcast %shift_right_arithmetic3A_296 : i32 to vector<16xi32>
        %shift_right_arithmetic3A_298 = arith.shrsi %sub3A_295, %shift_right_arithmetic3A_297 : vector<16xi32>
        %shift_left3A_299 = arith.constant 23 : i32
        %shift_left3A_300 = vector.broadcast %shift_left3A_299 : i32 to vector<16xi32>
        %shift_left3A_301 = arith.shli %shift_right_arithmetic3A_298, %shift_left3A_300 : vector<16xi32>
        %sub3A_302 = arith.subi %bitcast3A_292, %shift_left3A_301 : vector<16xi32>
        %bitcast3A_303 = vector.bitcast %sub3A_302 : vector<16xi32> to vector<16xf32>
        %sub3A_304 = arith.constant 1.000000e+00 : f32
        %sub3A_305 = vector.broadcast %sub3A_304 : f32 to vector<16xf32>
        %sub3A_306 = arith.subf %bitcast3A_303, %sub3A_305 : vector<16xf32>
        %mul3A_307 = arith.mulf %sub3A_306, %sub3A_306 : vector<16xf32>
        %mul3A_308 = arith.constant 0.124855869 : f32
        %mul3A_309 = vector.broadcast %mul3A_308 : f32 to vector<16xf32>
        %mul3A_310 = arith.mulf %mul3A_309, %sub3A_306 : vector<16xf32>
        %add3A_311 = arith.constant -0.180304527 : f32
        %add3A_312 = vector.broadcast %add3A_311 : f32 to vector<16xf32>
        %add3A_313 = arith.addf %mul3A_310, %add3A_312 : vector<16xf32>
        %mul3A_314 = arith.mulf %add3A_313, %sub3A_306 : vector<16xf32>
        %add3A_315 = arith.constant 0.201997131 : f32
        %add3A_316 = vector.broadcast %add3A_315 : f32 to vector<16xf32>
        %add3A_317 = arith.addf %mul3A_314, %add3A_316 : vector<16xf32>
        %mul3A_318 = arith.mulf %add3A_317, %sub3A_306 : vector<16xf32>
        %add3A_319 = arith.constant -0.249701381 : f32
        %add3A_320 = vector.broadcast %add3A_319 : f32 to vector<16xf32>
        %add3A_321 = arith.addf %mul3A_318, %add3A_320 : vector<16xf32>
        %mul3A_322 = arith.mulf %add3A_321, %sub3A_306 : vector<16xf32>
        %add3A_323 = arith.constant 0.333314836 : f32
        %add3A_324 = vector.broadcast %add3A_323 : f32 to vector<16xf32>
        %add3A_325 = arith.addf %mul3A_322, %add3A_324 : vector<16xf32>
        %convert_element_type3A_326 = arith.sitofp %shift_right_arithmetic3A_298 : vector<16xi32> to vector<16xf32>
        %mul3A_327 = arith.constant 0.693147182 : f32
        %mul3A_328 = vector.broadcast %mul3A_327 : f32 to vector<16xf32>
        %mul3A_329 = arith.mulf %convert_element_type3A_326, %mul3A_328 : vector<16xf32>
        %mul3A_330 = arith.constant 5.000000e-01 : f32
        %mul3A_331 = vector.broadcast %mul3A_330 : f32 to vector<16xf32>
        %mul3A_332 = arith.mulf %mul3A_331, %mul3A_307 : vector<16xf32>
        %sub3A_333 = arith.subf %sub3A_306, %mul3A_332 : vector<16xf32>
        %mul3A_334 = arith.mulf %mul3A_307, %sub3A_306 : vector<16xf32>
        %mul3A_335 = arith.mulf %mul3A_334, %add3A_325 : vector<16xf32>
        %add3A_336 = arith.addf %sub3A_333, %mul3A_335 : vector<16xf32>
        %add3A_337 = arith.addf %mul3A_329, %add3A_336 : vector<16xf32>
        %sub3A_338 = arith.subf %get3A_235, %get3A_233 : vector<16xf32>
        %mul3A_339 = arith.constant 2.000000e+00 : f32
        %mul3A_340 = vector.broadcast %mul3A_339 : f32 to vector<16xf32>
        %mul3A_341 = arith.mulf %sub3A_338, %mul3A_340 : vector<16xf32>
        %exp3A_342 = math.exp %mul3A_341 : vector<16xf32>
        %mul3A_343 = arith.mulf %add3A_288, %add3A_288 : vector<16xf32>
        %mul3A_344 = arith.mulf %exp3A_342, %mul3A_343 : vector<16xf32>
        %mul3A_345 = arith.mulf %add3A_337, %add3A_337 : vector<16xf32>
        %add3A_346 = arith.addf %mul3A_345, %mul3A_344 : vector<16xf32>
        %div3A_347 = arith.divf %mul3A_345, %add3A_346 : vector<16xf32>
        %le3A_348 = arith.cmpf ole, %mul3A_344, %mul3A_345 : vector<16xf32>
        %jit3A_349 = arith.constant 1.000000e+00 : f32
        %jit3A_350 = arith.constant 0.000000e+00 : f32
        %broadcast_in_dim3A_351 = vector.broadcast %jit3A_349 : f32 to vector<16xf32>
        %broadcast_in_dim3A_352 = vector.broadcast %jit3A_350 : f32 to vector<16xf32>
        %select_n3A_353 = arith.select %le3A_348, %broadcast_in_dim3A_351, %broadcast_in_dim3A_352 : vector<16xi1>, vector<16xf32>
        %swap3A_354 = arith.index_cast %add3A_229 : i32 to index
        %swap3A_355 = tpu.vector_load %arg9[%swap3A_354] {strides = array<i32>} : memref<8192xf32, #tpu.memory_space<vmem>>, vector<16xf32>,
        tpu.vector_store %arg9[%swap3A_354], %div3A_347 {strides = array<i32>} : memref<8192xf32, #tpu.memory_space<vmem>>, vector<16xf32>,
        %sub3A_356 = arith.constant 1.000000e+00 : f32
        %sub3A_357 = vector.broadcast %sub3A_356 : f32 to vector<16xf32>
        %sub3A_358 = arith.subf %sub3A_357, %div3A_347 : vector<16xf32>
        %swap3A_359 = arith.index_cast %add3A_231 : i32 to index
        %swap3A_360 = tpu.vector_load %arg9[%swap3A_359] {strides = array<i32>} : memref<8192xf32, #tpu.memory_space<vmem>>, vector<16xf32>,
        tpu.vector_store %arg9[%swap3A_359], %sub3A_358 {strides = array<i32>} : memref<8192xf32, #tpu.memory_space<vmem>>, vector<16xf32>,
        %swap3A_361 = arith.index_cast %add3A_229 : i32 to index
        %swap3A_362 = tpu.vector_load %arg8[%swap3A_361] {strides = array<i32>} : memref<8192xf32, #tpu.memory_space<vmem>>, vector<16xf32>,
        tpu.vector_store %arg8[%swap3A_361], %select_n3A_353 {strides = array<i32>} : memref<8192xf32, #tpu.memory_space<vmem>>, vector<16xf32>,
        %sub3A_363 = arith.constant 1.000000e+00 : f32
        %sub3A_364 = vector.broadcast %sub3A_363 : f32 to vector<16xf32>
        %sub3A_365 = arith.subf %sub3A_364, %select_n3A_353 : vector<16xf32>
        %swap3A_366 = arith.index_cast %add3A_231 : i32 to index
        %swap3A_367 = tpu.vector_load %arg8[%swap3A_366] {strides = array<i32>} : memref<8192xf32, #tpu.memory_space<vmem>>, vector<16xf32>,
        tpu.vector_store %arg8[%swap3A_366], %sub3A_365 {strides = array<i32>} : memref<8192xf32, #tpu.memory_space<vmem>>, vector<16xf32>,
        %add3A_368 = arith.constant 32 : i32
        %add3A_369 = arith.addi %mul3A_99, %add3A_368 : i32
        %add3A_370 = arith.constant 128 : i32
        %add3A_371 = arith.addi %add3A_369, %add3A_370 : i32
        %get3A_372 = arith.index_cast %add3A_369 : i32 to index
        %get3A_373 = tpu.vector_load %arg6[%get3A_372] {strides = array<i32>} : memref<8192xf32, #tpu.memory_space<vmem>>, vector<16xf32>,
        %get3A_374 = arith.index_cast %add3A_371 : i32 to index
        %get3A_375 = tpu.vector_load %arg6[%get3A_374] {strides = array<i32>} : memref<8192xf32, #tpu.memory_space<vmem>>, vector<16xf32>,
        %get3A_376 = arith.index_cast %add3A_369 : i32 to index
        %get3A_377 = tpu.vector_load %arg7[%get3A_376] {strides = array<i32>} : memref<8192xf32, #tpu.memory_space<vmem>>, vector<16xf32>,
        %get3A_378 = arith.index_cast %add3A_371 : i32 to index
        %get3A_379 = tpu.vector_load %arg7[%get3A_378] {strides = array<i32>} : memref<8192xf32, #tpu.memory_space<vmem>>, vector<16xf32>,
        %add3A_380 = arith.constant 1.000000e-10 : f32
        %add3A_381 = vector.broadcast %add3A_380 : f32 to vector<16xf32>
        %add3A_382 = arith.addf %get3A_377, %add3A_381 : vector<16xf32>
        %bitcast3A_383 = vector.bitcast %add3A_382 : vector<16xf32> to vector<16xi32>
        %sub3A_384 = arith.constant 1060439283 : i32
        %sub3A_385 = vector.broadcast %sub3A_384 : i32 to vector<16xi32>
        %sub3A_386 = arith.subi %bitcast3A_383, %sub3A_385 : vector<16xi32>
        %shift_right_arithmetic3A_387 = arith.constant 23 : i32
        %shift_right_arithmetic3A_388 = vector.broadcast %shift_right_arithmetic3A_387 : i32 to vector<16xi32>
        %shift_right_arithmetic3A_389 = arith.shrsi %sub3A_386, %shift_right_arithmetic3A_388 : vector<16xi32>
        %shift_left3A_390 = arith.constant 23 : i32
        %shift_left3A_391 = vector.broadcast %shift_left3A_390 : i32 to vector<16xi32>
        %shift_left3A_392 = arith.shli %shift_right_arithmetic3A_389, %shift_left3A_391 : vector<16xi32>
        %sub3A_393 = arith.subi %bitcast3A_383, %shift_left3A_392 : vector<16xi32>
        %bitcast3A_394 = vector.bitcast %sub3A_393 : vector<16xi32> to vector<16xf32>
        %sub3A_395 = arith.constant 1.000000e+00 : f32
        %sub3A_396 = vector.broadcast %sub3A_395 : f32 to vector<16xf32>
        %sub3A_397 = arith.subf %bitcast3A_394, %sub3A_396 : vector<16xf32>
        %mul3A_398 = arith.mulf %sub3A_397, %sub3A_397 : vector<16xf32>
        %mul3A_399 = arith.constant 0.124855869 : f32
        %mul3A_400 = vector.broadcast %mul3A_399 : f32 to vector<16xf32>
        %mul3A_401 = arith.mulf %mul3A_400, %sub3A_397 : vector<16xf32>
        %add3A_402 = arith.constant -0.180304527 : f32
        %add3A_403 = vector.broadcast %add3A_402 : f32 to vector<16xf32>
        %add3A_404 = arith.addf %mul3A_401, %add3A_403 : vector<16xf32>
        %mul3A_405 = arith.mulf %add3A_404, %sub3A_397 : vector<16xf32>
        %add3A_406 = arith.constant 0.201997131 : f32
        %add3A_407 = vector.broadcast %add3A_406 : f32 to vector<16xf32>
        %add3A_408 = arith.addf %mul3A_405, %add3A_407 : vector<16xf32>
        %mul3A_409 = arith.mulf %add3A_408, %sub3A_397 : vector<16xf32>
        %add3A_410 = arith.constant -0.249701381 : f32
        %add3A_411 = vector.broadcast %add3A_410 : f32 to vector<16xf32>
        %add3A_412 = arith.addf %mul3A_409, %add3A_411 : vector<16xf32>
        %mul3A_413 = arith.mulf %add3A_412, %sub3A_397 : vector<16xf32>
        %add3A_414 = arith.constant 0.333314836 : f32
        %add3A_415 = vector.broadcast %add3A_414 : f32 to vector<16xf32>
        %add3A_416 = arith.addf %mul3A_413, %add3A_415 : vector<16xf32>
        %convert_element_type3A_417 = arith.sitofp %shift_right_arithmetic3A_389 : vector<16xi32> to vector<16xf32>
        %mul3A_418 = arith.constant 0.693147182 : f32
        %mul3A_419 = vector.broadcast %mul3A_418 : f32 to vector<16xf32>
        %mul3A_420 = arith.mulf %convert_element_type3A_417, %mul3A_419 : vector<16xf32>
        %mul3A_421 = arith.constant 5.000000e-01 : f32
        %mul3A_422 = vector.broadcast %mul3A_421 : f32 to vector<16xf32>
        %mul3A_423 = arith.mulf %mul3A_422, %mul3A_398 : vector<16xf32>
        %sub3A_424 = arith.subf %sub3A_397, %mul3A_423 : vector<16xf32>
        %mul3A_425 = arith.mulf %mul3A_398, %sub3A_397 : vector<16xf32>
        %mul3A_426 = arith.mulf %mul3A_425, %add3A_416 : vector<16xf32>
        %add3A_427 = arith.addf %sub3A_424, %mul3A_426 : vector<16xf32>
        %add3A_428 = arith.addf %mul3A_420, %add3A_427 : vector<16xf32>
        %add3A_429 = arith.constant 1.000000e-10 : f32
        %add3A_430 = vector.broadcast %add3A_429 : f32 to vector<16xf32>
        %add3A_431 = arith.addf %get3A_379, %add3A_430 : vector<16xf32>
        %bitcast3A_432 = vector.bitcast %add3A_431 : vector<16xf32> to vector<16xi32>
        %sub3A_433 = arith.constant 1060439283 : i32
        %sub3A_434 = vector.broadcast %sub3A_433 : i32 to vector<16xi32>
        %sub3A_435 = arith.subi %bitcast3A_432, %sub3A_434 : vector<16xi32>
        %shift_right_arithmetic3A_436 = arith.constant 23 : i32
        %shift_right_arithmetic3A_437 = vector.broadcast %shift_right_arithmetic3A_436 : i32 to vector<16xi32>
        %shift_right_arithmetic3A_438 = arith.shrsi %sub3A_435, %shift_right_arithmetic3A_437 : vector<16xi32>
        %shift_left3A_439 = arith.constant 23 : i32
        %shift_left3A_440 = vector.broadcast %shift_left3A_439 : i32 to vector<16xi32>
        %shift_left3A_441 = arith.shli %shift_right_arithmetic3A_438, %shift_left3A_440 : vector<16xi32>
        %sub3A_442 = arith.subi %bitcast3A_432, %shift_left3A_441 : vector<16xi32>
        %bitcast3A_443 = vector.bitcast %sub3A_442 : vector<16xi32> to vector<16xf32>
        %sub3A_444 = arith.constant 1.000000e+00 : f32
        %sub3A_445 = vector.broadcast %sub3A_444 : f32 to vector<16xf32>
        %sub3A_446 = arith.subf %bitcast3A_443, %sub3A_445 : vector<16xf32>
        %mul3A_447 = arith.mulf %sub3A_446, %sub3A_446 : vector<16xf32>
        %mul3A_448 = arith.constant 0.124855869 : f32
        %mul3A_449 = vector.broadcast %mul3A_448 : f32 to vector<16xf32>
        %mul3A_450 = arith.mulf %mul3A_449, %sub3A_446 : vector<16xf32>
        %add3A_451 = arith.constant -0.180304527 : f32
        %add3A_452 = vector.broadcast %add3A_451 : f32 to vector<16xf32>
        %add3A_453 = arith.addf %mul3A_450, %add3A_452 : vector<16xf32>
        %mul3A_454 = arith.mulf %add3A_453, %sub3A_446 : vector<16xf32>
        %add3A_455 = arith.constant 0.201997131 : f32
        %add3A_456 = vector.broadcast %add3A_455 : f32 to vector<16xf32>
        %add3A_457 = arith.addf %mul3A_454, %add3A_456 : vector<16xf32>
        %mul3A_458 = arith.mulf %add3A_457, %sub3A_446 : vector<16xf32>
        %add3A_459 = arith.constant -0.249701381 : f32
        %add3A_460 = vector.broadcast %add3A_459 : f32 to vector<16xf32>
        %add3A_461 = arith.addf %mul3A_458, %add3A_460 : vector<16xf32>
        %mul3A_462 = arith.mulf %add3A_461, %sub3A_446 : vector<16xf32>
        %add3A_463 = arith.constant 0.333314836 : f32
        %add3A_464 = vector.broadcast %add3A_463 : f32 to vector<16xf32>
        %add3A_465 = arith.addf %mul3A_462, %add3A_464 : vector<16xf32>
        %convert_element_type3A_466 = arith.sitofp %shift_right_arithmetic3A_438 : vector<16xi32> to vector<16xf32>
        %mul3A_467 = arith.constant 0.693147182 : f32
        %mul3A_468 = vector.broadcast %mul3A_467 : f32 to vector<16xf32>
        %mul3A_469 = arith.mulf %convert_element_type3A_466, %mul3A_468 : vector<16xf32>
        %mul3A_470 = arith.constant 5.000000e-01 : f32
        %mul3A_471 = vector.broadcast %mul3A_470 : f32 to vector<16xf32>
        %mul3A_472 = arith.mulf %mul3A_471, %mul3A_447 : vector<16xf32>
        %sub3A_473 = arith.subf %sub3A_446, %mul3A_472 : vector<16xf32>
        %mul3A_474 = arith.mulf %mul3A_447, %sub3A_446 : vector<16xf32>
        %mul3A_475 = arith.mulf %mul3A_474, %add3A_465 : vector<16xf32>
        %add3A_476 = arith.addf %sub3A_473, %mul3A_475 : vector<16xf32>
        %add3A_477 = arith.addf %mul3A_469, %add3A_476 : vector<16xf32>
        %sub3A_478 = arith.subf %get3A_375, %get3A_373 : vector<16xf32>
        %mul3A_479 = arith.constant 2.000000e+00 : f32
        %mul3A_480 = vector.broadcast %mul3A_479 : f32 to vector<16xf32>
        %mul3A_481 = arith.mulf %sub3A_478, %mul3A_480 : vector<16xf32>
        %exp3A_482 = math.exp %mul3A_481 : vector<16xf32>
        %mul3A_483 = arith.mulf %add3A_428, %add3A_428 : vector<16xf32>
        %mul3A_484 = arith.mulf %exp3A_482, %mul3A_483 : vector<16xf32>
        %mul3A_485 = arith.mulf %add3A_477, %add3A_477 : vector<16xf32>
        %add3A_486 = arith.addf %mul3A_485, %mul3A_484 : vector<16xf32>
        %div3A_487 = arith.divf %mul3A_485, %add3A_486 : vector<16xf32>
        %le3A_488 = arith.cmpf ole, %mul3A_484, %mul3A_485 : vector<16xf32>
        %jit3A_489 = arith.constant 1.000000e+00 : f32
        %jit3A_490 = arith.constant 0.000000e+00 : f32
        %broadcast_in_dim3A_491 = vector.broadcast %jit3A_489 : f32 to vector<16xf32>
        %broadcast_in_dim3A_492 = vector.broadcast %jit3A_490 : f32 to vector<16xf32>
        %select_n3A_493 = arith.select %le3A_488, %broadcast_in_dim3A_491, %broadcast_in_dim3A_492 : vector<16xi1>, vector<16xf32>
        %swap3A_494 = arith.index_cast %add3A_369 : i32 to index
        %swap3A_495 = tpu.vector_load %arg9[%swap3A_494] {strides = array<i32>} : memref<8192xf32, #tpu.memory_space<vmem>>, vector<16xf32>,
        tpu.vector_store %arg9[%swap3A_494], %div3A_487 {strides = array<i32>} : memref<8192xf32, #tpu.memory_space<vmem>>, vector<16xf32>,
        %sub3A_496 = arith.constant 1.000000e+00 : f32
        %sub3A_497 = vector.broadcast %sub3A_496 : f32 to vector<16xf32>
        %sub3A_498 = arith.subf %sub3A_497, %div3A_487 : vector<16xf32>
        %swap3A_499 = arith.index_cast %add3A_371 : i32 to index
        %swap3A_500 = tpu.vector_load %arg9[%swap3A_499] {strides = array<i32>} : memref<8192xf32, #tpu.memory_space<vmem>>, vector<16xf32>,
        tpu.vector_store %arg9[%swap3A_499], %sub3A_498 {strides = array<i32>} : memref<8192xf32, #tpu.memory_space<vmem>>, vector<16xf32>,
        %swap3A_501 = arith.index_cast %add3A_369 : i32 to index
        %swap3A_502 = tpu.vector_load %arg8[%swap3A_501] {strides = array<i32>} : memref<8192xf32, #tpu.memory_space<vmem>>, vector<16xf32>,
        tpu.vector_store %arg8[%swap3A_501], %select_n3A_493 {strides = array<i32>} : memref<8192xf32, #tpu.memory_space<vmem>>, vector<16xf32>,
        %sub3A_503 = arith.constant 1.000000e+00 : f32
        %sub3A_504 = vector.broadcast %sub3A_503 : f32 to vector<16xf32>
        %sub3A_505 = arith.subf %sub3A_504, %select_n3A_493 : vector<16xf32>
        %swap3A_506 = arith.index_cast %add3A_371 : i32 to index
        %swap3A_507 = tpu.vector_load %arg8[%swap3A_506] {strides = array<i32>} : memref<8192xf32, #tpu.memory_space<vmem>>, vector<16xf32>,
        tpu.vector_store %arg8[%swap3A_506], %sub3A_505 {strides = array<i32>} : memref<8192xf32, #tpu.memory_space<vmem>>, vector<16xf32>,
        %add3A_508 = arith.constant 48 : i32
        %add3A_509 = arith.addi %mul3A_99, %add3A_508 : i32
        %add3A_510 = arith.constant 128 : i32
        %add3A_511 = arith.addi %add3A_509, %add3A_510 : i32
        %get3A_512 = arith.index_cast %add3A_509 : i32 to index
        %get3A_513 = tpu.vector_load %arg6[%get3A_512] {strides = array<i32>} : memref<8192xf32, #tpu.memory_space<vmem>>, vector<16xf32>,
        %get3A_514 = arith.index_cast %add3A_511 : i32 to index
        %get3A_515 = tpu.vector_load %arg6[%get3A_514] {strides = array<i32>} : memref<8192xf32, #tpu.memory_space<vmem>>, vector<16xf32>,
        %get3A_516 = arith.index_cast %add3A_509 : i32 to index
        %get3A_517 = tpu.vector_load %arg7[%get3A_516] {strides = array<i32>} : memref<8192xf32, #tpu.memory_space<vmem>>, vector<16xf32>,
        %get3A_518 = arith.index_cast %add3A_511 : i32 to index
        %get3A_519 = tpu.vector_load %arg7[%get3A_518] {strides = array<i32>} : memref<8192xf32, #tpu.memory_space<vmem>>, vector<16xf32>,
        %add3A_520 = arith.constant 1.000000e-10 : f32
        %add3A_521 = vector.broadcast %add3A_520 : f32 to vector<16xf32>
        %add3A_522 = arith.addf %get3A_517, %add3A_521 : vector<16xf32>
        %bitcast3A_523 = vector.bitcast %add3A_522 : vector<16xf32> to vector<16xi32>
        %sub3A_524 = arith.constant 1060439283 : i32
        %sub3A_525 = vector.broadcast %sub3A_524 : i32 to vector<16xi32>
        %sub3A_526 = arith.subi %bitcast3A_523, %sub3A_525 : vector<16xi32>
        %shift_right_arithmetic3A_527 = arith.constant 23 : i32
        %shift_right_arithmetic3A_528 = vector.broadcast %shift_right_arithmetic3A_527 : i32 to vector<16xi32>
        %shift_right_arithmetic3A_529 = arith.shrsi %sub3A_526, %shift_right_arithmetic3A_528 : vector<16xi32>
        %shift_left3A_530 = arith.constant 23 : i32
        %shift_left3A_531 = vector.broadcast %shift_left3A_530 : i32 to vector<16xi32>
        %shift_left3A_532 = arith.shli %shift_right_arithmetic3A_529, %shift_left3A_531 : vector<16xi32>
        %sub3A_533 = arith.subi %bitcast3A_523, %shift_left3A_532 : vector<16xi32>
        %bitcast3A_534 = vector.bitcast %sub3A_533 : vector<16xi32> to vector<16xf32>
        %sub3A_535 = arith.constant 1.000000e+00 : f32
        %sub3A_536 = vector.broadcast %sub3A_535 : f32 to vector<16xf32>
        %sub3A_537 = arith.subf %bitcast3A_534, %sub3A_536 : vector<16xf32>
        %mul3A_538 = arith.mulf %sub3A_537, %sub3A_537 : vector<16xf32>
        %mul3A_539 = arith.constant 0.124855869 : f32
        %mul3A_540 = vector.broadcast %mul3A_539 : f32 to vector<16xf32>
        %mul3A_541 = arith.mulf %mul3A_540, %sub3A_537 : vector<16xf32>
        %add3A_542 = arith.constant -0.180304527 : f32
        %add3A_543 = vector.broadcast %add3A_542 : f32 to vector<16xf32>
        %add3A_544 = arith.addf %mul3A_541, %add3A_543 : vector<16xf32>
        %mul3A_545 = arith.mulf %add3A_544, %sub3A_537 : vector<16xf32>
        %add3A_546 = arith.constant 0.201997131 : f32
        %add3A_547 = vector.broadcast %add3A_546 : f32 to vector<16xf32>
        %add3A_548 = arith.addf %mul3A_545, %add3A_547 : vector<16xf32>
        %mul3A_549 = arith.mulf %add3A_548, %sub3A_537 : vector<16xf32>
        %add3A_550 = arith.constant -0.249701381 : f32
        %add3A_551 = vector.broadcast %add3A_550 : f32 to vector<16xf32>
        %add3A_552 = arith.addf %mul3A_549, %add3A_551 : vector<16xf32>
        %mul3A_553 = arith.mulf %add3A_552, %sub3A_537 : vector<16xf32>
        %add3A_554 = arith.constant 0.333314836 : f32
        %add3A_555 = vector.broadcast %add3A_554 : f32 to vector<16xf32>
        %add3A_556 = arith.addf %mul3A_553, %add3A_555 : vector<16xf32>
        %convert_element_type3A_557 = arith.sitofp %shift_right_arithmetic3A_529 : vector<16xi32> to vector<16xf32>
        %mul3A_558 = arith.constant 0.693147182 : f32
        %mul3A_559 = vector.broadcast %mul3A_558 : f32 to vector<16xf32>
        %mul3A_560 = arith.mulf %convert_element_type3A_557, %mul3A_559 : vector<16xf32>
        %mul3A_561 = arith.constant 5.000000e-01 : f32
        %mul3A_562 = vector.broadcast %mul3A_561 : f32 to vector<16xf32>
        %mul3A_563 = arith.mulf %mul3A_562, %mul3A_538 : vector<16xf32>
        %sub3A_564 = arith.subf %sub3A_537, %mul3A_563 : vector<16xf32>
        %mul3A_565 = arith.mulf %mul3A_538, %sub3A_537 : vector<16xf32>
        %mul3A_566 = arith.mulf %mul3A_565, %add3A_556 : vector<16xf32>
        %add3A_567 = arith.addf %sub3A_564, %mul3A_566 : vector<16xf32>
        %add3A_568 = arith.addf %mul3A_560, %add3A_567 : vector<16xf32>
        %add3A_569 = arith.constant 1.000000e-10 : f32
        %add3A_570 = vector.broadcast %add3A_569 : f32 to vector<16xf32>
        %add3A_571 = arith.addf %get3A_519, %add3A_570 : vector<16xf32>
        %bitcast3A_572 = vector.bitcast %add3A_571 : vector<16xf32> to vector<16xi32>
        %sub3A_573 = arith.constant 1060439283 : i32
        %sub3A_574 = vector.broadcast %sub3A_573 : i32 to vector<16xi32>
        %sub3A_575 = arith.subi %bitcast3A_572, %sub3A_574 : vector<16xi32>
        %shift_right_arithmetic3A_576 = arith.constant 23 : i32
        %shift_right_arithmetic3A_577 = vector.broadcast %shift_right_arithmetic3A_576 : i32 to vector<16xi32>
        %shift_right_arithmetic3A_578 = arith.shrsi %sub3A_575, %shift_right_arithmetic3A_577 : vector<16xi32>
        %shift_left3A_579 = arith.constant 23 : i32
        %shift_left3A_580 = vector.broadcast %shift_left3A_579 : i32 to vector<16xi32>
        %shift_left3A_581 = arith.shli %shift_right_arithmetic3A_578, %shift_left3A_580 : vector<16xi32>
        %sub3A_582 = arith.subi %bitcast3A_572, %shift_left3A_581 : vector<16xi32>
        %bitcast3A_583 = vector.bitcast %sub3A_582 : vector<16xi32> to vector<16xf32>
        %sub3A_584 = arith.constant 1.000000e+00 : f32
        %sub3A_585 = vector.broadcast %sub3A_584 : f32 to vector<16xf32>
        %sub3A_586 = arith.subf %bitcast3A_583, %sub3A_585 : vector<16xf32>
        %mul3A_587 = arith.mulf %sub3A_586, %sub3A_586 : vector<16xf32>
        %mul3A_588 = arith.constant 0.124855869 : f32
        %mul3A_589 = vector.broadcast %mul3A_588 : f32 to vector<16xf32>
        %mul3A_590 = arith.mulf %mul3A_589, %sub3A_586 : vector<16xf32>
        %add3A_591 = arith.constant -0.180304527 : f32
        %add3A_592 = vector.broadcast %add3A_591 : f32 to vector<16xf32>
        %add3A_593 = arith.addf %mul3A_590, %add3A_592 : vector<16xf32>
        %mul3A_594 = arith.mulf %add3A_593, %sub3A_586 : vector<16xf32>
        %add3A_595 = arith.constant 0.201997131 : f32
        %add3A_596 = vector.broadcast %add3A_595 : f32 to vector<16xf32>
        %add3A_597 = arith.addf %mul3A_594, %add3A_596 : vector<16xf32>
        %mul3A_598 = arith.mulf %add3A_597, %sub3A_586 : vector<16xf32>
        %add3A_599 = arith.constant -0.249701381 : f32
        %add3A_600 = vector.broadcast %add3A_599 : f32 to vector<16xf32>
        %add3A_601 = arith.addf %mul3A_598, %add3A_600 : vector<16xf32>
        %mul3A_602 = arith.mulf %add3A_601, %sub3A_586 : vector<16xf32>
        %add3A_603 = arith.constant 0.333314836 : f32
        %add3A_604 = vector.broadcast %add3A_603 : f32 to vector<16xf32>
        %add3A_605 = arith.addf %mul3A_602, %add3A_604 : vector<16xf32>
        %convert_element_type3A_606 = arith.sitofp %shift_right_arithmetic3A_578 : vector<16xi32> to vector<16xf32>
        %mul3A_607 = arith.constant 0.693147182 : f32
        %mul3A_608 = vector.broadcast %mul3A_607 : f32 to vector<16xf32>
        %mul3A_609 = arith.mulf %convert_element_type3A_606, %mul3A_608 : vector<16xf32>
        %mul3A_610 = arith.constant 5.000000e-01 : f32
        %mul3A_611 = vector.broadcast %mul3A_610 : f32 to vector<16xf32>
        %mul3A_612 = arith.mulf %mul3A_611, %mul3A_587 : vector<16xf32>
        %sub3A_613 = arith.subf %sub3A_586, %mul3A_612 : vector<16xf32>
        %mul3A_614 = arith.mulf %mul3A_587, %sub3A_586 : vector<16xf32>
        %mul3A_615 = arith.mulf %mul3A_614, %add3A_605 : vector<16xf32>
        %add3A_616 = arith.addf %sub3A_613, %mul3A_615 : vector<16xf32>
        %add3A_617 = arith.addf %mul3A_609, %add3A_616 : vector<16xf32>
        %sub3A_618 = arith.subf %get3A_515, %get3A_513 : vector<16xf32>
        %mul3A_619 = arith.constant 2.000000e+00 : f32
        %mul3A_620 = vector.broadcast %mul3A_619 : f32 to vector<16xf32>
        %mul3A_621 = arith.mulf %sub3A_618, %mul3A_620 : vector<16xf32>
        %exp3A_622 = math.exp %mul3A_621 : vector<16xf32>
        %mul3A_623 = arith.mulf %add3A_568, %add3A_568 : vector<16xf32>
        %mul3A_624 = arith.mulf %exp3A_622, %mul3A_623 : vector<16xf32>
        %mul3A_625 = arith.mulf %add3A_617, %add3A_617 : vector<16xf32>
        %add3A_626 = arith.addf %mul3A_625, %mul3A_624 : vector<16xf32>
        %div3A_627 = arith.divf %mul3A_625, %add3A_626 : vector<16xf32>
        %le3A_628 = arith.cmpf ole, %mul3A_624, %mul3A_625 : vector<16xf32>
        %jit3A_629 = arith.constant 1.000000e+00 : f32
        %jit3A_630 = arith.constant 0.000000e+00 : f32
        %broadcast_in_dim3A_631 = vector.broadcast %jit3A_629 : f32 to vector<16xf32>
        %broadcast_in_dim3A_632 = vector.broadcast %jit3A_630 : f32 to vector<16xf32>
        %select_n3A_633 = arith.select %le3A_628, %broadcast_in_dim3A_631, %broadcast_in_dim3A_632 : vector<16xi1>, vector<16xf32>
        %swap3A_634 = arith.index_cast %add3A_509 : i32 to index
        %swap3A_635 = tpu.vector_load %arg9[%swap3A_634] {strides = array<i32>} : memref<8192xf32, #tpu.memory_space<vmem>>, vector<16xf32>,
        tpu.vector_store %arg9[%swap3A_634], %div3A_627 {strides = array<i32>} : memref<8192xf32, #tpu.memory_space<vmem>>, vector<16xf32>,
        %sub3A_636 = arith.constant 1.000000e+00 : f32
        %sub3A_637 = vector.broadcast %sub3A_636 : f32 to vector<16xf32>
        %sub3A_638 = arith.subf %sub3A_637, %div3A_627 : vector<16xf32>
        %swap3A_639 = arith.index_cast %add3A_511 : i32 to index
        %swap3A_640 = tpu.vector_load %arg9[%swap3A_639] {strides = array<i32>} : memref<8192xf32, #tpu.memory_space<vmem>>, vector<16xf32>,
        tpu.vector_store %arg9[%swap3A_639], %sub3A_638 {strides = array<i32>} : memref<8192xf32, #tpu.memory_space<vmem>>, vector<16xf32>,
        %swap3A_641 = arith.index_cast %add3A_509 : i32 to index
        %swap3A_642 = tpu.vector_load %arg8[%swap3A_641] {strides = array<i32>} : memref<8192xf32, #tpu.memory_space<vmem>>, vector<16xf32>,
        tpu.vector_store %arg8[%swap3A_641], %select_n3A_633 {strides = array<i32>} : memref<8192xf32, #tpu.memory_space<vmem>>, vector<16xf32>,
        %sub3A_643 = arith.constant 1.000000e+00 : f32
        %sub3A_644 = vector.broadcast %sub3A_643 : f32 to vector<16xf32>
        %sub3A_645 = arith.subf %sub3A_644, %select_n3A_633 : vector<16xf32>
        %swap3A_646 = arith.index_cast %add3A_511 : i32 to index
        %swap3A_647 = tpu.vector_load %arg8[%swap3A_646] {strides = array<i32>} : memref<8192xf32, #tpu.memory_space<vmem>>, vector<16xf32>,
        tpu.vector_store %arg8[%swap3A_646], %sub3A_645 {strides = array<i32>} : memref<8192xf32, #tpu.memory_space<vmem>>, vector<16xf32>,
        %add3A_648 = arith.constant 64 : i32
        %add3A_649 = arith.addi %mul3A_99, %add3A_648 : i32
        %add3A_650 = arith.constant 128 : i32
        %add3A_651 = arith.addi %add3A_649, %add3A_650 : i32
        %get3A_652 = arith.index_cast %add3A_649 : i32 to index
        %get3A_653 = tpu.vector_load %arg6[%get3A_652] {strides = array<i32>} : memref<8192xf32, #tpu.memory_space<vmem>>, vector<16xf32>,
        %get3A_654 = arith.index_cast %add3A_651 : i32 to index
        %get3A_655 = tpu.vector_load %arg6[%get3A_654] {strides = array<i32>} : memref<8192xf32, #tpu.memory_space<vmem>>, vector<16xf32>,
        %get3A_656 = arith.index_cast %add3A_649 : i32 to index
        %get3A_657 = tpu.vector_load %arg7[%get3A_656] {strides = array<i32>} : memref<8192xf32, #tpu.memory_space<vmem>>, vector<16xf32>,
        %get3A_658 = arith.index_cast %add3A_651 : i32 to index
        %get3A_659 = tpu.vector_load %arg7[%get3A_658] {strides = array<i32>} : memref<8192xf32, #tpu.memory_space<vmem>>, vector<16xf32>,
        %add3A_660 = arith.constant 1.000000e-10 : f32
        %add3A_661 = vector.broadcast %add3A_660 : f32 to vector<16xf32>
        %add3A_662 = arith.addf %get3A_657, %add3A_661 : vector<16xf32>
        %bitcast3A_663 = vector.bitcast %add3A_662 : vector<16xf32> to vector<16xi32>
        %sub3A_664 = arith.constant 1060439283 : i32
        %sub3A_665 = vector.broadcast %sub3A_664 : i32 to vector<16xi32>
        %sub3A_666 = arith.subi %bitcast3A_663, %sub3A_665 : vector<16xi32>
        %shift_right_arithmetic3A_667 = arith.constant 23 : i32
        %shift_right_arithmetic3A_668 = vector.broadcast %shift_right_arithmetic3A_667 : i32 to vector<16xi32>
        %shift_right_arithmetic3A_669 = arith.shrsi %sub3A_666, %shift_right_arithmetic3A_668 : vector<16xi32>
        %shift_left3A_670 = arith.constant 23 : i32
        %shift_left3A_671 = vector.broadcast %shift_left3A_670 : i32 to vector<16xi32>
        %shift_left3A_672 = arith.shli %shift_right_arithmetic3A_669, %shift_left3A_671 : vector<16xi32>
        %sub3A_673 = arith.subi %bitcast3A_663, %shift_left3A_672 : vector<16xi32>
        %bitcast3A_674 = vector.bitcast %sub3A_673 : vector<16xi32> to vector<16xf32>
        %sub3A_675 = arith.constant 1.000000e+00 : f32
        %sub3A_676 = vector.broadcast %sub3A_675 : f32 to vector<16xf32>
        %sub3A_677 = arith.subf %bitcast3A_674, %sub3A_676 : vector<16xf32>
        %mul3A_678 = arith.mulf %sub3A_677, %sub3A_677 : vector<16xf32>
        %mul3A_679 = arith.constant 0.124855869 : f32
        %mul3A_680 = vector.broadcast %mul3A_679 : f32 to vector<16xf32>
        %mul3A_681 = arith.mulf %mul3A_680, %sub3A_677 : vector<16xf32>
        %add3A_682 = arith.constant -0.180304527 : f32
        %add3A_683 = vector.broadcast %add3A_682 : f32 to vector<16xf32>
        %add3A_684 = arith.addf %mul3A_681, %add3A_683 : vector<16xf32>
        %mul3A_685 = arith.mulf %add3A_684, %sub3A_677 : vector<16xf32>
        %add3A_686 = arith.constant 0.201997131 : f32
        %add3A_687 = vector.broadcast %add3A_686 : f32 to vector<16xf32>
        %add3A_688 = arith.addf %mul3A_685, %add3A_687 : vector<16xf32>
        %mul3A_689 = arith.mulf %add3A_688, %sub3A_677 : vector<16xf32>
        %add3A_690 = arith.constant -0.249701381 : f32
        %add3A_691 = vector.broadcast %add3A_690 : f32 to vector<16xf32>
        %add3A_692 = arith.addf %mul3A_689, %add3A_691 : vector<16xf32>
        %mul3A_693 = arith.mulf %add3A_692, %sub3A_677 : vector<16xf32>
        %add3A_694 = arith.constant 0.333314836 : f32
        %add3A_695 = vector.broadcast %add3A_694 : f32 to vector<16xf32>
        %add3A_696 = arith.addf %mul3A_693, %add3A_695 : vector<16xf32>
        %convert_element_type3A_697 = arith.sitofp %shift_right_arithmetic3A_669 : vector<16xi32> to vector<16xf32>
        %mul3A_698 = arith.constant 0.693147182 : f32
        %mul3A_699 = vector.broadcast %mul3A_698 : f32 to vector<16xf32>
        %mul3A_700 = arith.mulf %convert_element_type3A_697, %mul3A_699 : vector<16xf32>
        %mul3A_701 = arith.constant 5.000000e-01 : f32
        %mul3A_702 = vector.broadcast %mul3A_701 : f32 to vector<16xf32>
        %mul3A_703 = arith.mulf %mul3A_702, %mul3A_678 : vector<16xf32>
        %sub3A_704 = arith.subf %sub3A_677, %mul3A_703 : vector<16xf32>
        %mul3A_705 = arith.mulf %mul3A_678, %sub3A_677 : vector<16xf32>
        %mul3A_706 = arith.mulf %mul3A_705, %add3A_696 : vector<16xf32>
        %add3A_707 = arith.addf %sub3A_704, %mul3A_706 : vector<16xf32>
        %add3A_708 = arith.addf %mul3A_700, %add3A_707 : vector<16xf32>
        %add3A_709 = arith.constant 1.000000e-10 : f32
        %add3A_710 = vector.broadcast %add3A_709 : f32 to vector<16xf32>
        %add3A_711 = arith.addf %get3A_659, %add3A_710 : vector<16xf32>
        %bitcast3A_712 = vector.bitcast %add3A_711 : vector<16xf32> to vector<16xi32>
        %sub3A_713 = arith.constant 1060439283 : i32
        %sub3A_714 = vector.broadcast %sub3A_713 : i32 to vector<16xi32>
        %sub3A_715 = arith.subi %bitcast3A_712, %sub3A_714 : vector<16xi32>
        %shift_right_arithmetic3A_716 = arith.constant 23 : i32
        %shift_right_arithmetic3A_717 = vector.broadcast %shift_right_arithmetic3A_716 : i32 to vector<16xi32>
        %shift_right_arithmetic3A_718 = arith.shrsi %sub3A_715, %shift_right_arithmetic3A_717 : vector<16xi32>
        %shift_left3A_719 = arith.constant 23 : i32
        %shift_left3A_720 = vector.broadcast %shift_left3A_719 : i32 to vector<16xi32>
        %shift_left3A_721 = arith.shli %shift_right_arithmetic3A_718, %shift_left3A_720 : vector<16xi32>
        %sub3A_722 = arith.subi %bitcast3A_712, %shift_left3A_721 : vector<16xi32>
        %bitcast3A_723 = vector.bitcast %sub3A_722 : vector<16xi32> to vector<16xf32>
        %sub3A_724 = arith.constant 1.000000e+00 : f32
        %sub3A_725 = vector.broadcast %sub3A_724 : f32 to vector<16xf32>
        %sub3A_726 = arith.subf %bitcast3A_723, %sub3A_725 : vector<16xf32>
        %mul3A_727 = arith.mulf %sub3A_726, %sub3A_726 : vector<16xf32>
        %mul3A_728 = arith.constant 0.124855869 : f32
        %mul3A_729 = vector.broadcast %mul3A_728 : f32 to vector<16xf32>
        %mul3A_730 = arith.mulf %mul3A_729, %sub3A_726 : vector<16xf32>
        %add3A_731 = arith.constant -0.180304527 : f32
        %add3A_732 = vector.broadcast %add3A_731 : f32 to vector<16xf32>
        %add3A_733 = arith.addf %mul3A_730, %add3A_732 : vector<16xf32>
        %mul3A_734 = arith.mulf %add3A_733, %sub3A_726 : vector<16xf32>
        %add3A_735 = arith.constant 0.201997131 : f32
        %add3A_736 = vector.broadcast %add3A_735 : f32 to vector<16xf32>
        %add3A_737 = arith.addf %mul3A_734, %add3A_736 : vector<16xf32>
        %mul3A_738 = arith.mulf %add3A_737, %sub3A_726 : vector<16xf32>
        %add3A_739 = arith.constant -0.249701381 : f32
        %add3A_740 = vector.broadcast %add3A_739 : f32 to vector<16xf32>
        %add3A_741 = arith.addf %mul3A_738, %add3A_740 : vector<16xf32>
        %mul3A_742 = arith.mulf %add3A_741, %sub3A_726 : vector<16xf32>
        %add3A_743 = arith.constant 0.333314836 : f32
        %add3A_744 = vector.broadcast %add3A_743 : f32 to vector<16xf32>
        %add3A_745 = arith.addf %mul3A_742, %add3A_744 : vector<16xf32>
        %convert_element_type3A_746 = arith.sitofp %shift_right_arithmetic3A_718 : vector<16xi32> to vector<16xf32>
        %mul3A_747 = arith.constant 0.693147182 : f32
        %mul3A_748 = vector.broadcast %mul3A_747 : f32 to vector<16xf32>
        %mul3A_749 = arith.mulf %convert_element_type3A_746, %mul3A_748 : vector<16xf32>
        %mul3A_750 = arith.constant 5.000000e-01 : f32
        %mul3A_751 = vector.broadcast %mul3A_750 : f32 to vector<16xf32>
        %mul3A_752 = arith.mulf %mul3A_751, %mul3A_727 : vector<16xf32>
        %sub3A_753 = arith.subf %sub3A_726, %mul3A_752 : vector<16xf32>
        %mul3A_754 = arith.mulf %mul3A_727, %sub3A_726 : vector<16xf32>
        %mul3A_755 = arith.mulf %mul3A_754, %add3A_745 : vector<16xf32>
        %add3A_756 = arith.addf %sub3A_753, %mul3A_755 : vector<16xf32>
        %add3A_757 = arith.addf %mul3A_749, %add3A_756 : vector<16xf32>
        %sub3A_758 = arith.subf %get3A_655, %get3A_653 : vector<16xf32>
        %mul3A_759 = arith.constant 2.000000e+00 : f32
        %mul3A_760 = vector.broadcast %mul3A_759 : f32 to vector<16xf32>
        %mul3A_761 = arith.mulf %sub3A_758, %mul3A_760 : vector<16xf32>
        %exp3A_762 = math.exp %mul3A_761 : vector<16xf32>
        %mul3A_763 = arith.mulf %add3A_708, %add3A_708 : vector<16xf32>
        %mul3A_764 = arith.mulf %exp3A_762, %mul3A_763 : vector<16xf32>
        %mul3A_765 = arith.mulf %add3A_757, %add3A_757 : vector<16xf32>
        %add3A_766 = arith.addf %mul3A_765, %mul3A_764 : vector<16xf32>
        %div3A_767 = arith.divf %mul3A_765, %add3A_766 : vector<16xf32>
        %le3A_768 = arith.cmpf ole, %mul3A_764, %mul3A_765 : vector<16xf32>
        %jit3A_769 = arith.constant 1.000000e+00 : f32
        %jit3A_770 = arith.constant 0.000000e+00 : f32
        %broadcast_in_dim3A_771 = vector.broadcast %jit3A_769 : f32 to vector<16xf32>
        %broadcast_in_dim3A_772 = vector.broadcast %jit3A_770 : f32 to vector<16xf32>
        %select_n3A_773 = arith.select %le3A_768, %broadcast_in_dim3A_771, %broadcast_in_dim3A_772 : vector<16xi1>, vector<16xf32>
        %swap3A_774 = arith.index_cast %add3A_649 : i32 to index
        %swap3A_775 = tpu.vector_load %arg9[%swap3A_774] {strides = array<i32>} : memref<8192xf32, #tpu.memory_space<vmem>>, vector<16xf32>,
        tpu.vector_store %arg9[%swap3A_774], %div3A_767 {strides = array<i32>} : memref<8192xf32, #tpu.memory_space<vmem>>, vector<16xf32>,
        %sub3A_776 = arith.constant 1.000000e+00 : f32
        %sub3A_777 = vector.broadcast %sub3A_776 : f32 to vector<16xf32>
        %sub3A_778 = arith.subf %sub3A_777, %div3A_767 : vector<16xf32>
        %swap3A_779 = arith.index_cast %add3A_651 : i32 to index
        %swap3A_780 = tpu.vector_load %arg9[%swap3A_779] {strides = array<i32>} : memref<8192xf32, #tpu.memory_space<vmem>>, vector<16xf32>,
        tpu.vector_store %arg9[%swap3A_779], %sub3A_778 {strides = array<i32>} : memref<8192xf32, #tpu.memory_space<vmem>>, vector<16xf32>,
        %swap3A_781 = arith.index_cast %add3A_649 : i32 to index
        %swap3A_782 = tpu.vector_load %arg8[%swap3A_781] {strides = array<i32>} : memref<8192xf32, #tpu.memory_space<vmem>>, vector<16xf32>,
        tpu.vector_store %arg8[%swap3A_781], %select_n3A_773 {strides = array<i32>} : memref<8192xf32, #tpu.memory_space<vmem>>, vector<16xf32>,
        %sub3A_783 = arith.constant 1.000000e+00 : f32
        %sub3A_784 = vector.broadcast %sub3A_783 : f32 to vector<16xf32>
        %sub3A_785 = arith.subf %sub3A_784, %select_n3A_773 : vector<16xf32>
        %swap3A_786 = arith.index_cast %add3A_651 : i32 to index
        %swap3A_787 = tpu.vector_load %arg8[%swap3A_786] {strides = array<i32>} : memref<8192xf32, #tpu.memory_space<vmem>>, vector<16xf32>,
        tpu.vector_store %arg8[%swap3A_786], %sub3A_785 {strides = array<i32>} : memref<8192xf32, #tpu.memory_space<vmem>>, vector<16xf32>,
        %add3A_788 = arith.constant 80 : i32
        %add3A_789 = arith.addi %mul3A_99, %add3A_788 : i32
        %add3A_790 = arith.constant 128 : i32
        %add3A_791 = arith.addi %add3A_789, %add3A_790 : i32
        %get3A_792 = arith.index_cast %add3A_789 : i32 to index
        %get3A_793 = tpu.vector_load %arg6[%get3A_792] {strides = array<i32>} : memref<8192xf32, #tpu.memory_space<vmem>>, vector<16xf32>,
        %get3A_794 = arith.index_cast %add3A_791 : i32 to index
        %get3A_795 = tpu.vector_load %arg6[%get3A_794] {strides = array<i32>} : memref<8192xf32, #tpu.memory_space<vmem>>, vector<16xf32>,
        %get3A_796 = arith.index_cast %add3A_789 : i32 to index
        %get3A_797 = tpu.vector_load %arg7[%get3A_796] {strides = array<i32>} : memref<8192xf32, #tpu.memory_space<vmem>>, vector<16xf32>,
        %get3A_798 = arith.index_cast %add3A_791 : i32 to index
        %get3A_799 = tpu.vector_load %arg7[%get3A_798] {strides = array<i32>} : memref<8192xf32, #tpu.memory_space<vmem>>, vector<16xf32>,
        %add3A_800 = arith.constant 1.000000e-10 : f32
        %add3A_801 = vector.broadcast %add3A_800 : f32 to vector<16xf32>
        %add3A_802 = arith.addf %get3A_797, %add3A_801 : vector<16xf32>
        %bitcast3A_803 = vector.bitcast %add3A_802 : vector<16xf32> to vector<16xi32>
        %sub3A_804 = arith.constant 1060439283 : i32
        %sub3A_805 = vector.broadcast %sub3A_804 : i32 to vector<16xi32>
        %sub3A_806 = arith.subi %bitcast3A_803, %sub3A_805 : vector<16xi32>
        %shift_right_arithmetic3A_807 = arith.constant 23 : i32
        %shift_right_arithmetic3A_808 = vector.broadcast %shift_right_arithmetic3A_807 : i32 to vector<16xi32>
        %shift_right_arithmetic3A_809 = arith.shrsi %sub3A_806, %shift_right_arithmetic3A_808 : vector<16xi32>
        %shift_left3A_810 = arith.constant 23 : i32
        %shift_left3A_811 = vector.broadcast %shift_left3A_810 : i32 to vector<16xi32>
        %shift_left3A_812 = arith.shli %shift_right_arithmetic3A_809, %shift_left3A_811 : vector<16xi32>
        %sub3A_813 = arith.subi %bitcast3A_803, %shift_left3A_812 : vector<16xi32>
        %bitcast3A_814 = vector.bitcast %sub3A_813 : vector<16xi32> to vector<16xf32>
        %sub3A_815 = arith.constant 1.000000e+00 : f32
        %sub3A_816 = vector.broadcast %sub3A_815 : f32 to vector<16xf32>
        %sub3A_817 = arith.subf %bitcast3A_814, %sub3A_816 : vector<16xf32>
        %mul3A_818 = arith.mulf %sub3A_817, %sub3A_817 : vector<16xf32>
        %mul3A_819 = arith.constant 0.124855869 : f32
        %mul3A_820 = vector.broadcast %mul3A_819 : f32 to vector<16xf32>
        %mul3A_821 = arith.mulf %mul3A_820, %sub3A_817 : vector<16xf32>
        %add3A_822 = arith.constant -0.180304527 : f32
        %add3A_823 = vector.broadcast %add3A_822 : f32 to vector<16xf32>
        %add3A_824 = arith.addf %mul3A_821, %add3A_823 : vector<16xf32>
        %mul3A_825 = arith.mulf %add3A_824, %sub3A_817 : vector<16xf32>
        %add3A_826 = arith.constant 0.201997131 : f32
        %add3A_827 = vector.broadcast %add3A_826 : f32 to vector<16xf32>
        %add3A_828 = arith.addf %mul3A_825, %add3A_827 : vector<16xf32>
        %mul3A_829 = arith.mulf %add3A_828, %sub3A_817 : vector<16xf32>
        %add3A_830 = arith.constant -0.249701381 : f32
        %add3A_831 = vector.broadcast %add3A_830 : f32 to vector<16xf32>
        %add3A_832 = arith.addf %mul3A_829, %add3A_831 : vector<16xf32>
        %mul3A_833 = arith.mulf %add3A_832, %sub3A_817 : vector<16xf32>
        %add3A_834 = arith.constant 0.333314836 : f32
        %add3A_835 = vector.broadcast %add3A_834 : f32 to vector<16xf32>
        %add3A_836 = arith.addf %mul3A_833, %add3A_835 : vector<16xf32>
        %convert_element_type3A_837 = arith.sitofp %shift_right_arithmetic3A_809 : vector<16xi32> to vector<16xf32>
        %mul3A_838 = arith.constant 0.693147182 : f32
        %mul3A_839 = vector.broadcast %mul3A_838 : f32 to vector<16xf32>
        %mul3A_840 = arith.mulf %convert_element_type3A_837, %mul3A_839 : vector<16xf32>
        %mul3A_841 = arith.constant 5.000000e-01 : f32
        %mul3A_842 = vector.broadcast %mul3A_841 : f32 to vector<16xf32>
        %mul3A_843 = arith.mulf %mul3A_842, %mul3A_818 : vector<16xf32>
        %sub3A_844 = arith.subf %sub3A_817, %mul3A_843 : vector<16xf32>
        %mul3A_845 = arith.mulf %mul3A_818, %sub3A_817 : vector<16xf32>
        %mul3A_846 = arith.mulf %mul3A_845, %add3A_836 : vector<16xf32>
        %add3A_847 = arith.addf %sub3A_844, %mul3A_846 : vector<16xf32>
        %add3A_848 = arith.addf %mul3A_840, %add3A_847 : vector<16xf32>
        %add3A_849 = arith.constant 1.000000e-10 : f32
        %add3A_850 = vector.broadcast %add3A_849 : f32 to vector<16xf32>
        %add3A_851 = arith.addf %get3A_799, %add3A_850 : vector<16xf32>
        %bitcast3A_852 = vector.bitcast %add3A_851 : vector<16xf32> to vector<16xi32>
        %sub3A_853 = arith.constant 1060439283 : i32
        %sub3A_854 = vector.broadcast %sub3A_853 : i32 to vector<16xi32>
        %sub3A_855 = arith.subi %bitcast3A_852, %sub3A_854 : vector<16xi32>
        %shift_right_arithmetic3A_856 = arith.constant 23 : i32
        %shift_right_arithmetic3A_857 = vector.broadcast %shift_right_arithmetic3A_856 : i32 to vector<16xi32>
        %shift_right_arithmetic3A_858 = arith.shrsi %sub3A_855, %shift_right_arithmetic3A_857 : vector<16xi32>
        %shift_left3A_859 = arith.constant 23 : i32
        %shift_left3A_860 = vector.broadcast %shift_left3A_859 : i32 to vector<16xi32>
        %shift_left3A_861 = arith.shli %shift_right_arithmetic3A_858, %shift_left3A_860 : vector<16xi32>
        %sub3A_862 = arith.subi %bitcast3A_852, %shift_left3A_861 : vector<16xi32>
        %bitcast3A_863 = vector.bitcast %sub3A_862 : vector<16xi32> to vector<16xf32>
        %sub3A_864 = arith.constant 1.000000e+00 : f32
        %sub3A_865 = vector.broadcast %sub3A_864 : f32 to vector<16xf32>
        %sub3A_866 = arith.subf %bitcast3A_863, %sub3A_865 : vector<16xf32>
        %mul3A_867 = arith.mulf %sub3A_866, %sub3A_866 : vector<16xf32>
        %mul3A_868 = arith.constant 0.124855869 : f32
        %mul3A_869 = vector.broadcast %mul3A_868 : f32 to vector<16xf32>
        %mul3A_870 = arith.mulf %mul3A_869, %sub3A_866 : vector<16xf32>
        %add3A_871 = arith.constant -0.180304527 : f32
        %add3A_872 = vector.broadcast %add3A_871 : f32 to vector<16xf32>
        %add3A_873 = arith.addf %mul3A_870, %add3A_872 : vector<16xf32>
        %mul3A_874 = arith.mulf %add3A_873, %sub3A_866 : vector<16xf32>
        %add3A_875 = arith.constant 0.201997131 : f32
        %add3A_876 = vector.broadcast %add3A_875 : f32 to vector<16xf32>
        %add3A_877 = arith.addf %mul3A_874, %add3A_876 : vector<16xf32>
        %mul3A_878 = arith.mulf %add3A_877, %sub3A_866 : vector<16xf32>
        %add3A_879 = arith.constant -0.249701381 : f32
        %add3A_880 = vector.broadcast %add3A_879 : f32 to vector<16xf32>
        %add3A_881 = arith.addf %mul3A_878, %add3A_880 : vector<16xf32>
        %mul3A_882 = arith.mulf %add3A_881, %sub3A_866 : vector<16xf32>
        %add3A_883 = arith.constant 0.333314836 : f32
        %add3A_884 = vector.broadcast %add3A_883 : f32 to vector<16xf32>
        %add3A_885 = arith.addf %mul3A_882, %add3A_884 : vector<16xf32>
        %convert_element_type3A_886 = arith.sitofp %shift_right_arithmetic3A_858 : vector<16xi32> to vector<16xf32>
        %mul3A_887 = arith.constant 0.693147182 : f32
        %mul3A_888 = vector.broadcast %mul3A_887 : f32 to vector<16xf32>
        %mul3A_889 = arith.mulf %convert_element_type3A_886, %mul3A_888 : vector<16xf32>
        %mul3A_890 = arith.constant 5.000000e-01 : f32
        %mul3A_891 = vector.broadcast %mul3A_890 : f32 to vector<16xf32>
        %mul3A_892 = arith.mulf %mul3A_891, %mul3A_867 : vector<16xf32>
        %sub3A_893 = arith.subf %sub3A_866, %mul3A_892 : vector<16xf32>
        %mul3A_894 = arith.mulf %mul3A_867, %sub3A_866 : vector<16xf32>
        %mul3A_895 = arith.mulf %mul3A_894, %add3A_885 : vector<16xf32>
        %add3A_896 = arith.addf %sub3A_893, %mul3A_895 : vector<16xf32>
        %add3A_897 = arith.addf %mul3A_889, %add3A_896 : vector<16xf32>
        %sub3A_898 = arith.subf %get3A_795, %get3A_793 : vector<16xf32>
        %mul3A_899 = arith.constant 2.000000e+00 : f32
        %mul3A_900 = vector.broadcast %mul3A_899 : f32 to vector<16xf32>
        %mul3A_901 = arith.mulf %sub3A_898, %mul3A_900 : vector<16xf32>
        %exp3A_902 = math.exp %mul3A_901 : vector<16xf32>
        %mul3A_903 = arith.mulf %add3A_848, %add3A_848 : vector<16xf32>
        %mul3A_904 = arith.mulf %exp3A_902, %mul3A_903 : vector<16xf32>
        %mul3A_905 = arith.mulf %add3A_897, %add3A_897 : vector<16xf32>
        %add3A_906 = arith.addf %mul3A_905, %mul3A_904 : vector<16xf32>
        %div3A_907 = arith.divf %mul3A_905, %add3A_906 : vector<16xf32>
        %le3A_908 = arith.cmpf ole, %mul3A_904, %mul3A_905 : vector<16xf32>
        %jit3A_909 = arith.constant 1.000000e+00 : f32
        %jit3A_910 = arith.constant 0.000000e+00 : f32
        %broadcast_in_dim3A_911 = vector.broadcast %jit3A_909 : f32 to vector<16xf32>
        %broadcast_in_dim3A_912 = vector.broadcast %jit3A_910 : f32 to vector<16xf32>
        %select_n3A_913 = arith.select %le3A_908, %broadcast_in_dim3A_911, %broadcast_in_dim3A_912 : vector<16xi1>, vector<16xf32>
        %swap3A_914 = arith.index_cast %add3A_789 : i32 to index
        %swap3A_915 = tpu.vector_load %arg9[%swap3A_914] {strides = array<i32>} : memref<8192xf32, #tpu.memory_space<vmem>>, vector<16xf32>,
        tpu.vector_store %arg9[%swap3A_914], %div3A_907 {strides = array<i32>} : memref<8192xf32, #tpu.memory_space<vmem>>, vector<16xf32>,
        %sub3A_916 = arith.constant 1.000000e+00 : f32
        %sub3A_917 = vector.broadcast %sub3A_916 : f32 to vector<16xf32>
        %sub3A_918 = arith.subf %sub3A_917, %div3A_907 : vector<16xf32>
        %swap3A_919 = arith.index_cast %add3A_791 : i32 to index
        %swap3A_920 = tpu.vector_load %arg9[%swap3A_919] {strides = array<i32>} : memref<8192xf32, #tpu.memory_space<vmem>>, vector<16xf32>,
        tpu.vector_store %arg9[%swap3A_919], %sub3A_918 {strides = array<i32>} : memref<8192xf32, #tpu.memory_space<vmem>>, vector<16xf32>,
        %swap3A_921 = arith.index_cast %add3A_789 : i32 to index
        %swap3A_922 = tpu.vector_load %arg8[%swap3A_921] {strides = array<i32>} : memref<8192xf32, #tpu.memory_space<vmem>>, vector<16xf32>,
        tpu.vector_store %arg8[%swap3A_921], %select_n3A_913 {strides = array<i32>} : memref<8192xf32, #tpu.memory_space<vmem>>, vector<16xf32>,
        %sub3A_923 = arith.constant 1.000000e+00 : f32
        %sub3A_924 = vector.broadcast %sub3A_923 : f32 to vector<16xf32>
        %sub3A_925 = arith.subf %sub3A_924, %select_n3A_913 : vector<16xf32>
        %swap3A_926 = arith.index_cast %add3A_791 : i32 to index
        %swap3A_927 = tpu.vector_load %arg8[%swap3A_926] {strides = array<i32>} : memref<8192xf32, #tpu.memory_space<vmem>>, vector<16xf32>,
        tpu.vector_store %arg8[%swap3A_926], %sub3A_925 {strides = array<i32>} : memref<8192xf32, #tpu.memory_space<vmem>>, vector<16xf32>,
        %add3A_928 = arith.constant 96 : i32
        %add3A_929 = arith.addi %mul3A_99, %add3A_928 : i32
        %add3A_930 = arith.constant 128 : i32
        %add3A_931 = arith.addi %add3A_929, %add3A_930 : i32
        %get3A_932 = arith.index_cast %add3A_929 : i32 to index
        %get3A_933 = tpu.vector_load %arg6[%get3A_932] {strides = array<i32>} : memref<8192xf32, #tpu.memory_space<vmem>>, vector<16xf32>,
        %get3A_934 = arith.index_cast %add3A_931 : i32 to index
        %get3A_935 = tpu.vector_load %arg6[%get3A_934] {strides = array<i32>} : memref<8192xf32, #tpu.memory_space<vmem>>, vector<16xf32>,
        %get3A_936 = arith.index_cast %add3A_929 : i32 to index
        %get3A_937 = tpu.vector_load %arg7[%get3A_936] {strides = array<i32>} : memref<8192xf32, #tpu.memory_space<vmem>>, vector<16xf32>,
        %get3A_938 = arith.index_cast %add3A_931 : i32 to index
        %get3A_939 = tpu.vector_load %arg7[%get3A_938] {strides = array<i32>} : memref<8192xf32, #tpu.memory_space<vmem>>, vector<16xf32>,
        %add3A_940 = arith.constant 1.000000e-10 : f32
        %add3A_941 = vector.broadcast %add3A_940 : f32 to vector<16xf32>
        %add3A_942 = arith.addf %get3A_937, %add3A_941 : vector<16xf32>
        %bitcast3A_943 = vector.bitcast %add3A_942 : vector<16xf32> to vector<16xi32>
        %sub3A_944 = arith.constant 1060439283 : i32
        %sub3A_945 = vector.broadcast %sub3A_944 : i32 to vector<16xi32>
        %sub3A_946 = arith.subi %bitcast3A_943, %sub3A_945 : vector<16xi32>
        %shift_right_arithmetic3A_947 = arith.constant 23 : i32
        %shift_right_arithmetic3A_948 = vector.broadcast %shift_right_arithmetic3A_947 : i32 to vector<16xi32>
        %shift_right_arithmetic3A_949 = arith.shrsi %sub3A_946, %shift_right_arithmetic3A_948 : vector<16xi32>
        %shift_left3A_950 = arith.constant 23 : i32
        %shift_left3A_951 = vector.broadcast %shift_left3A_950 : i32 to vector<16xi32>
        %shift_left3A_952 = arith.shli %shift_right_arithmetic3A_949, %shift_left3A_951 : vector<16xi32>
        %sub3A_953 = arith.subi %bitcast3A_943, %shift_left3A_952 : vector<16xi32>
        %bitcast3A_954 = vector.bitcast %sub3A_953 : vector<16xi32> to vector<16xf32>
        %sub3A_955 = arith.constant 1.000000e+00 : f32
        %sub3A_956 = vector.broadcast %sub3A_955 : f32 to vector<16xf32>
        %sub3A_957 = arith.subf %bitcast3A_954, %sub3A_956 : vector<16xf32>
        %mul3A_958 = arith.mulf %sub3A_957, %sub3A_957 : vector<16xf32>
        %mul3A_959 = arith.constant 0.124855869 : f32
        %mul3A_960 = vector.broadcast %mul3A_959 : f32 to vector<16xf32>
        %mul3A_961 = arith.mulf %mul3A_960, %sub3A_957 : vector<16xf32>
        %add3A_962 = arith.constant -0.180304527 : f32
        %add3A_963 = vector.broadcast %add3A_962 : f32 to vector<16xf32>
        %add3A_964 = arith.addf %mul3A_961, %add3A_963 : vector<16xf32>
        %mul3A_965 = arith.mulf %add3A_964, %sub3A_957 : vector<16xf32>
        %add3A_966 = arith.constant 0.201997131 : f32
        %add3A_967 = vector.broadcast %add3A_966 : f32 to vector<16xf32>
        %add3A_968 = arith.addf %mul3A_965, %add3A_967 : vector<16xf32>
        %mul3A_969 = arith.mulf %add3A_968, %sub3A_957 : vector<16xf32>
        %add3A_970 = arith.constant -0.249701381 : f32
        %add3A_971 = vector.broadcast %add3A_970 : f32 to vector<16xf32>
        %add3A_972 = arith.addf %mul3A_969, %add3A_971 : vector<16xf32>
        %mul3A_973 = arith.mulf %add3A_972, %sub3A_957 : vector<16xf32>
        %add3A_974 = arith.constant 0.333314836 : f32
        %add3A_975 = vector.broadcast %add3A_974 : f32 to vector<16xf32>
        %add3A_976 = arith.addf %mul3A_973, %add3A_975 : vector<16xf32>
        %convert_element_type3A_977 = arith.sitofp %shift_right_arithmetic3A_949 : vector<16xi32> to vector<16xf32>
        %mul3A_978 = arith.constant 0.693147182 : f32
        %mul3A_979 = vector.broadcast %mul3A_978 : f32 to vector<16xf32>
        %mul3A_980 = arith.mulf %convert_element_type3A_977, %mul3A_979 : vector<16xf32>
        %mul3A_981 = arith.constant 5.000000e-01 : f32
        %mul3A_982 = vector.broadcast %mul3A_981 : f32 to vector<16xf32>
        %mul3A_983 = arith.mulf %mul3A_982, %mul3A_958 : vector<16xf32>
        %sub3A_984 = arith.subf %sub3A_957, %mul3A_983 : vector<16xf32>
        %mul3A_985 = arith.mulf %mul3A_958, %sub3A_957 : vector<16xf32>
        %mul3A_986 = arith.mulf %mul3A_985, %add3A_976 : vector<16xf32>
        %add3A_987 = arith.addf %sub3A_984, %mul3A_986 : vector<16xf32>
        %add3A_988 = arith.addf %mul3A_980, %add3A_987 : vector<16xf32>
        %add3A_989 = arith.constant 1.000000e-10 : f32
        %add3A_990 = vector.broadcast %add3A_989 : f32 to vector<16xf32>
        %add3A_991 = arith.addf %get3A_939, %add3A_990 : vector<16xf32>
        %bitcast3A_992 = vector.bitcast %add3A_991 : vector<16xf32> to vector<16xi32>
        %sub3A_993 = arith.constant 1060439283 : i32
        %sub3A_994 = vector.broadcast %sub3A_993 : i32 to vector<16xi32>
        %sub3A_995 = arith.subi %bitcast3A_992, %sub3A_994 : vector<16xi32>
        %shift_right_arithmetic3A_996 = arith.constant 23 : i32
        %shift_right_arithmetic3A_997 = vector.broadcast %shift_right_arithmetic3A_996 : i32 to vector<16xi32>
        %shift_right_arithmetic3A_998 = arith.shrsi %sub3A_995, %shift_right_arithmetic3A_997 : vector<16xi32>
        %shift_left3A_999 = arith.constant 23 : i32
        %shift_left3A_1000 = vector.broadcast %shift_left3A_999 : i32 to vector<16xi32>
        %shift_left3A_1001 = arith.shli %shift_right_arithmetic3A_998, %shift_left3A_1000 : vector<16xi32>
        %sub3A_1002 = arith.subi %bitcast3A_992, %shift_left3A_1001 : vector<16xi32>
        %bitcast3A_1003 = vector.bitcast %sub3A_1002 : vector<16xi32> to vector<16xf32>
        %sub3A_1004 = arith.constant 1.000000e+00 : f32
        %sub3A_1005 = vector.broadcast %sub3A_1004 : f32 to vector<16xf32>
        %sub3A_1006 = arith.subf %bitcast3A_1003, %sub3A_1005 : vector<16xf32>
        %mul3A_1007 = arith.mulf %sub3A_1006, %sub3A_1006 : vector<16xf32>
        %mul3A_1008 = arith.constant 0.124855869 : f32
        %mul3A_1009 = vector.broadcast %mul3A_1008 : f32 to vector<16xf32>
        %mul3A_1010 = arith.mulf %mul3A_1009, %sub3A_1006 : vector<16xf32>
        %add3A_1011 = arith.constant -0.180304527 : f32
        %add3A_1012 = vector.broadcast %add3A_1011 : f32 to vector<16xf32>
        %add3A_1013 = arith.addf %mul3A_1010, %add3A_1012 : vector<16xf32>
        %mul3A_1014 = arith.mulf %add3A_1013, %sub3A_1006 : vector<16xf32>
        %add3A_1015 = arith.constant 0.201997131 : f32
        %add3A_1016 = vector.broadcast %add3A_1015 : f32 to vector<16xf32>
        %add3A_1017 = arith.addf %mul3A_1014, %add3A_1016 : vector<16xf32>
        %mul3A_1018 = arith.mulf %add3A_1017, %sub3A_1006 : vector<16xf32>
        %add3A_1019 = arith.constant -0.249701381 : f32
        %add3A_1020 = vector.broadcast %add3A_1019 : f32 to vector<16xf32>
        %add3A_1021 = arith.addf %mul3A_1018, %add3A_1020 : vector<16xf32>
        %mul3A_1022 = arith.mulf %add3A_1021, %sub3A_1006 : vector<16xf32>
        %add3A_1023 = arith.constant 0.333314836 : f32
        %add3A_1024 = vector.broadcast %add3A_1023 : f32 to vector<16xf32>
        %add3A_1025 = arith.addf %mul3A_1022, %add3A_1024 : vector<16xf32>
        %convert_element_type3A_1026 = arith.sitofp %shift_right_arithmetic3A_998 : vector<16xi32> to vector<16xf32>
        %mul3A_1027 = arith.constant 0.693147182 : f32
        %mul3A_1028 = vector.broadcast %mul3A_1027 : f32 to vector<16xf32>
        %mul3A_1029 = arith.mulf %convert_element_type3A_1026, %mul3A_1028 : vector<16xf32>
        %mul3A_1030 = arith.constant 5.000000e-01 : f32
        %mul3A_1031 = vector.broadcast %mul3A_1030 : f32 to vector<16xf32>
        %mul3A_1032 = arith.mulf %mul3A_1031, %mul3A_1007 : vector<16xf32>
        %sub3A_1033 = arith.subf %sub3A_1006, %mul3A_1032 : vector<16xf32>
        %mul3A_1034 = arith.mulf %mul3A_1007, %sub3A_1006 : vector<16xf32>
        %mul3A_1035 = arith.mulf %mul3A_1034, %add3A_1025 : vector<16xf32>
        %add3A_1036 = arith.addf %sub3A_1033, %mul3A_1035 : vector<16xf32>
        %add3A_1037 = arith.addf %mul3A_1029, %add3A_1036 : vector<16xf32>
        %sub3A_1038 = arith.subf %get3A_935, %get3A_933 : vector<16xf32>
        %mul3A_1039 = arith.constant 2.000000e+00 : f32
        %mul3A_1040 = vector.broadcast %mul3A_1039 : f32 to vector<16xf32>
        %mul3A_1041 = arith.mulf %sub3A_1038, %mul3A_1040 : vector<16xf32>
        %exp3A_1042 = math.exp %mul3A_1041 : vector<16xf32>
        %mul3A_1043 = arith.mulf %add3A_988, %add3A_988 : vector<16xf32>
        %mul3A_1044 = arith.mulf %exp3A_1042, %mul3A_1043 : vector<16xf32>
        %mul3A_1045 = arith.mulf %add3A_1037, %add3A_1037 : vector<16xf32>
        %add3A_1046 = arith.addf %mul3A_1045, %mul3A_1044 : vector<16xf32>
        %div3A_1047 = arith.divf %mul3A_1045, %add3A_1046 : vector<16xf32>
        %le3A_1048 = arith.cmpf ole, %mul3A_1044, %mul3A_1045 : vector<16xf32>
        %jit3A_1049 = arith.constant 1.000000e+00 : f32
        %jit3A_1050 = arith.constant 0.000000e+00 : f32
        %broadcast_in_dim3A_1051 = vector.broadcast %jit3A_1049 : f32 to vector<16xf32>
        %broadcast_in_dim3A_1052 = vector.broadcast %jit3A_1050 : f32 to vector<16xf32>
        %select_n3A_1053 = arith.select %le3A_1048, %broadcast_in_dim3A_1051, %broadcast_in_dim3A_1052 : vector<16xi1>, vector<16xf32>
        %swap3A_1054 = arith.index_cast %add3A_929 : i32 to index
        %swap3A_1055 = tpu.vector_load %arg9[%swap3A_1054] {strides = array<i32>} : memref<8192xf32, #tpu.memory_space<vmem>>, vector<16xf32>,
        tpu.vector_store %arg9[%swap3A_1054], %div3A_1047 {strides = array<i32>} : memref<8192xf32, #tpu.memory_space<vmem>>, vector<16xf32>,
        %sub3A_1056 = arith.constant 1.000000e+00 : f32
        %sub3A_1057 = vector.broadcast %sub3A_1056 : f32 to vector<16xf32>
        %sub3A_1058 = arith.subf %sub3A_1057, %div3A_1047 : vector<16xf32>
        %swap3A_1059 = arith.index_cast %add3A_931 : i32 to index
        %swap3A_1060 = tpu.vector_load %arg9[%swap3A_1059] {strides = array<i32>} : memref<8192xf32, #tpu.memory_space<vmem>>, vector<16xf32>,
        tpu.vector_store %arg9[%swap3A_1059], %sub3A_1058 {strides = array<i32>} : memref<8192xf32, #tpu.memory_space<vmem>>, vector<16xf32>,
        %swap3A_1061 = arith.index_cast %add3A_929 : i32 to index
        %swap3A_1062 = tpu.vector_load %arg8[%swap3A_1061] {strides = array<i32>} : memref<8192xf32, #tpu.memory_space<vmem>>, vector<16xf32>,
        tpu.vector_store %arg8[%swap3A_1061], %select_n3A_1053 {strides = array<i32>} : memref<8192xf32, #tpu.memory_space<vmem>>, vector<16xf32>,
        %sub3A_1063 = arith.constant 1.000000e+00 : f32
        %sub3A_1064 = vector.broadcast %sub3A_1063 : f32 to vector<16xf32>
        %sub3A_1065 = arith.subf %sub3A_1064, %select_n3A_1053 : vector<16xf32>
        %swap3A_1066 = arith.index_cast %add3A_931 : i32 to index
        %swap3A_1067 = tpu.vector_load %arg8[%swap3A_1066] {strides = array<i32>} : memref<8192xf32, #tpu.memory_space<vmem>>, vector<16xf32>,
        tpu.vector_store %arg8[%swap3A_1066], %sub3A_1065 {strides = array<i32>} : memref<8192xf32, #tpu.memory_space<vmem>>, vector<16xf32>,
        %add3A_1068 = arith.constant 112 : i32
        %add3A_1069 = arith.addi %mul3A_99, %add3A_1068 : i32
        %add3A_1070 = arith.constant 128 : i32
        %add3A_1071 = arith.addi %add3A_1069, %add3A_1070 : i32
        %get3A_1072 = arith.index_cast %add3A_1069 : i32 to index
        %get3A_1073 = tpu.vector_load %arg6[%get3A_1072] {strides = array<i32>} : memref<8192xf32, #tpu.memory_space<vmem>>, vector<16xf32>,
        %get3A_1074 = arith.index_cast %add3A_1071 : i32 to index
        %get3A_1075 = tpu.vector_load %arg6[%get3A_1074] {strides = array<i32>} : memref<8192xf32, #tpu.memory_space<vmem>>, vector<16xf32>,
        %get3A_1076 = arith.index_cast %add3A_1069 : i32 to index
        %get3A_1077 = tpu.vector_load %arg7[%get3A_1076] {strides = array<i32>} : memref<8192xf32, #tpu.memory_space<vmem>>, vector<16xf32>,
        %get3A_1078 = arith.index_cast %add3A_1071 : i32 to index
        %get3A_1079 = tpu.vector_load %arg7[%get3A_1078] {strides = array<i32>} : memref<8192xf32, #tpu.memory_space<vmem>>, vector<16xf32>,
        %add3A_1080 = arith.constant 1.000000e-10 : f32
        %add3A_1081 = vector.broadcast %add3A_1080 : f32 to vector<16xf32>
        %add3A_1082 = arith.addf %get3A_1077, %add3A_1081 : vector<16xf32>
        %bitcast3A_1083 = vector.bitcast %add3A_1082 : vector<16xf32> to vector<16xi32>
        %sub3A_1084 = arith.constant 1060439283 : i32
        %sub3A_1085 = vector.broadcast %sub3A_1084 : i32 to vector<16xi32>
        %sub3A_1086 = arith.subi %bitcast3A_1083, %sub3A_1085 : vector<16xi32>
        %shift_right_arithmetic3A_1087 = arith.constant 23 : i32
        %shift_right_arithmetic3A_1088 = vector.broadcast %shift_right_arithmetic3A_1087 : i32 to vector<16xi32>
        %shift_right_arithmetic3A_1089 = arith.shrsi %sub3A_1086, %shift_right_arithmetic3A_1088 : vector<16xi32>
        %shift_left3A_1090 = arith.constant 23 : i32
        %shift_left3A_1091 = vector.broadcast %shift_left3A_1090 : i32 to vector<16xi32>
        %shift_left3A_1092 = arith.shli %shift_right_arithmetic3A_1089, %shift_left3A_1091 : vector<16xi32>
        %sub3A_1093 = arith.subi %bitcast3A_1083, %shift_left3A_1092 : vector<16xi32>
        %bitcast3A_1094 = vector.bitcast %sub3A_1093 : vector<16xi32> to vector<16xf32>
        %sub3A_1095 = arith.constant 1.000000e+00 : f32
        %sub3A_1096 = vector.broadcast %sub3A_1095 : f32 to vector<16xf32>
        %sub3A_1097 = arith.subf %bitcast3A_1094, %sub3A_1096 : vector<16xf32>
        %mul3A_1098 = arith.mulf %sub3A_1097, %sub3A_1097 : vector<16xf32>
        %mul3A_1099 = arith.constant 0.124855869 : f32
        %mul3A_1100 = vector.broadcast %mul3A_1099 : f32 to vector<16xf32>
        %mul3A_1101 = arith.mulf %mul3A_1100, %sub3A_1097 : vector<16xf32>
        %add3A_1102 = arith.constant -0.180304527 : f32
        %add3A_1103 = vector.broadcast %add3A_1102 : f32 to vector<16xf32>
        %add3A_1104 = arith.addf %mul3A_1101, %add3A_1103 : vector<16xf32>
        %mul3A_1105 = arith.mulf %add3A_1104, %sub3A_1097 : vector<16xf32>
        %add3A_1106 = arith.constant 0.201997131 : f32
        %add3A_1107 = vector.broadcast %add3A_1106 : f32 to vector<16xf32>
        %add3A_1108 = arith.addf %mul3A_1105, %add3A_1107 : vector<16xf32>
        %mul3A_1109 = arith.mulf %add3A_1108, %sub3A_1097 : vector<16xf32>
        %add3A_1110 = arith.constant -0.249701381 : f32
        %add3A_1111 = vector.broadcast %add3A_1110 : f32 to vector<16xf32>
        %add3A_1112 = arith.addf %mul3A_1109, %add3A_1111 : vector<16xf32>
        %mul3A_1113 = arith.mulf %add3A_1112, %sub3A_1097 : vector<16xf32>
        %add3A_1114 = arith.constant 0.333314836 : f32
        %add3A_1115 = vector.broadcast %add3A_1114 : f32 to vector<16xf32>
        %add3A_1116 = arith.addf %mul3A_1113, %add3A_1115 : vector<16xf32>
        %convert_element_type3A_1117 = arith.sitofp %shift_right_arithmetic3A_1089 : vector<16xi32> to vector<16xf32>
        %mul3A_1118 = arith.constant 0.693147182 : f32
        %mul3A_1119 = vector.broadcast %mul3A_1118 : f32 to vector<16xf32>
        %mul3A_1120 = arith.mulf %convert_element_type3A_1117, %mul3A_1119 : vector<16xf32>
        %mul3A_1121 = arith.constant 5.000000e-01 : f32
        %mul3A_1122 = vector.broadcast %mul3A_1121 : f32 to vector<16xf32>
        %mul3A_1123 = arith.mulf %mul3A_1122, %mul3A_1098 : vector<16xf32>
        %sub3A_1124 = arith.subf %sub3A_1097, %mul3A_1123 : vector<16xf32>
        %mul3A_1125 = arith.mulf %mul3A_1098, %sub3A_1097 : vector<16xf32>
        %mul3A_1126 = arith.mulf %mul3A_1125, %add3A_1116 : vector<16xf32>
        %add3A_1127 = arith.addf %sub3A_1124, %mul3A_1126 : vector<16xf32>
        %add3A_1128 = arith.addf %mul3A_1120, %add3A_1127 : vector<16xf32>
        %add3A_1129 = arith.constant 1.000000e-10 : f32
        %add3A_1130 = vector.broadcast %add3A_1129 : f32 to vector<16xf32>
        %add3A_1131 = arith.addf %get3A_1079, %add3A_1130 : vector<16xf32>
        %bitcast3A_1132 = vector.bitcast %add3A_1131 : vector<16xf32> to vector<16xi32>
        %sub3A_1133 = arith.constant 1060439283 : i32
        %sub3A_1134 = vector.broadcast %sub3A_1133 : i32 to vector<16xi32>
        %sub3A_1135 = arith.subi %bitcast3A_1132, %sub3A_1134 : vector<16xi32>
        %shift_right_arithmetic3A_1136 = arith.constant 23 : i32
        %shift_right_arithmetic3A_1137 = vector.broadcast %shift_right_arithmetic3A_1136 : i32 to vector<16xi32>
        %shift_right_arithmetic3A_1138 = arith.shrsi %sub3A_1135, %shift_right_arithmetic3A_1137 : vector<16xi32>
        %shift_left3A_1139 = arith.constant 23 : i32
        %shift_left3A_1140 = vector.broadcast %shift_left3A_1139 : i32 to vector<16xi32>
        %shift_left3A_1141 = arith.shli %shift_right_arithmetic3A_1138, %shift_left3A_1140 : vector<16xi32>
        %sub3A_1142 = arith.subi %bitcast3A_1132, %shift_left3A_1141 : vector<16xi32>
        %bitcast3A_1143 = vector.bitcast %sub3A_1142 : vector<16xi32> to vector<16xf32>
        %sub3A_1144 = arith.constant 1.000000e+00 : f32
        %sub3A_1145 = vector.broadcast %sub3A_1144 : f32 to vector<16xf32>
        %sub3A_1146 = arith.subf %bitcast3A_1143, %sub3A_1145 : vector<16xf32>
        %mul3A_1147 = arith.mulf %sub3A_1146, %sub3A_1146 : vector<16xf32>
        %mul3A_1148 = arith.constant 0.124855869 : f32
        %mul3A_1149 = vector.broadcast %mul3A_1148 : f32 to vector<16xf32>
        %mul3A_1150 = arith.mulf %mul3A_1149, %sub3A_1146 : vector<16xf32>
        %add3A_1151 = arith.constant -0.180304527 : f32
        %add3A_1152 = vector.broadcast %add3A_1151 : f32 to vector<16xf32>
        %add3A_1153 = arith.addf %mul3A_1150, %add3A_1152 : vector<16xf32>
        %mul3A_1154 = arith.mulf %add3A_1153, %sub3A_1146 : vector<16xf32>
        %add3A_1155 = arith.constant 0.201997131 : f32
        %add3A_1156 = vector.broadcast %add3A_1155 : f32 to vector<16xf32>
        %add3A_1157 = arith.addf %mul3A_1154, %add3A_1156 : vector<16xf32>
        %mul3A_1158 = arith.mulf %add3A_1157, %sub3A_1146 : vector<16xf32>
        %add3A_1159 = arith.constant -0.249701381 : f32
        %add3A_1160 = vector.broadcast %add3A_1159 : f32 to vector<16xf32>
        %add3A_1161 = arith.addf %mul3A_1158, %add3A_1160 : vector<16xf32>
        %mul3A_1162 = arith.mulf %add3A_1161, %sub3A_1146 : vector<16xf32>
        %add3A_1163 = arith.constant 0.333314836 : f32
        %add3A_1164 = vector.broadcast %add3A_1163 : f32 to vector<16xf32>
        %add3A_1165 = arith.addf %mul3A_1162, %add3A_1164 : vector<16xf32>
        %convert_element_type3A_1166 = arith.sitofp %shift_right_arithmetic3A_1138 : vector<16xi32> to vector<16xf32>
        %mul3A_1167 = arith.constant 0.693147182 : f32
        %mul3A_1168 = vector.broadcast %mul3A_1167 : f32 to vector<16xf32>
        %mul3A_1169 = arith.mulf %convert_element_type3A_1166, %mul3A_1168 : vector<16xf32>
        %mul3A_1170 = arith.constant 5.000000e-01 : f32
        %mul3A_1171 = vector.broadcast %mul3A_1170 : f32 to vector<16xf32>
        %mul3A_1172 = arith.mulf %mul3A_1171, %mul3A_1147 : vector<16xf32>
        %sub3A_1173 = arith.subf %sub3A_1146, %mul3A_1172 : vector<16xf32>
        %mul3A_1174 = arith.mulf %mul3A_1147, %sub3A_1146 : vector<16xf32>
        %mul3A_1175 = arith.mulf %mul3A_1174, %add3A_1165 : vector<16xf32>
        %add3A_1176 = arith.addf %sub3A_1173, %mul3A_1175 : vector<16xf32>
        %add3A_1177 = arith.addf %mul3A_1169, %add3A_1176 : vector<16xf32>
        %sub3A_1178 = arith.subf %get3A_1075, %get3A_1073 : vector<16xf32>
        %mul3A_1179 = arith.constant 2.000000e+00 : f32
        %mul3A_1180 = vector.broadcast %mul3A_1179 : f32 to vector<16xf32>
        %mul3A_1181 = arith.mulf %sub3A_1178, %mul3A_1180 : vector<16xf32>
        %exp3A_1182 = math.exp %mul3A_1181 : vector<16xf32>
        %mul3A_1183 = arith.mulf %add3A_1128, %add3A_1128 : vector<16xf32>
        %mul3A_1184 = arith.mulf %exp3A_1182, %mul3A_1183 : vector<16xf32>
        %mul3A_1185 = arith.mulf %add3A_1177, %add3A_1177 : vector<16xf32>
        %add3A_1186 = arith.addf %mul3A_1185, %mul3A_1184 : vector<16xf32>
        %div3A_1187 = arith.divf %mul3A_1185, %add3A_1186 : vector<16xf32>
        %le3A_1188 = arith.cmpf ole, %mul3A_1184, %mul3A_1185 : vector<16xf32>
        %jit3A_1189 = arith.constant 1.000000e+00 : f32
        %jit3A_1190 = arith.constant 0.000000e+00 : f32
        %broadcast_in_dim3A_1191 = vector.broadcast %jit3A_1189 : f32 to vector<16xf32>
        %broadcast_in_dim3A_1192 = vector.broadcast %jit3A_1190 : f32 to vector<16xf32>
        %select_n3A_1193 = arith.select %le3A_1188, %broadcast_in_dim3A_1191, %broadcast_in_dim3A_1192 : vector<16xi1>, vector<16xf32>
        %swap3A_1194 = arith.index_cast %add3A_1069 : i32 to index
        %swap3A_1195 = tpu.vector_load %arg9[%swap3A_1194] {strides = array<i32>} : memref<8192xf32, #tpu.memory_space<vmem>>, vector<16xf32>,
        tpu.vector_store %arg9[%swap3A_1194], %div3A_1187 {strides = array<i32>} : memref<8192xf32, #tpu.memory_space<vmem>>, vector<16xf32>,
        %sub3A_1196 = arith.constant 1.000000e+00 : f32
        %sub3A_1197 = vector.broadcast %sub3A_1196 : f32 to vector<16xf32>
        %sub3A_1198 = arith.subf %sub3A_1197, %div3A_1187 : vector<16xf32>
        %swap3A_1199 = arith.index_cast %add3A_1071 : i32 to index
        %swap3A_1200 = tpu.vector_load %arg9[%swap3A_1199] {strides = array<i32>} : memref<8192xf32, #tpu.memory_space<vmem>>, vector<16xf32>,
        tpu.vector_store %arg9[%swap3A_1199], %sub3A_1198 {strides = array<i32>} : memref<8192xf32, #tpu.memory_space<vmem>>, vector<16xf32>,
        %swap3A_1201 = arith.index_cast %add3A_1069 : i32 to index
        %swap3A_1202 = tpu.vector_load %arg8[%swap3A_1201] {strides = array<i32>} : memref<8192xf32, #tpu.memory_space<vmem>>, vector<16xf32>,
        tpu.vector_store %arg8[%swap3A_1201], %select_n3A_1193 {strides = array<i32>} : memref<8192xf32, #tpu.memory_space<vmem>>, vector<16xf32>,
        %sub3A_1203 = arith.constant 1.000000e+00 : f32
        %sub3A_1204 = vector.broadcast %sub3A_1203 : f32 to vector<16xf32>
        %sub3A_1205 = arith.subf %sub3A_1204, %select_n3A_1193 : vector<16xf32>
        %swap3A_1206 = arith.index_cast %add3A_1071 : i32 to index
        %swap3A_1207 = tpu.vector_load %arg8[%swap3A_1206] {strides = array<i32>} : memref<8192xf32, #tpu.memory_space<vmem>>, vector<16xf32>,
        tpu.vector_store %arg8[%swap3A_1206], %sub3A_1205 {strides = array<i32>} : memref<8192xf32, #tpu.memory_space<vmem>>, vector<16xf32>,
      }
      %scan3A_47 = arith.constant 32 : i32
      %mul3A_48 = arith.constant 8192 : i32
      %mul3A_49 = arith.muli %mul3A_32, %mul3A_48 : i32
      %add3A_50 = arith.addi %mul3A_2, %mul3A_49 : i32
      %dma_start3A_51 = tpu.memref_slice %arg4[%add3A_50] : memref<33554432xf32, #tpu.memory_space<hbm>> -> memref<8192xf32, #tpu.memory_space<hbm>>
      %dma_start3A_52 = tpu.memref_slice %arg4[%add3A_50] : memref<33554432xf32, #tpu.memory_space<hbm>> -> memref<8192xf32, #tpu.memory_space<hbm>>
      tpu.enqueue_dma source(%arg8 : memref<8192xf32, #tpu.memory_space<vmem>>) target(%dma_start3A_52 : memref<8192xf32, #tpu.memory_space<hbm>>) target_semaphore(%arg16 : memref<!tpu.dma_semaphore, #tpu.memory_space<semaphore_mem>>)
      %dma_start3A_53 = tpu.memref_slice %arg5[%add3A_50] : memref<33554432xf32, #tpu.memory_space<hbm>> -> memref<8192xf32, #tpu.memory_space<hbm>>
      %dma_start3A_54 = tpu.memref_slice %arg5[%add3A_50] : memref<33554432xf32, #tpu.memory_space<hbm>> -> memref<8192xf32, #tpu.memory_space<hbm>>
      tpu.enqueue_dma source(%arg9 : memref<8192xf32, #tpu.memory_space<vmem>>) target(%dma_start3A_54 : memref<8192xf32, #tpu.memory_space<hbm>>) target_semaphore(%arg16 : memref<!tpu.dma_semaphore, #tpu.memory_space<semaphore_mem>>)
      %add3A_55 = arith.constant 2 : i32
      %add3A_56 = arith.addi %mul3A_32, %add3A_55 : i32
      %lt3A = arith.constant 128 : i32
      %lt3A_57 = arith.cmpi slt, %add3A_56, %lt3A : i32
      %convert_element_type3A_58 = arith.extui %lt3A_57 : i1 to i32
      %cond3A_59 = arith.constant 0 : i32
      %cond3A_60 = arith.cmpi ne, %convert_element_type3A_58, %cond3A_59 : i32
      scf.if %cond3A_60 {
        %add3A_97 = arith.constant 2 : i32
        %add3A_98 = arith.addi %mul3A_32, %add3A_97 : i32
        %mul3A_99 = arith.constant 8192 : i32
        %mul3A_100 = arith.muli %add3A_98, %mul3A_99 : i32
        %add3A_101 = arith.addi %mul3A_2, %mul3A_100 : i32
        %dma_start3A_102 = tpu.memref_slice %arg2[%add3A_101] : memref<33554432xf32, #tpu.memory_space<hbm>> -> memref<8192xf32, #tpu.memory_space<hbm>>
        %dma_start3A_103 = tpu.memref_slice %arg2[%add3A_101] : memref<33554432xf32, #tpu.memory_space<hbm>> -> memref<8192xf32, #tpu.memory_space<hbm>>
        tpu.enqueue_dma source(%dma_start3A_103 : memref<8192xf32, #tpu.memory_space<hbm>>) target(%arg6 : memref<8192xf32, #tpu.memory_space<vmem>>) target_semaphore(%arg14 : memref<!tpu.dma_semaphore, #tpu.memory_space<semaphore_mem>>)
        %dma_start3A_104 = tpu.memref_slice %arg3[%add3A_101] : memref<33554432xf32, #tpu.memory_space<hbm>> -> memref<8192xf32, #tpu.memory_space<hbm>>
        %dma_start3A_105 = tpu.memref_slice %arg3[%add3A_101] : memref<33554432xf32, #tpu.memory_space<hbm>> -> memref<8192xf32, #tpu.memory_space<hbm>>
        tpu.enqueue_dma source(%dma_start3A_105 : memref<8192xf32, #tpu.memory_space<hbm>>) target(%arg7 : memref<8192xf32, #tpu.memory_space<vmem>>) target_semaphore(%arg14 : memref<!tpu.dma_semaphore, #tpu.memory_space<semaphore_mem>>)
      } else {
      }
      %mul3A_61 = arith.constant 2 : i32
      %mul3A_62 = arith.muli %mul3A_61, %scan3A_30 : i32
      %add3A_63 = arith.constant 1 : i32
      %add3A_64 = arith.addi %mul3A_62, %add3A_63 : i32
      %mul3A_65 = arith.constant 8192 : i32
      %mul3A_66 = arith.muli %add3A_64, %mul3A_65 : i32
      %add3A_67 = arith.addi %mul3A_2, %mul3A_66 : i32
      %dma_wait3A_68 = tpu.memref_slice %arg2[%add3A_67] : memref<33554432xf32, #tpu.memory_space<hbm>> -> memref<8192xf32, #tpu.memory_space<hbm>>
      %dma_wait3A_69 = tpu.memref_slice %arg2[%add3A_67] : memref<33554432xf32, #tpu.memory_space<hbm>> -> memref<8192xf32, #tpu.memory_space<hbm>>
      tpu.wait_dma2 semaphore(%arg15 : memref<!tpu.dma_semaphore, #tpu.memory_space<semaphore_mem>>) src(%dma_wait3A_69 : memref<8192xf32, #tpu.memory_space<hbm>>) dst(%arg10 : memref<8192xf32, #tpu.memory_space<vmem>>)
      %dma_wait3A_70 = tpu.memref_slice %arg3[%add3A_67] : memref<33554432xf32, #tpu.memory_space<hbm>> -> memref<8192xf32, #tpu.memory_space<hbm>>
      %dma_wait3A_71 = tpu.memref_slice %arg3[%add3A_67] : memref<33554432xf32, #tpu.memory_space<hbm>> -> memref<8192xf32, #tpu.memory_space<hbm>>
      tpu.wait_dma2 semaphore(%arg15 : memref<!tpu.dma_semaphore, #tpu.memory_space<semaphore_mem>>) src(%dma_wait3A_71 : memref<8192xf32, #tpu.memory_space<hbm>>) dst(%arg11 : memref<8192xf32, #tpu.memory_space<vmem>>)
      %ge3A_72 = arith.constant 2 : i32
      %ge3A_73 = arith.cmpi sge, %add3A_64, %ge3A_72 : i32
      %convert_element_type3A_74 = arith.extui %ge3A_73 : i1 to i32
      %cond3A_75 = arith.constant 0 : i32
      %cond3A_76 = arith.cmpi ne, %convert_element_type3A_74, %cond3A_75 : i32
      scf.if %cond3A_76 {
        %sub3A = arith.constant 2 : i32
        %sub3A_97 = arith.subi %add3A_64, %sub3A : i32
        %mul3A_98 = arith.constant 8192 : i32
        %mul3A_99 = arith.muli %sub3A_97, %mul3A_98 : i32
        %add3A_100 = arith.addi %mul3A_2, %mul3A_99 : i32
        %dma_wait3A_101 = tpu.memref_slice %arg4[%add3A_100] : memref<33554432xf32, #tpu.memory_space<hbm>> -> memref<8192xf32, #tpu.memory_space<hbm>>
        %dma_wait3A_102 = tpu.memref_slice %arg4[%add3A_100] : memref<33554432xf32, #tpu.memory_space<hbm>> -> memref<8192xf32, #tpu.memory_space<hbm>>
        tpu.wait_dma2 semaphore(%arg17 : memref<!tpu.dma_semaphore, #tpu.memory_space<semaphore_mem>>) src(%arg12 : memref<8192xf32, #tpu.memory_space<vmem>>) dst(%dma_wait3A_102 : memref<8192xf32, #tpu.memory_space<hbm>>)
        %dma_wait3A_103 = tpu.memref_slice %arg5[%add3A_100] : memref<33554432xf32, #tpu.memory_space<hbm>> -> memref<8192xf32, #tpu.memory_space<hbm>>
        %dma_wait3A_104 = tpu.memref_slice %arg5[%add3A_100] : memref<33554432xf32, #tpu.memory_space<hbm>> -> memref<8192xf32, #tpu.memory_space<hbm>>
        tpu.wait_dma2 semaphore(%arg17 : memref<!tpu.dma_semaphore, #tpu.memory_space<semaphore_mem>>) src(%arg13 : memref<8192xf32, #tpu.memory_space<vmem>>) dst(%dma_wait3A_104 : memref<8192xf32, #tpu.memory_space<hbm>>)
      } else {
      }
      %scan3A_77 = arith.constant 0 : i32
      %scan3A_78 = arith.constant 0 : i32
      %scan3A_79 = arith.constant 32 : i32
      %scan3A_80 = arith.addi %scan3A_78, %scan3A_79 : i32
      %scan3A_81 = arith.constant 1 : i32
      scf.for %scan3A_97 = %scan3A_78 to %scan3A_80 step %scan3A_81  : i32 {
        %mul3A_98 = arith.constant 256 : i32
        %mul3A_99 = arith.muli %scan3A_97, %mul3A_98 : i32
        %add3A_100 = arith.constant 0 : i32
        %add3A_101 = arith.addi %mul3A_99, %add3A_100 : i32
        %add3A_102 = arith.constant 128 : i32
        %add3A_103 = arith.addi %add3A_101, %add3A_102 : i32
        %get3A = arith.index_cast %add3A_101 : i32 to index
        %get3A_104 = tpu.vector_load %arg10[%get3A] {strides = array<i32>} : memref<8192xf32, #tpu.memory_space<vmem>>, vector<16xf32>,
        %get3A_105 = arith.index_cast %add3A_103 : i32 to index
        %get3A_106 = tpu.vector_load %arg10[%get3A_105] {strides = array<i32>} : memref<8192xf32, #tpu.memory_space<vmem>>, vector<16xf32>,
        %get3A_107 = arith.index_cast %add3A_101 : i32 to index
        %get3A_108 = tpu.vector_load %arg11[%get3A_107] {strides = array<i32>} : memref<8192xf32, #tpu.memory_space<vmem>>, vector<16xf32>,
        %get3A_109 = arith.index_cast %add3A_103 : i32 to index
        %get3A_110 = tpu.vector_load %arg11[%get3A_109] {strides = array<i32>} : memref<8192xf32, #tpu.memory_space<vmem>>, vector<16xf32>,
        %add3A_111 = arith.constant 1.000000e-10 : f32
        %add3A_112 = vector.broadcast %add3A_111 : f32 to vector<16xf32>
        %add3A_113 = arith.addf %get3A_108, %add3A_112 : vector<16xf32>
        %bitcast3A = vector.bitcast %add3A_113 : vector<16xf32> to vector<16xi32>
        %sub3A = arith.constant 1060439283 : i32
        %sub3A_114 = vector.broadcast %sub3A : i32 to vector<16xi32>
        %sub3A_115 = arith.subi %bitcast3A, %sub3A_114 : vector<16xi32>
        %shift_right_arithmetic3A = arith.constant 23 : i32
        %shift_right_arithmetic3A_116 = vector.broadcast %shift_right_arithmetic3A : i32 to vector<16xi32>
        %shift_right_arithmetic3A_117 = arith.shrsi %sub3A_115, %shift_right_arithmetic3A_116 : vector<16xi32>
        %shift_left3A = arith.constant 23 : i32
        %shift_left3A_118 = vector.broadcast %shift_left3A : i32 to vector<16xi32>
        %shift_left3A_119 = arith.shli %shift_right_arithmetic3A_117, %shift_left3A_118 : vector<16xi32>
        %sub3A_120 = arith.subi %bitcast3A, %shift_left3A_119 : vector<16xi32>
        %bitcast3A_121 = vector.bitcast %sub3A_120 : vector<16xi32> to vector<16xf32>
        %sub3A_122 = arith.constant 1.000000e+00 : f32
        %sub3A_123 = vector.broadcast %sub3A_122 : f32 to vector<16xf32>
        %sub3A_124 = arith.subf %bitcast3A_121, %sub3A_123 : vector<16xf32>
        %mul3A_125 = arith.mulf %sub3A_124, %sub3A_124 : vector<16xf32>
        %mul3A_126 = arith.constant 0.124855869 : f32
        %mul3A_127 = vector.broadcast %mul3A_126 : f32 to vector<16xf32>
        %mul3A_128 = arith.mulf %mul3A_127, %sub3A_124 : vector<16xf32>
        %add3A_129 = arith.constant -0.180304527 : f32
        %add3A_130 = vector.broadcast %add3A_129 : f32 to vector<16xf32>
        %add3A_131 = arith.addf %mul3A_128, %add3A_130 : vector<16xf32>
        %mul3A_132 = arith.mulf %add3A_131, %sub3A_124 : vector<16xf32>
        %add3A_133 = arith.constant 0.201997131 : f32
        %add3A_134 = vector.broadcast %add3A_133 : f32 to vector<16xf32>
        %add3A_135 = arith.addf %mul3A_132, %add3A_134 : vector<16xf32>
        %mul3A_136 = arith.mulf %add3A_135, %sub3A_124 : vector<16xf32>
        %add3A_137 = arith.constant -0.249701381 : f32
        %add3A_138 = vector.broadcast %add3A_137 : f32 to vector<16xf32>
        %add3A_139 = arith.addf %mul3A_136, %add3A_138 : vector<16xf32>
        %mul3A_140 = arith.mulf %add3A_139, %sub3A_124 : vector<16xf32>
        %add3A_141 = arith.constant 0.333314836 : f32
        %add3A_142 = vector.broadcast %add3A_141 : f32 to vector<16xf32>
        %add3A_143 = arith.addf %mul3A_140, %add3A_142 : vector<16xf32>
        %convert_element_type3A_144 = arith.sitofp %shift_right_arithmetic3A_117 : vector<16xi32> to vector<16xf32>
        %mul3A_145 = arith.constant 0.693147182 : f32
        %mul3A_146 = vector.broadcast %mul3A_145 : f32 to vector<16xf32>
        %mul3A_147 = arith.mulf %convert_element_type3A_144, %mul3A_146 : vector<16xf32>
        %mul3A_148 = arith.constant 5.000000e-01 : f32
        %mul3A_149 = vector.broadcast %mul3A_148 : f32 to vector<16xf32>
        %mul3A_150 = arith.mulf %mul3A_149, %mul3A_125 : vector<16xf32>
        %sub3A_151 = arith.subf %sub3A_124, %mul3A_150 : vector<16xf32>
        %mul3A_152 = arith.mulf %mul3A_125, %sub3A_124 : vector<16xf32>
        %mul3A_153 = arith.mulf %mul3A_152, %add3A_143 : vector<16xf32>
        %add3A_154 = arith.addf %sub3A_151, %mul3A_153 : vector<16xf32>
        %add3A_155 = arith.addf %mul3A_147, %add3A_154 : vector<16xf32>
        %add3A_156 = arith.constant 1.000000e-10 : f32
        %add3A_157 = vector.broadcast %add3A_156 : f32 to vector<16xf32>
        %add3A_158 = arith.addf %get3A_110, %add3A_157 : vector<16xf32>
        %bitcast3A_159 = vector.bitcast %add3A_158 : vector<16xf32> to vector<16xi32>
        %sub3A_160 = arith.constant 1060439283 : i32
        %sub3A_161 = vector.broadcast %sub3A_160 : i32 to vector<16xi32>
        %sub3A_162 = arith.subi %bitcast3A_159, %sub3A_161 : vector<16xi32>
        %shift_right_arithmetic3A_163 = arith.constant 23 : i32
        %shift_right_arithmetic3A_164 = vector.broadcast %shift_right_arithmetic3A_163 : i32 to vector<16xi32>
        %shift_right_arithmetic3A_165 = arith.shrsi %sub3A_162, %shift_right_arithmetic3A_164 : vector<16xi32>
        %shift_left3A_166 = arith.constant 23 : i32
        %shift_left3A_167 = vector.broadcast %shift_left3A_166 : i32 to vector<16xi32>
        %shift_left3A_168 = arith.shli %shift_right_arithmetic3A_165, %shift_left3A_167 : vector<16xi32>
        %sub3A_169 = arith.subi %bitcast3A_159, %shift_left3A_168 : vector<16xi32>
        %bitcast3A_170 = vector.bitcast %sub3A_169 : vector<16xi32> to vector<16xf32>
        %sub3A_171 = arith.constant 1.000000e+00 : f32
        %sub3A_172 = vector.broadcast %sub3A_171 : f32 to vector<16xf32>
        %sub3A_173 = arith.subf %bitcast3A_170, %sub3A_172 : vector<16xf32>
        %mul3A_174 = arith.mulf %sub3A_173, %sub3A_173 : vector<16xf32>
        %mul3A_175 = arith.constant 0.124855869 : f32
        %mul3A_176 = vector.broadcast %mul3A_175 : f32 to vector<16xf32>
        %mul3A_177 = arith.mulf %mul3A_176, %sub3A_173 : vector<16xf32>
        %add3A_178 = arith.constant -0.180304527 : f32
        %add3A_179 = vector.broadcast %add3A_178 : f32 to vector<16xf32>
        %add3A_180 = arith.addf %mul3A_177, %add3A_179 : vector<16xf32>
        %mul3A_181 = arith.mulf %add3A_180, %sub3A_173 : vector<16xf32>
        %add3A_182 = arith.constant 0.201997131 : f32
        %add3A_183 = vector.broadcast %add3A_182 : f32 to vector<16xf32>
        %add3A_184 = arith.addf %mul3A_181, %add3A_183 : vector<16xf32>
        %mul3A_185 = arith.mulf %add3A_184, %sub3A_173 : vector<16xf32>
        %add3A_186 = arith.constant -0.249701381 : f32
        %add3A_187 = vector.broadcast %add3A_186 : f32 to vector<16xf32>
        %add3A_188 = arith.addf %mul3A_185, %add3A_187 : vector<16xf32>
        %mul3A_189 = arith.mulf %add3A_188, %sub3A_173 : vector<16xf32>
        %add3A_190 = arith.constant 0.333314836 : f32
        %add3A_191 = vector.broadcast %add3A_190 : f32 to vector<16xf32>
        %add3A_192 = arith.addf %mul3A_189, %add3A_191 : vector<16xf32>
        %convert_element_type3A_193 = arith.sitofp %shift_right_arithmetic3A_165 : vector<16xi32> to vector<16xf32>
        %mul3A_194 = arith.constant 0.693147182 : f32
        %mul3A_195 = vector.broadcast %mul3A_194 : f32 to vector<16xf32>
        %mul3A_196 = arith.mulf %convert_element_type3A_193, %mul3A_195 : vector<16xf32>
        %mul3A_197 = arith.constant 5.000000e-01 : f32
        %mul3A_198 = vector.broadcast %mul3A_197 : f32 to vector<16xf32>
        %mul3A_199 = arith.mulf %mul3A_198, %mul3A_174 : vector<16xf32>
        %sub3A_200 = arith.subf %sub3A_173, %mul3A_199 : vector<16xf32>
        %mul3A_201 = arith.mulf %mul3A_174, %sub3A_173 : vector<16xf32>
        %mul3A_202 = arith.mulf %mul3A_201, %add3A_192 : vector<16xf32>
        %add3A_203 = arith.addf %sub3A_200, %mul3A_202 : vector<16xf32>
        %add3A_204 = arith.addf %mul3A_196, %add3A_203 : vector<16xf32>
        %sub3A_205 = arith.subf %get3A_106, %get3A_104 : vector<16xf32>
        %mul3A_206 = arith.constant 2.000000e+00 : f32
        %mul3A_207 = vector.broadcast %mul3A_206 : f32 to vector<16xf32>
        %mul3A_208 = arith.mulf %sub3A_205, %mul3A_207 : vector<16xf32>
        %exp3A = math.exp %mul3A_208 : vector<16xf32>
        %mul3A_209 = arith.mulf %add3A_155, %add3A_155 : vector<16xf32>
        %mul3A_210 = arith.mulf %exp3A, %mul3A_209 : vector<16xf32>
        %mul3A_211 = arith.mulf %add3A_204, %add3A_204 : vector<16xf32>
        %add3A_212 = arith.addf %mul3A_211, %mul3A_210 : vector<16xf32>
        %div3A = arith.divf %mul3A_211, %add3A_212 : vector<16xf32>
        %le3A = arith.cmpf ole, %mul3A_210, %mul3A_211 : vector<16xf32>
        %jit3A = arith.constant 1.000000e+00 : f32
        %jit3A_213 = arith.constant 0.000000e+00 : f32
        %broadcast_in_dim3A = vector.broadcast %jit3A : f32 to vector<16xf32>
        %broadcast_in_dim3A_214 = vector.broadcast %jit3A_213 : f32 to vector<16xf32>
        %select_n3A = arith.select %le3A, %broadcast_in_dim3A, %broadcast_in_dim3A_214 : vector<16xi1>, vector<16xf32>
        %swap3A = arith.index_cast %add3A_101 : i32 to index
        %swap3A_215 = tpu.vector_load %arg13[%swap3A] {strides = array<i32>} : memref<8192xf32, #tpu.memory_space<vmem>>, vector<16xf32>,
        tpu.vector_store %arg13[%swap3A], %div3A {strides = array<i32>} : memref<8192xf32, #tpu.memory_space<vmem>>, vector<16xf32>,
        %sub3A_216 = arith.constant 1.000000e+00 : f32
        %sub3A_217 = vector.broadcast %sub3A_216 : f32 to vector<16xf32>
        %sub3A_218 = arith.subf %sub3A_217, %div3A : vector<16xf32>
        %swap3A_219 = arith.index_cast %add3A_103 : i32 to index
        %swap3A_220 = tpu.vector_load %arg13[%swap3A_219] {strides = array<i32>} : memref<8192xf32, #tpu.memory_space<vmem>>, vector<16xf32>,
        tpu.vector_store %arg13[%swap3A_219], %sub3A_218 {strides = array<i32>} : memref<8192xf32, #tpu.memory_space<vmem>>, vector<16xf32>,
        %swap3A_221 = arith.index_cast %add3A_101 : i32 to index
        %swap3A_222 = tpu.vector_load %arg12[%swap3A_221] {strides = array<i32>} : memref<8192xf32, #tpu.memory_space<vmem>>, vector<16xf32>,
        tpu.vector_store %arg12[%swap3A_221], %select_n3A {strides = array<i32>} : memref<8192xf32, #tpu.memory_space<vmem>>, vector<16xf32>,
        %sub3A_223 = arith.constant 1.000000e+00 : f32
        %sub3A_224 = vector.broadcast %sub3A_223 : f32 to vector<16xf32>
        %sub3A_225 = arith.subf %sub3A_224, %select_n3A : vector<16xf32>
        %swap3A_226 = arith.index_cast %add3A_103 : i32 to index
        %swap3A_227 = tpu.vector_load %arg12[%swap3A_226] {strides = array<i32>} : memref<8192xf32, #tpu.memory_space<vmem>>, vector<16xf32>,
        tpu.vector_store %arg12[%swap3A_226], %sub3A_225 {strides = array<i32>} : memref<8192xf32, #tpu.memory_space<vmem>>, vector<16xf32>,
        %add3A_228 = arith.constant 16 : i32
        %add3A_229 = arith.addi %mul3A_99, %add3A_228 : i32
        %add3A_230 = arith.constant 128 : i32
        %add3A_231 = arith.addi %add3A_229, %add3A_230 : i32
        %get3A_232 = arith.index_cast %add3A_229 : i32 to index
        %get3A_233 = tpu.vector_load %arg10[%get3A_232] {strides = array<i32>} : memref<8192xf32, #tpu.memory_space<vmem>>, vector<16xf32>,
        %get3A_234 = arith.index_cast %add3A_231 : i32 to index
        %get3A_235 = tpu.vector_load %arg10[%get3A_234] {strides = array<i32>} : memref<8192xf32, #tpu.memory_space<vmem>>, vector<16xf32>,
        %get3A_236 = arith.index_cast %add3A_229 : i32 to index
        %get3A_237 = tpu.vector_load %arg11[%get3A_236] {strides = array<i32>} : memref<8192xf32, #tpu.memory_space<vmem>>, vector<16xf32>,
        %get3A_238 = arith.index_cast %add3A_231 : i32 to index
        %get3A_239 = tpu.vector_load %arg11[%get3A_238] {strides = array<i32>} : memref<8192xf32, #tpu.memory_space<vmem>>, vector<16xf32>,
        %add3A_240 = arith.constant 1.000000e-10 : f32
        %add3A_241 = vector.broadcast %add3A_240 : f32 to vector<16xf32>
        %add3A_242 = arith.addf %get3A_237, %add3A_241 : vector<16xf32>
        %bitcast3A_243 = vector.bitcast %add3A_242 : vector<16xf32> to vector<16xi32>
        %sub3A_244 = arith.constant 1060439283 : i32
        %sub3A_245 = vector.broadcast %sub3A_244 : i32 to vector<16xi32>
        %sub3A_246 = arith.subi %bitcast3A_243, %sub3A_245 : vector<16xi32>
        %shift_right_arithmetic3A_247 = arith.constant 23 : i32
        %shift_right_arithmetic3A_248 = vector.broadcast %shift_right_arithmetic3A_247 : i32 to vector<16xi32>
        %shift_right_arithmetic3A_249 = arith.shrsi %sub3A_246, %shift_right_arithmetic3A_248 : vector<16xi32>
        %shift_left3A_250 = arith.constant 23 : i32
        %shift_left3A_251 = vector.broadcast %shift_left3A_250 : i32 to vector<16xi32>
        %shift_left3A_252 = arith.shli %shift_right_arithmetic3A_249, %shift_left3A_251 : vector<16xi32>
        %sub3A_253 = arith.subi %bitcast3A_243, %shift_left3A_252 : vector<16xi32>
        %bitcast3A_254 = vector.bitcast %sub3A_253 : vector<16xi32> to vector<16xf32>
        %sub3A_255 = arith.constant 1.000000e+00 : f32
        %sub3A_256 = vector.broadcast %sub3A_255 : f32 to vector<16xf32>
        %sub3A_257 = arith.subf %bitcast3A_254, %sub3A_256 : vector<16xf32>
        %mul3A_258 = arith.mulf %sub3A_257, %sub3A_257 : vector<16xf32>
        %mul3A_259 = arith.constant 0.124855869 : f32
        %mul3A_260 = vector.broadcast %mul3A_259 : f32 to vector<16xf32>
        %mul3A_261 = arith.mulf %mul3A_260, %sub3A_257 : vector<16xf32>
        %add3A_262 = arith.constant -0.180304527 : f32
        %add3A_263 = vector.broadcast %add3A_262 : f32 to vector<16xf32>
        %add3A_264 = arith.addf %mul3A_261, %add3A_263 : vector<16xf32>
        %mul3A_265 = arith.mulf %add3A_264, %sub3A_257 : vector<16xf32>
        %add3A_266 = arith.constant 0.201997131 : f32
        %add3A_267 = vector.broadcast %add3A_266 : f32 to vector<16xf32>
        %add3A_268 = arith.addf %mul3A_265, %add3A_267 : vector<16xf32>
        %mul3A_269 = arith.mulf %add3A_268, %sub3A_257 : vector<16xf32>
        %add3A_270 = arith.constant -0.249701381 : f32
        %add3A_271 = vector.broadcast %add3A_270 : f32 to vector<16xf32>
        %add3A_272 = arith.addf %mul3A_269, %add3A_271 : vector<16xf32>
        %mul3A_273 = arith.mulf %add3A_272, %sub3A_257 : vector<16xf32>
        %add3A_274 = arith.constant 0.333314836 : f32
        %add3A_275 = vector.broadcast %add3A_274 : f32 to vector<16xf32>
        %add3A_276 = arith.addf %mul3A_273, %add3A_275 : vector<16xf32>
        %convert_element_type3A_277 = arith.sitofp %shift_right_arithmetic3A_249 : vector<16xi32> to vector<16xf32>
        %mul3A_278 = arith.constant 0.693147182 : f32
        %mul3A_279 = vector.broadcast %mul3A_278 : f32 to vector<16xf32>
        %mul3A_280 = arith.mulf %convert_element_type3A_277, %mul3A_279 : vector<16xf32>
        %mul3A_281 = arith.constant 5.000000e-01 : f32
        %mul3A_282 = vector.broadcast %mul3A_281 : f32 to vector<16xf32>
        %mul3A_283 = arith.mulf %mul3A_282, %mul3A_258 : vector<16xf32>
        %sub3A_284 = arith.subf %sub3A_257, %mul3A_283 : vector<16xf32>
        %mul3A_285 = arith.mulf %mul3A_258, %sub3A_257 : vector<16xf32>
        %mul3A_286 = arith.mulf %mul3A_285, %add3A_276 : vector<16xf32>
        %add3A_287 = arith.addf %sub3A_284, %mul3A_286 : vector<16xf32>
        %add3A_288 = arith.addf %mul3A_280, %add3A_287 : vector<16xf32>
        %add3A_289 = arith.constant 1.000000e-10 : f32
        %add3A_290 = vector.broadcast %add3A_289 : f32 to vector<16xf32>
        %add3A_291 = arith.addf %get3A_239, %add3A_290 : vector<16xf32>
        %bitcast3A_292 = vector.bitcast %add3A_291 : vector<16xf32> to vector<16xi32>
        %sub3A_293 = arith.constant 1060439283 : i32
        %sub3A_294 = vector.broadcast %sub3A_293 : i32 to vector<16xi32>
        %sub3A_295 = arith.subi %bitcast3A_292, %sub3A_294 : vector<16xi32>
        %shift_right_arithmetic3A_296 = arith.constant 23 : i32
        %shift_right_arithmetic3A_297 = vector.broadcast %shift_right_arithmetic3A_296 : i32 to vector<16xi32>
        %shift_right_arithmetic3A_298 = arith.shrsi %sub3A_295, %shift_right_arithmetic3A_297 : vector<16xi32>
        %shift_left3A_299 = arith.constant 23 : i32
        %shift_left3A_300 = vector.broadcast %shift_left3A_299 : i32 to vector<16xi32>
        %shift_left3A_301 = arith.shli %shift_right_arithmetic3A_298, %shift_left3A_300 : vector<16xi32>
        %sub3A_302 = arith.subi %bitcast3A_292, %shift_left3A_301 : vector<16xi32>
        %bitcast3A_303 = vector.bitcast %sub3A_302 : vector<16xi32> to vector<16xf32>
        %sub3A_304 = arith.constant 1.000000e+00 : f32
        %sub3A_305 = vector.broadcast %sub3A_304 : f32 to vector<16xf32>
        %sub3A_306 = arith.subf %bitcast3A_303, %sub3A_305 : vector<16xf32>
        %mul3A_307 = arith.mulf %sub3A_306, %sub3A_306 : vector<16xf32>
        %mul3A_308 = arith.constant 0.124855869 : f32
        %mul3A_309 = vector.broadcast %mul3A_308 : f32 to vector<16xf32>
        %mul3A_310 = arith.mulf %mul3A_309, %sub3A_306 : vector<16xf32>
        %add3A_311 = arith.constant -0.180304527 : f32
        %add3A_312 = vector.broadcast %add3A_311 : f32 to vector<16xf32>
        %add3A_313 = arith.addf %mul3A_310, %add3A_312 : vector<16xf32>
        %mul3A_314 = arith.mulf %add3A_313, %sub3A_306 : vector<16xf32>
        %add3A_315 = arith.constant 0.201997131 : f32
        %add3A_316 = vector.broadcast %add3A_315 : f32 to vector<16xf32>
        %add3A_317 = arith.addf %mul3A_314, %add3A_316 : vector<16xf32>
        %mul3A_318 = arith.mulf %add3A_317, %sub3A_306 : vector<16xf32>
        %add3A_319 = arith.constant -0.249701381 : f32
        %add3A_320 = vector.broadcast %add3A_319 : f32 to vector<16xf32>
        %add3A_321 = arith.addf %mul3A_318, %add3A_320 : vector<16xf32>
        %mul3A_322 = arith.mulf %add3A_321, %sub3A_306 : vector<16xf32>
        %add3A_323 = arith.constant 0.333314836 : f32
        %add3A_324 = vector.broadcast %add3A_323 : f32 to vector<16xf32>
        %add3A_325 = arith.addf %mul3A_322, %add3A_324 : vector<16xf32>
        %convert_element_type3A_326 = arith.sitofp %shift_right_arithmetic3A_298 : vector<16xi32> to vector<16xf32>
        %mul3A_327 = arith.constant 0.693147182 : f32
        %mul3A_328 = vector.broadcast %mul3A_327 : f32 to vector<16xf32>
        %mul3A_329 = arith.mulf %convert_element_type3A_326, %mul3A_328 : vector<16xf32>
        %mul3A_330 = arith.constant 5.000000e-01 : f32
        %mul3A_331 = vector.broadcast %mul3A_330 : f32 to vector<16xf32>
        %mul3A_332 = arith.mulf %mul3A_331, %mul3A_307 : vector<16xf32>
        %sub3A_333 = arith.subf %sub3A_306, %mul3A_332 : vector<16xf32>
        %mul3A_334 = arith.mulf %mul3A_307, %sub3A_306 : vector<16xf32>
        %mul3A_335 = arith.mulf %mul3A_334, %add3A_325 : vector<16xf32>
        %add3A_336 = arith.addf %sub3A_333, %mul3A_335 : vector<16xf32>
        %add3A_337 = arith.addf %mul3A_329, %add3A_336 : vector<16xf32>
        %sub3A_338 = arith.subf %get3A_235, %get3A_233 : vector<16xf32>
        %mul3A_339 = arith.constant 2.000000e+00 : f32
        %mul3A_340 = vector.broadcast %mul3A_339 : f32 to vector<16xf32>
        %mul3A_341 = arith.mulf %sub3A_338, %mul3A_340 : vector<16xf32>
        %exp3A_342 = math.exp %mul3A_341 : vector<16xf32>
        %mul3A_343 = arith.mulf %add3A_288, %add3A_288 : vector<16xf32>
        %mul3A_344 = arith.mulf %exp3A_342, %mul3A_343 : vector<16xf32>
        %mul3A_345 = arith.mulf %add3A_337, %add3A_337 : vector<16xf32>
        %add3A_346 = arith.addf %mul3A_345, %mul3A_344 : vector<16xf32>
        %div3A_347 = arith.divf %mul3A_345, %add3A_346 : vector<16xf32>
        %le3A_348 = arith.cmpf ole, %mul3A_344, %mul3A_345 : vector<16xf32>
        %jit3A_349 = arith.constant 1.000000e+00 : f32
        %jit3A_350 = arith.constant 0.000000e+00 : f32
        %broadcast_in_dim3A_351 = vector.broadcast %jit3A_349 : f32 to vector<16xf32>
        %broadcast_in_dim3A_352 = vector.broadcast %jit3A_350 : f32 to vector<16xf32>
        %select_n3A_353 = arith.select %le3A_348, %broadcast_in_dim3A_351, %broadcast_in_dim3A_352 : vector<16xi1>, vector<16xf32>
        %swap3A_354 = arith.index_cast %add3A_229 : i32 to index
        %swap3A_355 = tpu.vector_load %arg13[%swap3A_354] {strides = array<i32>} : memref<8192xf32, #tpu.memory_space<vmem>>, vector<16xf32>,
        tpu.vector_store %arg13[%swap3A_354], %div3A_347 {strides = array<i32>} : memref<8192xf32, #tpu.memory_space<vmem>>, vector<16xf32>,
        %sub3A_356 = arith.constant 1.000000e+00 : f32
        %sub3A_357 = vector.broadcast %sub3A_356 : f32 to vector<16xf32>
        %sub3A_358 = arith.subf %sub3A_357, %div3A_347 : vector<16xf32>
        %swap3A_359 = arith.index_cast %add3A_231 : i32 to index
        %swap3A_360 = tpu.vector_load %arg13[%swap3A_359] {strides = array<i32>} : memref<8192xf32, #tpu.memory_space<vmem>>, vector<16xf32>,
        tpu.vector_store %arg13[%swap3A_359], %sub3A_358 {strides = array<i32>} : memref<8192xf32, #tpu.memory_space<vmem>>, vector<16xf32>,
        %swap3A_361 = arith.index_cast %add3A_229 : i32 to index
        %swap3A_362 = tpu.vector_load %arg12[%swap3A_361] {strides = array<i32>} : memref<8192xf32, #tpu.memory_space<vmem>>, vector<16xf32>,
        tpu.vector_store %arg12[%swap3A_361], %select_n3A_353 {strides = array<i32>} : memref<8192xf32, #tpu.memory_space<vmem>>, vector<16xf32>,
        %sub3A_363 = arith.constant 1.000000e+00 : f32
        %sub3A_364 = vector.broadcast %sub3A_363 : f32 to vector<16xf32>
        %sub3A_365 = arith.subf %sub3A_364, %select_n3A_353 : vector<16xf32>
        %swap3A_366 = arith.index_cast %add3A_231 : i32 to index
        %swap3A_367 = tpu.vector_load %arg12[%swap3A_366] {strides = array<i32>} : memref<8192xf32, #tpu.memory_space<vmem>>, vector<16xf32>,
        tpu.vector_store %arg12[%swap3A_366], %sub3A_365 {strides = array<i32>} : memref<8192xf32, #tpu.memory_space<vmem>>, vector<16xf32>,
        %add3A_368 = arith.constant 32 : i32
        %add3A_369 = arith.addi %mul3A_99, %add3A_368 : i32
        %add3A_370 = arith.constant 128 : i32
        %add3A_371 = arith.addi %add3A_369, %add3A_370 : i32
        %get3A_372 = arith.index_cast %add3A_369 : i32 to index
        %get3A_373 = tpu.vector_load %arg10[%get3A_372] {strides = array<i32>} : memref<8192xf32, #tpu.memory_space<vmem>>, vector<16xf32>,
        %get3A_374 = arith.index_cast %add3A_371 : i32 to index
        %get3A_375 = tpu.vector_load %arg10[%get3A_374] {strides = array<i32>} : memref<8192xf32, #tpu.memory_space<vmem>>, vector<16xf32>,
        %get3A_376 = arith.index_cast %add3A_369 : i32 to index
        %get3A_377 = tpu.vector_load %arg11[%get3A_376] {strides = array<i32>} : memref<8192xf32, #tpu.memory_space<vmem>>, vector<16xf32>,
        %get3A_378 = arith.index_cast %add3A_371 : i32 to index
        %get3A_379 = tpu.vector_load %arg11[%get3A_378] {strides = array<i32>} : memref<8192xf32, #tpu.memory_space<vmem>>, vector<16xf32>,
        %add3A_380 = arith.constant 1.000000e-10 : f32
        %add3A_381 = vector.broadcast %add3A_380 : f32 to vector<16xf32>
        %add3A_382 = arith.addf %get3A_377, %add3A_381 : vector<16xf32>
        %bitcast3A_383 = vector.bitcast %add3A_382 : vector<16xf32> to vector<16xi32>
        %sub3A_384 = arith.constant 1060439283 : i32
        %sub3A_385 = vector.broadcast %sub3A_384 : i32 to vector<16xi32>
        %sub3A_386 = arith.subi %bitcast3A_383, %sub3A_385 : vector<16xi32>
        %shift_right_arithmetic3A_387 = arith.constant 23 : i32
        %shift_right_arithmetic3A_388 = vector.broadcast %shift_right_arithmetic3A_387 : i32 to vector<16xi32>
        %shift_right_arithmetic3A_389 = arith.shrsi %sub3A_386, %shift_right_arithmetic3A_388 : vector<16xi32>
        %shift_left3A_390 = arith.constant 23 : i32
        %shift_left3A_391 = vector.broadcast %shift_left3A_390 : i32 to vector<16xi32>
        %shift_left3A_392 = arith.shli %shift_right_arithmetic3A_389, %shift_left3A_391 : vector<16xi32>
        %sub3A_393 = arith.subi %bitcast3A_383, %shift_left3A_392 : vector<16xi32>
        %bitcast3A_394 = vector.bitcast %sub3A_393 : vector<16xi32> to vector<16xf32>
        %sub3A_395 = arith.constant 1.000000e+00 : f32
        %sub3A_396 = vector.broadcast %sub3A_395 : f32 to vector<16xf32>
        %sub3A_397 = arith.subf %bitcast3A_394, %sub3A_396 : vector<16xf32>
        %mul3A_398 = arith.mulf %sub3A_397, %sub3A_397 : vector<16xf32>
        %mul3A_399 = arith.constant 0.124855869 : f32
        %mul3A_400 = vector.broadcast %mul3A_399 : f32 to vector<16xf32>
        %mul3A_401 = arith.mulf %mul3A_400, %sub3A_397 : vector<16xf32>
        %add3A_402 = arith.constant -0.180304527 : f32
        %add3A_403 = vector.broadcast %add3A_402 : f32 to vector<16xf32>
        %add3A_404 = arith.addf %mul3A_401, %add3A_403 : vector<16xf32>
        %mul3A_405 = arith.mulf %add3A_404, %sub3A_397 : vector<16xf32>
        %add3A_406 = arith.constant 0.201997131 : f32
        %add3A_407 = vector.broadcast %add3A_406 : f32 to vector<16xf32>
        %add3A_408 = arith.addf %mul3A_405, %add3A_407 : vector<16xf32>
        %mul3A_409 = arith.mulf %add3A_408, %sub3A_397 : vector<16xf32>
        %add3A_410 = arith.constant -0.249701381 : f32
        %add3A_411 = vector.broadcast %add3A_410 : f32 to vector<16xf32>
        %add3A_412 = arith.addf %mul3A_409, %add3A_411 : vector<16xf32>
        %mul3A_413 = arith.mulf %add3A_412, %sub3A_397 : vector<16xf32>
        %add3A_414 = arith.constant 0.333314836 : f32
        %add3A_415 = vector.broadcast %add3A_414 : f32 to vector<16xf32>
        %add3A_416 = arith.addf %mul3A_413, %add3A_415 : vector<16xf32>
        %convert_element_type3A_417 = arith.sitofp %shift_right_arithmetic3A_389 : vector<16xi32> to vector<16xf32>
        %mul3A_418 = arith.constant 0.693147182 : f32
        %mul3A_419 = vector.broadcast %mul3A_418 : f32 to vector<16xf32>
        %mul3A_420 = arith.mulf %convert_element_type3A_417, %mul3A_419 : vector<16xf32>
        %mul3A_421 = arith.constant 5.000000e-01 : f32
        %mul3A_422 = vector.broadcast %mul3A_421 : f32 to vector<16xf32>
        %mul3A_423 = arith.mulf %mul3A_422, %mul3A_398 : vector<16xf32>
        %sub3A_424 = arith.subf %sub3A_397, %mul3A_423 : vector<16xf32>
        %mul3A_425 = arith.mulf %mul3A_398, %sub3A_397 : vector<16xf32>
        %mul3A_426 = arith.mulf %mul3A_425, %add3A_416 : vector<16xf32>
        %add3A_427 = arith.addf %sub3A_424, %mul3A_426 : vector<16xf32>
        %add3A_428 = arith.addf %mul3A_420, %add3A_427 : vector<16xf32>
        %add3A_429 = arith.constant 1.000000e-10 : f32
        %add3A_430 = vector.broadcast %add3A_429 : f32 to vector<16xf32>
        %add3A_431 = arith.addf %get3A_379, %add3A_430 : vector<16xf32>
        %bitcast3A_432 = vector.bitcast %add3A_431 : vector<16xf32> to vector<16xi32>
        %sub3A_433 = arith.constant 1060439283 : i32
        %sub3A_434 = vector.broadcast %sub3A_433 : i32 to vector<16xi32>
        %sub3A_435 = arith.subi %bitcast3A_432, %sub3A_434 : vector<16xi32>
        %shift_right_arithmetic3A_436 = arith.constant 23 : i32
        %shift_right_arithmetic3A_437 = vector.broadcast %shift_right_arithmetic3A_436 : i32 to vector<16xi32>
        %shift_right_arithmetic3A_438 = arith.shrsi %sub3A_435, %shift_right_arithmetic3A_437 : vector<16xi32>
        %shift_left3A_439 = arith.constant 23 : i32
        %shift_left3A_440 = vector.broadcast %shift_left3A_439 : i32 to vector<16xi32>
        %shift_left3A_441 = arith.shli %shift_right_arithmetic3A_438, %shift_left3A_440 : vector<16xi32>
        %sub3A_442 = arith.subi %bitcast3A_432, %shift_left3A_441 : vector<16xi32>
        %bitcast3A_443 = vector.bitcast %sub3A_442 : vector<16xi32> to vector<16xf32>
        %sub3A_444 = arith.constant 1.000000e+00 : f32
        %sub3A_445 = vector.broadcast %sub3A_444 : f32 to vector<16xf32>
        %sub3A_446 = arith.subf %bitcast3A_443, %sub3A_445 : vector<16xf32>
        %mul3A_447 = arith.mulf %sub3A_446, %sub3A_446 : vector<16xf32>
        %mul3A_448 = arith.constant 0.124855869 : f32
        %mul3A_449 = vector.broadcast %mul3A_448 : f32 to vector<16xf32>
        %mul3A_450 = arith.mulf %mul3A_449, %sub3A_446 : vector<16xf32>
        %add3A_451 = arith.constant -0.180304527 : f32
        %add3A_452 = vector.broadcast %add3A_451 : f32 to vector<16xf32>
        %add3A_453 = arith.addf %mul3A_450, %add3A_452 : vector<16xf32>
        %mul3A_454 = arith.mulf %add3A_453, %sub3A_446 : vector<16xf32>
        %add3A_455 = arith.constant 0.201997131 : f32
        %add3A_456 = vector.broadcast %add3A_455 : f32 to vector<16xf32>
        %add3A_457 = arith.addf %mul3A_454, %add3A_456 : vector<16xf32>
        %mul3A_458 = arith.mulf %add3A_457, %sub3A_446 : vector<16xf32>
        %add3A_459 = arith.constant -0.249701381 : f32
        %add3A_460 = vector.broadcast %add3A_459 : f32 to vector<16xf32>
        %add3A_461 = arith.addf %mul3A_458, %add3A_460 : vector<16xf32>
        %mul3A_462 = arith.mulf %add3A_461, %sub3A_446 : vector<16xf32>
        %add3A_463 = arith.constant 0.333314836 : f32
        %add3A_464 = vector.broadcast %add3A_463 : f32 to vector<16xf32>
        %add3A_465 = arith.addf %mul3A_462, %add3A_464 : vector<16xf32>
        %convert_element_type3A_466 = arith.sitofp %shift_right_arithmetic3A_438 : vector<16xi32> to vector<16xf32>
        %mul3A_467 = arith.constant 0.693147182 : f32
        %mul3A_468 = vector.broadcast %mul3A_467 : f32 to vector<16xf32>
        %mul3A_469 = arith.mulf %convert_element_type3A_466, %mul3A_468 : vector<16xf32>
        %mul3A_470 = arith.constant 5.000000e-01 : f32
        %mul3A_471 = vector.broadcast %mul3A_470 : f32 to vector<16xf32>
        %mul3A_472 = arith.mulf %mul3A_471, %mul3A_447 : vector<16xf32>
        %sub3A_473 = arith.subf %sub3A_446, %mul3A_472 : vector<16xf32>
        %mul3A_474 = arith.mulf %mul3A_447, %sub3A_446 : vector<16xf32>
        %mul3A_475 = arith.mulf %mul3A_474, %add3A_465 : vector<16xf32>
        %add3A_476 = arith.addf %sub3A_473, %mul3A_475 : vector<16xf32>
        %add3A_477 = arith.addf %mul3A_469, %add3A_476 : vector<16xf32>
        %sub3A_478 = arith.subf %get3A_375, %get3A_373 : vector<16xf32>
        %mul3A_479 = arith.constant 2.000000e+00 : f32
        %mul3A_480 = vector.broadcast %mul3A_479 : f32 to vector<16xf32>
        %mul3A_481 = arith.mulf %sub3A_478, %mul3A_480 : vector<16xf32>
        %exp3A_482 = math.exp %mul3A_481 : vector<16xf32>
        %mul3A_483 = arith.mulf %add3A_428, %add3A_428 : vector<16xf32>
        %mul3A_484 = arith.mulf %exp3A_482, %mul3A_483 : vector<16xf32>
        %mul3A_485 = arith.mulf %add3A_477, %add3A_477 : vector<16xf32>
        %add3A_486 = arith.addf %mul3A_485, %mul3A_484 : vector<16xf32>
        %div3A_487 = arith.divf %mul3A_485, %add3A_486 : vector<16xf32>
        %le3A_488 = arith.cmpf ole, %mul3A_484, %mul3A_485 : vector<16xf32>
        %jit3A_489 = arith.constant 1.000000e+00 : f32
        %jit3A_490 = arith.constant 0.000000e+00 : f32
        %broadcast_in_dim3A_491 = vector.broadcast %jit3A_489 : f32 to vector<16xf32>
        %broadcast_in_dim3A_492 = vector.broadcast %jit3A_490 : f32 to vector<16xf32>
        %select_n3A_493 = arith.select %le3A_488, %broadcast_in_dim3A_491, %broadcast_in_dim3A_492 : vector<16xi1>, vector<16xf32>
        %swap3A_494 = arith.index_cast %add3A_369 : i32 to index
        %swap3A_495 = tpu.vector_load %arg13[%swap3A_494] {strides = array<i32>} : memref<8192xf32, #tpu.memory_space<vmem>>, vector<16xf32>,
        tpu.vector_store %arg13[%swap3A_494], %div3A_487 {strides = array<i32>} : memref<8192xf32, #tpu.memory_space<vmem>>, vector<16xf32>,
        %sub3A_496 = arith.constant 1.000000e+00 : f32
        %sub3A_497 = vector.broadcast %sub3A_496 : f32 to vector<16xf32>
        %sub3A_498 = arith.subf %sub3A_497, %div3A_487 : vector<16xf32>
        %swap3A_499 = arith.index_cast %add3A_371 : i32 to index
        %swap3A_500 = tpu.vector_load %arg13[%swap3A_499] {strides = array<i32>} : memref<8192xf32, #tpu.memory_space<vmem>>, vector<16xf32>,
        tpu.vector_store %arg13[%swap3A_499], %sub3A_498 {strides = array<i32>} : memref<8192xf32, #tpu.memory_space<vmem>>, vector<16xf32>,
        %swap3A_501 = arith.index_cast %add3A_369 : i32 to index
        %swap3A_502 = tpu.vector_load %arg12[%swap3A_501] {strides = array<i32>} : memref<8192xf32, #tpu.memory_space<vmem>>, vector<16xf32>,
        tpu.vector_store %arg12[%swap3A_501], %select_n3A_493 {strides = array<i32>} : memref<8192xf32, #tpu.memory_space<vmem>>, vector<16xf32>,
        %sub3A_503 = arith.constant 1.000000e+00 : f32
        %sub3A_504 = vector.broadcast %sub3A_503 : f32 to vector<16xf32>
        %sub3A_505 = arith.subf %sub3A_504, %select_n3A_493 : vector<16xf32>
        %swap3A_506 = arith.index_cast %add3A_371 : i32 to index
        %swap3A_507 = tpu.vector_load %arg12[%swap3A_506] {strides = array<i32>} : memref<8192xf32, #tpu.memory_space<vmem>>, vector<16xf32>,
        tpu.vector_store %arg12[%swap3A_506], %sub3A_505 {strides = array<i32>} : memref<8192xf32, #tpu.memory_space<vmem>>, vector<16xf32>,
        %add3A_508 = arith.constant 48 : i32
        %add3A_509 = arith.addi %mul3A_99, %add3A_508 : i32
        %add3A_510 = arith.constant 128 : i32
        %add3A_511 = arith.addi %add3A_509, %add3A_510 : i32
        %get3A_512 = arith.index_cast %add3A_509 : i32 to index
        %get3A_513 = tpu.vector_load %arg10[%get3A_512] {strides = array<i32>} : memref<8192xf32, #tpu.memory_space<vmem>>, vector<16xf32>,
        %get3A_514 = arith.index_cast %add3A_511 : i32 to index
        %get3A_515 = tpu.vector_load %arg10[%get3A_514] {strides = array<i32>} : memref<8192xf32, #tpu.memory_space<vmem>>, vector<16xf32>,
        %get3A_516 = arith.index_cast %add3A_509 : i32 to index
        %get3A_517 = tpu.vector_load %arg11[%get3A_516] {strides = array<i32>} : memref<8192xf32, #tpu.memory_space<vmem>>, vector<16xf32>,
        %get3A_518 = arith.index_cast %add3A_511 : i32 to index
        %get3A_519 = tpu.vector_load %arg11[%get3A_518] {strides = array<i32>} : memref<8192xf32, #tpu.memory_space<vmem>>, vector<16xf32>,
        %add3A_520 = arith.constant 1.000000e-10 : f32
        %add3A_521 = vector.broadcast %add3A_520 : f32 to vector<16xf32>
        %add3A_522 = arith.addf %get3A_517, %add3A_521 : vector<16xf32>
        %bitcast3A_523 = vector.bitcast %add3A_522 : vector<16xf32> to vector<16xi32>
        %sub3A_524 = arith.constant 1060439283 : i32
        %sub3A_525 = vector.broadcast %sub3A_524 : i32 to vector<16xi32>
        %sub3A_526 = arith.subi %bitcast3A_523, %sub3A_525 : vector<16xi32>
        %shift_right_arithmetic3A_527 = arith.constant 23 : i32
        %shift_right_arithmetic3A_528 = vector.broadcast %shift_right_arithmetic3A_527 : i32 to vector<16xi32>
        %shift_right_arithmetic3A_529 = arith.shrsi %sub3A_526, %shift_right_arithmetic3A_528 : vector<16xi32>
        %shift_left3A_530 = arith.constant 23 : i32
        %shift_left3A_531 = vector.broadcast %shift_left3A_530 : i32 to vector<16xi32>
        %shift_left3A_532 = arith.shli %shift_right_arithmetic3A_529, %shift_left3A_531 : vector<16xi32>
        %sub3A_533 = arith.subi %bitcast3A_523, %shift_left3A_532 : vector<16xi32>
        %bitcast3A_534 = vector.bitcast %sub3A_533 : vector<16xi32> to vector<16xf32>
        %sub3A_535 = arith.constant 1.000000e+00 : f32
        %sub3A_536 = vector.broadcast %sub3A_535 : f32 to vector<16xf32>
        %sub3A_537 = arith.subf %bitcast3A_534, %sub3A_536 : vector<16xf32>
        %mul3A_538 = arith.mulf %sub3A_537, %sub3A_537 : vector<16xf32>
        %mul3A_539 = arith.constant 0.124855869 : f32
        %mul3A_540 = vector.broadcast %mul3A_539 : f32 to vector<16xf32>
        %mul3A_541 = arith.mulf %mul3A_540, %sub3A_537 : vector<16xf32>
        %add3A_542 = arith.constant -0.180304527 : f32
        %add3A_543 = vector.broadcast %add3A_542 : f32 to vector<16xf32>
        %add3A_544 = arith.addf %mul3A_541, %add3A_543 : vector<16xf32>
        %mul3A_545 = arith.mulf %add3A_544, %sub3A_537 : vector<16xf32>
        %add3A_546 = arith.constant 0.201997131 : f32
        %add3A_547 = vector.broadcast %add3A_546 : f32 to vector<16xf32>
        %add3A_548 = arith.addf %mul3A_545, %add3A_547 : vector<16xf32>
        %mul3A_549 = arith.mulf %add3A_548, %sub3A_537 : vector<16xf32>
        %add3A_550 = arith.constant -0.249701381 : f32
        %add3A_551 = vector.broadcast %add3A_550 : f32 to vector<16xf32>
        %add3A_552 = arith.addf %mul3A_549, %add3A_551 : vector<16xf32>
        %mul3A_553 = arith.mulf %add3A_552, %sub3A_537 : vector<16xf32>
        %add3A_554 = arith.constant 0.333314836 : f32
        %add3A_555 = vector.broadcast %add3A_554 : f32 to vector<16xf32>
        %add3A_556 = arith.addf %mul3A_553, %add3A_555 : vector<16xf32>
        %convert_element_type3A_557 = arith.sitofp %shift_right_arithmetic3A_529 : vector<16xi32> to vector<16xf32>
        %mul3A_558 = arith.constant 0.693147182 : f32
        %mul3A_559 = vector.broadcast %mul3A_558 : f32 to vector<16xf32>
        %mul3A_560 = arith.mulf %convert_element_type3A_557, %mul3A_559 : vector<16xf32>
        %mul3A_561 = arith.constant 5.000000e-01 : f32
        %mul3A_562 = vector.broadcast %mul3A_561 : f32 to vector<16xf32>
        %mul3A_563 = arith.mulf %mul3A_562, %mul3A_538 : vector<16xf32>
        %sub3A_564 = arith.subf %sub3A_537, %mul3A_563 : vector<16xf32>
        %mul3A_565 = arith.mulf %mul3A_538, %sub3A_537 : vector<16xf32>
        %mul3A_566 = arith.mulf %mul3A_565, %add3A_556 : vector<16xf32>
        %add3A_567 = arith.addf %sub3A_564, %mul3A_566 : vector<16xf32>
        %add3A_568 = arith.addf %mul3A_560, %add3A_567 : vector<16xf32>
        %add3A_569 = arith.constant 1.000000e-10 : f32
        %add3A_570 = vector.broadcast %add3A_569 : f32 to vector<16xf32>
        %add3A_571 = arith.addf %get3A_519, %add3A_570 : vector<16xf32>
        %bitcast3A_572 = vector.bitcast %add3A_571 : vector<16xf32> to vector<16xi32>
        %sub3A_573 = arith.constant 1060439283 : i32
        %sub3A_574 = vector.broadcast %sub3A_573 : i32 to vector<16xi32>
        %sub3A_575 = arith.subi %bitcast3A_572, %sub3A_574 : vector<16xi32>
        %shift_right_arithmetic3A_576 = arith.constant 23 : i32
        %shift_right_arithmetic3A_577 = vector.broadcast %shift_right_arithmetic3A_576 : i32 to vector<16xi32>
        %shift_right_arithmetic3A_578 = arith.shrsi %sub3A_575, %shift_right_arithmetic3A_577 : vector<16xi32>
        %shift_left3A_579 = arith.constant 23 : i32
        %shift_left3A_580 = vector.broadcast %shift_left3A_579 : i32 to vector<16xi32>
        %shift_left3A_581 = arith.shli %shift_right_arithmetic3A_578, %shift_left3A_580 : vector<16xi32>
        %sub3A_582 = arith.subi %bitcast3A_572, %shift_left3A_581 : vector<16xi32>
        %bitcast3A_583 = vector.bitcast %sub3A_582 : vector<16xi32> to vector<16xf32>
        %sub3A_584 = arith.constant 1.000000e+00 : f32
        %sub3A_585 = vector.broadcast %sub3A_584 : f32 to vector<16xf32>
        %sub3A_586 = arith.subf %bitcast3A_583, %sub3A_585 : vector<16xf32>
        %mul3A_587 = arith.mulf %sub3A_586, %sub3A_586 : vector<16xf32>
        %mul3A_588 = arith.constant 0.124855869 : f32
        %mul3A_589 = vector.broadcast %mul3A_588 : f32 to vector<16xf32>
        %mul3A_590 = arith.mulf %mul3A_589, %sub3A_586 : vector<16xf32>
        %add3A_591 = arith.constant -0.180304527 : f32
        %add3A_592 = vector.broadcast %add3A_591 : f32 to vector<16xf32>
        %add3A_593 = arith.addf %mul3A_590, %add3A_592 : vector<16xf32>
        %mul3A_594 = arith.mulf %add3A_593, %sub3A_586 : vector<16xf32>
        %add3A_595 = arith.constant 0.201997131 : f32
        %add3A_596 = vector.broadcast %add3A_595 : f32 to vector<16xf32>
        %add3A_597 = arith.addf %mul3A_594, %add3A_596 : vector<16xf32>
        %mul3A_598 = arith.mulf %add3A_597, %sub3A_586 : vector<16xf32>
        %add3A_599 = arith.constant -0.249701381 : f32
        %add3A_600 = vector.broadcast %add3A_599 : f32 to vector<16xf32>
        %add3A_601 = arith.addf %mul3A_598, %add3A_600 : vector<16xf32>
        %mul3A_602 = arith.mulf %add3A_601, %sub3A_586 : vector<16xf32>
        %add3A_603 = arith.constant 0.333314836 : f32
        %add3A_604 = vector.broadcast %add3A_603 : f32 to vector<16xf32>
        %add3A_605 = arith.addf %mul3A_602, %add3A_604 : vector<16xf32>
        %convert_element_type3A_606 = arith.sitofp %shift_right_arithmetic3A_578 : vector<16xi32> to vector<16xf32>
        %mul3A_607 = arith.constant 0.693147182 : f32
        %mul3A_608 = vector.broadcast %mul3A_607 : f32 to vector<16xf32>
        %mul3A_609 = arith.mulf %convert_element_type3A_606, %mul3A_608 : vector<16xf32>
        %mul3A_610 = arith.constant 5.000000e-01 : f32
        %mul3A_611 = vector.broadcast %mul3A_610 : f32 to vector<16xf32>
        %mul3A_612 = arith.mulf %mul3A_611, %mul3A_587 : vector<16xf32>
        %sub3A_613 = arith.subf %sub3A_586, %mul3A_612 : vector<16xf32>
        %mul3A_614 = arith.mulf %mul3A_587, %sub3A_586 : vector<16xf32>
        %mul3A_615 = arith.mulf %mul3A_614, %add3A_605 : vector<16xf32>
        %add3A_616 = arith.addf %sub3A_613, %mul3A_615 : vector<16xf32>
        %add3A_617 = arith.addf %mul3A_609, %add3A_616 : vector<16xf32>
        %sub3A_618 = arith.subf %get3A_515, %get3A_513 : vector<16xf32>
        %mul3A_619 = arith.constant 2.000000e+00 : f32
        %mul3A_620 = vector.broadcast %mul3A_619 : f32 to vector<16xf32>
        %mul3A_621 = arith.mulf %sub3A_618, %mul3A_620 : vector<16xf32>
        %exp3A_622 = math.exp %mul3A_621 : vector<16xf32>
        %mul3A_623 = arith.mulf %add3A_568, %add3A_568 : vector<16xf32>
        %mul3A_624 = arith.mulf %exp3A_622, %mul3A_623 : vector<16xf32>
        %mul3A_625 = arith.mulf %add3A_617, %add3A_617 : vector<16xf32>
        %add3A_626 = arith.addf %mul3A_625, %mul3A_624 : vector<16xf32>
        %div3A_627 = arith.divf %mul3A_625, %add3A_626 : vector<16xf32>
        %le3A_628 = arith.cmpf ole, %mul3A_624, %mul3A_625 : vector<16xf32>
        %jit3A_629 = arith.constant 1.000000e+00 : f32
        %jit3A_630 = arith.constant 0.000000e+00 : f32
        %broadcast_in_dim3A_631 = vector.broadcast %jit3A_629 : f32 to vector<16xf32>
        %broadcast_in_dim3A_632 = vector.broadcast %jit3A_630 : f32 to vector<16xf32>
        %select_n3A_633 = arith.select %le3A_628, %broadcast_in_dim3A_631, %broadcast_in_dim3A_632 : vector<16xi1>, vector<16xf32>
        %swap3A_634 = arith.index_cast %add3A_509 : i32 to index
        %swap3A_635 = tpu.vector_load %arg13[%swap3A_634] {strides = array<i32>} : memref<8192xf32, #tpu.memory_space<vmem>>, vector<16xf32>,
        tpu.vector_store %arg13[%swap3A_634], %div3A_627 {strides = array<i32>} : memref<8192xf32, #tpu.memory_space<vmem>>, vector<16xf32>,
        %sub3A_636 = arith.constant 1.000000e+00 : f32
        %sub3A_637 = vector.broadcast %sub3A_636 : f32 to vector<16xf32>
        %sub3A_638 = arith.subf %sub3A_637, %div3A_627 : vector<16xf32>
        %swap3A_639 = arith.index_cast %add3A_511 : i32 to index
        %swap3A_640 = tpu.vector_load %arg13[%swap3A_639] {strides = array<i32>} : memref<8192xf32, #tpu.memory_space<vmem>>, vector<16xf32>,
        tpu.vector_store %arg13[%swap3A_639], %sub3A_638 {strides = array<i32>} : memref<8192xf32, #tpu.memory_space<vmem>>, vector<16xf32>,
        %swap3A_641 = arith.index_cast %add3A_509 : i32 to index
        %swap3A_642 = tpu.vector_load %arg12[%swap3A_641] {strides = array<i32>} : memref<8192xf32, #tpu.memory_space<vmem>>, vector<16xf32>,
        tpu.vector_store %arg12[%swap3A_641], %select_n3A_633 {strides = array<i32>} : memref<8192xf32, #tpu.memory_space<vmem>>, vector<16xf32>,
        %sub3A_643 = arith.constant 1.000000e+00 : f32
        %sub3A_644 = vector.broadcast %sub3A_643 : f32 to vector<16xf32>
        %sub3A_645 = arith.subf %sub3A_644, %select_n3A_633 : vector<16xf32>
        %swap3A_646 = arith.index_cast %add3A_511 : i32 to index
        %swap3A_647 = tpu.vector_load %arg12[%swap3A_646] {strides = array<i32>} : memref<8192xf32, #tpu.memory_space<vmem>>, vector<16xf32>,
        tpu.vector_store %arg12[%swap3A_646], %sub3A_645 {strides = array<i32>} : memref<8192xf32, #tpu.memory_space<vmem>>, vector<16xf32>,
        %add3A_648 = arith.constant 64 : i32
        %add3A_649 = arith.addi %mul3A_99, %add3A_648 : i32
        %add3A_650 = arith.constant 128 : i32
        %add3A_651 = arith.addi %add3A_649, %add3A_650 : i32
        %get3A_652 = arith.index_cast %add3A_649 : i32 to index
        %get3A_653 = tpu.vector_load %arg10[%get3A_652] {strides = array<i32>} : memref<8192xf32, #tpu.memory_space<vmem>>, vector<16xf32>,
        %get3A_654 = arith.index_cast %add3A_651 : i32 to index
        %get3A_655 = tpu.vector_load %arg10[%get3A_654] {strides = array<i32>} : memref<8192xf32, #tpu.memory_space<vmem>>, vector<16xf32>,
        %get3A_656 = arith.index_cast %add3A_649 : i32 to index
        %get3A_657 = tpu.vector_load %arg11[%get3A_656] {strides = array<i32>} : memref<8192xf32, #tpu.memory_space<vmem>>, vector<16xf32>,
        %get3A_658 = arith.index_cast %add3A_651 : i32 to index
        %get3A_659 = tpu.vector_load %arg11[%get3A_658] {strides = array<i32>} : memref<8192xf32, #tpu.memory_space<vmem>>, vector<16xf32>,
        %add3A_660 = arith.constant 1.000000e-10 : f32
        %add3A_661 = vector.broadcast %add3A_660 : f32 to vector<16xf32>
        %add3A_662 = arith.addf %get3A_657, %add3A_661 : vector<16xf32>
        %bitcast3A_663 = vector.bitcast %add3A_662 : vector<16xf32> to vector<16xi32>
        %sub3A_664 = arith.constant 1060439283 : i32
        %sub3A_665 = vector.broadcast %sub3A_664 : i32 to vector<16xi32>
        %sub3A_666 = arith.subi %bitcast3A_663, %sub3A_665 : vector<16xi32>
        %shift_right_arithmetic3A_667 = arith.constant 23 : i32
        %shift_right_arithmetic3A_668 = vector.broadcast %shift_right_arithmetic3A_667 : i32 to vector<16xi32>
        %shift_right_arithmetic3A_669 = arith.shrsi %sub3A_666, %shift_right_arithmetic3A_668 : vector<16xi32>
        %shift_left3A_670 = arith.constant 23 : i32
        %shift_left3A_671 = vector.broadcast %shift_left3A_670 : i32 to vector<16xi32>
        %shift_left3A_672 = arith.shli %shift_right_arithmetic3A_669, %shift_left3A_671 : vector<16xi32>
        %sub3A_673 = arith.subi %bitcast3A_663, %shift_left3A_672 : vector<16xi32>
        %bitcast3A_674 = vector.bitcast %sub3A_673 : vector<16xi32> to vector<16xf32>
        %sub3A_675 = arith.constant 1.000000e+00 : f32
        %sub3A_676 = vector.broadcast %sub3A_675 : f32 to vector<16xf32>
        %sub3A_677 = arith.subf %bitcast3A_674, %sub3A_676 : vector<16xf32>
        %mul3A_678 = arith.mulf %sub3A_677, %sub3A_677 : vector<16xf32>
        %mul3A_679 = arith.constant 0.124855869 : f32
        %mul3A_680 = vector.broadcast %mul3A_679 : f32 to vector<16xf32>
        %mul3A_681 = arith.mulf %mul3A_680, %sub3A_677 : vector<16xf32>
        %add3A_682 = arith.constant -0.180304527 : f32
        %add3A_683 = vector.broadcast %add3A_682 : f32 to vector<16xf32>
        %add3A_684 = arith.addf %mul3A_681, %add3A_683 : vector<16xf32>
        %mul3A_685 = arith.mulf %add3A_684, %sub3A_677 : vector<16xf32>
        %add3A_686 = arith.constant 0.201997131 : f32
        %add3A_687 = vector.broadcast %add3A_686 : f32 to vector<16xf32>
        %add3A_688 = arith.addf %mul3A_685, %add3A_687 : vector<16xf32>
        %mul3A_689 = arith.mulf %add3A_688, %sub3A_677 : vector<16xf32>
        %add3A_690 = arith.constant -0.249701381 : f32
        %add3A_691 = vector.broadcast %add3A_690 : f32 to vector<16xf32>
        %add3A_692 = arith.addf %mul3A_689, %add3A_691 : vector<16xf32>
        %mul3A_693 = arith.mulf %add3A_692, %sub3A_677 : vector<16xf32>
        %add3A_694 = arith.constant 0.333314836 : f32
        %add3A_695 = vector.broadcast %add3A_694 : f32 to vector<16xf32>
        %add3A_696 = arith.addf %mul3A_693, %add3A_695 : vector<16xf32>
        %convert_element_type3A_697 = arith.sitofp %shift_right_arithmetic3A_669 : vector<16xi32> to vector<16xf32>
        %mul3A_698 = arith.constant 0.693147182 : f32
        %mul3A_699 = vector.broadcast %mul3A_698 : f32 to vector<16xf32>
        %mul3A_700 = arith.mulf %convert_element_type3A_697, %mul3A_699 : vector<16xf32>
        %mul3A_701 = arith.constant 5.000000e-01 : f32
        %mul3A_702 = vector.broadcast %mul3A_701 : f32 to vector<16xf32>
        %mul3A_703 = arith.mulf %mul3A_702, %mul3A_678 : vector<16xf32>
        %sub3A_704 = arith.subf %sub3A_677, %mul3A_703 : vector<16xf32>
        %mul3A_705 = arith.mulf %mul3A_678, %sub3A_677 : vector<16xf32>
        %mul3A_706 = arith.mulf %mul3A_705, %add3A_696 : vector<16xf32>
        %add3A_707 = arith.addf %sub3A_704, %mul3A_706 : vector<16xf32>
        %add3A_708 = arith.addf %mul3A_700, %add3A_707 : vector<16xf32>
        %add3A_709 = arith.constant 1.000000e-10 : f32
        %add3A_710 = vector.broadcast %add3A_709 : f32 to vector<16xf32>
        %add3A_711 = arith.addf %get3A_659, %add3A_710 : vector<16xf32>
        %bitcast3A_712 = vector.bitcast %add3A_711 : vector<16xf32> to vector<16xi32>
        %sub3A_713 = arith.constant 1060439283 : i32
        %sub3A_714 = vector.broadcast %sub3A_713 : i32 to vector<16xi32>
        %sub3A_715 = arith.subi %bitcast3A_712, %sub3A_714 : vector<16xi32>
        %shift_right_arithmetic3A_716 = arith.constant 23 : i32
        %shift_right_arithmetic3A_717 = vector.broadcast %shift_right_arithmetic3A_716 : i32 to vector<16xi32>
        %shift_right_arithmetic3A_718 = arith.shrsi %sub3A_715, %shift_right_arithmetic3A_717 : vector<16xi32>
        %shift_left3A_719 = arith.constant 23 : i32
        %shift_left3A_720 = vector.broadcast %shift_left3A_719 : i32 to vector<16xi32>
        %shift_left3A_721 = arith.shli %shift_right_arithmetic3A_718, %shift_left3A_720 : vector<16xi32>
        %sub3A_722 = arith.subi %bitcast3A_712, %shift_left3A_721 : vector<16xi32>
        %bitcast3A_723 = vector.bitcast %sub3A_722 : vector<16xi32> to vector<16xf32>
        %sub3A_724 = arith.constant 1.000000e+00 : f32
        %sub3A_725 = vector.broadcast %sub3A_724 : f32 to vector<16xf32>
        %sub3A_726 = arith.subf %bitcast3A_723, %sub3A_725 : vector<16xf32>
        %mul3A_727 = arith.mulf %sub3A_726, %sub3A_726 : vector<16xf32>
        %mul3A_728 = arith.constant 0.124855869 : f32
        %mul3A_729 = vector.broadcast %mul3A_728 : f32 to vector<16xf32>
        %mul3A_730 = arith.mulf %mul3A_729, %sub3A_726 : vector<16xf32>
        %add3A_731 = arith.constant -0.180304527 : f32
        %add3A_732 = vector.broadcast %add3A_731 : f32 to vector<16xf32>
        %add3A_733 = arith.addf %mul3A_730, %add3A_732 : vector<16xf32>
        %mul3A_734 = arith.mulf %add3A_733, %sub3A_726 : vector<16xf32>
        %add3A_735 = arith.constant 0.201997131 : f32
        %add3A_736 = vector.broadcast %add3A_735 : f32 to vector<16xf32>
        %add3A_737 = arith.addf %mul3A_734, %add3A_736 : vector<16xf32>
        %mul3A_738 = arith.mulf %add3A_737, %sub3A_726 : vector<16xf32>
        %add3A_739 = arith.constant -0.249701381 : f32
        %add3A_740 = vector.broadcast %add3A_739 : f32 to vector<16xf32>
        %add3A_741 = arith.addf %mul3A_738, %add3A_740 : vector<16xf32>
        %mul3A_742 = arith.mulf %add3A_741, %sub3A_726 : vector<16xf32>
        %add3A_743 = arith.constant 0.333314836 : f32
        %add3A_744 = vector.broadcast %add3A_743 : f32 to vector<16xf32>
        %add3A_745 = arith.addf %mul3A_742, %add3A_744 : vector<16xf32>
        %convert_element_type3A_746 = arith.sitofp %shift_right_arithmetic3A_718 : vector<16xi32> to vector<16xf32>
        %mul3A_747 = arith.constant 0.693147182 : f32
        %mul3A_748 = vector.broadcast %mul3A_747 : f32 to vector<16xf32>
        %mul3A_749 = arith.mulf %convert_element_type3A_746, %mul3A_748 : vector<16xf32>
        %mul3A_750 = arith.constant 5.000000e-01 : f32
        %mul3A_751 = vector.broadcast %mul3A_750 : f32 to vector<16xf32>
        %mul3A_752 = arith.mulf %mul3A_751, %mul3A_727 : vector<16xf32>
        %sub3A_753 = arith.subf %sub3A_726, %mul3A_752 : vector<16xf32>
        %mul3A_754 = arith.mulf %mul3A_727, %sub3A_726 : vector<16xf32>
        %mul3A_755 = arith.mulf %mul3A_754, %add3A_745 : vector<16xf32>
        %add3A_756 = arith.addf %sub3A_753, %mul3A_755 : vector<16xf32>
        %add3A_757 = arith.addf %mul3A_749, %add3A_756 : vector<16xf32>
        %sub3A_758 = arith.subf %get3A_655, %get3A_653 : vector<16xf32>
        %mul3A_759 = arith.constant 2.000000e+00 : f32
        %mul3A_760 = vector.broadcast %mul3A_759 : f32 to vector<16xf32>
        %mul3A_761 = arith.mulf %sub3A_758, %mul3A_760 : vector<16xf32>
        %exp3A_762 = math.exp %mul3A_761 : vector<16xf32>
        %mul3A_763 = arith.mulf %add3A_708, %add3A_708 : vector<16xf32>
        %mul3A_764 = arith.mulf %exp3A_762, %mul3A_763 : vector<16xf32>
        %mul3A_765 = arith.mulf %add3A_757, %add3A_757 : vector<16xf32>
        %add3A_766 = arith.addf %mul3A_765, %mul3A_764 : vector<16xf32>
        %div3A_767 = arith.divf %mul3A_765, %add3A_766 : vector<16xf32>
        %le3A_768 = arith.cmpf ole, %mul3A_764, %mul3A_765 : vector<16xf32>
        %jit3A_769 = arith.constant 1.000000e+00 : f32
        %jit3A_770 = arith.constant 0.000000e+00 : f32
        %broadcast_in_dim3A_771 = vector.broadcast %jit3A_769 : f32 to vector<16xf32>
        %broadcast_in_dim3A_772 = vector.broadcast %jit3A_770 : f32 to vector<16xf32>
        %select_n3A_773 = arith.select %le3A_768, %broadcast_in_dim3A_771, %broadcast_in_dim3A_772 : vector<16xi1>, vector<16xf32>
        %swap3A_774 = arith.index_cast %add3A_649 : i32 to index
        %swap3A_775 = tpu.vector_load %arg13[%swap3A_774] {strides = array<i32>} : memref<8192xf32, #tpu.memory_space<vmem>>, vector<16xf32>,
        tpu.vector_store %arg13[%swap3A_774], %div3A_767 {strides = array<i32>} : memref<8192xf32, #tpu.memory_space<vmem>>, vector<16xf32>,
        %sub3A_776 = arith.constant 1.000000e+00 : f32
        %sub3A_777 = vector.broadcast %sub3A_776 : f32 to vector<16xf32>
        %sub3A_778 = arith.subf %sub3A_777, %div3A_767 : vector<16xf32>
        %swap3A_779 = arith.index_cast %add3A_651 : i32 to index
        %swap3A_780 = tpu.vector_load %arg13[%swap3A_779] {strides = array<i32>} : memref<8192xf32, #tpu.memory_space<vmem>>, vector<16xf32>,
        tpu.vector_store %arg13[%swap3A_779], %sub3A_778 {strides = array<i32>} : memref<8192xf32, #tpu.memory_space<vmem>>, vector<16xf32>,
        %swap3A_781 = arith.index_cast %add3A_649 : i32 to index
        %swap3A_782 = tpu.vector_load %arg12[%swap3A_781] {strides = array<i32>} : memref<8192xf32, #tpu.memory_space<vmem>>, vector<16xf32>,
        tpu.vector_store %arg12[%swap3A_781], %select_n3A_773 {strides = array<i32>} : memref<8192xf32, #tpu.memory_space<vmem>>, vector<16xf32>,
        %sub3A_783 = arith.constant 1.000000e+00 : f32
        %sub3A_784 = vector.broadcast %sub3A_783 : f32 to vector<16xf32>
        %sub3A_785 = arith.subf %sub3A_784, %select_n3A_773 : vector<16xf32>
        %swap3A_786 = arith.index_cast %add3A_651 : i32 to index
        %swap3A_787 = tpu.vector_load %arg12[%swap3A_786] {strides = array<i32>} : memref<8192xf32, #tpu.memory_space<vmem>>, vector<16xf32>,
        tpu.vector_store %arg12[%swap3A_786], %sub3A_785 {strides = array<i32>} : memref<8192xf32, #tpu.memory_space<vmem>>, vector<16xf32>,
        %add3A_788 = arith.constant 80 : i32
        %add3A_789 = arith.addi %mul3A_99, %add3A_788 : i32
        %add3A_790 = arith.constant 128 : i32
        %add3A_791 = arith.addi %add3A_789, %add3A_790 : i32
        %get3A_792 = arith.index_cast %add3A_789 : i32 to index
        %get3A_793 = tpu.vector_load %arg10[%get3A_792] {strides = array<i32>} : memref<8192xf32, #tpu.memory_space<vmem>>, vector<16xf32>,
        %get3A_794 = arith.index_cast %add3A_791 : i32 to index
        %get3A_795 = tpu.vector_load %arg10[%get3A_794] {strides = array<i32>} : memref<8192xf32, #tpu.memory_space<vmem>>, vector<16xf32>,
        %get3A_796 = arith.index_cast %add3A_789 : i32 to index
        %get3A_797 = tpu.vector_load %arg11[%get3A_796] {strides = array<i32>} : memref<8192xf32, #tpu.memory_space<vmem>>, vector<16xf32>,
        %get3A_798 = arith.index_cast %add3A_791 : i32 to index
        %get3A_799 = tpu.vector_load %arg11[%get3A_798] {strides = array<i32>} : memref<8192xf32, #tpu.memory_space<vmem>>, vector<16xf32>,
        %add3A_800 = arith.constant 1.000000e-10 : f32
        %add3A_801 = vector.broadcast %add3A_800 : f32 to vector<16xf32>
        %add3A_802 = arith.addf %get3A_797, %add3A_801 : vector<16xf32>
        %bitcast3A_803 = vector.bitcast %add3A_802 : vector<16xf32> to vector<16xi32>
        %sub3A_804 = arith.constant 1060439283 : i32
        %sub3A_805 = vector.broadcast %sub3A_804 : i32 to vector<16xi32>
        %sub3A_806 = arith.subi %bitcast3A_803, %sub3A_805 : vector<16xi32>
        %shift_right_arithmetic3A_807 = arith.constant 23 : i32
        %shift_right_arithmetic3A_808 = vector.broadcast %shift_right_arithmetic3A_807 : i32 to vector<16xi32>
        %shift_right_arithmetic3A_809 = arith.shrsi %sub3A_806, %shift_right_arithmetic3A_808 : vector<16xi32>
        %shift_left3A_810 = arith.constant 23 : i32
        %shift_left3A_811 = vector.broadcast %shift_left3A_810 : i32 to vector<16xi32>
        %shift_left3A_812 = arith.shli %shift_right_arithmetic3A_809, %shift_left3A_811 : vector<16xi32>
        %sub3A_813 = arith.subi %bitcast3A_803, %shift_left3A_812 : vector<16xi32>
        %bitcast3A_814 = vector.bitcast %sub3A_813 : vector<16xi32> to vector<16xf32>
        %sub3A_815 = arith.constant 1.000000e+00 : f32
        %sub3A_816 = vector.broadcast %sub3A_815 : f32 to vector<16xf32>
        %sub3A_817 = arith.subf %bitcast3A_814, %sub3A_816 : vector<16xf32>
        %mul3A_818 = arith.mulf %sub3A_817, %sub3A_817 : vector<16xf32>
        %mul3A_819 = arith.constant 0.124855869 : f32
        %mul3A_820 = vector.broadcast %mul3A_819 : f32 to vector<16xf32>
        %mul3A_821 = arith.mulf %mul3A_820, %sub3A_817 : vector<16xf32>
        %add3A_822 = arith.constant -0.180304527 : f32
        %add3A_823 = vector.broadcast %add3A_822 : f32 to vector<16xf32>
        %add3A_824 = arith.addf %mul3A_821, %add3A_823 : vector<16xf32>
        %mul3A_825 = arith.mulf %add3A_824, %sub3A_817 : vector<16xf32>
        %add3A_826 = arith.constant 0.201997131 : f32
        %add3A_827 = vector.broadcast %add3A_826 : f32 to vector<16xf32>
        %add3A_828 = arith.addf %mul3A_825, %add3A_827 : vector<16xf32>
        %mul3A_829 = arith.mulf %add3A_828, %sub3A_817 : vector<16xf32>
        %add3A_830 = arith.constant -0.249701381 : f32
        %add3A_831 = vector.broadcast %add3A_830 : f32 to vector<16xf32>
        %add3A_832 = arith.addf %mul3A_829, %add3A_831 : vector<16xf32>
        %mul3A_833 = arith.mulf %add3A_832, %sub3A_817 : vector<16xf32>
        %add3A_834 = arith.constant 0.333314836 : f32
        %add3A_835 = vector.broadcast %add3A_834 : f32 to vector<16xf32>
        %add3A_836 = arith.addf %mul3A_833, %add3A_835 : vector<16xf32>
        %convert_element_type3A_837 = arith.sitofp %shift_right_arithmetic3A_809 : vector<16xi32> to vector<16xf32>
        %mul3A_838 = arith.constant 0.693147182 : f32
        %mul3A_839 = vector.broadcast %mul3A_838 : f32 to vector<16xf32>
        %mul3A_840 = arith.mulf %convert_element_type3A_837, %mul3A_839 : vector<16xf32>
        %mul3A_841 = arith.constant 5.000000e-01 : f32
        %mul3A_842 = vector.broadcast %mul3A_841 : f32 to vector<16xf32>
        %mul3A_843 = arith.mulf %mul3A_842, %mul3A_818 : vector<16xf32>
        %sub3A_844 = arith.subf %sub3A_817, %mul3A_843 : vector<16xf32>
        %mul3A_845 = arith.mulf %mul3A_818, %sub3A_817 : vector<16xf32>
        %mul3A_846 = arith.mulf %mul3A_845, %add3A_836 : vector<16xf32>
        %add3A_847 = arith.addf %sub3A_844, %mul3A_846 : vector<16xf32>
        %add3A_848 = arith.addf %mul3A_840, %add3A_847 : vector<16xf32>
        %add3A_849 = arith.constant 1.000000e-10 : f32
        %add3A_850 = vector.broadcast %add3A_849 : f32 to vector<16xf32>
        %add3A_851 = arith.addf %get3A_799, %add3A_850 : vector<16xf32>
        %bitcast3A_852 = vector.bitcast %add3A_851 : vector<16xf32> to vector<16xi32>
        %sub3A_853 = arith.constant 1060439283 : i32
        %sub3A_854 = vector.broadcast %sub3A_853 : i32 to vector<16xi32>
        %sub3A_855 = arith.subi %bitcast3A_852, %sub3A_854 : vector<16xi32>
        %shift_right_arithmetic3A_856 = arith.constant 23 : i32
        %shift_right_arithmetic3A_857 = vector.broadcast %shift_right_arithmetic3A_856 : i32 to vector<16xi32>
        %shift_right_arithmetic3A_858 = arith.shrsi %sub3A_855, %shift_right_arithmetic3A_857 : vector<16xi32>
        %shift_left3A_859 = arith.constant 23 : i32
        %shift_left3A_860 = vector.broadcast %shift_left3A_859 : i32 to vector<16xi32>
        %shift_left3A_861 = arith.shli %shift_right_arithmetic3A_858, %shift_left3A_860 : vector<16xi32>
        %sub3A_862 = arith.subi %bitcast3A_852, %shift_left3A_861 : vector<16xi32>
        %bitcast3A_863 = vector.bitcast %sub3A_862 : vector<16xi32> to vector<16xf32>
        %sub3A_864 = arith.constant 1.000000e+00 : f32
        %sub3A_865 = vector.broadcast %sub3A_864 : f32 to vector<16xf32>
        %sub3A_866 = arith.subf %bitcast3A_863, %sub3A_865 : vector<16xf32>
        %mul3A_867 = arith.mulf %sub3A_866, %sub3A_866 : vector<16xf32>
        %mul3A_868 = arith.constant 0.124855869 : f32
        %mul3A_869 = vector.broadcast %mul3A_868 : f32 to vector<16xf32>
        %mul3A_870 = arith.mulf %mul3A_869, %sub3A_866 : vector<16xf32>
        %add3A_871 = arith.constant -0.180304527 : f32
        %add3A_872 = vector.broadcast %add3A_871 : f32 to vector<16xf32>
        %add3A_873 = arith.addf %mul3A_870, %add3A_872 : vector<16xf32>
        %mul3A_874 = arith.mulf %add3A_873, %sub3A_866 : vector<16xf32>
        %add3A_875 = arith.constant 0.201997131 : f32
        %add3A_876 = vector.broadcast %add3A_875 : f32 to vector<16xf32>
        %add3A_877 = arith.addf %mul3A_874, %add3A_876 : vector<16xf32>
        %mul3A_878 = arith.mulf %add3A_877, %sub3A_866 : vector<16xf32>
        %add3A_879 = arith.constant -0.249701381 : f32
        %add3A_880 = vector.broadcast %add3A_879 : f32 to vector<16xf32>
        %add3A_881 = arith.addf %mul3A_878, %add3A_880 : vector<16xf32>
        %mul3A_882 = arith.mulf %add3A_881, %sub3A_866 : vector<16xf32>
        %add3A_883 = arith.constant 0.333314836 : f32
        %add3A_884 = vector.broadcast %add3A_883 : f32 to vector<16xf32>
        %add3A_885 = arith.addf %mul3A_882, %add3A_884 : vector<16xf32>
        %convert_element_type3A_886 = arith.sitofp %shift_right_arithmetic3A_858 : vector<16xi32> to vector<16xf32>
        %mul3A_887 = arith.constant 0.693147182 : f32
        %mul3A_888 = vector.broadcast %mul3A_887 : f32 to vector<16xf32>
        %mul3A_889 = arith.mulf %convert_element_type3A_886, %mul3A_888 : vector<16xf32>
        %mul3A_890 = arith.constant 5.000000e-01 : f32
        %mul3A_891 = vector.broadcast %mul3A_890 : f32 to vector<16xf32>
        %mul3A_892 = arith.mulf %mul3A_891, %mul3A_867 : vector<16xf32>
        %sub3A_893 = arith.subf %sub3A_866, %mul3A_892 : vector<16xf32>
        %mul3A_894 = arith.mulf %mul3A_867, %sub3A_866 : vector<16xf32>
        %mul3A_895 = arith.mulf %mul3A_894, %add3A_885 : vector<16xf32>
        %add3A_896 = arith.addf %sub3A_893, %mul3A_895 : vector<16xf32>
        %add3A_897 = arith.addf %mul3A_889, %add3A_896 : vector<16xf32>
        %sub3A_898 = arith.subf %get3A_795, %get3A_793 : vector<16xf32>
        %mul3A_899 = arith.constant 2.000000e+00 : f32
        %mul3A_900 = vector.broadcast %mul3A_899 : f32 to vector<16xf32>
        %mul3A_901 = arith.mulf %sub3A_898, %mul3A_900 : vector<16xf32>
        %exp3A_902 = math.exp %mul3A_901 : vector<16xf32>
        %mul3A_903 = arith.mulf %add3A_848, %add3A_848 : vector<16xf32>
        %mul3A_904 = arith.mulf %exp3A_902, %mul3A_903 : vector<16xf32>
        %mul3A_905 = arith.mulf %add3A_897, %add3A_897 : vector<16xf32>
        %add3A_906 = arith.addf %mul3A_905, %mul3A_904 : vector<16xf32>
        %div3A_907 = arith.divf %mul3A_905, %add3A_906 : vector<16xf32>
        %le3A_908 = arith.cmpf ole, %mul3A_904, %mul3A_905 : vector<16xf32>
        %jit3A_909 = arith.constant 1.000000e+00 : f32
        %jit3A_910 = arith.constant 0.000000e+00 : f32
        %broadcast_in_dim3A_911 = vector.broadcast %jit3A_909 : f32 to vector<16xf32>
        %broadcast_in_dim3A_912 = vector.broadcast %jit3A_910 : f32 to vector<16xf32>
        %select_n3A_913 = arith.select %le3A_908, %broadcast_in_dim3A_911, %broadcast_in_dim3A_912 : vector<16xi1>, vector<16xf32>
        %swap3A_914 = arith.index_cast %add3A_789 : i32 to index
        %swap3A_915 = tpu.vector_load %arg13[%swap3A_914] {strides = array<i32>} : memref<8192xf32, #tpu.memory_space<vmem>>, vector<16xf32>,
        tpu.vector_store %arg13[%swap3A_914], %div3A_907 {strides = array<i32>} : memref<8192xf32, #tpu.memory_space<vmem>>, vector<16xf32>,
        %sub3A_916 = arith.constant 1.000000e+00 : f32
        %sub3A_917 = vector.broadcast %sub3A_916 : f32 to vector<16xf32>
        %sub3A_918 = arith.subf %sub3A_917, %div3A_907 : vector<16xf32>
        %swap3A_919 = arith.index_cast %add3A_791 : i32 to index
        %swap3A_920 = tpu.vector_load %arg13[%swap3A_919] {strides = array<i32>} : memref<8192xf32, #tpu.memory_space<vmem>>, vector<16xf32>,
        tpu.vector_store %arg13[%swap3A_919], %sub3A_918 {strides = array<i32>} : memref<8192xf32, #tpu.memory_space<vmem>>, vector<16xf32>,
        %swap3A_921 = arith.index_cast %add3A_789 : i32 to index
        %swap3A_922 = tpu.vector_load %arg12[%swap3A_921] {strides = array<i32>} : memref<8192xf32, #tpu.memory_space<vmem>>, vector<16xf32>,
        tpu.vector_store %arg12[%swap3A_921], %select_n3A_913 {strides = array<i32>} : memref<8192xf32, #tpu.memory_space<vmem>>, vector<16xf32>,
        %sub3A_923 = arith.constant 1.000000e+00 : f32
        %sub3A_924 = vector.broadcast %sub3A_923 : f32 to vector<16xf32>
        %sub3A_925 = arith.subf %sub3A_924, %select_n3A_913 : vector<16xf32>
        %swap3A_926 = arith.index_cast %add3A_791 : i32 to index
        %swap3A_927 = tpu.vector_load %arg12[%swap3A_926] {strides = array<i32>} : memref<8192xf32, #tpu.memory_space<vmem>>, vector<16xf32>,
        tpu.vector_store %arg12[%swap3A_926], %sub3A_925 {strides = array<i32>} : memref<8192xf32, #tpu.memory_space<vmem>>, vector<16xf32>,
        %add3A_928 = arith.constant 96 : i32
        %add3A_929 = arith.addi %mul3A_99, %add3A_928 : i32
        %add3A_930 = arith.constant 128 : i32
        %add3A_931 = arith.addi %add3A_929, %add3A_930 : i32
        %get3A_932 = arith.index_cast %add3A_929 : i32 to index
        %get3A_933 = tpu.vector_load %arg10[%get3A_932] {strides = array<i32>} : memref<8192xf32, #tpu.memory_space<vmem>>, vector<16xf32>,
        %get3A_934 = arith.index_cast %add3A_931 : i32 to index
        %get3A_935 = tpu.vector_load %arg10[%get3A_934] {strides = array<i32>} : memref<8192xf32, #tpu.memory_space<vmem>>, vector<16xf32>,
        %get3A_936 = arith.index_cast %add3A_929 : i32 to index
        %get3A_937 = tpu.vector_load %arg11[%get3A_936] {strides = array<i32>} : memref<8192xf32, #tpu.memory_space<vmem>>, vector<16xf32>,
        %get3A_938 = arith.index_cast %add3A_931 : i32 to index
        %get3A_939 = tpu.vector_load %arg11[%get3A_938] {strides = array<i32>} : memref<8192xf32, #tpu.memory_space<vmem>>, vector<16xf32>,
        %add3A_940 = arith.constant 1.000000e-10 : f32
        %add3A_941 = vector.broadcast %add3A_940 : f32 to vector<16xf32>
        %add3A_942 = arith.addf %get3A_937, %add3A_941 : vector<16xf32>
        %bitcast3A_943 = vector.bitcast %add3A_942 : vector<16xf32> to vector<16xi32>
        %sub3A_944 = arith.constant 1060439283 : i32
        %sub3A_945 = vector.broadcast %sub3A_944 : i32 to vector<16xi32>
        %sub3A_946 = arith.subi %bitcast3A_943, %sub3A_945 : vector<16xi32>
        %shift_right_arithmetic3A_947 = arith.constant 23 : i32
        %shift_right_arithmetic3A_948 = vector.broadcast %shift_right_arithmetic3A_947 : i32 to vector<16xi32>
        %shift_right_arithmetic3A_949 = arith.shrsi %sub3A_946, %shift_right_arithmetic3A_948 : vector<16xi32>
        %shift_left3A_950 = arith.constant 23 : i32
        %shift_left3A_951 = vector.broadcast %shift_left3A_950 : i32 to vector<16xi32>
        %shift_left3A_952 = arith.shli %shift_right_arithmetic3A_949, %shift_left3A_951 : vector<16xi32>
        %sub3A_953 = arith.subi %bitcast3A_943, %shift_left3A_952 : vector<16xi32>
        %bitcast3A_954 = vector.bitcast %sub3A_953 : vector<16xi32> to vector<16xf32>
        %sub3A_955 = arith.constant 1.000000e+00 : f32
        %sub3A_956 = vector.broadcast %sub3A_955 : f32 to vector<16xf32>
        %sub3A_957 = arith.subf %bitcast3A_954, %sub3A_956 : vector<16xf32>
        %mul3A_958 = arith.mulf %sub3A_957, %sub3A_957 : vector<16xf32>
        %mul3A_959 = arith.constant 0.124855869 : f32
        %mul3A_960 = vector.broadcast %mul3A_959 : f32 to vector<16xf32>
        %mul3A_961 = arith.mulf %mul3A_960, %sub3A_957 : vector<16xf32>
        %add3A_962 = arith.constant -0.180304527 : f32
        %add3A_963 = vector.broadcast %add3A_962 : f32 to vector<16xf32>
        %add3A_964 = arith.addf %mul3A_961, %add3A_963 : vector<16xf32>
        %mul3A_965 = arith.mulf %add3A_964, %sub3A_957 : vector<16xf32>
        %add3A_966 = arith.constant 0.201997131 : f32
        %add3A_967 = vector.broadcast %add3A_966 : f32 to vector<16xf32>
        %add3A_968 = arith.addf %mul3A_965, %add3A_967 : vector<16xf32>
        %mul3A_969 = arith.mulf %add3A_968, %sub3A_957 : vector<16xf32>
        %add3A_970 = arith.constant -0.249701381 : f32
        %add3A_971 = vector.broadcast %add3A_970 : f32 to vector<16xf32>
        %add3A_972 = arith.addf %mul3A_969, %add3A_971 : vector<16xf32>
        %mul3A_973 = arith.mulf %add3A_972, %sub3A_957 : vector<16xf32>
        %add3A_974 = arith.constant 0.333314836 : f32
        %add3A_975 = vector.broadcast %add3A_974 : f32 to vector<16xf32>
        %add3A_976 = arith.addf %mul3A_973, %add3A_975 : vector<16xf32>
        %convert_element_type3A_977 = arith.sitofp %shift_right_arithmetic3A_949 : vector<16xi32> to vector<16xf32>
        %mul3A_978 = arith.constant 0.693147182 : f32
        %mul3A_979 = vector.broadcast %mul3A_978 : f32 to vector<16xf32>
        %mul3A_980 = arith.mulf %convert_element_type3A_977, %mul3A_979 : vector<16xf32>
        %mul3A_981 = arith.constant 5.000000e-01 : f32
        %mul3A_982 = vector.broadcast %mul3A_981 : f32 to vector<16xf32>
        %mul3A_983 = arith.mulf %mul3A_982, %mul3A_958 : vector<16xf32>
        %sub3A_984 = arith.subf %sub3A_957, %mul3A_983 : vector<16xf32>
        %mul3A_985 = arith.mulf %mul3A_958, %sub3A_957 : vector<16xf32>
        %mul3A_986 = arith.mulf %mul3A_985, %add3A_976 : vector<16xf32>
        %add3A_987 = arith.addf %sub3A_984, %mul3A_986 : vector<16xf32>
        %add3A_988 = arith.addf %mul3A_980, %add3A_987 : vector<16xf32>
        %add3A_989 = arith.constant 1.000000e-10 : f32
        %add3A_990 = vector.broadcast %add3A_989 : f32 to vector<16xf32>
        %add3A_991 = arith.addf %get3A_939, %add3A_990 : vector<16xf32>
        %bitcast3A_992 = vector.bitcast %add3A_991 : vector<16xf32> to vector<16xi32>
        %sub3A_993 = arith.constant 1060439283 : i32
        %sub3A_994 = vector.broadcast %sub3A_993 : i32 to vector<16xi32>
        %sub3A_995 = arith.subi %bitcast3A_992, %sub3A_994 : vector<16xi32>
        %shift_right_arithmetic3A_996 = arith.constant 23 : i32
        %shift_right_arithmetic3A_997 = vector.broadcast %shift_right_arithmetic3A_996 : i32 to vector<16xi32>
        %shift_right_arithmetic3A_998 = arith.shrsi %sub3A_995, %shift_right_arithmetic3A_997 : vector<16xi32>
        %shift_left3A_999 = arith.constant 23 : i32
        %shift_left3A_1000 = vector.broadcast %shift_left3A_999 : i32 to vector<16xi32>
        %shift_left3A_1001 = arith.shli %shift_right_arithmetic3A_998, %shift_left3A_1000 : vector<16xi32>
        %sub3A_1002 = arith.subi %bitcast3A_992, %shift_left3A_1001 : vector<16xi32>
        %bitcast3A_1003 = vector.bitcast %sub3A_1002 : vector<16xi32> to vector<16xf32>
        %sub3A_1004 = arith.constant 1.000000e+00 : f32
        %sub3A_1005 = vector.broadcast %sub3A_1004 : f32 to vector<16xf32>
        %sub3A_1006 = arith.subf %bitcast3A_1003, %sub3A_1005 : vector<16xf32>
        %mul3A_1007 = arith.mulf %sub3A_1006, %sub3A_1006 : vector<16xf32>
        %mul3A_1008 = arith.constant 0.124855869 : f32
        %mul3A_1009 = vector.broadcast %mul3A_1008 : f32 to vector<16xf32>
        %mul3A_1010 = arith.mulf %mul3A_1009, %sub3A_1006 : vector<16xf32>
        %add3A_1011 = arith.constant -0.180304527 : f32
        %add3A_1012 = vector.broadcast %add3A_1011 : f32 to vector<16xf32>
        %add3A_1013 = arith.addf %mul3A_1010, %add3A_1012 : vector<16xf32>
        %mul3A_1014 = arith.mulf %add3A_1013, %sub3A_1006 : vector<16xf32>
        %add3A_1015 = arith.constant 0.201997131 : f32
        %add3A_1016 = vector.broadcast %add3A_1015 : f32 to vector<16xf32>
        %add3A_1017 = arith.addf %mul3A_1014, %add3A_1016 : vector<16xf32>
        %mul3A_1018 = arith.mulf %add3A_1017, %sub3A_1006 : vector<16xf32>
        %add3A_1019 = arith.constant -0.249701381 : f32
        %add3A_1020 = vector.broadcast %add3A_1019 : f32 to vector<16xf32>
        %add3A_1021 = arith.addf %mul3A_1018, %add3A_1020 : vector<16xf32>
        %mul3A_1022 = arith.mulf %add3A_1021, %sub3A_1006 : vector<16xf32>
        %add3A_1023 = arith.constant 0.333314836 : f32
        %add3A_1024 = vector.broadcast %add3A_1023 : f32 to vector<16xf32>
        %add3A_1025 = arith.addf %mul3A_1022, %add3A_1024 : vector<16xf32>
        %convert_element_type3A_1026 = arith.sitofp %shift_right_arithmetic3A_998 : vector<16xi32> to vector<16xf32>
        %mul3A_1027 = arith.constant 0.693147182 : f32
        %mul3A_1028 = vector.broadcast %mul3A_1027 : f32 to vector<16xf32>
        %mul3A_1029 = arith.mulf %convert_element_type3A_1026, %mul3A_1028 : vector<16xf32>
        %mul3A_1030 = arith.constant 5.000000e-01 : f32
        %mul3A_1031 = vector.broadcast %mul3A_1030 : f32 to vector<16xf32>
        %mul3A_1032 = arith.mulf %mul3A_1031, %mul3A_1007 : vector<16xf32>
        %sub3A_1033 = arith.subf %sub3A_1006, %mul3A_1032 : vector<16xf32>
        %mul3A_1034 = arith.mulf %mul3A_1007, %sub3A_1006 : vector<16xf32>
        %mul3A_1035 = arith.mulf %mul3A_1034, %add3A_1025 : vector<16xf32>
        %add3A_1036 = arith.addf %sub3A_1033, %mul3A_1035 : vector<16xf32>
        %add3A_1037 = arith.addf %mul3A_1029, %add3A_1036 : vector<16xf32>
        %sub3A_1038 = arith.subf %get3A_935, %get3A_933 : vector<16xf32>
        %mul3A_1039 = arith.constant 2.000000e+00 : f32
        %mul3A_1040 = vector.broadcast %mul3A_1039 : f32 to vector<16xf32>
        %mul3A_1041 = arith.mulf %sub3A_1038, %mul3A_1040 : vector<16xf32>
        %exp3A_1042 = math.exp %mul3A_1041 : vector<16xf32>
        %mul3A_1043 = arith.mulf %add3A_988, %add3A_988 : vector<16xf32>
        %mul3A_1044 = arith.mulf %exp3A_1042, %mul3A_1043 : vector<16xf32>
        %mul3A_1045 = arith.mulf %add3A_1037, %add3A_1037 : vector<16xf32>
        %add3A_1046 = arith.addf %mul3A_1045, %mul3A_1044 : vector<16xf32>
        %div3A_1047 = arith.divf %mul3A_1045, %add3A_1046 : vector<16xf32>
        %le3A_1048 = arith.cmpf ole, %mul3A_1044, %mul3A_1045 : vector<16xf32>
        %jit3A_1049 = arith.constant 1.000000e+00 : f32
        %jit3A_1050 = arith.constant 0.000000e+00 : f32
        %broadcast_in_dim3A_1051 = vector.broadcast %jit3A_1049 : f32 to vector<16xf32>
        %broadcast_in_dim3A_1052 = vector.broadcast %jit3A_1050 : f32 to vector<16xf32>
        %select_n3A_1053 = arith.select %le3A_1048, %broadcast_in_dim3A_1051, %broadcast_in_dim3A_1052 : vector<16xi1>, vector<16xf32>
        %swap3A_1054 = arith.index_cast %add3A_929 : i32 to index
        %swap3A_1055 = tpu.vector_load %arg13[%swap3A_1054] {strides = array<i32>} : memref<8192xf32, #tpu.memory_space<vmem>>, vector<16xf32>,
        tpu.vector_store %arg13[%swap3A_1054], %div3A_1047 {strides = array<i32>} : memref<8192xf32, #tpu.memory_space<vmem>>, vector<16xf32>,
        %sub3A_1056 = arith.constant 1.000000e+00 : f32
        %sub3A_1057 = vector.broadcast %sub3A_1056 : f32 to vector<16xf32>
        %sub3A_1058 = arith.subf %sub3A_1057, %div3A_1047 : vector<16xf32>
        %swap3A_1059 = arith.index_cast %add3A_931 : i32 to index
        %swap3A_1060 = tpu.vector_load %arg13[%swap3A_1059] {strides = array<i32>} : memref<8192xf32, #tpu.memory_space<vmem>>, vector<16xf32>,
        tpu.vector_store %arg13[%swap3A_1059], %sub3A_1058 {strides = array<i32>} : memref<8192xf32, #tpu.memory_space<vmem>>, vector<16xf32>,
        %swap3A_1061 = arith.index_cast %add3A_929 : i32 to index
        %swap3A_1062 = tpu.vector_load %arg12[%swap3A_1061] {strides = array<i32>} : memref<8192xf32, #tpu.memory_space<vmem>>, vector<16xf32>,
        tpu.vector_store %arg12[%swap3A_1061], %select_n3A_1053 {strides = array<i32>} : memref<8192xf32, #tpu.memory_space<vmem>>, vector<16xf32>,
        %sub3A_1063 = arith.constant 1.000000e+00 : f32
        %sub3A_1064 = vector.broadcast %sub3A_1063 : f32 to vector<16xf32>
        %sub3A_1065 = arith.subf %sub3A_1064, %select_n3A_1053 : vector<16xf32>
        %swap3A_1066 = arith.index_cast %add3A_931 : i32 to index
        %swap3A_1067 = tpu.vector_load %arg12[%swap3A_1066] {strides = array<i32>} : memref<8192xf32, #tpu.memory_space<vmem>>, vector<16xf32>,
        tpu.vector_store %arg12[%swap3A_1066], %sub3A_1065 {strides = array<i32>} : memref<8192xf32, #tpu.memory_space<vmem>>, vector<16xf32>,
        %add3A_1068 = arith.constant 112 : i32
        %add3A_1069 = arith.addi %mul3A_99, %add3A_1068 : i32
        %add3A_1070 = arith.constant 128 : i32
        %add3A_1071 = arith.addi %add3A_1069, %add3A_1070 : i32
        %get3A_1072 = arith.index_cast %add3A_1069 : i32 to index
        %get3A_1073 = tpu.vector_load %arg10[%get3A_1072] {strides = array<i32>} : memref<8192xf32, #tpu.memory_space<vmem>>, vector<16xf32>,
        %get3A_1074 = arith.index_cast %add3A_1071 : i32 to index
        %get3A_1075 = tpu.vector_load %arg10[%get3A_1074] {strides = array<i32>} : memref<8192xf32, #tpu.memory_space<vmem>>, vector<16xf32>,
        %get3A_1076 = arith.index_cast %add3A_1069 : i32 to index
        %get3A_1077 = tpu.vector_load %arg11[%get3A_1076] {strides = array<i32>} : memref<8192xf32, #tpu.memory_space<vmem>>, vector<16xf32>,
        %get3A_1078 = arith.index_cast %add3A_1071 : i32 to index
        %get3A_1079 = tpu.vector_load %arg11[%get3A_1078] {strides = array<i32>} : memref<8192xf32, #tpu.memory_space<vmem>>, vector<16xf32>,
        %add3A_1080 = arith.constant 1.000000e-10 : f32
        %add3A_1081 = vector.broadcast %add3A_1080 : f32 to vector<16xf32>
        %add3A_1082 = arith.addf %get3A_1077, %add3A_1081 : vector<16xf32>
        %bitcast3A_1083 = vector.bitcast %add3A_1082 : vector<16xf32> to vector<16xi32>
        %sub3A_1084 = arith.constant 1060439283 : i32
        %sub3A_1085 = vector.broadcast %sub3A_1084 : i32 to vector<16xi32>
        %sub3A_1086 = arith.subi %bitcast3A_1083, %sub3A_1085 : vector<16xi32>
        %shift_right_arithmetic3A_1087 = arith.constant 23 : i32
        %shift_right_arithmetic3A_1088 = vector.broadcast %shift_right_arithmetic3A_1087 : i32 to vector<16xi32>
        %shift_right_arithmetic3A_1089 = arith.shrsi %sub3A_1086, %shift_right_arithmetic3A_1088 : vector<16xi32>
        %shift_left3A_1090 = arith.constant 23 : i32
        %shift_left3A_1091 = vector.broadcast %shift_left3A_1090 : i32 to vector<16xi32>
        %shift_left3A_1092 = arith.shli %shift_right_arithmetic3A_1089, %shift_left3A_1091 : vector<16xi32>
        %sub3A_1093 = arith.subi %bitcast3A_1083, %shift_left3A_1092 : vector<16xi32>
        %bitcast3A_1094 = vector.bitcast %sub3A_1093 : vector<16xi32> to vector<16xf32>
        %sub3A_1095 = arith.constant 1.000000e+00 : f32
        %sub3A_1096 = vector.broadcast %sub3A_1095 : f32 to vector<16xf32>
        %sub3A_1097 = arith.subf %bitcast3A_1094, %sub3A_1096 : vector<16xf32>
        %mul3A_1098 = arith.mulf %sub3A_1097, %sub3A_1097 : vector<16xf32>
        %mul3A_1099 = arith.constant 0.124855869 : f32
        %mul3A_1100 = vector.broadcast %mul3A_1099 : f32 to vector<16xf32>
        %mul3A_1101 = arith.mulf %mul3A_1100, %sub3A_1097 : vector<16xf32>
        %add3A_1102 = arith.constant -0.180304527 : f32
        %add3A_1103 = vector.broadcast %add3A_1102 : f32 to vector<16xf32>
        %add3A_1104 = arith.addf %mul3A_1101, %add3A_1103 : vector<16xf32>
        %mul3A_1105 = arith.mulf %add3A_1104, %sub3A_1097 : vector<16xf32>
        %add3A_1106 = arith.constant 0.201997131 : f32
        %add3A_1107 = vector.broadcast %add3A_1106 : f32 to vector<16xf32>
        %add3A_1108 = arith.addf %mul3A_1105, %add3A_1107 : vector<16xf32>
        %mul3A_1109 = arith.mulf %add3A_1108, %sub3A_1097 : vector<16xf32>
        %add3A_1110 = arith.constant -0.249701381 : f32
        %add3A_1111 = vector.broadcast %add3A_1110 : f32 to vector<16xf32>
        %add3A_1112 = arith.addf %mul3A_1109, %add3A_1111 : vector<16xf32>
        %mul3A_1113 = arith.mulf %add3A_1112, %sub3A_1097 : vector<16xf32>
        %add3A_1114 = arith.constant 0.333314836 : f32
        %add3A_1115 = vector.broadcast %add3A_1114 : f32 to vector<16xf32>
        %add3A_1116 = arith.addf %mul3A_1113, %add3A_1115 : vector<16xf32>
        %convert_element_type3A_1117 = arith.sitofp %shift_right_arithmetic3A_1089 : vector<16xi32> to vector<16xf32>
        %mul3A_1118 = arith.constant 0.693147182 : f32
        %mul3A_1119 = vector.broadcast %mul3A_1118 : f32 to vector<16xf32>
        %mul3A_1120 = arith.mulf %convert_element_type3A_1117, %mul3A_1119 : vector<16xf32>
        %mul3A_1121 = arith.constant 5.000000e-01 : f32
        %mul3A_1122 = vector.broadcast %mul3A_1121 : f32 to vector<16xf32>
        %mul3A_1123 = arith.mulf %mul3A_1122, %mul3A_1098 : vector<16xf32>
        %sub3A_1124 = arith.subf %sub3A_1097, %mul3A_1123 : vector<16xf32>
        %mul3A_1125 = arith.mulf %mul3A_1098, %sub3A_1097 : vector<16xf32>
        %mul3A_1126 = arith.mulf %mul3A_1125, %add3A_1116 : vector<16xf32>
        %add3A_1127 = arith.addf %sub3A_1124, %mul3A_1126 : vector<16xf32>
        %add3A_1128 = arith.addf %mul3A_1120, %add3A_1127 : vector<16xf32>
        %add3A_1129 = arith.constant 1.000000e-10 : f32
        %add3A_1130 = vector.broadcast %add3A_1129 : f32 to vector<16xf32>
        %add3A_1131 = arith.addf %get3A_1079, %add3A_1130 : vector<16xf32>
        %bitcast3A_1132 = vector.bitcast %add3A_1131 : vector<16xf32> to vector<16xi32>
        %sub3A_1133 = arith.constant 1060439283 : i32
        %sub3A_1134 = vector.broadcast %sub3A_1133 : i32 to vector<16xi32>
        %sub3A_1135 = arith.subi %bitcast3A_1132, %sub3A_1134 : vector<16xi32>
        %shift_right_arithmetic3A_1136 = arith.constant 23 : i32
        %shift_right_arithmetic3A_1137 = vector.broadcast %shift_right_arithmetic3A_1136 : i32 to vector<16xi32>
        %shift_right_arithmetic3A_1138 = arith.shrsi %sub3A_1135, %shift_right_arithmetic3A_1137 : vector<16xi32>
        %shift_left3A_1139 = arith.constant 23 : i32
        %shift_left3A_1140 = vector.broadcast %shift_left3A_1139 : i32 to vector<16xi32>
        %shift_left3A_1141 = arith.shli %shift_right_arithmetic3A_1138, %shift_left3A_1140 : vector<16xi32>
        %sub3A_1142 = arith.subi %bitcast3A_1132, %shift_left3A_1141 : vector<16xi32>
        %bitcast3A_1143 = vector.bitcast %sub3A_1142 : vector<16xi32> to vector<16xf32>
        %sub3A_1144 = arith.constant 1.000000e+00 : f32
        %sub3A_1145 = vector.broadcast %sub3A_1144 : f32 to vector<16xf32>
        %sub3A_1146 = arith.subf %bitcast3A_1143, %sub3A_1145 : vector<16xf32>
        %mul3A_1147 = arith.mulf %sub3A_1146, %sub3A_1146 : vector<16xf32>
        %mul3A_1148 = arith.constant 0.124855869 : f32
        %mul3A_1149 = vector.broadcast %mul3A_1148 : f32 to vector<16xf32>
        %mul3A_1150 = arith.mulf %mul3A_1149, %sub3A_1146 : vector<16xf32>
        %add3A_1151 = arith.constant -0.180304527 : f32
        %add3A_1152 = vector.broadcast %add3A_1151 : f32 to vector<16xf32>
        %add3A_1153 = arith.addf %mul3A_1150, %add3A_1152 : vector<16xf32>
        %mul3A_1154 = arith.mulf %add3A_1153, %sub3A_1146 : vector<16xf32>
        %add3A_1155 = arith.constant 0.201997131 : f32
        %add3A_1156 = vector.broadcast %add3A_1155 : f32 to vector<16xf32>
        %add3A_1157 = arith.addf %mul3A_1154, %add3A_1156 : vector<16xf32>
        %mul3A_1158 = arith.mulf %add3A_1157, %sub3A_1146 : vector<16xf32>
        %add3A_1159 = arith.constant -0.249701381 : f32
        %add3A_1160 = vector.broadcast %add3A_1159 : f32 to vector<16xf32>
        %add3A_1161 = arith.addf %mul3A_1158, %add3A_1160 : vector<16xf32>
        %mul3A_1162 = arith.mulf %add3A_1161, %sub3A_1146 : vector<16xf32>
        %add3A_1163 = arith.constant 0.333314836 : f32
        %add3A_1164 = vector.broadcast %add3A_1163 : f32 to vector<16xf32>
        %add3A_1165 = arith.addf %mul3A_1162, %add3A_1164 : vector<16xf32>
        %convert_element_type3A_1166 = arith.sitofp %shift_right_arithmetic3A_1138 : vector<16xi32> to vector<16xf32>
        %mul3A_1167 = arith.constant 0.693147182 : f32
        %mul3A_1168 = vector.broadcast %mul3A_1167 : f32 to vector<16xf32>
        %mul3A_1169 = arith.mulf %convert_element_type3A_1166, %mul3A_1168 : vector<16xf32>
        %mul3A_1170 = arith.constant 5.000000e-01 : f32
        %mul3A_1171 = vector.broadcast %mul3A_1170 : f32 to vector<16xf32>
        %mul3A_1172 = arith.mulf %mul3A_1171, %mul3A_1147 : vector<16xf32>
        %sub3A_1173 = arith.subf %sub3A_1146, %mul3A_1172 : vector<16xf32>
        %mul3A_1174 = arith.mulf %mul3A_1147, %sub3A_1146 : vector<16xf32>
        %mul3A_1175 = arith.mulf %mul3A_1174, %add3A_1165 : vector<16xf32>
        %add3A_1176 = arith.addf %sub3A_1173, %mul3A_1175 : vector<16xf32>
        %add3A_1177 = arith.addf %mul3A_1169, %add3A_1176 : vector<16xf32>
        %sub3A_1178 = arith.subf %get3A_1075, %get3A_1073 : vector<16xf32>
        %mul3A_1179 = arith.constant 2.000000e+00 : f32
        %mul3A_1180 = vector.broadcast %mul3A_1179 : f32 to vector<16xf32>
        %mul3A_1181 = arith.mulf %sub3A_1178, %mul3A_1180 : vector<16xf32>
        %exp3A_1182 = math.exp %mul3A_1181 : vector<16xf32>
        %mul3A_1183 = arith.mulf %add3A_1128, %add3A_1128 : vector<16xf32>
        %mul3A_1184 = arith.mulf %exp3A_1182, %mul3A_1183 : vector<16xf32>
        %mul3A_1185 = arith.mulf %add3A_1177, %add3A_1177 : vector<16xf32>
        %add3A_1186 = arith.addf %mul3A_1185, %mul3A_1184 : vector<16xf32>
        %div3A_1187 = arith.divf %mul3A_1185, %add3A_1186 : vector<16xf32>
        %le3A_1188 = arith.cmpf ole, %mul3A_1184, %mul3A_1185 : vector<16xf32>
        %jit3A_1189 = arith.constant 1.000000e+00 : f32
        %jit3A_1190 = arith.constant 0.000000e+00 : f32
        %broadcast_in_dim3A_1191 = vector.broadcast %jit3A_1189 : f32 to vector<16xf32>
        %broadcast_in_dim3A_1192 = vector.broadcast %jit3A_1190 : f32 to vector<16xf32>
        %select_n3A_1193 = arith.select %le3A_1188, %broadcast_in_dim3A_1191, %broadcast_in_dim3A_1192 : vector<16xi1>, vector<16xf32>
        %swap3A_1194 = arith.index_cast %add3A_1069 : i32 to index
        %swap3A_1195 = tpu.vector_load %arg13[%swap3A_1194] {strides = array<i32>} : memref<8192xf32, #tpu.memory_space<vmem>>, vector<16xf32>,
        tpu.vector_store %arg13[%swap3A_1194], %div3A_1187 {strides = array<i32>} : memref<8192xf32, #tpu.memory_space<vmem>>, vector<16xf32>,
        %sub3A_1196 = arith.constant 1.000000e+00 : f32
        %sub3A_1197 = vector.broadcast %sub3A_1196 : f32 to vector<16xf32>
        %sub3A_1198 = arith.subf %sub3A_1197, %div3A_1187 : vector<16xf32>
        %swap3A_1199 = arith.index_cast %add3A_1071 : i32 to index
        %swap3A_1200 = tpu.vector_load %arg13[%swap3A_1199] {strides = array<i32>} : memref<8192xf32, #tpu.memory_space<vmem>>, vector<16xf32>,
        tpu.vector_store %arg13[%swap3A_1199], %sub3A_1198 {strides = array<i32>} : memref<8192xf32, #tpu.memory_space<vmem>>, vector<16xf32>,
        %swap3A_1201 = arith.index_cast %add3A_1069 : i32 to index
        %swap3A_1202 = tpu.vector_load %arg12[%swap3A_1201] {strides = array<i32>} : memref<8192xf32, #tpu.memory_space<vmem>>, vector<16xf32>,
        tpu.vector_store %arg12[%swap3A_1201], %select_n3A_1193 {strides = array<i32>} : memref<8192xf32, #tpu.memory_space<vmem>>, vector<16xf32>,
        %sub3A_1203 = arith.constant 1.000000e+00 : f32
        %sub3A_1204 = vector.broadcast %sub3A_1203 : f32 to vector<16xf32>
        %sub3A_1205 = arith.subf %sub3A_1204, %select_n3A_1193 : vector<16xf32>
        %swap3A_1206 = arith.index_cast %add3A_1071 : i32 to index
        %swap3A_1207 = tpu.vector_load %arg12[%swap3A_1206] {strides = array<i32>} : memref<8192xf32, #tpu.memory_space<vmem>>, vector<16xf32>,
        tpu.vector_store %arg12[%swap3A_1206], %sub3A_1205 {strides = array<i32>} : memref<8192xf32, #tpu.memory_space<vmem>>, vector<16xf32>,
      }
      %scan3A_82 = arith.constant 32 : i32
      %mul3A_83 = arith.constant 8192 : i32
      %mul3A_84 = arith.muli %add3A_64, %mul3A_83 : i32
      %add3A_85 = arith.addi %mul3A_2, %mul3A_84 : i32
      %dma_start3A_86 = tpu.memref_slice %arg4[%add3A_85] : memref<33554432xf32, #tpu.memory_space<hbm>> -> memref<8192xf32, #tpu.memory_space<hbm>>
      %dma_start3A_87 = tpu.memref_slice %arg4[%add3A_85] : memref<33554432xf32, #tpu.memory_space<hbm>> -> memref<8192xf32, #tpu.memory_space<hbm>>
      tpu.enqueue_dma source(%arg12 : memref<8192xf32, #tpu.memory_space<vmem>>) target(%dma_start3A_87 : memref<8192xf32, #tpu.memory_space<hbm>>) target_semaphore(%arg17 : memref<!tpu.dma_semaphore, #tpu.memory_space<semaphore_mem>>)
      %dma_start3A_88 = tpu.memref_slice %arg5[%add3A_85] : memref<33554432xf32, #tpu.memory_space<hbm>> -> memref<8192xf32, #tpu.memory_space<hbm>>
      %dma_start3A_89 = tpu.memref_slice %arg5[%add3A_85] : memref<33554432xf32, #tpu.memory_space<hbm>> -> memref<8192xf32, #tpu.memory_space<hbm>>
      tpu.enqueue_dma source(%arg13 : memref<8192xf32, #tpu.memory_space<vmem>>) target(%dma_start3A_89 : memref<8192xf32, #tpu.memory_space<hbm>>) target_semaphore(%arg17 : memref<!tpu.dma_semaphore, #tpu.memory_space<semaphore_mem>>)
      %add3A_90 = arith.constant 2 : i32
      %add3A_91 = arith.addi %add3A_64, %add3A_90 : i32
      %lt3A_92 = arith.constant 128 : i32
      %lt3A_93 = arith.cmpi slt, %add3A_91, %lt3A_92 : i32
      %convert_element_type3A_94 = arith.extui %lt3A_93 : i1 to i32
      %cond3A_95 = arith.constant 0 : i32
      %cond3A_96 = arith.cmpi ne, %convert_element_type3A_94, %cond3A_95 : i32
      scf.if %cond3A_96 {
        %add3A_97 = arith.constant 2 : i32
        %add3A_98 = arith.addi %add3A_64, %add3A_97 : i32
        %mul3A_99 = arith.constant 8192 : i32
        %mul3A_100 = arith.muli %add3A_98, %mul3A_99 : i32
        %add3A_101 = arith.addi %mul3A_2, %mul3A_100 : i32
        %dma_start3A_102 = tpu.memref_slice %arg2[%add3A_101] : memref<33554432xf32, #tpu.memory_space<hbm>> -> memref<8192xf32, #tpu.memory_space<hbm>>
        %dma_start3A_103 = tpu.memref_slice %arg2[%add3A_101] : memref<33554432xf32, #tpu.memory_space<hbm>> -> memref<8192xf32, #tpu.memory_space<hbm>>
        tpu.enqueue_dma source(%dma_start3A_103 : memref<8192xf32, #tpu.memory_space<hbm>>) target(%arg10 : memref<8192xf32, #tpu.memory_space<vmem>>) target_semaphore(%arg15 : memref<!tpu.dma_semaphore, #tpu.memory_space<semaphore_mem>>)
        %dma_start3A_104 = tpu.memref_slice %arg3[%add3A_101] : memref<33554432xf32, #tpu.memory_space<hbm>> -> memref<8192xf32, #tpu.memory_space<hbm>>
        %dma_start3A_105 = tpu.memref_slice %arg3[%add3A_101] : memref<33554432xf32, #tpu.memory_space<hbm>> -> memref<8192xf32, #tpu.memory_space<hbm>>
        tpu.enqueue_dma source(%dma_start3A_105 : memref<8192xf32, #tpu.memory_space<hbm>>) target(%arg11 : memref<8192xf32, #tpu.memory_space<vmem>>) target_semaphore(%arg15 : memref<!tpu.dma_semaphore, #tpu.memory_space<semaphore_mem>>)
      } else {
      }
    }
    %scan3A_18 = arith.constant 64 : i32
    %add3A_19 = arith.constant 1032192 : i32
    %add3A_20 = arith.addi %mul3A_2, %add3A_19 : i32
    %dma_wait3A = tpu.memref_slice %arg4[%add3A_20] : memref<33554432xf32, #tpu.memory_space<hbm>> -> memref<8192xf32, #tpu.memory_space<hbm>>
    %dma_wait3A_21 = tpu.memref_slice %arg4[%add3A_20] : memref<33554432xf32, #tpu.memory_space<hbm>> -> memref<8192xf32, #tpu.memory_space<hbm>>
    tpu.wait_dma2 semaphore(%arg16 : memref<!tpu.dma_semaphore, #tpu.memory_space<semaphore_mem>>) src(%arg8 : memref<8192xf32, #tpu.memory_space<vmem>>) dst(%dma_wait3A_21 : memref<8192xf32, #tpu.memory_space<hbm>>)
    %dma_wait3A_22 = tpu.memref_slice %arg5[%add3A_20] : memref<33554432xf32, #tpu.memory_space<hbm>> -> memref<8192xf32, #tpu.memory_space<hbm>>
    %dma_wait3A_23 = tpu.memref_slice %arg5[%add3A_20] : memref<33554432xf32, #tpu.memory_space<hbm>> -> memref<8192xf32, #tpu.memory_space<hbm>>
    tpu.wait_dma2 semaphore(%arg16 : memref<!tpu.dma_semaphore, #tpu.memory_space<semaphore_mem>>) src(%arg9 : memref<8192xf32, #tpu.memory_space<vmem>>) dst(%dma_wait3A_23 : memref<8192xf32, #tpu.memory_space<hbm>>)
    %add3A_24 = arith.constant 1040384 : i32
    %add3A_25 = arith.addi %mul3A_2, %add3A_24 : i32
    %dma_wait3A_26 = tpu.memref_slice %arg4[%add3A_25] : memref<33554432xf32, #tpu.memory_space<hbm>> -> memref<8192xf32, #tpu.memory_space<hbm>>
    %dma_wait3A_27 = tpu.memref_slice %arg4[%add3A_25] : memref<33554432xf32, #tpu.memory_space<hbm>> -> memref<8192xf32, #tpu.memory_space<hbm>>
    tpu.wait_dma2 semaphore(%arg17 : memref<!tpu.dma_semaphore, #tpu.memory_space<semaphore_mem>>) src(%arg12 : memref<8192xf32, #tpu.memory_space<vmem>>) dst(%dma_wait3A_27 : memref<8192xf32, #tpu.memory_space<hbm>>)
    %dma_wait3A_28 = tpu.memref_slice %arg5[%add3A_25] : memref<33554432xf32, #tpu.memory_space<hbm>> -> memref<8192xf32, #tpu.memory_space<hbm>>
    %dma_wait3A_29 = tpu.memref_slice %arg5[%add3A_25] : memref<33554432xf32, #tpu.memory_space<hbm>> -> memref<8192xf32, #tpu.memory_space<hbm>>
    tpu.wait_dma2 semaphore(%arg17 : memref<!tpu.dma_semaphore, #tpu.memory_space<semaphore_mem>>) src(%arg13 : memref<8192xf32, #tpu.memory_space<vmem>>) dst(%dma_wait3A_29 : memref<8192xf32, #tpu.memory_space<hbm>>)
    return
  }
}

</mosaic_0001>

<sc_bundles>
// kernel: kernel.3.cloned.1.call-start
scs
__scs_entry_jumppad:
0x0: {  	(pc) =	sbr.rel $0x88, $3  }
0x1: {  	(tag) =	ssettag $0x0;
	lr =	simm.s32 $0x1  }
0x2: {  	[smem:$0x3F9F] =	sst lr;
	_ =	strace $0xD0000000  }
0x3: {  	_ = 	snop  }
0x4: {  	_ = 	snop  }
0x5: {  	_ = 	snop  }
0x6: {  	_ = 	snop  }
0x7: {  	_ = 	snop  }
__scs_overlays_trampoline_lowered:
0x8: {  	[smem:$0x3FAE] =	sst s0  }
0x9: {  	[smem:$0x3FAF] =	sst s1  }
0xa: {  	[smem:$0x3FB0] =	sst s2  }
0xb: {  	[smem:$0x3FB1] =	sst s3  }
0xc: {  	[smem:$0x3FB2] =	sst s4  }
0xd: {  	[smem:$0x3FB3] =	sst s5  }
0xe: {  	[smem:$0x3FB4] =	sst s6  }
0xf: {  	[smem:$0x3FB5] =	sst s7  }
0x10: {  	[smem:$0x3FB6] =	sst s8  }
0x11: {  	[smem:$0x3FB7] =	sst s9;
	s0 =	simm.s32 @!p0 $0x0  }
0x12: {  	s1 =	sld [smem:$0x3F9D];
	s0 =	simm.s32 @p0 $0x1  }
0x13: {  	[smem:$0x3FB8] =	sst s0;
	s0 =	simm.s32 @!p1 $0x0  }
0x14: {  	s2 =	sld [smem:$0x3F9C];
	s0 =	simm.s32 @p1 $0x1  }
0x15: {  	[smem:$0x3FB9] =	sst s0;
	s0 =	simm.s32 @!p2 $0x0  }
0x16: {  	s3 =	sld [smem:$0x3FDB];
	s0 =	simm.s32 @p2 $0x1  }
0x17: {  	s4 =	simm.s32 $0x1BF5;
	[smem:$0x3FBB] =	sst s0  }
0x18: {  	s0 =	sld [smem:$0x3F9E];
	_ =	swait.ge [sflag:s4], $0x0  }
0x19: {  	s7 =	sld [smem:$0x3F9F]  }
0x1a: {  	s8 =	sadd.s32 $0xFFFFE003, lr  }
0x1b: {  	s9 =	sadd.s32 $0xFFFFFEF7, lr;
	s5 =	simm.s32 $0xFFFFFFFF;
	p2 =	slt.u32 s8, $0xFFFFF086  }
0x1c: {  	p1 =	slt.u32 s9, $0xF7A;
	s5 =	simm.s32 @!p2 $0x0  }
0x1d: {  	s5 =	simm.s32 @p1 $0x1;
	p0 =	seq.s32 s7, s2  }
0x1e: {  	s7 =	smul.u32 @!p0 $0xF7A, s2;
	p2 =	seq.s32 @!p0 s5, $0x0  }
0x1f: {  	s9 =	smul.u32 $0xF7A, s1;
	s8 =	simm.s32 @!p0 $0x1BF5;
	p2 =	por !p2, p0  }
0x20: {  	[sflag:s8] =	ssyncset.s32 @!p0 $0xFFFFF086;
	s6 =	sadd.s32 @!p0 s3, s7;
	s7 =	simm.s32 @!p0 $0x108  }
0x21: {  	s3 =	sadd.s32 s3, s9;
	s6 =	sadd.s32 @!p0 $0x88, s6;
	s7 =	simm.s32 @p2 $0x1082  }
0x22: {  	[simem:s7], [sflag:s8] =	dma.local @!p0 [hbm:s6], $0xF7A  }
0x23: {  	s9 =	sor.u32 $0xD0000000, s2;
	s6 =	simm.s32 $0x108;
	_ =	swait.ge @!p0 [sflag:s8], $0x0  }
0x24: {  	s3 =	sadd.s32 $0x88, s3;
	s6 =	simm.s32 @!p1 $0x1082;
	[sflag:s4] =	ssyncset.s32 $0xFFFFF086  }
0x25: {  	[simem:s6], [sflag:s4] =	dma.local [hbm:s3], $0xF7A  }
0x26: {  	[smem:$0x3F9F] =	sst s1;
	(tag) =	ssettag s2;
	_ =	strace s9  }
0x27: {  	s1 =	sld [smem:$0x3FAF]  }
0x28: {  	s2 =	sld [smem:$0x3FB0]  }
0x29: {  	s4 =	sld [smem:$0x3FB2]  }
0x2a: {  	p0 =	seq.s32 s5, $0x0;
	s5 =	sld [smem:$0x3FB3]  }
0x2b: {  	s6 =	sld [smem:$0x3FB4]  }
0x2c: {  	s7 =	sld [smem:$0x3FB5]  }
0x2d: {  	s3 =	simm.s32 $0x108;
	s8 =	sld [smem:$0x3FB6]  }
0x2e: {  	s3 =	simm.s32 @!p0 $0x1082;
	s9 =	sld [smem:$0x3FB7]  }
0x2f: {  	lr =	sadd.s32 s0, s3;
	s0 =	sld [smem:$0x3FAE]  }
0x30: {  	s3 =	sld [smem:$0x3FB1]  }
0x31: {  	[smem:$0x3FBA] =	sst s10  }
0x32: {  	s10 =	sld [smem:$0x3FB8];
	_ =	sdelay $0x3  }
0x33: {  	p0 =	seq.s32 s10, $0x1;
	s10 =	sld [smem:$0x3FBA];
	_ =	sdelay $0x3  }
0x34: {  	[smem:$0x3FBA] =	sst s10  }
0x35: {  	s10 =	sld [smem:$0x3FB9];
	_ =	sdelay $0x3  }
0x36: {  	p1 =	seq.s32 s10, $0x1;
	s10 =	sld [smem:$0x3FBA];
	_ =	sdelay $0x3  }
0x37: {  	[smem:$0x3FBA] =	sst s10  }
0x38: {  	s10 =	sld [smem:$0x3FBB]  }
0x39: {  	_ = 	snop;
	(pc) =	sbr.ind lr, $3  }
0x3a: {  	_ = 	snop  }
0x3b: {  	_ = 	snop  }
0x3c: {  	p2 =	seq.s32 s10, $0x1;
	s10 =	sld [smem:$0x3FBA]  }
0x3d: {  	_ =	shalt  }
0x3e: {  	_ =	shalt  }
0x3f: {  	_ =	shalt  }
0x40: {  	_ =	shalt  }
0x41: {  	_ =	shalt  }
0x42: {  	_ =	shalt  }
0x43: {  	_ =	shalt  }
0x44: {  	_ =	shalt  }
0x45: {  	_ =	shalt  }
0x46: {  	_ =	shalt  }
0x47: {  	_ =	shalt  }
0x48: {  	_ =	shalt  }
0x49: {  	_ =	shalt  }
0x4a: {  	_ =	shalt  }
0x4b: {  	_ =	shalt  }
0x4c: {  	_ =	shalt  }
0x4d: {  	_ =	shalt  }
0x4e: {  	_ =	shalt  }
0x4f: {  	_ =	shalt  }
0x50: {  	_ =	shalt  }
0x51: {  	_ =	shalt  }
0x52: {  	_ =	shalt  }
0x53: {  	_ =	shalt  }
0x54: {  	_ =	shalt  }
0x55: {  	_ =	shalt  }
0x56: {  	_ =	shalt  }
0x57: {  	_ =	shalt  }
0x58: {  	_ =	shalt  }
0x59: {  	_ =	shalt  }
0x5a: {  	_ =	shalt  }
0x5b: {  	_ =	shalt  }
0x5c: {  	_ =	shalt  }
0x5d: {  	_ =	shalt  }
0x5e: {  	_ =	shalt  }
0x5f: {  	_ =	shalt  }
0x60: {  	_ =	shalt  }
0x61: {  	_ =	shalt  }
0x62: {  	_ =	shalt  }
0x63: {  	_ =	shalt  }
0x64: {  	_ =	shalt  }
0x65: {  	_ =	shalt  }
0x66: {  	_ =	shalt  }
0x67: {  	_ =	shalt  }
0x68: {  	_ =	shalt  }
0x69: {  	_ =	shalt  }
0x6a: {  	_ =	shalt  }
0x6b: {  	_ =	shalt  }
0x6c: {  	_ =	shalt  }
0x6d: {  	_ =	shalt  }
0x6e: {  	_ =	shalt  }
0x6f: {  	_ =	shalt  }
0x70: {  	_ =	shalt  }
0x71: {  	_ =	shalt  }
0x72: {  	_ =	shalt  }
0x73: {  	_ =	shalt  }
0x74: {  	_ =	shalt  }
0x75: {  	_ =	shalt  }
0x76: {  	_ =	shalt  }
0x77: {  	_ =	shalt  }
0x78: {  	_ =	shalt  }
0x79: {  	_ =	shalt  }
0x7a: {  	_ =	shalt  }
0x7b: {  	_ =	shalt  }
0x7c: {  	_ =	shalt  }
0x7d: {  	_ =	shalt  }
0x7e: {  	_ =	shalt  }
0x7f: {  	_ =	shalt  }
0x80: {  	_ =	shalt  }
0x81: {  	_ =	shalt  }
0x82: {  	_ =	shalt  }
0x83: {  	_ =	shalt  }
0x84: {  	_ =	shalt  }
0x85: {  	_ =	shalt  }
0x86: {  	_ =	shalt  }
0x87: {  	_ =	shalt  }
.Lfunc_end0:
.L_simem_size_0:
called_computation_lowered:
.L_overlay_start_0:
0x88: {  	s2 =	sld [smem:$0x3FD9]  }
0x89: {  	s3 =	sld [smem:$0x3FFE];
	_ =	sdelay $0x1  }
0x8a: {  	s1 =	srdreg.scid  }
0x8b: {  	s0 =	sand.u32 $0x1, s1  }
0x8c: {  	s15 =	sshll.u32 s0, $0xA;
	s2 =	sadd.s32 s3, s2  }
0x8d: {  	s2 =	sadd.s32 s2, s15  }
0x8e: {  	[smem:$0x3FC6] =	sst s2  }
0x8f: {  	_ = 	snop  }
0x90: {  	s2 =	sld [smem:$0x3FD0];
	_ =	sdelay $0x1  }
0x91: {  	s16 =	sld [smem:$0x3FC9]  }
0x92: {  	s5 =	simm.s32 $0xA;
	s6 =	simm.s32 $0x10;
	s4 =	sld [smem:$0x3FC8]  }
0x93: {  	[smem:s6], [sflag:s5] =	dma.local [hbm:s2], $0x1  }
0x94: {  	_ =	swait.eq [sflag:s5], $0x1  }
0x95: {  	[sflag:s5] =	ssyncset.done $0x0  }
0x96: {  	s17 =	sld [smem:$0x10];
	[sflag:s5] =	ssyncadd.s32 $0xFFFFFFFF  }
0x97: {  	s18 =	sld [smem:$0x11];
	(tm) =	ssettm $0x1  }
0x98: {  	s19 =	sld [smem:$0x3FFB];
	_ =	sdelay $0x3  }
0x99: {  	_ =	strace s19  }
0x9a: {  	s6 =	sld [smem:$0x3FFC];
	_ =	sdelay $0x3  }
0x9b: {  	_ =	strace s6  }
0x9c: {  	s6 =	sld [smem:$0x3FFD];
	_ =	sdelay $0x3  }
0x9d: {  	_ =	strace s6  }
0x9e: {  	_ =	strace $0x8FFFFFFF  }
0x9f: {  	s20 =	sld [smem:$0x3FDB];
	_ =	sdelay $0x1  }
0xa0: {  	s7 =	simm.s32 $_scs_section_size  }
0xa1: {  	s8 =	simm.s32 $_size__tile_overlayer_lowered;
	s9 =	simm.s32 $_tile_overlayer_lowered  }
0xa2: {  	s23 =	simm.s32 $0x1BFF;
	s22 =	sshll.u32 s9, $0x1;
	s6 =	sadd.s32 s7, s20  }
0xa3: {  	s10 =	simm.s32 $0x0;
	s21 =	sshll.u32 s8, $0x1;
	s8 =	sadd.s32 s22, s6  }
0xa4: {  	[timem:s10], [sflag:s23] =	dma.local [hbm:s8], s21  }
0xa5: {  	_ =	swait.ge [sflag:s23], s21  }
0xa6: {  	s7 =	ssub.s32 $0x0, s21;
	[sflag:s23] =	ssyncset.done $0x0  }
0xa7: {  	[sflag:s23] =	ssyncadd.s32 s7;
	_ =	sdelay $0x1  }
0xa8: {  	s24 =	simm.s32 $0x1B8B  }
0xa9: {  	_ =	swait.ge [sflag:s24], $0x1  }
0xaa: {  	[sflag:s24] =	ssyncset.done $0x0  }
0xab: {  	s25 =	simm.s32 $0x1B8E;
	[sflag:s24] =	ssyncadd.s32 $0xFFFFFFFF  }
0xac: {  	s26 =	simm.s32 $execute0_lowered;
	[smem:$0x3FD2] =	sst s25  }
0xad: {  	s7 =	sshll.u32 s26, $0x1;
	_ =	strace $0x80000046;
	[dreg:$0x1] =	wrdreg $0xFFFFFFFF  }
0xae: {  	s28 =	simm.s32 $_size_execute0_lowered;
	s6 =	sadd.s32 s6, s7;
	[dreg:$0x0] =	wrdreg $0x0  }
0xaf: {  	s7 =	sshll.u32 s28, $0x1;
	[dreg:$0x2] =	wrdreg s6  }
0xb0: {  	[dreg:$0x3] =	wrdreg s7  }
0xb1: {  	[dreg:$0x4] =	wrdreg $0xC0  }
0xb2: {  	_ =	task [dreg:s10], $0x5FFFF  }
0xb3: {  	[dreg:$0x1] =	wrdreg $0xFFFFFFFF  }
0xb4: {  	[dreg:$0x0] =	wrdreg $0x60  }
0xb5: {  	[dreg:$0x2] =	wrdreg s16  }
0xb6: {  	[dreg:$0x3] =	wrdreg s4  }
0xb7: {  	[dreg:$0x4] =	wrdreg s17  }
0xb8: {  	[dreg:$0x5] =	wrdreg s18  }
0xb9: {  	[dreg:$0x6] =	wrdreg $0x9  }
0xba: {  	_ =	task.clear_ibuf [dreg:s10], $0x7FFFF;
	_ =	strace $0x90000046  }
0xbb: {  	s29 =	simm.s32 $0x9;
	_ =	strace $0x80000048  }
0xbc: {  	_ =	swait.ge [sflag:s29], $0x1  }
0xbd: {  	[sflag:s29] =	ssyncadd.s32 $0xFFFFFFFF  }
0xbe: {  	_ =	strace $0x90000048  }
0xbf: {  	_ =	sfence  }
0xc0: {  	s30 =	sld [smem:$0x0];
	_ =	sdelay $0x2  }
0xc1: {  	s31 =	sshll.u32 s1, $0xD;
	s1 =	sshrl.u32 s1, $0x2  }
0xc2: {  	s3 =	sand.u32 $0x4000, s31;
	s1 =	sadd.s32 s1, s30  }
0xc3: {  	s0 =	sor.u32 s3, s0;
	s1 =	sshll.u32 s1, $0x11  }
0xc4: {  	s0 =	sor.u32 s1, s0  }
0xc5: {  	s0 =	sadd.s32 $0x8F2B, s0  }
0xc6: {  	[sflag:s0] =	ssyncadd.remote.s32 $0x1  }
0xc7: {  	_ =	sfence.sel $0xFFFF  }
0xc8: {  	[dreg:$0x0] =	wrdreg $0xFFFFFFFF;
	(pc) =	sbr.abs _section_cstart, $3  }
0xc9: {  	[dreg:$0x1] =	wrdreg $0xFFFFFFFF  }
0xca: {  	_ =	task.clear_ibuf [dreg:s10], $0x2FFFF;
	_ =	strace $0x9FFFFFFF  }
0xcb: {  	(tm) =	ssettm $0x7FFFFFFF  }
tec
execute0_lowered:
.L_overlay_start_1:
0x0: {  	(tag) =	ssettag $0x1  }
0x1: {  	s1 =	rddreg [dreg:$0x0]  }
0x2: {  	s2 =	rddreg [dreg:$0x1]  }
0x3: {  	s4 =	rddreg [dreg:$0x2]  }
0x4: {  	s5 =	rddreg [dreg:$0x3];
	s0 =	srdreg.scid  }
0x5: {  	s3 =	stileid.u32;
	s6 =	simm.s32 $0x0;
	s15 =	simm.s32 $0x2000  }
0x6: {  	s16 =	simm.s32 $0x8000;
	s17 =	simm.s32 $0xA000;
	s18 =	simm.s32 $0x1  }
0x7: {  	s19 =	simm.s32 $0x4000;
	s20 =	simm.s32 $0x6000;
	s21 =	simm.s32 $0x2  }
0x8: {  	s22 =	simm.s32 $0xC000;
	s23 =	simm.s32 $0xE000;
	s24 =	simm.s32 $0x3  }
0x9: {  	s25 =	simm.s32 $0x4;
	s26 =	simm.s32 $0x0;
	s0 =	sand.u32 $0x1, s0  }
0xa: {  	s3 =	sshll.u32 s3, $0x15;
	[smem:$0x7FF] =	sst s6;
	s7 =	sshll.u32 s0, $0x14  }
.Ltmp0:
0xb: {  	s0 =	ssub.s32 $0x2, s0;
	s7 =	sor.u32 s7, s3;
	(pc) =	sbr.rel .LBB2_1-.Ltmp0, $4  }
0xc: {  	_ =	strace $0x80000047;
	s30 =	sshrl.u32 s0, $0x1;
	s9 =	sshrl.u32 s7, $0x3  }
0xd: {  	s0 =	ssub.s32 s0, s30;
	s12 =	sor.u32 $0x4000, s7;
	s13 =	sor.u32 $0x6000, s7  }
0xe: {  	s8 =	sadd.s32 s1, s9;
	s31 =	sor.u32 $0x400, s9;
	s9 =	sadd.s32 s2, s9  }
0xf: {  	v51 =	vimm.f32 $0.0e+00;
	s14 =	smax.u32 s0, $0x1;
	s10 =	sadd.s32 s1, s31;
	s11 =	sadd.s32 s2, s31  }
.LBB2_8:
0x10: {  	_ =	swait.ge [sflag:s24], $0x2000  }
0x11: {  	[sflag:s24] =	ssyncset.done $0x0  }
0x12: {  	[sflag:s24] =	ssyncadd.s32 $0xFFFFE000  }
0x13: {  	_ =	swait.ge [sflag:s24], $0x2000  }
0x14: {  	[sflag:s24] =	ssyncset.done $0x0  }
0x15: {  	s26 =	sadd.s32 $0x1, s26;
	[sflag:s24] =	ssyncadd.s32 $0xFFFFE000  }
0x16: {  	p0 =	sne.s32 s26, s14;
	_ =	swait.ge [sflag:s25], $0x2000  }
.Ltmp1:
0x17: {  	[sflag:s25] =	ssyncset.done $0x0;
	(pc) =	sbr.rel @!p0 .LBB2_9-.Ltmp1, $4  }
0x18: {  	[sflag:s25] =	ssyncadd.s32 $0xFFFFE000  }
0x19: {  	_ =	swait.ge [sflag:s25], $0x2000  }
0x1a: {  	[sflag:s25] =	ssyncset.done $0x0  }
0x1b: {  	[sflag:s25] =	ssyncadd.s32 $0xFFFFE000  }
.LBB2_1:
0x1c: {  	[tilespmem:s6], [sflag:$0x1] =	stream.linear.gather [hbm4b:s8+s6], $0x2000, $0x38;
	[tilespmem:$0x10000] =	vst v63  }
0x1d: {  	_ = 	snop  }
0x1e: {  	[tilespmem:s15], [sflag:$0x1] =	stream.linear.gather [hbm4b:s9+s6], $0x2000, $0x38;
	[tilespmem:$0x10000] =	vst v63  }
0x1f: {  	_ = 	snop  }
0x20: {  	[tilespmem:s16], [sflag:$0x2] =	stream.linear.gather [hbm4b:s10+s6], $0x2000, $0x38;
	[tilespmem:$0x10000] =	vst v63  }
0x21: {  	s28 =	simm.s32 $0x0  }
0x22: {  	[tilespmem:s17], [sflag:$0x2] =	stream.linear.gather [hbm4b:s11+s6], $0x2000, $0x38;
	[tilespmem:$0x10000] =	vst v63  }
.LBB2_2:
0x23: {  	_ =	swait.ge [sflag:s18], $0x2000  }
0x24: {  	[sflag:s18] =	ssyncset.done $0x0  }
0x25: {  	[sflag:s18] =	ssyncadd.s32 $0xFFFFE000  }
0x26: {  	_ =	swait.ge [sflag:s18], $0x2000  }
0x27: {  	p0 =	seq.s32 s28, $0x0;
	[sflag:s18] =	ssyncset.done $0x0  }
0x28: {  	s0 =	simm.s32 @!p0 $0x3;
	[sflag:s18] =	ssyncadd.s32 $0xFFFFE000  }
0x29: {  	_ =	swait.ge @!p0 [sflag:s0], $0x2000  }
0x2a: {  	[sflag:s0] =	ssyncset.done @!p0 $0x0  }
0x2b: {  	[sflag:s0] =	ssyncadd.s32 @!p0 $0xFFFFE000  }
0x2c: {  	_ =	swait.ge @!p0 [sflag:s0], $0x2000  }
0x2d: {  	[sflag:s0] =	ssyncset.done @!p0 $0x0  }
0x2e: {  	s30 =	simm.s32 $0x0;
	[sflag:s0] =	ssyncadd.s32 @!p0 $0xFFFFE000  }
0x2f: {  	v1 =	vld [tilespmem:s30+$0x2070]  }
0x30: {  	v2 =	vld [tilespmem:s30+$0x2000]  }
0x31: {  	v3 =	vld [tilespmem:s30+$0x20F0]  }
0x32: {  	v5 =	vld [tilespmem:s30+$0x2010]  }
0x33: {  	v6 =	vld [tilespmem:s30+$0x2020]  }
0x34: {  	v7 =	vld [tilespmem:s30+$0x2030]  }
0x35: {  	v9 =	vld [tilespmem:s30+$0x2050]  }
0x36: {  	v13 =	vld [tilespmem:s30+$0x2080]  }
0x37: {  	v15 =	vld [tilespmem:s30+$0x2090]  }
0x38: {  	v18 =	vld [tilespmem:s30+$0x20A0]  }
0x39: {  	v20 =	vld [tilespmem:s30+$0x70]  }
0x3a: {  	v23 =	vld [tilespmem:s30+$0xF0]  }
0x3b: {  	v25 =	vld [tilespmem:s30+$0x20B0]  }
0x3c: {  	v28 =	vld [tilespmem:s30+$0x20C0];
	v1 =	vadd.f32 $1.000000010e-10, v1  }
0x3d: {  	v58 =	vld [tilespmem:s30+$0x0];
	v8 =	vadd.f32 $1.000000010e-10, v2;
	v3 =	vadd.f32 $1.000000010e-10, v3  }
0x3e: {  	v59 =	vld [tilespmem:s30+$0x80];
	v11 =	vadd.f32 $1.000000010e-10, v5;
	v14 =	vadd.f32 $1.000000010e-10, v6  }
0x3f: {  	v16 =	vadd.f32 $1.000000010e-10, v7;
	v9 =	vadd.f32 $1.000000010e-10, v9  }
0x40: {  	v29 =	vadd.f32 $1.000000010e-10, v13;
	v15 =	vadd.f32 $1.000000010e-10, v15  }
0x41: {  	v18 =	vadd.f32 $1.000000010e-10, v18;
	v20 =	vsub.f32 v23, v20  }
0x42: {  	v25 =	vadd.f32 $1.000000010e-10, v25;
	v28 =	vadd.f32 $1.000000010e-10, v28  }
0x43: {  	v58 =	vsub.f32 v59, v58;
	v10 =	vadd.s32 $0xC0CAFB0D, v1;
	v4 =	vadd.s32 $0xC0CAFB0D, v8  }
0x44: {  	v7 =	vadd.s32 $0xC0CAFB0D, v11;
	v6 =	vadd.s32 $0xC0CAFB0D, v9;
	v20 =	vadd.f32 v20, v20  }
0x45: {  	v2 =	vld [tilespmem:s30+$0x2040];
	v12 =	vand.u32 $0xFF800000, v10;
	v24 =	vand.u32 $0xFF800000, v4;
	v30 =	vand.u32 $0xFF800000, v7  }
0x46: {  	v5 =	vld [tilespmem:s30+$0x2060];
	v10 =	vshra.s32 v10, $0x17;
	v53 =	vand.u32 $0xFF800000, v6;
	v4 =	vshra.s32 v4, $0x17  }
0x47: {  	v13 =	vld [tilespmem:s30+$0x20D0];
	v7 =	vshra.s32 v7, $0x17;
	v6 =	vshra.s32 v6, $0x17;
	v1 =	vsub.s32 v1, v12  }
0x48: {  	v12 =	vadd.s32 $0xC0CAFB0D, v3;
	v20 =	vmul.f32 $1.442695020e+00, v20;
	v10 =	vcvt.s32.f32 v10  }
0x49: {  	v24 =	vsub.s32 v8, v24;
	v55 =	vsub.s32 v11, v30;
	v56 =	vsub.s32 v9, v53  }
0x4a: {  	v9 =	vadd.s32 $0xC0CAFB0D, v15;
	v4 =	vcvt.s32.f32 v4;
	v7 =	vcvt.s32.f32 v7  }
0x4b: {  	v6 =	vcvt.s32.f32 v6;
	v17 =	vadd.f32 $-1.000000000e+00, v1;
	v19 =	vadd.f32 $1.000000010e-10, v2  }
0x4c: {  	v1 =	vand.u32 $0xFF800000, v12;
	v22 =	vadd.f32 $1.000000010e-10, v5;
	v33 =	vadd.f32 $1.000000010e-10, v13  }
0x4d: {  	v12 =	vshra.s32 v12, $0x17;
	v38 =	vadd.f32 $-1.000000000e+00, v55;
	(erf) = vpow2.f32 v20  }
0x4e: {  	v1 =	vsub.s32 v3, v1;
	v10 =	vmul.f32 $6.931471820e-01, v10;
	v12 =	vcvt.s32.f32 v12  }
0x4f: {  	v3 =	vadd.s32 $0xC0CAFB0D, v14;
	v4 =	vmul.f32 $6.931471820e-01, v4;
	v7 =	vmul.f32 $6.931471820e-01, v7  }
0x50: {  	v45 =	vld [tilespmem:s30+$0x40];
	v6 =	vmul.f32 $6.931471820e-01, v6;
	v2 =	vmul.f32 $1.248558690e-01, v17;
	v21 =	vadd.f32 $-1.000000000e+00, v1  }
0x51: {  	v53 =	vld [tilespmem:s30+$0xC0];
	v1 =	vadd.s32 $0xC0CAFB0D, v16;
	v5 =	vadd.s32 $0xC0CAFB0D, v19;
	v48 =	vand.u32 $0xFF800000, v3  }
0x52: {  	v50 =	vmul.f32 v17, v17;
	v3 =	vshra.s32 v3, $0x17;
	v32 =	vand.u32 $0xFF800000, v1  }
0x53: {  	v52 =	vand.u32 $0xFF800000, v5;
	v3 =	vcvt.s32.f32 v3;
	v1 =	vshra.s32 v1, $0x17  }
0x54: {  	v5 =	vshra.s32 v5, $0x17;
	v26 =	vadd.f32 $-1.803045270e-01, v2;
	v27 =	vmul.f32 $1.248558690e-01, v21  }
0x55: {  	v2 =	vadd.s32 $0xC0CAFB0D, v22;
	v34 =	vmul.f32 $5.000000000e-01, v50;
	v35 =	vmul.f32 v21, v21  }
0x56: {  	v16 =	vsub.s32 v16, v32;
	v19 =	vsub.s32 v19, v52;
	v45 =	vsub.f32 v53, v45  }
0x57: {  	v1 =	vcvt.s32.f32 v1;
	v5 =	vcvt.s32.f32 v5;
	v11 =	vand.u32 $0xFF800000, v2  }
0x58: {  	v40 =	vadd.f32 $-1.000000000e+00, v16;
	v23 =	vadd.f32 $-1.000000000e+00, v19;
	v16 =	vand.u32 $0xFF800000, v9  }
0x59: {  	v3 =	vmul.f32 $6.931471820e-01, v3;
	v2 =	vshra.s32 v2, $0x17;
	v26 =	vmul.f32 v26, v17  }
0x5a: {  	v27 =	vadd.f32 $-1.803045270e-01, v27;
	v36 =	vmul.f32 $5.000000000e-01, v35;
	v35 =	vmul.f32 v35, v21  }
0x5b: {  	v57 =	vsub.s32 v22, v11;
	v11 =	vadd.s32 $0xC0CAFB0D, v33;
	v46 =	vsub.s32 v15, v16  }
0x5c: {  	v15 =	vmul.f32 $1.248558690e-01, v38;
	v2 =	vcvt.s32.f32 v2;
	v26 =	vadd.f32 $2.019971310e-01, v26  }
0x5d: {  	v31 =	vld [tilespmem:s30+$0x20E0];
	v22 =	vadd.f32 $-1.000000000e+00, v56;
	v1 =	vmul.f32 $6.931471820e-01, v1;
	v27 =	vmul.f32 v27, v21  }
0x5e: {  	v60 =	vld [tilespmem:s30+$0x10];
	v45 =	vadd.f32 v45, v45;
	v5 =	vmul.f32 $6.931471820e-01, v5;
	v26 =	vmul.f32 v26, v17  }
0x5f: {  	v62 =	vld [tilespmem:s30+$0x90];
	v52 =	vand.u32 $0xFF800000, v11;
	v47 =	vmul.f32 $1.248558690e-01, v40;
	v27 =	vadd.f32 $2.019971310e-01, v27  }
0x60: {  	v11 =	vshra.s32 v11, $0x17;
	v15 =	vadd.f32 $-1.803045270e-01, v15;
	v13 =	vadd.f32 $-2.497013810e-01, v26  }
0x61: {  	v33 =	vsub.s32 v33, v52;
	v45 =	vmul.f32 $1.442695020e+00, v45;
	v49 =	vmul.f32 v27, v21  }
0x62: {  	v43 =	vld [tilespmem:s30+$0xB0];
	v15 =	vmul.f32 v15, v38;
	v27 =	vadd.f32 $1.000000010e-10, v31;
	v13 =	vmul.f32 v13, v17  }
0x63: {  	v31 =	vmul.f32 v50, v17;
	v26 =	vadd.f32 $-2.497013810e-01, v49;
	v17 =	vsub.f32 v17, v34;
	v49 =	vld [tilespmem:s30+$0x30]  }
0x64: {  	v2 =	vmul.f32 $6.931471820e-01, v2;
	v34 =	vsub.f32 v62, v60;
	v13 =	vadd.f32 $3.333148360e-01, v13  }
0x65: {  	v11 =	vcvt.s32.f32 v11;
	v15 =	vadd.f32 $2.019971310e-01, v15;
	v26 =	vmul.f32 v26, v21  }
0x66: {  	v47 =	vadd.f32 $-1.803045270e-01, v47;
	v34 =	vadd.f32 v34, v34;
	v13 =	vmul.f32 v13, v31  }
0x67: {  	v11 =	vmul.f32 $6.931471820e-01, v11;
	v52 =	vmul.f32 v15, v38;
	v26 =	vadd.f32 $3.333148360e-01, v26  }
0x68: {  	v34 =	vmul.f32 $1.442695020e+00, v34;
	v43 =	vsub.f32 v43, v49;
	v13 =	vadd.f32 v13, v17  }
0x69: {  	v17 =	vsub.f32 v21, v36;
	v54 =	vmul.f32 v26, v35;
	v36 =	vadd.f32 $-1.000000000e+00, v24  }
0x6a: {  	v49 =	vmul.f32 $1.248558690e-01, v22;
	v43 =	vadd.f32 v43, v43;
	v8 =	vadd.f32 v13, v10  }
0x6b: {  	v10 =	vmul.f32 $6.931471820e-01, v12;
	v12 =	vadd.f32 v54, v17;
	v17 =	vsub.s32 v14, v48  }
0x6c: {  	v44 =	vmul.f32 $1.248558690e-01, v36;
	v39 =	vadd.f32 $-1.000000000e+00, v17;
	v17 =	vadd.f32 $-1.000000000e+00, v57  }
0x6d: {  	v63 =	vld [tilespmem:s30+$0x20];
	v12 =	vadd.f32 v12, v10;
	v13 =	vmul.f32 v8, v8;
	v8 =	vadd.s32 $0xC0CAFB0D, v29  }
0x6e: {  	v14 =	vpop (erf);
	v48 =	vld [tilespmem:s30+$0xA0];
	v10 =	vadd.s32 $0xC0CAFB0D, v18;
	v54 =	vadd.f32 $-1.803045270e-01, v44;
	v37 =	vand.u32 $0xFF800000, v8  }
0x6f: {  	v50 =	vand.u32 $0xFF800000, v10;
	v60 =	vmul.f32 $1.248558690e-01, v39;
	v31 =	vmul.f32 v13, v14  }
0x70: {  	v55 =	vld [tilespmem:s30+$0x50];
	v32 =	vmul.f32 v12, v12;
	v14 =	vadd.s32 $0xC0CAFB0D, v25;
	v13 =	vadd.s32 $0xC0CAFB0D, v28  }
0x71: {  	v57 =	vld [tilespmem:s30+$0xD0];
	v12 =	vadd.s32 $0xC0CAFB0D, v27;
	v29 =	vsub.s32 v29, v37;
	v21 =	vsub.s32 v18, v50  }
0x72: {  	v50 =	vmul.f32 v39, v39;
	v41 =	vand.u32 $0xFF800000, v14;
	v42 =	vand.u32 $0xFF800000, v13  }
0x73: {  	v56 =	vand.u32 $0xFF800000, v12;
	v16 =	vadd.f32 $-1.000000000e+00, v29;
	v44 =	vsub.f32 v48, v63  }
0x74: {  	v62 =	vadd.f32 $-1.803045270e-01, v60;
	v48 =	vmul.f32 $1.248558690e-01, v23;
	v12 =	vshra.s32 v12, $0x17  }
0x75: {  	v61 =	vadd.f32 v31, v32;
	v41 =	vsub.s32 v25, v41;
	v28 =	vsub.s32 v28, v42  }
0x76: {  	v25 =	vmul.f32 v54, v36;
	v35 =	vsub.s32 v27, v56;
	v37 =	vsub.f32 v57, v55  }
0x77: {  	v54 =	vadd.f32 $-2.497013810e-01, v52;
	v55 =	vmul.f32 v36, v36;
	v56 =	vadd.f32 v58, v58  }
0x78: {  	vm0 =	vle.f32 v31, v32;
	v57 =	vmul.f32 v38, v38;
	v12 =	vcvt.s32.f32 v12  }
0x79: {  	v19 =	vmul.f32 v62, v39;
	v52 =	vadd.f32 $-1.803045270e-01, v48;
	v44 =	vadd.f32 v44, v44  }
0x7a: {  	v35 =	vadd.f32 $-1.000000000e+00, v35;
	(erf) = vrcp.f32 v61;
	v20 =	vmul.f32 v54, v38  }
0x7b: {  	v59 =	vld [tilespmem:s30+$0x60];
	v25 =	vadd.f32 $2.019971310e-01, v25;
	v62 =	vmul.f32 v57, v38;
	v27 =	vmul.f32 $5.000000000e-01, v55  }
0x7c: {  	v61 =	vld [tilespmem:s30+$0xE0];
	v29 =	vmul.f32 $5.000000000e-01, v57;
	v37 =	vadd.f32 v37, v37;
	v19 =	vadd.f32 $2.019971310e-01, v19  }
0x7d: {  	v54 =	vmul.f32 v50, v39;
	v63 =	vmul.f32 v25, v36;
	v20 =	vadd.f32 $3.333148360e-01, v20  }
0x7e: {  	v37 =	vmul.f32 $1.442695020e+00, v37;
	v60 =	vmul.f32 v19, v39;
	v19 =	vadd.f32 $-1.000000000e+00, v21  }
0x7f: {  	v21 =	vmul.f32 v47, v40;
	v53 =	vadd.f32 $-2.497013810e-01, v63;
	v63 =	vmul.f32 $1.248558690e-01, v17  }
0x80: {  	v29 =	vsub.f32 v38, v29;
	v25 =	vmul.f32 v20, v62;
	v62 =	vmul.f32 v23, v23  }
0x81: {  	v26 =	vsub.f32 v61, v59;
	v59 =	vmul.f32 v55, v36;
	v61 =	vmul.f32 $1.442695020e+00, v56  }
0x82: {  	v20 =	vadd.f32 $-1.000000000e+00, v41;
	v55 =	vmul.f32 v52, v23;
	v57 =	vmul.f32 $1.248558690e-01, v19  }
0x83: {  	v31 =	vadd.f32 $-2.497013810e-01, v60;
	v60 =	vmul.f32 $1.442695020e+00, v44;
	v18 =	vmul.f32 v53, v36  }
0x84: {  	v36 =	vsub.f32 v36, v27;
	v53 =	vadd.f32 $2.019971310e-01, v21;
	v27 =	vmul.f32 $5.000000000e-01, v50  }
0x85: {  	v30 =	vadd.f32 $-1.803045270e-01, v63;
	v63 =	vmul.f32 $1.442695020e+00, v43;
	v48 =	vmul.f32 v62, v23  }
0x86: {  	v21 =	vadd.f32 $-1.000000000e+00, v28;
	v50 =	vmul.f32 v22, v22;
	v44 =	vmul.f32 $5.000000000e-01, v62  }
0x87: {  	v25 =	vadd.f32 v25, v29;
	(erf) = vpow2.f32 v61;
	v31 =	vmul.f32 v31, v39  }
0x88: {  	v28 =	vadd.f32 $2.019971310e-01, v55;
	(erf) = vpow2.f32 v34;
	v56 =	vmul.f32 v53, v40  }
0x89: {  	v26 =	vadd.f32 v26, v26;
	v30 =	vmul.f32 v30, v17;
	v52 =	vmul.f32 $5.000000000e-01, v50  }
0x8a: {  	v58 =	vadd.f32 $3.333148360e-01, v18;
	v53 =	vmul.f32 v17, v17;
	v43 =	vmul.f32 v50, v22  }
0x8b: {  	v34 =	vadd.f32 $-1.803045270e-01, v57;
	v57 =	vmul.f32 $1.248558690e-01, v35;
	v28 =	vmul.f32 v28, v23  }
0x8c: {  	v18 =	vadd.f32 $-1.000000000e+00, v46;
	v15 =	vpop (erf);
	(erf) = vpow2.f32 v60;
	v26 =	vmul.f32 $1.442695020e+00, v26  }
0x8d: {  	v39 =	vsub.f32 v39, v27;
	v60 =	vmul.f32 v19, v19;
	v15 =	vmul.f32 v15, v32  }
0x8e: {  	v27 =	vadd.f32 $-1.000000000e+00, v33;
	v24 =	vmul.f32 v58, v59;
	v32 =	vmul.f32 $1.248558690e-01, v16  }
0x8f: {  	v7 =	vadd.f32 v25, v7;
	v38 =	vmul.f32 $1.248558690e-01, v18;
	v59 =	vmul.f32 v40, v40  }
0x90: {  	v58 =	vadd.f32 $-1.803045270e-01, v49;
	(erf) = vpow2.f32 v63;
	v49 =	vmul.f32 $1.248558690e-01, v20  }
0x91: {  	v41 =	vadd.f32 $-2.497013810e-01, v56;
	v55 =	vmul.f32 v53, v17;
	v56 =	vmul.f32 $1.248558690e-01, v27  }
0x92: {  	v31 =	vadd.f32 $3.333148360e-01, v31;
	v34 =	vmul.f32 v34, v19;
	v63 =	vmul.f32 v21, v21  }
0x93: {  	v50 =	vmul.f32 v27, v27;
	v7 =	vmul.f32 v7, v7  }
0x94: {  	v31 =	vmul.f32 v31, v54;
	(erf) = vpow2.f32 v45  }
0x95: {  	v54 =	vmul.f32 $1.248558690e-01, v21;
	v45 =	vmul.f32 $5.000000000e-01, v53  }
0x96: {  	v30 =	vadd.f32 $2.019971310e-01, v30;
	v46 =	vmul.f32 v60, v19;
	v29 =	vmul.f32 $5.000000000e-01, v60  }
0x97: {  	v28 =	vadd.f32 $-2.497013810e-01, v28;
	v41 =	vmul.f32 v41, v40;
	v42 =	vmul.f32 v58, v22  }
0x98: {  	v61 =	vmul.f32 v59, v40;
	v47 =	vmul.f32 $5.000000000e-01, v59;
	v32 =	vadd.f32 $-1.803045270e-01, v32  }
0x99: {  	v30 =	vmul.f32 v30, v17;
	v38 =	vadd.f32 $-1.803045270e-01, v38;
	v33 =	vadd.f32 $-1.803045270e-01, v49  }
0x9a: {  	(erf) = vpow2.f32 v37;
	v37 =	vadd.f32 $-1.803045270e-01, v56;
	v34 =	vadd.f32 $2.019971310e-01, v34  }
0x9b: {  	v58 =	vmul.f32 v16, v16;
	v24 =	vadd.f32 v24, v36;
	v59 =	vmul.f32 v18, v18  }
0x9c: {  	v53 =	vmul.f32 $5.000000000e-01, v50;
	v28 =	vmul.f32 v28, v23;
	v23 =	vsub.f32 v23, v44  }
0x9d: {  	v44 =	vadd.f32 $-1.803045270e-01, v54;
	(erf) = vpow2.f32 v26;
	v31 =	vadd.f32 v31, v39  }
0x9e: {  	v54 =	vmul.f32 v50, v27;
	v41 =	vadd.f32 $3.333148360e-01, v41;
	v32 =	vmul.f32 v32, v16  }
0x9f: {  	v42 =	vadd.f32 $2.019971310e-01, v42;
	v38 =	vmul.f32 v38, v18;
	v33 =	vmul.f32 v33, v20  }
0xa0: {  	v40 =	vsub.f32 v40, v47;
	v37 =	vmul.f32 v37, v27;
	v34 =	vmul.f32 v34, v19  }
0xa1: {  	v30 =	vadd.f32 $-2.497013810e-01, v30;
	v62 =	vmul.f32 v58, v16;
	v26 =	vmul.f32 $5.000000000e-01, v58  }
0xa2: {  	v36 =	vmul.f32 $5.000000000e-01, v59;
	v4 =	vadd.f32 v24, v4;
	v28 =	vadd.f32 $3.333148360e-01, v28  }
0xa3: {  	v44 =	vmul.f32 v44, v21;
	v3 =	vadd.f32 v31, v3;
	v41 =	vmul.f32 v41, v61  }
0xa4: {  	v42 =	vmul.f32 v42, v22;
	v32 =	vadd.f32 $2.019971310e-01, v32;
	v38 =	vadd.f32 $2.019971310e-01, v38  }
0xa5: {  	v30 =	vmul.f32 v30, v17;
	v33 =	vadd.f32 $2.019971310e-01, v33;
	v37 =	vadd.f32 $2.019971310e-01, v37  }
0xa6: {  	v17 =	vsub.f32 v17, v45;
	v61 =	vmul.f32 v20, v20;
	v45 =	vmul.f32 v59, v18  }
0xa7: {  	v34 =	vadd.f32 $-2.497013810e-01, v34;
	v4 =	vmul.f32 v4, v4;
	v28 =	vmul.f32 v28, v48  }
0xa8: {  	v44 =	vadd.f32 $2.019971310e-01, v44;
	v48 =	vmul.f32 v63, v21;
	v3 =	vmul.f32 v3, v3  }
0xa9: {  	v42 =	vadd.f32 $-2.497013810e-01, v42;
	v32 =	vmul.f32 v32, v16;
	v38 =	vmul.f32 v38, v18  }
0xaa: {  	v30 =	vadd.f32 $3.333148360e-01, v30;
	v33 =	vmul.f32 v33, v20;
	v37 =	vmul.f32 v37, v27  }
0xab: {  	v60 =	vpop (erf);
	v34 =	vmul.f32 v34, v19;
	v40 =	vadd.f32 v41, v40;
	v47 =	vmul.f32 v61, v20  }
0xac: {  	v39 =	vmul.f32 $5.000000000e-01, v61;
	v19 =	vsub.f32 v19, v29;
	v4 =	vmul.f32 v4, v60  }
0xad: {  	v23 =	vadd.f32 v28, v23;
	v42 =	vmul.f32 v42, v22;
	v22 =	vsub.f32 v22, v52  }
0xae: {  	v44 =	vmul.f32 v44, v21;
	v32 =	vadd.f32 $-2.497013810e-01, v32;
	v38 =	vadd.f32 $-2.497013810e-01, v38  }
0xaf: {  	v28 =	vmul.f32 $5.000000000e-01, v63;
	v33 =	vadd.f32 $-2.497013810e-01, v33;
	v34 =	vadd.f32 $3.333148360e-01, v34  }
0xb0: {  	v30 =	vmul.f32 v30, v55;
	v37 =	vadd.f32 $-2.497013810e-01, v37;
	v1 =	vadd.f32 v40, v1  }
0xb1: {  	v52 =	vmul.f32 v35, v35;
	v61 =	vpop (erf);
	v44 =	vadd.f32 $-2.497013810e-01, v44;
	v5 =	vadd.f32 v23, v5  }
0xb2: {  	v23 =	vmul.f32 v7, v61;
	v42 =	vadd.f32 $3.333148360e-01, v42;
	v32 =	vmul.f32 v32, v16  }
0xb3: {  	v38 =	vmul.f32 v38, v18;
	v33 =	vmul.f32 v33, v20;
	v17 =	vadd.f32 v30, v17  }
0xb4: {  	v16 =	vsub.f32 v16, v26;
	v34 =	vmul.f32 v34, v46;
	v37 =	vmul.f32 v37, v27  }
0xb5: {  	v18 =	vsub.f32 v18, v36;
	v20 =	vsub.f32 v20, v39;
	v55 =	vmul.f32 $5.000000000e-01, v52  }
0xb6: {  	v27 =	vsub.f32 v27, v53;
	v29 =	vmul.f32 v52, v35;
	v44 =	vmul.f32 v44, v21  }
0xb7: {  	v21 =	vsub.f32 v21, v28;
	v42 =	vmul.f32 v42, v43;
	v43 =	vadd.f32 $-1.803045270e-01, v57  }
0xb8: {  	v1 =	vmul.f32 v1, v1;
	v32 =	vadd.f32 $3.333148360e-01, v32;
	v38 =	vadd.f32 $3.333148360e-01, v38  }
0xb9: {  	v5 =	vmul.f32 v5, v5;
	v33 =	vadd.f32 $3.333148360e-01, v33;
	v56 =	vadd.f32 $3.333148360e-01, v37  }
0xba: {  	v2 =	vadd.f32 v17, v2;
	v59 =	vadd.f32 v34, v19;
	v43 =	vmul.f32 v43, v35  }
0xbb: {  	v44 =	vadd.f32 $3.333148360e-01, v44;
	v32 =	vmul.f32 v32, v62;
	v38 =	vmul.f32 v38, v45  }
0xbc: {  	v22 =	vadd.f32 v42, v22;
	v30 =	vmul.f32 v33, v47;
	v24 =	vmul.f32 v56, v54  }
0xbd: {  	v62 =	vpop (erf);
	v2 =	vmul.f32 v2, v2;
	v26 =	vmul.f32 v44, v48;
	v43 =	vadd.f32 $2.019971310e-01, v43  }
0xbe: {  	v3 =	vmul.f32 v3, v62;
	v7 =	vpop (erf);
	v6 =	vadd.f32 v22, v6;
	v16 =	vadd.f32 v32, v16  }
0xbf: {  	v17 =	vadd.f32 v38, v18;
	v20 =	vadd.f32 v30, v20;
	v63 =	vmul.f32 v1, v7  }
0xc0: {  	v1 =	vshra.s32 v8, $0x17;
	v7 =	vshra.s32 v9, $0x17;
	v8 =	vshra.s32 v10, $0x17  }
0xc1: {  	v9 =	vshra.s32 v14, $0x17;
	v1 =	vcvt.s32.f32 v1;
	v7 =	vcvt.s32.f32 v7  }
0xc2: {  	v10 =	vshra.s32 v13, $0x17;
	v8 =	vcvt.s32.f32 v8;
	v9 =	vcvt.s32.f32 v9  }
0xc3: {  	v24 =	vadd.f32 v24, v27;
	v10 =	vcvt.s32.f32 v10;
	v43 =	vmul.f32 v43, v35  }
0xc4: {  	v21 =	vadd.f32 v26, v21;
	v1 =	vmul.f32 $6.931471820e-01, v1;
	v7 =	vmul.f32 $6.931471820e-01, v7  }
0xc5: {  	v8 =	vmul.f32 $6.931471820e-01, v8;
	v14 =	vmul.f32 $6.931471820e-01, v9;
	v49 =	vadd.f32 $-2.497013810e-01, v43  }
0xc6: {  	v6 =	vmul.f32 v6, v6;
	v10 =	vmul.f32 $6.931471820e-01, v10;
	v1 =	vadd.f32 v16, v1  }
0xc7: {  	v7 =	vadd.f32 v17, v7;
	v8 =	vadd.f32 v59, v8;
	v16 =	vpop (erf);
	v33 =	vmul.f32 v49, v35  }
0xc8: {  	v35 =	vsub.f32 v35, v55;
	v16 =	vmul.f32 v5, v16;
	v9 =	vmul.f32 v1, v1  }
0xc9: {  	v1 =	vadd.f32 v20, v14;
	v14 =	vpop (erf);
	v7 =	vmul.f32 v7, v7;
	v57 =	vadd.f32 $3.333148360e-01, v33  }
0xca: {  	v8 =	vmul.f32 v8, v8;
	v5 =	vpop (erf);
	v14 =	vmul.f32 v6, v14;
	v6 =	vadd.f32 v4, v9  }
0xcb: {  	v17 =	vmul.f32 v2, v5;
	v2 =	vadd.f32 v23, v7;
	v58 =	vmul.f32 v57, v29  }
0xcc: {  	v5 =	vadd.f32 v21, v10;
	v10 =	vadd.f32 v24, v11;
	(erf) = vrcp.f32 v6  }
0xcd: {  	v6 =	vmul.f32 $6.931471820e-01, v12;
	v12 =	vsub.f32 $1.000000000e+00, v15;
	v13 =	vadd.f32 v58, v35  }
0xce: {  	vm1 =	vle.f32 v4, v9;
	vm2 =	vle.f32 v23, v7;
	(erf) = vrcp.f32 v2  }
0xcf: {  	v2 =	vmul.f32 v10, v10;
	[tilespmem:s30+$0x60F0] =	vst v12;
	v12 =	vsel vm1, $0x3F800000, v51;
	v11 =	vadd.f32 v13, v6  }
0xd0: {  	v6 =	vmul.f32 v1, v1;
	v1 =	vmul.f32 v5, v5;
	v5 =	vadd.f32 v3, v8  }
0xd1: {  	vm3 =	vle.f32 v3, v8;
	vm5 =	vle.f32 v14, v2;
	[tilespmem:s30+$0x4000] =	vst v12;
	v12 =	vsub.f32 $1.000000000e+00, v12  }
0xd2: {  	v13 =	vsel vm5, $0x3F800000, v51;
	v4 =	vmul.f32 v11, v11;
	(erf) = vrcp.f32 v5  }
0xd3: {  	v10 =	vadd.f32 v63, v6;
	v5 =	vsel vm0, $0x3F800000, v51;
	vm14 =	vle.f32 v63, v6  }
0xd4: {  	v3 =	vadd.f32 v16, v1;
	v11 =	vadd.f32 v14, v2;
	vm4 =	vle.f32 v16, v1  }
0xd5: {  	[tilespmem:s30+$0x6070] =	vst v15;
	v15 =	vsel vm4, $0x3F800000, v51;
	(erf) = vrcp.f32 v10;
	v10 =	vadd.f32 v17, v4  }
0xd6: {  	[tilespmem:s30+$0x4070] =	vst v5;
	vm15 =	vle.f32 v17, v4;
	(erf) = vrcp.f32 v3;
	v3 =	vsel vm3, $0x3F800000, v51  }
0xd7: {  	s29 =	sshll.u32 s28, $0xE;
	v14 =	vsel vm15, $0x3F800000, v51;
	(erf) = vrcp.f32 v11;
	v11 =	vsel vm2, $0x3F800000, v51;
	[tilespmem:s30+$0x4020] =	vst v3  }
0xd8: {  	s3 =	simm.s32 $0x800;
	s31 =	sor.u32 s7, s29;
	s0 =	simm.s32 $0x100;
	(erf) = vrcp.f32 v10;
	[tilespmem:s30+$0x4010] =	vst v11;
	v10 =	vsel vm14, $0x3F800000, v51;
	v11 =	vsub.f32 $1.000000000e+00, v11  }
.LBB2_3:
0xd9: {  	v16 =	vld [tilespmem:s0+$0x2070]  }
0xda: {  	v17 =	vsub.f32 $1.000000000e+00, v3;
	[tilespmem:s30+$0x4030] =	vst v10;
	v3 =	vpop (erf)  }
0xdb: {  	v20 =	vsub.f32 $1.000000000e+00, v10;
	v10 =	vld [tilespmem:s0+$0x2000];
	[tilespmem:s30+$0x4080] =	vst v12;
	v3 =	vmul.f32 v3, v9;
	v9 =	vpop (erf)  }
0xdc: {  	v21 =	vsub.f32 $1.000000000e+00, v15;
	v24 =	vsub.f32 $1.000000000e+00, v5;
	v12 =	vld [tilespmem:s0+$0x20F0];
	[tilespmem:s30+$0x4090] =	vst v11;
	v7 =	vmul.f32 v9, v7;
	v5 =	vpop (erf)  }
0xdd: {  	v22 =	vsub.f32 $1.000000000e+00, v13;
	v9 =	vld [tilespmem:s0+$0x2010];
	[tilespmem:s30+$0x6000] =	vst v3;
	v3 =	vsub.f32 $1.000000000e+00, v3;
	v8 =	vmul.f32 v5, v8  }
0xde: {  	v23 =	vsub.f32 $1.000000000e+00, v14;
	v5 =	vpop (erf);
	v16 =	vadd.f32 $1.000000010e-10, v16;
	v11 =	vld [tilespmem:s0+$0x2020];
	[tilespmem:s30+$0x6010] =	vst v7  }
0xdf: {  	v7 =	vsub.f32 $1.000000000e+00, v7;
	v18 =	vmul.f32 v5, v6;
	v5 =	vpop (erf);
	v25 =	vld [tilespmem:s0+$0x2030];
	[tilespmem:s30+$0x6080] =	vst v3;
	v3 =	vsub.f32 $1.000000000e+00, v8  }
0xe0: {  	v0 =	vmul.f32 v5, v1;
	v6 =	vpop (erf);
	v5 =	vadd.f32 $1.000000010e-10, v10;
	v27 =	vadd.s32 $0xC0CAFB0D, v16  }
0xe1: {  	v12 =	vadd.f32 $1.000000010e-10, v12;
	v10 =	vld [tilespmem:s0+$0x2040];
	[tilespmem:s30+$0x6090] =	vst v7;
	v7 =	vsub.f32 $1.000000000e+00, v18;
	v1 =	vmul.f32 v6, v2;
	v6 =	vpop (erf)  }
0xe2: {  	v28 =	vand.u32 $0xFF800000, v27;
	v2 =	vmul.f32 v6, v4;
	v6 =	vadd.s32 $0xC0CAFB0D, v5  }
0xe3: {  	v55 =	vshra.s32 v27, $0x17;
	v26 =	vld [tilespmem:s0+$0x2050];
	[tilespmem:s30+$0x60A0] =	vst v3;
	v19 =	vadd.f32 $1.000000010e-10, v9;
	v49 =	vand.u32 $0xFF800000, v6  }
0xe4: {  	[tilespmem:$0x1FFD0] =	vst v0;
	v9 =	vld [tilespmem:s0+$0x2060];
	v4 =	vadd.f32 $1.000000010e-10, v11;
	v11 =	vsub.s32 v16, v28;
	v28 =	vadd.s32 $0xC0CAFB0D, v12  }
0xe5: {  	v29 =	vld [tilespmem:s0+$0x2080];
	[tilespmem:s30+$0x60B0] =	vst v7;
	v7 =	vadd.s32 $0xC0CAFB0D, v19;
	v25 =	vadd.f32 $1.000000010e-10, v25;
	v31 =	vadd.f32 $-1.000000000e+00, v11  }
0xe6: {  	[tilespmem:$0x1FFE0] =	vst v1;
	v11 =	vand.u32 $0xFF800000, v28;
	v50 =	vand.u32 $0xFF800000, v7;
	v28 =	vshra.s32 v28, $0x17  }
0xe7: {  	v30 =	vld [tilespmem:s0+$0x2090];
	[tilespmem:s30+$0x6020] =	vst v8;
	v33 =	vadd.f32 $1.000000010e-10, v10;
	v8 =	vsub.s32 v12, v11;
	v11 =	vadd.s32 $0xC0CAFB0D, v4  }
0xe8: {  	v32 =	vld [tilespmem:s0+$0x20A0];
	[tilespmem:s30+$0x6030] =	vst v18;
	v28 =	vcvt.s32.f32 v28;
	v19 =	vsub.s32 v19, v50;
	v26 =	vadd.f32 $1.000000010e-10, v26  }
0xe9: {  	v35 =	vld [tilespmem:s0+$0x70];
	[tilespmem:s30+$0x6040] =	vst v0;
	v10 =	vmul.f32 $1.248558690e-01, v31;
	v47 =	vadd.f32 $-1.000000000e+00, v8;
	v8 =	vadd.s32 $0xC0CAFB0D, v25  }
0xea: {  	v36 =	vld [tilespmem:s0+$0xF0];
	[tilespmem:s30+$0x6050] =	vst v1;
	v57 =	vmul.f32 v31, v31;
	v48 =	vadd.f32 $1.000000010e-10, v9;
	v12 =	vadd.s32 $0xC0CAFB0D, v33  }
0xeb: {  	v37 =	vld [tilespmem:s0+$0x20B0];
	v16 =	vadd.f32 $1.000000010e-10, v29;
	v51 =	vand.u32 $0xFF800000, v8;
	v61 =	vadd.f32 $-1.803045270e-01, v10  }
0xec: {  	v38 =	vld [tilespmem:s0+$0x20C0];
	[tilespmem:s30+$0x6060] =	vst v2;
	v34 =	vmul.f32 $1.248558690e-01, v47;
	v1 =	vadd.s32 $0xC0CAFB0D, v26;
	v59 =	vmul.f32 $5.000000000e-01, v57  }
0xed: {  	v62 =	vld [tilespmem:s0+$0x20D0];
	[tilespmem:s30+$0x40A0] =	vst v17;
	v17 =	vadd.f32 $1.000000010e-10, v30;
	v60 =	vmul.f32 v47, v47;
	v27 =	vmul.f32 v57, v31  }
0xee: {  	v0 =	vadd.s32 $0xC0CAFB0D, v48;
	v18 =	vadd.f32 $1.000000010e-10, v32;
	v63 =	vld [tilespmem:s0+$0x20E0];
	[tilespmem:s30+$0x40B0] =	vst v20;
	v32 =	vsub.s32 v5, v49  }
0xef: {  	v39 =	vmul.f32 v61, v31;
	v40 =	vadd.f32 $-1.803045270e-01, v34;
	v34 =	vld [tilespmem:s0+$0x0];
	[tilespmem:s30+$0x40C0] =	vst v21;
	v21 =	vand.u32 $0xFF800000, v11  }
0xf0: {  	v61 =	vmul.f32 $5.000000000e-01, v60;
	v5 =	vand.u32 $0xFF800000, v0;
	v32 =	vadd.f32 $-1.000000000e+00, v32  }
0xf1: {  	v44 =	vsub.f32 v36, v35;
	v21 =	vsub.s32 v4, v21;
	v42 =	vadd.f32 $2.019971310e-01, v39  }
0xf2: {  	v35 =	vld [tilespmem:s0+$0x80];
	[tilespmem:s30+$0x40D0] =	vst v22;
	v43 =	vmul.f32 v40, v47;
	v52 =	vadd.f32 $1.000000010e-10, v37;
	v53 =	vadd.f32 $1.000000010e-10, v38  }
0xf3: {  	v36 =	vld [tilespmem:s0+$0x10];
	[tilespmem:s30+$0x40E0] =	vst v23;
	v23 =	vcvt.s32.f32 v55;
	v55 =	vmul.f32 $6.931471820e-01, v28;
	v46 =	vadd.f32 v44, v44  }
0xf4: {  	v37 =	vld [tilespmem:s0+$0x90];
	v54 =	vadd.f32 $1.000000010e-10, v62;
	[tilespmem:s30+$0x40F0] =	vst v24;
	v24 =	vmul.f32 v60, v47;
	v62 =	vand.u32 $0xFF800000, v1  }
0xf5: {  	v60 =	vadd.s32 $0xC0CAFB0D, v18;
	v20 =	vmul.f32 v42, v31;
	v45 =	vadd.f32 $2.019971310e-01, v43  }
0xf6: {  	v38 =	vld [tilespmem:s0+$0x20];
	[tilespmem:s30+$0x4040] =	vst v15;
	v15 =	vadd.f32 $1.000000010e-10, v63;
	v23 =	vmul.f32 $6.931471820e-01, v23;
	v63 =	vsub.f32 v47, v61  }
0xf7: {  	v10 =	vadd.s32 $0xC0CAFB0D, v52;
	v9 =	vadd.s32 $0xC0CAFB0D, v53;
	v56 =	vmul.f32 $1.442695020e+00, v46;
	v39 =	vld [tilespmem:s0+$0xA0];
	[tilespmem:s30+$0x4050] =	vst v13  }
0xf8: {  	v20 =	vadd.f32 $-2.497013810e-01, v20;
	v22 =	vmul.f32 v45, v47;
	v40 =	vld [tilespmem:s0+$0x30];
	[tilespmem:s30+$0x4060] =	vst v14;
	v14 =	vand.u32 $0xFF800000, v12  }
0xf9: {  	v34 =	vsub.f32 v35, v34;
	(erf) = vpow2.f32 v56;
	v56 =	vsub.s32 v25, v51  }
0xfa: {  	v57 =	vsub.s32 v33, v14;
	v33 =	vadd.f32 $-1.000000000e+00, v19;
	v25 =	vand.u32 $0xFF800000, v60  }
0xfb: {  	v13 =	vmul.f32 v20, v31;
	v58 =	vadd.f32 $-2.497013810e-01, v22;
	v22 =	vsub.f32 v31, v59  }
0xfc: {  	v59 =	vsub.s32 v48, v5;
	v5 =	vadd.s32 $0xC0CAFB0D, v54;
	v31 =	vadd.f32 $-1.000000000e+00, v21  }
0xfd: {  	v41 =	vld [tilespmem:s0+$0xB0];
	v30 =	vadd.f32 $-1.000000000e+00, v56;
	v28 =	vadd.f32 $-1.000000000e+00, v57;
	v56 =	vand.u32 $0xFF800000, v9  }
0xfe: {  	v42 =	vld [tilespmem:s0+$0x40];
	v18 =	vsub.s32 v18, v25;
	v25 =	vmul.f32 $1.248558690e-01, v32;
	v36 =	vsub.f32 v37, v36  }
0xff: {  	v43 =	vld [tilespmem:s0+$0xC0];
	v34 =	vadd.f32 v34, v34;
	v57 =	vand.u32 $0xFF800000, v5;
	v51 =	vmul.f32 $1.248558690e-01, v33  }
0x100: {  	v44 =	vld [tilespmem:s0+$0x50];
	v18 =	vadd.f32 $-1.000000000e+00, v18;
	v13 =	vadd.f32 $3.333148360e-01, v13;
	v20 =	vmul.f32 v58, v47  }
0x101: {  	v45 =	vld [tilespmem:s0+$0xD0];
	v58 =	vadd.s32 $0xC0CAFB0D, v17;
	v48 =	vsub.s32 v54, v57;
	v25 =	vadd.f32 $-1.803045270e-01, v25  }
0x102: {  	[tilespmem:$0x1FF60] =	vst v60;
	v60 =	vmul.f32 $1.248558690e-01, v31;
	v38 =	vsub.f32 v39, v38;
	v36 =	vadd.f32 v36, v36  }
0x103: {  	v34 =	vmul.f32 $1.442695020e+00, v34;
	v19 =	vadd.f32 $-1.000000000e+00, v48;
	v51 =	vadd.f32 $-1.803045270e-01, v51  }
0x104: {  	v13 =	vmul.f32 v13, v27;
	v20 =	vadd.f32 $3.333148360e-01, v20;
	v27 =	vsub.s32 v26, v62  }
0x105: {  	v26 =	vadd.s32 $0xC0CAFB0D, v16;
	v40 =	vsub.f32 v41, v40;
	v41 =	vsub.f32 v43, v42  }
0x106: {  	v49 =	vmul.f32 v25, v32;
	v43 =	vsub.f32 v45, v44;
	v38 =	vadd.f32 v38, v38  }
0x107: {  	v46 =	vld [tilespmem:s0+$0x60];
	v36 =	vmul.f32 $1.442695020e+00, v36;
	v62 =	vand.u32 $0xFF800000, v26;
	v29 =	vadd.f32 $-1.000000000e+00, v27  }
0x108: {  	[tilespmem:$0x1FF90] =	vst v5;
	v47 =	vld [tilespmem:s0+$0xE0];
	v27 =	vadd.f32 $-1.000000000e+00, v59;
	v51 =	vmul.f32 v51, v33;
	v5 =	vmul.f32 v19, v19  }
0x109: {  	v26 =	vshra.s32 v26, $0x17;
	v13 =	vadd.f32 v13, v22;
	v20 =	vmul.f32 v20, v24  }
0x10a: {  	v16 =	vsub.s32 v16, v62;
	v49 =	vadd.f32 $2.019971310e-01, v49;
	v40 =	vadd.f32 v40, v40  }
0x10b: {  	v62 =	vmul.f32 $1.248558690e-01, v28;
	v41 =	vadd.f32 v41, v41;
	v43 =	vadd.f32 v43, v43  }
0x10c: {  	v38 =	vmul.f32 $1.442695020e+00, v38;
	v21 =	vadd.f32 $-1.000000000e+00, v16;
	v51 =	vadd.f32 $2.019971310e-01, v51  }
0x10d: {  	v26 =	vcvt.s32.f32 v26;
	v44 =	vsub.f32 v47, v46;
	v13 =	vadd.f32 v13, v23  }
0x10e: {  	v20 =	vadd.f32 v20, v63;
	v63 =	vand.u32 $0xFF800000, v58;
	v49 =	vmul.f32 v49, v32  }
0x10f: {  	v54 =	vadd.f32 $-1.803045270e-01, v62;
	v40 =	vmul.f32 $1.442695020e+00, v40;
	v41 =	vmul.f32 $1.442695020e+00, v41  }
0x110: {  	v43 =	vmul.f32 $1.442695020e+00, v43;
	v26 =	vmul.f32 $6.931471820e-01, v26;
	v17 =	vsub.s32 v17, v63  }
0x111: {  	v63 =	vsub.s32 v53, v56;
	v56 =	vmul.f32 $1.248558690e-01, v27;
	v51 =	vmul.f32 v51, v33  }
0x112: {  	v44 =	vadd.f32 v44, v44;
	v14 =	vadd.f32 v20, v55;
	v13 =	vmul.f32 v13, v13  }
0x113: {  	v55 =	vand.u32 $0xFF800000, v10;
	v17 =	vadd.f32 $-1.000000000e+00, v17;
	v16 =	vadd.f32 $-1.000000000e+00, v63  }
0x114: {  	v63 =	vmul.f32 $1.248558690e-01, v21;
	v54 =	vmul.f32 v54, v28;
	v59 =	vsub.s32 v52, v55  }
0x115: {  	v4 =	vpop (erf);
	v55 =	vmul.f32 $1.248558690e-01, v29;
	v52 =	vadd.f32 $-1.803045270e-01, v60;
	v60 =	vmul.f32 $1.248558690e-01, v19  }
0x116: {  	[tilespmem:$0x1FFF0] =	vst v2;
	v56 =	vadd.f32 $-1.803045270e-01, v56;
	v44 =	vmul.f32 $1.442695020e+00, v44;
	v2 =	vmul.f32 v13, v4  }
0x117: {  	v3 =	vmul.f32 v14, v14;
	v4 =	vadd.s32 $0xC0CAFB0D, v15;
	v22 =	vmul.f32 $1.248558690e-01, v17  }
0x118: {  	v23 =	vadd.f32 $-1.803045270e-01, v63;
	v54 =	vadd.f32 $2.019971310e-01, v54;
	v14 =	vshra.s32 v12, $0x17  }
0x119: {  	v12 =	vshra.s32 v1, $0x17;
	v13 =	vshra.s32 v0, $0x17;
	v0 =	vmul.f32 v21, v21  }
0x11a: {  	[tilespmem:$0x1FF50] =	vst v58;
	v1 =	vmul.f32 v17, v17;
	v58 =	vand.u32 $0xFF800000, v4;
	v52 =	vmul.f32 v52, v31  }
0x11b: {  	[tilespmem:$0x1FFA0] =	vst v4;
	v55 =	vadd.f32 $-1.803045270e-01, v55;
	v56 =	vmul.f32 v56, v27;
	v4 =	vmul.f32 v16, v16  }
0x11c: {  	v60 =	vadd.f32 $-1.803045270e-01, v60;
	v14 =	vcvt.s32.f32 v14;
	v12 =	vcvt.s32.f32 v12  }
0x11d: {  	v13 =	vcvt.s32.f32 v13;
	v24 =	vsub.s32 v15, v58;
	v58 =	vmul.f32 $1.248558690e-01, v18  }
0x11e: {  	[tilespmem:$0x1FFB0] =	vst v2;
	v61 =	vadd.f32 v2, v3;
	v54 =	vmul.f32 v54, v28;
	v2 =	vmul.f32 v18, v18  }
0x11f: {  	v15 =	vadd.f32 $-1.000000000e+00, v59;
	v55 =	vmul.f32 v55, v29;
	v60 =	vmul.f32 v60, v19  }
0x120: {  	v20 =	vadd.f32 $-1.000000000e+00, v24;
	v14 =	vmul.f32 $6.931471820e-01, v14;
	v12 =	vmul.f32 $6.931471820e-01, v12  }
0x121: {  	v52 =	vadd.f32 $2.019971310e-01, v52;
	v13 =	vmul.f32 $6.931471820e-01, v13;
	(erf) = vrcp.f32 v61  }
0x122: {  	v56 =	vadd.f32 $2.019971310e-01, v56;
	v61 =	vmul.f32 $1.248558690e-01, v30;
	v59 =	vmul.f32 $1.248558690e-01, v15  }
0x123: {  	v58 =	vadd.f32 $-1.803045270e-01, v58;
	v55 =	vadd.f32 $2.019971310e-01, v55;
	v52 =	vmul.f32 v52, v31  }
0x124: {  	v53 =	vadd.f32 $-1.803045270e-01, v61;
	v61 =	vmul.f32 $1.248558690e-01, v20;
	v59 =	vadd.f32 $-1.803045270e-01, v59  }
0x125: {  	v56 =	vmul.f32 v56, v27;
	v60 =	vadd.f32 $2.019971310e-01, v60;
	v58 =	vmul.f32 v58, v18  }
0x126: {  	v53 =	vmul.f32 v53, v30;
	v61 =	vadd.f32 $-1.803045270e-01, v61;
	v59 =	vmul.f32 v59, v15  }
0x127: {  	v55 =	vmul.f32 v55, v29;
	v62 =	vadd.f32 $-2.497013810e-01, v52;
	v58 =	vadd.f32 $2.019971310e-01, v58  }
0x128: {  	v53 =	vadd.f32 $2.019971310e-01, v53;
	v61 =	vmul.f32 v61, v20;
	v59 =	vadd.f32 $2.019971310e-01, v59  }
0x129: {  	v37 =	vmul.f32 v58, v18;
	v58 =	vadd.f32 $-2.497013810e-01, v49;
	v49 =	vmul.f32 v62, v31  }
0x12a: {  	v53 =	vmul.f32 v53, v30;
	v25 =	vadd.f32 $2.019971310e-01, v61;
	v39 =	vmul.f32 v59, v15  }
0x12b: {  	v59 =	vadd.f32 $-2.497013810e-01, v51;
	v61 =	vmul.f32 v60, v19;
	v45 =	vmul.f32 v58, v32  }
0x12c: {  	v37 =	vadd.f32 $-2.497013810e-01, v37;
	v58 =	vmul.f32 v30, v30;
	v60 =	vmul.f32 v29, v29;
	v57 =	vpop (erf)  }
0x12d: {  	v49 =	vadd.f32 $3.333148360e-01, v49;
	(erf) = vpow2.f32 v34;
	v24 =	vmul.f32 v57, v3  }
0x12e: {  	v57 =	vadd.f32 $-1.803045270e-01, v22;
	v22 =	vmul.f32 v25, v20;
	v46 =	vmul.f32 v59, v33  }
0x12f: {  	v25 =	vadd.f32 $-2.497013810e-01, v56;
	v56 =	vmul.f32 v33, v33;
	v59 =	vmul.f32 v28, v28  }
0x130: {  	v47 =	vadd.f32 $-2.497013810e-01, v61;
	v61 =	vmul.f32 v27, v27;
	v37 =	vmul.f32 v37, v18  }
0x131: {  	[tilespmem:$0x1FFC0] =	vst v3;
	v63 =	vadd.f32 $-2.497013810e-01, v53;
	v3 =	vmul.f32 v15, v15;
	(erf) = vpow2.f32 v36  }
0x132: {  	v39 =	vadd.f32 $-2.497013810e-01, v39;
	v36 =	vmul.f32 $5.000000000e-01, v0;
	v0 =	vmul.f32 v0, v21  }
0x133: {  	(erf) = vpow2.f32 v38;
	[tilespmem:s0+$0x6070] =	vst v24;
	v48 =	vsub.f32 $1.000000000e+00, v24;
	v24 =	vmul.f32 $1.248558690e-01, v16  }
0x134: {  	v45 =	vadd.f32 $3.333148360e-01, v45;
	v57 =	vmul.f32 v57, v17;
	v39 =	vmul.f32 v39, v15  }
0x135: {  	[tilespmem:$0x1FF80] =	vst v9;
	v51 =	vadd.f32 $-2.497013810e-01, v22;
	v47 =	vmul.f32 v47, v19;
	v9 =	vmul.f32 $5.000000000e-01, v59  }
0x136: {  	v22 =	vshra.s32 v8, $0x17;
	v59 =	vmul.f32 v59, v28;
	v8 =	vmul.f32 $5.000000000e-01, v61  }
0x137: {  	v46 =	vadd.f32 $3.333148360e-01, v46;
	v61 =	vmul.f32 v61, v27;
	(erf) = vpow2.f32 v40  }
0x138: {  	v37 =	vadd.f32 $3.333148360e-01, v37;
	v40 =	vmul.f32 $5.000000000e-01, v1;
	v1 =	vmul.f32 v1, v17  }
0x139: {  	(erf) = vpow2.f32 v41;
	v22 =	vcvt.s32.f32 v22;
	v50 =	vadd.f32 $-1.803045270e-01, v24  }
0x13a: {  	[tilespmem:s0+$0x60F0] =	vst v48;
	v48 =	vmul.f32 v23, v21;
	v57 =	vadd.f32 $2.019971310e-01, v57;
	v23 =	vadd.f32 $-2.497013810e-01, v54  }
0x13b: {  	v24 =	vadd.f32 $-2.497013810e-01, v55;
	v54 =	vmul.f32 v25, v27;
	v55 =	vmul.f32 v32, v32  }
0x13c: {  	v25 =	vshra.s32 v6, $0x17;
	v51 =	vmul.f32 v51, v20;
	v6 =	vmul.f32 v20, v20  }
0x13d: {  	v39 =	vadd.f32 $3.333148360e-01, v39;
	(erf) = vpow2.f32 v43;
	v43 =	vmul.f32 $5.000000000e-01, v2  }
0x13e: {  	v47 =	vadd.f32 $3.333148360e-01, v47;
	v2 =	vmul.f32 v2, v18;
	(erf) = vpow2.f32 v44  }
0x13f: {  	v9 =	vsub.f32 v28, v9;
	v25 =	vcvt.s32.f32 v25;
	v22 =	vmul.f32 $6.931471820e-01, v22  }
0x140: {  	v8 =	vsub.f32 v27, v8;
	v50 =	vmul.f32 v50, v16;
	v35 =	vmul.f32 v57, v17  }
0x141: {  	v48 =	vadd.f32 $2.019971310e-01, v48;
	v52 =	vmul.f32 v23, v28;
	v53 =	vmul.f32 v24, v29  }
0x142: {  	v57 =	vmul.f32 v31, v31;
	v54 =	vadd.f32 $3.333148360e-01, v54;
	v62 =	vmul.f32 $5.000000000e-01, v55  }
0x143: {  	v23 =	vshra.s32 v11, $0x17;
	v55 =	vmul.f32 v55, v32;
	v11 =	vmul.f32 $5.000000000e-01, v58  }
0x144: {  	v24 =	vshra.s32 v7, $0x17;
	v58 =	vmul.f32 v58, v30;
	v7 =	vmul.f32 $5.000000000e-01, v60  }
0x145: {  	v60 =	vmul.f32 v60, v29;
	v51 =	vadd.f32 $3.333148360e-01, v51;
	v2 =	vmul.f32 v37, v2  }
0x146: {  	v18 =	vsub.f32 v18, v43;
	v24 =	vcvt.s32.f32 v24;
	v23 =	vcvt.s32.f32 v23  }
0x147: {  	v25 =	vmul.f32 $6.931471820e-01, v25;
	v48 =	vmul.f32 v48, v21;
	v50 =	vadd.f32 $2.019971310e-01, v50  }
0x148: {  	[tilespmem:$0x1FF70] =	vst v10;
	v35 =	vadd.f32 $-2.497013810e-01, v35;
	v52 =	vadd.f32 $3.333148360e-01, v52;
	v10 =	vmul.f32 $5.000000000e-01, v57  }
0x149: {  	v53 =	vadd.f32 $3.333148360e-01, v53;
	v57 =	vmul.f32 v57, v31;
	v45 =	vmul.f32 v45, v55  }
0x14a: {  	v32 =	vsub.f32 v32, v62;
	v27 =	vmul.f32 v54, v61;
	v24 =	vmul.f32 $6.931471820e-01, v24  }
0x14b: {  	v11 =	vsub.f32 v30, v11;
	v23 =	vmul.f32 $6.931471820e-01, v23;
	v42 =	vmul.f32 v50, v16  }
0x14c: {  	v7 =	vsub.f32 v29, v7;
	v50 =	vmul.f32 v63, v30;
	v35 =	vmul.f32 v35, v17  }
0x14d: {  	v2 =	vadd.f32 v2, v18;
	v63 =	vmul.f32 $5.000000000e-01, v56;
	v56 =	vmul.f32 v56, v33  }
0x14e: {  	v10 =	vsub.f32 v31, v10;
	v31 =	vmul.f32 v49, v57;
	v28 =	vmul.f32 v52, v59  }
0x14f: {  	v48 =	vadd.f32 $-2.497013810e-01, v48;
	v29 =	vmul.f32 v53, v60;
	v49 =	vmul.f32 $5.000000000e-01, v3  }
0x150: {  	v3 =	vmul.f32 v3, v15;
	v32 =	vadd.f32 v45, v32;
	v8 =	vadd.f32 v27, v8  }
0x151: {  	v53 =	vmul.f32 $5.000000000e-01, v4;
	v17 =	vsub.f32 v17, v40;
	v42 =	vadd.f32 $-2.497013810e-01, v42  }
0x152: {  	v4 =	vmul.f32 v4, v16;
	v50 =	vadd.f32 $3.333148360e-01, v50;
	v35 =	vadd.f32 $3.333148360e-01, v35  }
0x153: {  	v57 =	vld [tilespmem:$0x1FF60];
	v48 =	vmul.f32 v48, v21;
	v33 =	vsub.f32 v33, v63;
	v10 =	vadd.f32 v31, v10  }
0x154: {  	v59 =	vld [tilespmem:$0x1FF80];
	v34 =	vmul.f32 v46, v56;
	v9 =	vadd.f32 v28, v9;
	v7 =	vadd.f32 v29, v7  }
0x155: {  	v60 =	vld [tilespmem:$0x1FF90];
	v21 =	vsub.f32 v21, v36;
	v3 =	vmul.f32 v39, v3;
	v15 =	vsub.f32 v15, v49  }
0x156: {  	v25 =	vadd.f32 v32, v25;
	v8 =	vadd.f32 v8, v13;
	v42 =	vmul.f32 v42, v16  }
0x157: {  	v48 =	vadd.f32 $3.333148360e-01, v48;
	v30 =	vmul.f32 v50, v58;
	v33 =	vadd.f32 v34, v33  }
0x158: {  	v1 =	vmul.f32 v35, v1;
	v16 =	vsub.f32 v16, v53;
	v10 =	vadd.f32 v10, v23  }
0x159: {  	v9 =	vadd.f32 v9, v14;
	v7 =	vadd.f32 v7, v12;
	v8 =	vmul.f32 v8, v8  }
0x15a: {  	v56 =	vld [tilespmem:$0x1FF50];
	v41 =	vshra.s32 v57, $0x17;
	v52 =	vshra.s32 v59, $0x17;
	v55 =	vshra.s32 v60, $0x17  }
0x15b: {  	v59 =	vmul.f32 $5.000000000e-01, v6;
	v6 =	vmul.f32 v6, v20;
	v42 =	vadd.f32 $3.333148360e-01, v42  }
0x15c: {  	v11 =	vadd.f32 v30, v11;
	v0 =	vmul.f32 v48, v0;
	v49 =	vcvt.s32.f32 v41  }
0x15d: {  	v24 =	vadd.f32 v33, v24;
	v14 =	vcvt.s32.f32 v52;
	v12 =	vcvt.s32.f32 v55  }
0x15e: {  	v58 =	vld [tilespmem:$0x1FF70];
	v1 =	vadd.f32 v1, v17;
	v10 =	vmul.f32 v10, v10;
	v9 =	vmul.f32 v9, v9  }
0x15f: {  	v61 =	vld [tilespmem:$0x1FFA0];
	v7 =	vmul.f32 v7, v7;
	v38 =	vshra.s32 v56, $0x17;
	v56 =	vmul.f32 $5.000000000e-01, v5  }
0x160: {  	v44 =	vpop (erf);
	v5 =	vmul.f32 v5, v19;
	v6 =	vmul.f32 v51, v6;
	v20 =	vsub.f32 v20, v59  }
0x161: {  	v50 =	vpop (erf);
	v4 =	vmul.f32 v42, v4;
	v48 =	vcvt.s32.f32 v38;
	v11 =	vadd.f32 v11, v22  }
0x162: {  	v54 =	vpop (erf);
	v0 =	vadd.f32 v0, v21;
	v17 =	vmul.f32 $6.931471820e-01, v49;
	v14 =	vmul.f32 $6.931471820e-01, v14  }
0x163: {  	v12 =	vmul.f32 $6.931471820e-01, v12;
	v10 =	vmul.f32 v10, v54;
	v46 =	vshra.s32 v58, $0x17  }
0x164: {  	v58 =	vshra.s32 v61, $0x17;
	v5 =	vmul.f32 v47, v5;
	v19 =	vsub.f32 v19, v56  }
0x165: {  	v6 =	vadd.f32 v6, v20;
	v56 =	vcvt.s32.f32 v58;
	v13 =	vmul.f32 $6.931471820e-01, v48  }
0x166: {  	v53 =	vcvt.s32.f32 v46;
	v4 =	vadd.f32 v4, v16;
	v5 =	vadd.f32 v5, v19  }
0x167: {  	v57 =	vpop (erf);
	v0 =	vadd.f32 v0, v26;
	v1 =	vadd.f32 v1, v13;
	v13 =	vmul.f32 $6.931471820e-01, v56  }
0x168: {  	v60 =	vpop (erf);
	v16 =	vmul.f32 v25, v25;
	v58 =	vmul.f32 v24, v24;
	v12 =	vadd.f32 v5, v12;
	v5 =	vld [tilespmem:$0x1FFB0]  }
0x169: {  	v62 =	vpop (erf);
	v2 =	vadd.f32 v2, v17;
	v11 =	vmul.f32 v11, v11;
	v13 =	vadd.f32 v6, v13;
	v6 =	vld [tilespmem:$0x1FFC0]  }
0x16a: {  	v17 =	vmul.f32 v7, v62;
	v4 =	vadd.f32 v4, v14;
	v14 =	vmul.f32 v16, v44  }
0x16b: {  	v16 =	vmul.f32 v9, v60;
	v9 =	vmul.f32 v0, v0;
	v0 =	vld [tilespmem:$0x1FFE0]  }
0x16c: {  	v3 =	vadd.f32 v3, v15;
	v63 =	vpop (erf);
	v15 =	vmul.f32 $6.931471820e-01, v53;
	v11 =	vmul.f32 v11, v57  }
0x16d: {  	v51 =	vimm.f32 $0.0e+00;
	v59 =	vmul.f32 v8, v63;
	v7 =	vmul.f32 v1, v1;
	v1 =	vld [tilespmem:$0x1FFF0]  }
0x16e: {  	v8 =	vmul.f32 v2, v2;
	v3 =	vadd.f32 v3, v15;
	vm0 =	vle.f32 v5, v6;
	v6 =	vld [tilespmem:$0x1FFD0]  }
0x16f: {  	v15 =	vmul.f32 v58, v50;
	v61 =	vadd.f32 v14, v9;
	vm14 =	vle.f32 v14, v9  }
0x170: {  	v2 =	vmul.f32 v12, v12;
	v0 =	vsub.f32 $1.000000000e+00, v0;
	v5 =	vsel vm0, $0x3F800000, v51  }
0x171: {  	vm2 =	vle.f32 v10, v8;
	v12 =	vadd.f32 v10, v8;
	(erf) = vrcp.f32 v61;
	[tilespmem:s0+$0x4070] =	vst v5  }
0x172: {  	vm1 =	vle.f32 v15, v7;
	v62 =	vadd.f32 v17, v2;
	[tilespmem:s30+$0x60D0] =	vst v0;
	v0 =	vadd.f32 v15, v7  }
0x173: {  	v60 =	vsub.f32 $1.000000000e+00, v6;
	v6 =	vmul.f32 v3, v3;
	v3 =	vsub.f32 $1.000000000e+00, v1  }
0x174: {  	v1 =	vmul.f32 v4, v4;
	(erf) = vrcp.f32 v0;
	v0 =	vsel vm14, $0x3F800000, v51  }
0x175: {  	v4 =	vmul.f32 v13, v13;
	(erf) = vrcp.f32 v12;
	v12 =	vsub.f32 $1.000000000e+00, v0  }
0x176: {  	p1 =	sne.s32 s3, $0x7C00;
	vm5 =	vle.f32 v17, v2;
	[tilespmem:s30+$0x60E0] =	vst v3;
	v3 =	vadd.f32 v11, v6;
	v13 =	vadd.f32 v16, v1  }
.Ltmp2:
0x177: {  	v63 =	vadd.f32 v59, v4;
	vm3 =	vle.f32 v11, v6;
	vm4 =	vle.f32 v16, v1;
	(pc) =	sbr.rel @p1 .LBB2_3-.Ltmp2, $4  }
0x178: {  	[tilespmem:s30+$0x60C0] =	vst v60;
	s30 =	smov.u32 s0;
	vm15 =	vle.f32 v59, v4;
	v11 =	vsel vm1, $0x3F800000, v51;
	(erf) = vrcp.f32 v3  }
0x179: {  	[tilespmem:s30+$0x4000] =	vst v0;
	v10 =	vsel vm3, $0x3F800000, v51;
	v15 =	vsel vm4, $0x3F800000, v51;
	(erf) = vrcp.f32 v13  }
0x17a: {  	[tilespmem:s30+$0x4010] =	vst v11;
	v11 =	vsub.f32 $1.000000000e+00, v11;
	v3 =	vsel vm2, $0x3F800000, v51;
	(erf) = vrcp.f32 v62  }
0x17b: {  	s0 =	sshra.s32 s3, $0x2;
	s3 =	sadd.s32 $0x400, s3;
	v14 =	vsel vm15, $0x3F800000, v51;
	v13 =	vsel vm5, $0x3F800000, v51;
	[tilespmem:s30+$0x4020] =	vst v3;
	(erf) = vrcp.f32 v63  }
0x17c: {  	v0 =	vld [tilespmem:s0+$0x2070];
	[tilespmem:s30+$0x4030] =	vst v10  }
0x17d: {  	v16 =	vld [tilespmem:s0+$0x2000];
	[tilespmem:s30+$0x4080] =	vst v12;
	v12 =	vpop (erf)  }
0x17e: {  	v17 =	vld [tilespmem:s0+$0x20F0];
	v9 =	vmul.f32 v12, v9;
	[tilespmem:s30+$0x4090] =	vst v11;
	v11 =	vpop (erf)  }
0x17f: {  	v7 =	vmul.f32 v11, v7;
	v18 =	vpop (erf)  }
0x180: {  	v58 =	vsub.f32 $1.000000000e+00, v3;
	v12 =	vld [tilespmem:s0+$0x2010];
	[tilespmem:s30+$0x6000] =	vst v9;
	v9 =	vsub.f32 $1.000000000e+00, v9;
	v8 =	vmul.f32 v18, v8  }
0x181: {  	v21 =	vsub.f32 $1.000000000e+00, v10;
	v11 =	vld [tilespmem:s0+$0x2020];
	[tilespmem:s30+$0x6010] =	vst v7;
	v7 =	vsub.f32 $1.000000000e+00, v7;
	v57 =	vpop (erf)  }
0x182: {  	v22 =	vsub.f32 $1.000000000e+00, v15;
	v19 =	vld [tilespmem:s0+$0x2030];
	[tilespmem:s30+$0x6080] =	vst v9;
	v20 =	vsub.f32 $1.000000000e+00, v8;
	v6 =	vmul.f32 v57, v6  }
0x183: {  	v24 =	vsub.f32 $1.000000000e+00, v13;
	v25 =	vsub.f32 $1.000000000e+00, v14;
	v9 =	vld [tilespmem:s0+$0x2040];
	[tilespmem:s30+$0x6090] =	vst v7  }
0x184: {  	v26 =	vsub.f32 $1.000000000e+00, v5;
	v10 =	vpop (erf);
	v7 =	vld [tilespmem:s0+$0x2050];
	[tilespmem:s30+$0x60A0] =	vst v20;
	v3 =	vsub.f32 $1.000000000e+00, v6  }
0x185: {  	v0 =	vadd.f32 $1.000000010e-10, v0;
	v16 =	vadd.f32 $1.000000010e-10, v16;
	v5 =	vpop (erf);
	v20 =	vld [tilespmem:s0+$0x2060]  }
0x186: {  	v28 =	vadd.f32 $1.000000010e-10, v12;
	v23 =	vld [tilespmem:s0+$0x2080];
	[tilespmem:s30+$0x60B0] =	vst v3;
	v3 =	vmul.f32 v10, v1;
	v1 =	vmul.f32 v5, v2  }
0x187: {  	v2 =	vpop (erf);
	v10 =	vadd.f32 $1.000000010e-10, v17;
	v29 =	vadd.f32 $1.000000010e-10, v11;
	v27 =	vld [tilespmem:s0+$0x2090];
	[tilespmem:s30+$0x6020] =	vst v8;
	v8 =	vadd.s32 $0xC0CAFB0D, v0  }
0x188: {  	v2 =	vmul.f32 v2, v4;
	v4 =	vadd.s32 $0xC0CAFB0D, v16;
	v19 =	vadd.f32 $1.000000010e-10, v19  }
0x189: {  	v5 =	vand.u32 $0xFF800000, v8;
	v30 =	vadd.s32 $0xC0CAFB0D, v10;
	v9 =	vadd.f32 $1.000000010e-10, v9  }
0x18a: {  	v36 =	vand.u32 $0xFF800000, v4;
	v8 =	vshra.s32 v8, $0x17;
	v4 =	vshra.s32 v4, $0x17  }
0x18b: {  	v17 =	vld [tilespmem:s0+$0x20A0];
	[tilespmem:s30+$0x6030] =	vst v6;
	v0 =	vsub.s32 v0, v5;
	v6 =	vand.u32 $0xFF800000, v30;
	v5 =	vadd.s32 $0xC0CAFB0D, v28  }
0x18c: {  	v33 =	vadd.f32 $1.000000010e-10, v7;
	v7 =	vadd.s32 $0xC0CAFB0D, v19;
	v8 =	vcvt.s32.f32 v8  }
0x18d: {  	v30 =	vshra.s32 v30, $0x17;
	v53 =	vsub.s32 v16, v36;
	v4 =	vcvt.s32.f32 v4  }
0x18e: {  	v31 =	vld [tilespmem:s0+$0x70];
	[tilespmem:s30+$0x6040] =	vst v3;
	v3 =	vsub.f32 $1.000000000e+00, v3;
	v0 =	vadd.f32 $-1.000000000e+00, v0;
	v6 =	vsub.s32 v10, v6  }
0x18f: {  	v20 =	vadd.f32 $1.000000010e-10, v20;
	v23 =	vadd.f32 $1.000000010e-10, v23;
	v59 =	vand.u32 $0xFF800000, v5  }
0x190: {  	v63 =	vand.u32 $0xFF800000, v7;
	v30 =	vcvt.s32.f32 v30;
	v5 =	vshra.s32 v5, $0x17  }
0x191: {  	v32 =	vld [tilespmem:s0+$0xF0];
	[tilespmem:s30+$0x6050] =	vst v1;
	v7 =	vshra.s32 v7, $0x17;
	v1 =	vsub.f32 $1.000000000e+00, v1;
	v34 =	vadd.f32 $-1.000000000e+00, v6  }
0x192: {  	v6 =	vadd.s32 $0xC0CAFB0D, v29;
	v11 =	vadd.s32 $0xC0CAFB0D, v33;
	v8 =	vmul.f32 $6.931471820e-01, v8  }
0x193: {  	v35 =	vld [tilespmem:s0+$0x20B0];
	v28 =	vsub.s32 v28, v59;
	v55 =	vsub.s32 v19, v63;
	v5 =	vcvt.s32.f32 v5  }
0x194: {  	v39 =	vld [tilespmem:s0+$0x20C0];
	[tilespmem:s30+$0x6060] =	vst v2;
	v7 =	vcvt.s32.f32 v7;
	v4 =	vmul.f32 $6.931471820e-01, v4;
	v2 =	vsub.f32 $1.000000000e+00, v2  }
0x195: {  	v10 =	vmul.f32 $1.248558690e-01, v0;
	v12 =	vadd.s32 $0xC0CAFB0D, v20;
	v41 =	vadd.f32 $1.000000010e-10, v27  }
0x196: {  	v62 =	vand.u32 $0xFF800000, v6;
	v50 =	vand.u32 $0xFF800000, v11;
	v6 =	vshra.s32 v6, $0x17  }
0x197: {  	v11 =	vshra.s32 v11, $0x17;
	v38 =	vmul.f32 $1.248558690e-01, v34;
	v42 =	vadd.f32 $1.000000010e-10, v17  }
0x198: {  	v45 =	vmul.f32 v34, v34;
	v54 =	vand.u32 $0xFF800000, v12;
	v29 =	vsub.s32 v29, v62  }
0x199: {  	v56 =	vsub.s32 v33, v50;
	v6 =	vcvt.s32.f32 v6;
	v11 =	vcvt.s32.f32 v11  }
0x19a: {  	v12 =	vshra.s32 v12, $0x17;
	v5 =	vmul.f32 $6.931471820e-01, v5;
	v7 =	vmul.f32 $6.931471820e-01, v7  }
0x19b: {  	v37 =	vadd.f32 $-1.803045270e-01, v10;
	v10 =	vadd.s32 $0xC0CAFB0D, v9;
	v57 =	vsub.s32 v20, v54  }
0x19c: {  	v40 =	vld [tilespmem:s0+$0x20D0];
	[tilespmem:s30+$0x40A0] =	vst v58;
	v12 =	vcvt.s32.f32 v12;
	v38 =	vadd.f32 $-1.803045270e-01, v38;
	v31 =	vsub.f32 v32, v31  }
0x19d: {  	v17 =	vld [tilespmem:s0+$0x20E0];
	v48 =	vand.u32 $0xFF800000, v10;
	v46 =	vmul.f32 $5.000000000e-01, v45;
	v45 =	vmul.f32 v45, v34  }
0x19e: {  	v20 =	vadd.s32 $0xC0CAFB0D, v42;
	v10 =	vshra.s32 v10, $0x17;
	v6 =	vmul.f32 $6.931471820e-01, v6  }
0x19f: {  	v11 =	vmul.f32 $6.931471820e-01, v11;
	v37 =	vmul.f32 v37, v0;
	v35 =	vadd.f32 $1.000000010e-10, v35  }
0x1a0: {  	v39 =	vadd.f32 $1.000000010e-10, v39;
	v61 =	vmul.f32 v38, v34;
	v31 =	vadd.f32 v31, v31  }
0x1a1: {  	v10 =	vcvt.s32.f32 v10;
	v40 =	vadd.f32 $1.000000010e-10, v40;
	v60 =	vadd.f32 $2.019971310e-01, v37  }
0x1a2: {  	v43 =	vadd.f32 $1.000000010e-10, v17;
	v17 =	vmul.f32 v0, v0;
	v37 =	vadd.f32 $2.019971310e-01, v61  }
0x1a3: {  	[tilespmem:s30+$0x40B0] =	vst v21;
	v21 =	vadd.s32 $0xC0CAFB0D, v39;
	v10 =	vmul.f32 $6.931471820e-01, v10;
	v27 =	vmul.f32 v60, v0  }
0x1a4: {  	v31 =	vmul.f32 $1.442695020e+00, v31;
	v18 =	vadd.s32 $0xC0CAFB0D, v40;
	v37 =	vmul.f32 v37, v34  }
0x1a5: {  	v44 =	vmul.f32 $5.000000000e-01, v17;
	v17 =	vmul.f32 v17, v0;
	v27 =	vadd.f32 $-2.497013810e-01, v27  }
0x1a6: {  	(erf) = vpow2.f32 v31;
	v31 =	vsub.s32 v9, v48;
	v37 =	vadd.f32 $-2.497013810e-01, v37  }
0x1a7: {  	v48 =	vand.u32 $0xFF800000, v21;
	v21 =	vshra.s32 v21, $0x17;
	v27 =	vmul.f32 v27, v0  }
0x1a8: {  	v21 =	vcvt.s32.f32 v21;
	v0 =	vsub.f32 v0, v44;
	v37 =	vmul.f32 v37, v34  }
0x1a9: {  	v19 =	vadd.s32 $0xC0CAFB0D, v43;
	v44 =	vadd.f32 $-1.000000000e+00, v28;
	v27 =	vadd.f32 $3.333148360e-01, v27  }
0x1aa: {  	v33 =	vsub.s32 v39, v48;
	v21 =	vmul.f32 $6.931471820e-01, v21;
	v49 =	vadd.f32 $3.333148360e-01, v37  }
0x1ab: {  	v50 =	vmul.f32 $1.248558690e-01, v44;
	v17 =	vmul.f32 v27, v17;
	v27 =	vadd.f32 $-1.000000000e+00, v57  }
0x1ac: {  	v52 =	vmul.f32 v49, v45;
	v45 =	vadd.f32 $-1.000000000e+00, v29;
	v29 =	vadd.f32 $-1.000000000e+00, v56  }
0x1ad: {  	v49 =	vand.u32 $0xFF800000, v19;
	v19 =	vshra.s32 v19, $0x17;
	v0 =	vadd.f32 v17, v0  }
0x1ae: {  	v17 =	vsub.f32 v34, v46;
	v34 =	vld [tilespmem:s0+$0x0];
	[tilespmem:s30+$0x40C0] =	vst v22;
	v22 =	vadd.s32 $0xC0CAFB0D, v35;
	v46 =	vadd.f32 $-1.000000000e+00, v55  }
0x1af: {  	v38 =	vsub.s32 v43, v49;
	v19 =	vcvt.s32.f32 v19;
	v63 =	vand.u32 $0xFF800000, v22  }
0x1b0: {  	v48 =	vmul.f32 $1.248558690e-01, v45;
	v22 =	vshra.s32 v22, $0x17;
	v0 =	vadd.f32 v0, v8  }
0x1b1: {  	v36 =	vld [tilespmem:s0+$0x80];
	[tilespmem:s30+$0x40D0] =	vst v24;
	v8 =	vmul.f32 $6.931471820e-01, v30;
	v16 =	vadd.f32 v52, v17;
	v17 =	vadd.s32 $0xC0CAFB0D, v41  }
0x1b2: {  	v32 =	vld [tilespmem:s0+$0x10];
	[tilespmem:s30+$0x40E0] =	vst v25;
	v25 =	vadd.f32 $-1.000000000e+00, v53;
	v30 =	vadd.f32 $-1.000000000e+00, v31;
	v31 =	vsub.s32 v35, v63  }
0x1b3: {  	v61 =	vand.u32 $0xFF800000, v17;
	v24 =	vadd.f32 $-1.000000000e+00, v31;
	v48 =	vadd.f32 $-1.803045270e-01, v48  }
0x1b4: {  	v17 =	vshra.s32 v17, $0x17;
	v9 =	vadd.f32 v16, v8;
	v16 =	vadd.s32 $0xC0CAFB0D, v23  }
0x1b5: {  	v0 =	vmul.f32 v0, v0;
	v59 =	vand.u32 $0xFF800000, v16;
	v31 =	vmul.f32 v48, v45  }
0x1b6: {  	v16 =	vshra.s32 v16, $0x17;
	v9 =	vmul.f32 v9, v9;
	v23 =	vsub.s32 v23, v59  }
0x1b7: {  	v8 =	vpop (erf);
	v34 =	vsub.f32 v36, v34;
	v59 =	vmul.f32 $1.248558690e-01, v30;
	v16 =	vcvt.s32.f32 v16  }
0x1b8: {  	v8 =	vmul.f32 v0, v8;
	v0 =	vld [tilespmem:s0+$0x90];
	[tilespmem:s30+$0x40F0] =	vst v26;
	v26 =	vsub.s32 v41, v61;
	v41 =	vadd.f32 $-1.803045270e-01, v50  }
0x1b9: {  	v23 =	vadd.f32 $-1.000000000e+00, v23;
	v50 =	vmul.f32 $1.248558690e-01, v29;
	v37 =	vld [tilespmem:s0+$0x20];
	[tilespmem:s30+$0x4040] =	vst v15;
	v15 =	vmul.f32 $1.248558690e-01, v25  }
0x1ba: {  	v34 =	vadd.f32 v34, v34;
	v36 =	vadd.f32 $-1.803045270e-01, v59;
	v16 =	vmul.f32 $6.931471820e-01, v16  }
0x1bb: {  	v58 =	vadd.f32 v8, v9;
	v60 =	vld [tilespmem:s0+$0xA0];
	[tilespmem:s30+$0x4050] =	vst v13;
	v13 =	vand.u32 $0xFF800000, v20;
	v15 =	vadd.f32 $-1.803045270e-01, v15  }
0x1bc: {  	v62 =	vld [tilespmem:s0+$0x30];
	[tilespmem:s30+$0x4060] =	vst v14;
	v14 =	vand.u32 $0xFF800000, v18;
	v13 =	vsub.s32 v42, v13;
	v34 =	vmul.f32 $1.442695020e+00, v34  }
0x1bd: {  	v18 =	vshra.s32 v18, $0x17;
	(erf) = vrcp.f32 v58;
	v47 =	vld [tilespmem:s0+$0xB0];
	v40 =	vsub.s32 v40, v14  }
0x1be: {  	v52 =	vld [tilespmem:s0+$0x40];
	v14 =	vadd.f32 $-1.000000000e+00, v13;
	v13 =	vmul.f32 v41, v44;
	v58 =	vmul.f32 $1.248558690e-01, v46  }
0x1bf: {  	v20 =	vshra.s32 v20, $0x17;
	v54 =	vld [tilespmem:s0+$0xC0];
	v18 =	vcvt.s32.f32 v18;
	v15 =	vmul.f32 v15, v25  }
0x1c0: {  	v55 =	vld [tilespmem:s0+$0x50];
	v0 =	vsub.f32 v0, v32;
	(erf) = vpow2.f32 v34;
	v34 =	vmul.f32 $1.248558690e-01, v23  }
0x1c1: {  	v57 =	vld [tilespmem:s0+$0xD0];
	v13 =	vadd.f32 $2.019971310e-01, v13;
	v41 =	vadd.f32 $-1.803045270e-01, v58;
	v58 =	vmul.f32 v36, v30  }
0x1c2: {  	v18 =	vmul.f32 $6.931471820e-01, v18;
	v53 =	vadd.f32 $2.019971310e-01, v15;
	v15 =	vadd.f32 $-1.000000000e+00, v26  }
0x1c3: {  	v37 =	vsub.f32 v60, v37;
	v60 =	vmul.f32 v25, v25;
	v0 =	vadd.f32 v0, v0  }
0x1c4: {  	v34 =	vadd.f32 $-1.803045270e-01, v34;
	v61 =	vmul.f32 v13, v44;
	v13 =	vadd.f32 $-1.000000000e+00, v33  }
0x1c5: {  	v41 =	vmul.f32 v41, v46;
	v56 =	vmul.f32 v53, v25;
	v47 =	vsub.f32 v47, v62  }
0x1c6: {  	v39 =	vsub.f32 v54, v52;
	v35 =	vsub.f32 v57, v55;
	v63 =	vmul.f32 v60, v25  }
0x1c7: {  	v53 =	vmul.f32 v44, v44;
	v54 =	vadd.f32 $2.019971310e-01, v31;
	v55 =	vmul.f32 $5.000000000e-01, v60  }
0x1c8: {  	v0 =	vmul.f32 $1.442695020e+00, v0;
	v37 =	vadd.f32 v37, v37;
	v34 =	vmul.f32 v34, v23  }
0x1c9: {  	v52 =	vadd.f32 $-2.497013810e-01, v61;
	v59 =	vadd.f32 $2.019971310e-01, v41;
	v61 =	vmul.f32 v45, v45  }
0x1ca: {  	v26 =	vadd.f32 $-2.497013810e-01, v56;
	v57 =	vmul.f32 v53, v44;
	v60 =	vmul.f32 v54, v45  }
0x1cb: {  	v31 =	vsub.f32 v25, v55;
	v43 =	vmul.f32 $5.000000000e-01, v53;
	(erf) = vpow2.f32 v0  }
0x1cc: {  	v49 =	vld [tilespmem:s0+$0x60];
	v53 =	vmul.f32 v46, v46;
	v37 =	vmul.f32 $1.442695020e+00, v37;
	v47 =	vadd.f32 v47, v47  }
0x1cd: {  	v62 =	vld [tilespmem:s0+$0xE0];
	v39 =	vadd.f32 v39, v39;
	v35 =	vadd.f32 v35, v35;
	v33 =	vmul.f32 v52, v44  }
0x1ce: {  	v34 =	vadd.f32 $2.019971310e-01, v34;
	v36 =	vmul.f32 v59, v46;
	v0 =	vmul.f32 $5.000000000e-01, v61  }
0x1cf: {  	v26 =	vmul.f32 v26, v25;
	v43 =	vsub.f32 v44, v43;
	v44 =	vmul.f32 v61, v45  }
0x1d0: {  	v25 =	vadd.f32 $2.019971310e-01, v58;
	(erf) = vpow2.f32 v37;
	v58 =	vmul.f32 v30, v30  }
0x1d1: {  	v41 =	vadd.f32 $-2.497013810e-01, v60;
	v59 =	vmul.f32 $1.442695020e+00, v47;
	v39 =	vmul.f32 $1.442695020e+00, v39  }
0x1d2: {  	v35 =	vmul.f32 $1.442695020e+00, v35;
	v34 =	vmul.f32 v34, v23;
	v42 =	vsub.f32 v62, v49  }
0x1d3: {  	v56 =	vadd.f32 $3.333148360e-01, v33;
	v33 =	vmul.f32 $1.248558690e-01, v15;
	v52 =	vmul.f32 v41, v45  }
0x1d4: {  	v0 =	vsub.f32 v45, v0;
	v45 =	vmul.f32 $5.000000000e-01, v53;
	v61 =	vmul.f32 v58, v30  }
0x1d5: {  	v36 =	vadd.f32 $-2.497013810e-01, v36;
	(erf) = vpow2.f32 v59;
	v37 =	vmul.f32 $5.000000000e-01, v58  }
0x1d6: {  	v62 =	vadd.f32 $-1.803045270e-01, v50;
	v58 =	vmul.f32 v23, v23;
	v59 =	vmul.f32 v15, v15  }
0x1d7: {  	vm0 =	vle.f32 v8, v9;
	v32 =	vmul.f32 v56, v57;
	v36 =	vmul.f32 v36, v46  }
0x1d8: {  	v26 =	vadd.f32 $3.333148360e-01, v26;
	v54 =	vmul.f32 v62, v29;
	v56 =	vmul.f32 v53, v46  }
0x1d9: {  	v34 =	vadd.f32 $-2.497013810e-01, v34;
	v62 =	vmul.f32 $1.248558690e-01, v24;
	(erf) = vpow2.f32 v39  }
0x1da: {  	v53 =	vmul.f32 v27, v27;
	v33 =	vadd.f32 $-1.803045270e-01, v33;
	v28 =	vmul.f32 v26, v63  }
0x1db: {  	v42 =	vadd.f32 v42, v42;
	v26 =	vmul.f32 $1.248558690e-01, v27;
	v63 =	vmul.f32 v25, v30  }
0x1dc: {  	v41 =	vadd.f32 $3.333148360e-01, v52;
	v25 =	vadd.f32 $-1.000000000e+00, v40;
	(erf) = vpow2.f32 v35  }
0x1dd: {  	v45 =	vsub.f32 v46, v45;
	v34 =	vmul.f32 v34, v23;
	v39 =	vmul.f32 v53, v27  }
0x1de: {  	v36 =	vadd.f32 $3.333148360e-01, v36;
	v33 =	vmul.f32 v33, v15;
	v42 =	vmul.f32 $1.442695020e+00, v42  }
0x1df: {  	v32 =	vadd.f32 v32, v43;
	v40 =	vmul.f32 v41, v44;
	v55 =	vadd.f32 $-2.497013810e-01, v63  }
0x1e0: {  	v41 =	vmul.f32 $1.248558690e-01, v14;
	v57 =	vadd.f32 $-1.803045270e-01, v26;
	v44 =	vadd.f32 $2.019971310e-01, v54  }
0x1e1: {  	v26 =	vadd.f32 $-1.000000000e+00, v38;
	v63 =	vmul.f32 v29, v29;
	v54 =	vmul.f32 $1.248558690e-01, v13  }
0x1e2: {  	v38 =	vadd.f32 $-1.803045270e-01, v62;
	v34 =	vadd.f32 $3.333148360e-01, v34;
	v62 =	vmul.f32 v24, v24  }
0x1e3: {  	v28 =	vadd.f32 v28, v31;
	v36 =	vmul.f32 v36, v56;
	v56 =	vmul.f32 $1.248558690e-01, v25  }
0x1e4: {  	v33 =	vadd.f32 $2.019971310e-01, v33;
	(erf) = vpow2.f32 v42;
	v42 =	vmul.f32 v59, v15  }
0x1e5: {  	v5 =	vadd.f32 v32, v5;
	v48 =	vmul.f32 v55, v30;
	v60 =	vmul.f32 v57, v27  }
0x1e6: {  	v44 =	vmul.f32 v44, v29;
	v30 =	vsub.f32 v30, v37;
	v52 =	vmul.f32 $5.000000000e-01, v63  }
0x1e7: {  	v55 =	vmul.f32 $5.000000000e-01, v53;
	v57 =	vmul.f32 $1.248558690e-01, v26;
	v41 =	vadd.f32 $-1.803045270e-01, v41  }
0x1e8: {  	v37 =	vadd.f32 $-1.803045270e-01, v54;
	v38 =	vmul.f32 v38, v24;
	v53 =	vmul.f32 v26, v26  }
0x1e9: {  	v0 =	vadd.f32 v40, v0;
	v54 =	vmul.f32 $5.000000000e-01, v59;
	v40 =	vmul.f32 v62, v24  }
0x1ea: {  	v4 =	vadd.f32 v28, v4;
	v35 =	vadd.f32 $-1.803045270e-01, v56;
	v33 =	vmul.f32 v33, v15  }
0x1eb: {  	v36 =	vadd.f32 v36, v45;
	v56 =	vmul.f32 $5.000000000e-01, v62;
	v5 =	vmul.f32 v5, v5  }
0x1ec: {  	v47 =	vadd.f32 $2.019971310e-01, v60;
	v41 =	vmul.f32 v41, v14;
	v37 =	vmul.f32 v37, v13  }
0x1ed: {  	v60 =	vmul.f32 v14, v14;
	v0 =	vadd.f32 v0, v6;
	v6 =	vmul.f32 $6.931471820e-01, v12  }
0x1ee: {  	v48 =	vadd.f32 $3.333148360e-01, v48;
	v12 =	vcvt.s32.f32 v17;
	v17 =	vcvt.s32.f32 v20  }
0x1ef: {  	v44 =	vadd.f32 $-2.497013810e-01, v44;
	v4 =	vmul.f32 v4, v4;
	v35 =	vmul.f32 v35, v25  }
0x1f0: {  	v38 =	vadd.f32 $2.019971310e-01, v38;
	v46 =	vmul.f32 v48, v61;
	v47 =	vmul.f32 v47, v27  }
0x1f1: {  	v33 =	vadd.f32 $-2.497013810e-01, v33;
	v44 =	vmul.f32 v44, v29;
	v48 =	vmul.f32 v63, v29  }
0x1f2: {  	v7 =	vadd.f32 v36, v7;
	v38 =	vmul.f32 v38, v24;
	v61 =	vmul.f32 v58, v23  }
0x1f3: {  	v29 =	vsub.f32 v29, v52;
	v63 =	vmul.f32 v13, v13;
	v52 =	vmul.f32 v25, v25  }
0x1f4: {  	v41 =	vadd.f32 $2.019971310e-01, v41;
	v31 =	vmul.f32 v60, v14;
	v12 =	vmul.f32 $6.931471820e-01, v12  }
0x1f5: {  	v37 =	vadd.f32 $2.019971310e-01, v37;
	v17 =	vmul.f32 $6.931471820e-01, v17;
	v0 =	vmul.f32 v0, v0  }
0x1f6: {  	v35 =	vadd.f32 $2.019971310e-01, v35;
	v33 =	vmul.f32 v33, v15;
	v15 =	vsub.f32 v15, v54  }
0x1f7: {  	v7 =	vmul.f32 v7, v7;
	v44 =	vadd.f32 $3.333148360e-01, v44;
	v47 =	vadd.f32 $-2.497013810e-01, v47  }
0x1f8: {  	v41 =	vmul.f32 v41, v14;
	v37 =	vmul.f32 v37, v13;
	v38 =	vadd.f32 $-2.497013810e-01, v38  }
0x1f9: {  	v34 =	vmul.f32 v34, v61;
	v30 =	vadd.f32 v46, v30;
	v62 =	vmul.f32 $5.000000000e-01, v63  }
0x1fa: {  	v43 =	vmul.f32 $5.000000000e-01, v52;
	v35 =	vmul.f32 v35, v25;
	v33 =	vadd.f32 $3.333148360e-01, v33  }
0x1fb: {  	v44 =	vmul.f32 v44, v48;
	v47 =	vmul.f32 v47, v27;
	v27 =	vsub.f32 v27, v55  }
0x1fc: {  	v48 =	vadd.f32 $-1.803045270e-01, v57;
	v41 =	vadd.f32 $-2.497013810e-01, v41;
	v38 =	vmul.f32 v38, v24  }
0x1fd: {  	v37 =	vadd.f32 $-2.497013810e-01, v37;
	v55 =	vmul.f32 $5.000000000e-01, v60;
	v57 =	vmul.f32 v63, v13  }
0x1fe: {  	v60 =	vmul.f32 v53, v26;
	v24 =	vsub.f32 v24, v56;
	v63 =	vmul.f32 $5.000000000e-01, v53  }
0x1ff: {  	v10 =	vadd.f32 v30, v10;
	v35 =	vadd.f32 $-2.497013810e-01, v35;
	v33 =	vmul.f32 v33, v42  }
0x200: {  	v48 =	vmul.f32 v48, v26;
	v41 =	vmul.f32 v41, v14;
	v47 =	vadd.f32 $3.333148360e-01, v47  }
0x201: {  	v37 =	vmul.f32 v37, v13;
	v38 =	vadd.f32 $3.333148360e-01, v38;
	v29 =	vadd.f32 v44, v29  }
0x202: {  	v14 =	vsub.f32 v14, v55;
	v13 =	vsub.f32 v13, v62;
	v10 =	vmul.f32 v10, v10  }
0x203: {  	v35 =	vmul.f32 v35, v25;
	v15 =	vadd.f32 v33, v15;
	v48 =	vadd.f32 $2.019971310e-01, v48  }
0x204: {  	v41 =	vadd.f32 $3.333148360e-01, v41;
	v39 =	vmul.f32 v47, v39;
	v37 =	vadd.f32 $3.333148360e-01, v37  }
0x205: {  	v47 =	vmul.f32 $5.000000000e-01, v58;
	v58 =	vmul.f32 v52, v25;
	v25 =	vsub.f32 v25, v43  }
0x206: {  	v38 =	vmul.f32 v38, v40;
	v11 =	vadd.f32 v29, v11;
	v35 =	vadd.f32 $3.333148360e-01, v35  }
0x207: {  	v12 =	vadd.f32 v15, v12;
	v15 =	vmul.f32 $6.931471820e-01, v19;
	v48 =	vmul.f32 v48, v26  }
0x208: {  	v59 =	vpop (erf);
	v27 =	vadd.f32 v39, v27;
	v23 =	vsub.f32 v23, v47;
	v31 =	vmul.f32 v41, v31  }
0x209: {  	v37 =	vmul.f32 v37, v57;
	v39 =	vmul.f32 v59, v9;
	v50 =	vadd.f32 v38, v24  }
0x20a: {  	v11 =	vmul.f32 v11, v11;
	v59 =	vsel vm0, $0x3F800000, v51;
	v48 =	vadd.f32 $-2.497013810e-01, v48  }
0x20b: {  	v35 =	vmul.f32 v35, v58;
	v61 =	vsub.f32 $1.000000000e+00, v39;
	v14 =	vadd.f32 v31, v14  }
0x20c: {  	v49 =	vadd.f32 v34, v23;
	v6 =	vadd.f32 v27, v6;
	v48 =	vmul.f32 v48, v26  }
0x20d: {  	v8 =	vmul.f32 v12, v12;
	v13 =	vadd.f32 v37, v13;
	v14 =	vadd.f32 v14, v17;
	v17 =	vpop (erf)  }
0x20e: {  	[tilespmem:s0+$0x4070] =	vst v59;
	v16 =	vadd.f32 v49, v16;
	v6 =	vmul.f32 v6, v6;
	v55 =	vpop (erf);
	v48 =	vadd.f32 $3.333148360e-01, v48  }
0x20f: {  	[tilespmem:s0+$0x6070] =	vst v39;
	v13 =	vadd.f32 v13, v21;
	v4 =	vmul.f32 v4, v17;
	v5 =	vmul.f32 v5, v55  }
0x210: {  	v52 =	vadd.f32 v35, v25;
	[tilespmem:s0+$0x60F0] =	vst v61;
	v56 =	vpop (erf);
	v40 =	vmul.f32 v48, v60;
	v48 =	vcvt.s32.f32 v22  }
0x211: {  	v26 =	vsub.f32 v26, v63;
	[tilespmem:s30+$0x60C0] =	vst v3;
	v16 =	vmul.f32 v16, v16;
	v3 =	vmul.f32 v13, v13;
	v57 =	vpop (erf)  }
0x212: {  	v17 =	vadd.f32 v52, v18;
	v0 =	vmul.f32 v0, v56;
	v58 =	vpop (erf);
	v20 =	vmul.f32 $6.931471820e-01, v48  }
0x213: {  	v12 =	vadd.f32 v4, v16;
	v9 =	vmul.f32 v10, v58;
	v10 =	vmul.f32 v14, v14  }
0x214: {  	v7 =	vmul.f32 v7, v57;
	v60 =	vadd.f32 v5, v8;
	v14 =	vpop (erf);
	v54 =	vadd.f32 v50, v20  }
0x215: {  	v11 =	vmul.f32 v11, v14;
	(erf) = vrcp.f32 v12;
	v14 =	vadd.f32 v0, v10  }
0x216: {  	vm6 =	vle.f32 v4, v16;
	(erf) = vrcp.f32 v60;
	v19 =	vmul.f32 v54, v54  }
0x217: {  	[tilespmem:s30+$0x60D0] =	vst v1;
	vm1 =	vle.f32 v5, v8;
	v4 =	vsel vm6, $0x3F800000, v51;
	v12 =	vpop (erf);
	(erf) = vrcp.f32 v14  }
0x218: {  	[tilespmem:s30+$0x60E0] =	vst v2;
	v6 =	vmul.f32 v6, v12;
	v12 =	vmul.f32 v17, v17;
	v61 =	vadd.f32 v7, v19  }
0x219: {  	v53 =	vadd.f32 v40, v26;
	[tilespmem:s0+$0x4000] =	vst v4;
	v4 =	vsub.f32 $1.000000000e+00, v4;
	vm7 =	vle.f32 v0, v10  }
0x21a: {  	v0 =	vsel vm1, $0x3F800000, v51;
	v5 =	vadd.f32 v11, v12;
	(erf) = vrcp.f32 v61  }
0x21b: {  	v2 =	vadd.f32 v9, v3;
	[tilespmem:s0+$0x4010] =	vst v0;
	v0 =	vsub.f32 $1.000000000e+00, v0  }
0x21c: {  	[tilespmem:s0+$0x4080] =	vst v4;
	vm8 =	vle.f32 v7, v19  }
0x21d: {  	v15 =	vadd.f32 v53, v15;
	[tilespmem:s0+$0x4090] =	vst v0;
	(erf) = vrcp.f32 v2;
	v2 =	vsel vm8, $0x3F800000, v51  }
0x21e: {  	v7 =	vsel vm7, $0x3F800000, v51;
	(erf) = vrcp.f32 v5;
	[tilespmem:s0+$0x4030] =	vst v2;
	v5 =	vpop (erf);
	v2 =	vsub.f32 $1.000000000e+00, v2  }
0x21f: {  	v1 =	vmul.f32 v15, v15;
	[tilespmem:s0+$0x4020] =	vst v7;
	v5 =	vmul.f32 v5, v16;
	v4 =	vpop (erf)  }
0x220: {  	v4 =	vmul.f32 v4, v8;
	v0 =	vpop (erf);
	[tilespmem:s0+$0x40B0] =	vst v2  }
0x221: {  	v13 =	vadd.f32 v6, v1;
	[tilespmem:s0+$0x6000] =	vst v5;
	v5 =	vsub.f32 $1.000000000e+00, v5;
	v0 =	vmul.f32 v0, v10  }
0x222: {  	[tilespmem:s0+$0x6010] =	vst v4  }
0x223: {  	(erf) = vrcp.f32 v13;
	v4 =	vsub.f32 $1.000000000e+00, v4;
	[tilespmem:s0+$0x6080] =	vst v5;
	v5 =	vsub.f32 $1.000000000e+00, v0;
	v8 =	vpop (erf)  }
0x224: {  	[tilespmem:s0+$0x6020] =	vst v0;
	v8 =	vmul.f32 v8, v19  }
0x225: {  	[tilespmem:s0+$0x6090] =	vst v4  }
0x226: {  	[tilespmem:s0+$0x60A0] =	vst v5;
	v4 =	vsub.f32 $1.000000000e+00, v8  }
0x227: {  	vm9 =	vle.f32 v9, v3;
	v5 =	vpop (erf);
	[tilespmem:s0+$0x6030] =	vst v8  }
0x228: {  	[tilespmem:s0+$0x60B0] =	vst v4;
	v4 =	vmul.f32 v5, v3;
	v3 =	vsub.f32 $1.000000000e+00, v7;
	v7 =	vsel vm9, $0x3F800000, v51  }
0x229: {  	v5 =	vpop (erf);
	[tilespmem:s0+$0x4040] =	vst v7  }
0x22a: {  	v0 =	vmul.f32 v5, v12;
	[tilespmem:s0+$0x6040] =	vst v4  }
0x22b: {  	vm11 =	vle.f32 v6, v1;
	v6 =	vsub.f32 $1.000000000e+00, v7;
	[tilespmem:s0+$0x40A0] =	vst v3  }
0x22c: {  	vm10 =	vle.f32 v11, v12;
	v5 =	vpop (erf);
	[tilespmem:s0+$0x6050] =	vst v0  }
0x22d: {  	v5 =	vmul.f32 v5, v1;
	v1 =	vsel vm10, $0x3F800000, v51;
	[tilespmem:s0+$0x40C0] =	vst v6  }
0x22e: {  	v3 =	vsel vm11, $0x3F800000, v51;
	[tilespmem:s0+$0x4050] =	vst v1  }
0x22f: {  	v8 =	vsub.f32 $1.000000000e+00, v1;
	[tilespmem:s0+$0x4060] =	vst v3  }
0x230: {  	v2 =	vsub.f32 $1.000000000e+00, v3;
	[tilespmem:s0+$0x6060] =	vst v5  }
0x231: {  	v6 =	vsub.f32 $1.000000000e+00, v59;
	[tilespmem:s0+$0x40D0] =	vst v8  }
0x232: {  	v1 =	vsub.f32 $1.000000000e+00, v4;
	[tilespmem:s0+$0x40E0] =	vst v2  }
0x233: {  	v0 =	vsub.f32 $1.000000000e+00, v0;
	[tilespmem:s0+$0x40F0] =	vst v6  }
0x234: {  	[tilespmem:s0+$0x60C0] =	vst v1;
	v1 =	vsub.f32 $1.000000000e+00, v5  }
0x235: {  	p1 =	seq.s32 s28, $0x3F;
	s30 =	sshrl.u32 s31, $0x3;
	[tilespmem:s0+$0x60D0] =	vst v0  }
0x236: {  	s3 =	sadd.s32 s4, s30;
	[tilespmem:s0+$0x60E0] =	vst v1;
	s0 =	sadd.s32 @!p1 s29, s12  }
0x237: {  	[hbm4b:s3+s6] =	stream.linear.scatter [tilespmem:s19], [sflag:$0x3], $0x2000, $0x38;
	[tilespmem:$0x10000] =	vst v63  }
0x238: {  	s3 =	sadd.s32 s5, s30;
	s0 =	sshrl.u32 @!p1 s0, $0x3  }
0x239: {  	[hbm4b:s3+s6] =	stream.linear.scatter [tilespmem:s20], [sflag:$0x3], $0x2000, $0x38;
	[tilespmem:$0x10000] =	vst v63  }
0x23a: {  	s31 =	simm.s32 @!p1 $0x0;
	s3 =	sadd.s32 @!p1 s1, s0  }
0x23b: {  	[tilespmem:s31], [sflag:$0x1] =	stream.linear.gather @!p1 [hbm4b:s3+s31], $0x2000, $0x38;
	[tilespmem:$0x10000] =	vst v63  }
0x23c: {  	s0 =	sadd.s32 @!p1 s2, s0;
	s3 =	simm.s32 @!p1 $0x2000  }
0x23d: {  	[tilespmem:s3], [sflag:$0x1] =	stream.linear.gather @!p1 [hbm4b:s0+s31], $0x2000, $0x38;
	[tilespmem:$0x10000] =	vst v63  }
0x23e: {  	_ =	swait.ge [sflag:s21], $0x2000  }
0x23f: {  	[sflag:s21] =	ssyncset.done $0x0  }
0x240: {  	[sflag:s21] =	ssyncadd.s32 $0xFFFFE000  }
0x241: {  	_ =	swait.ge [sflag:s21], $0x2000  }
0x242: {  	[sflag:s21] =	ssyncset.done $0x0  }
0x243: {  	s0 =	simm.s32 @!p0 $0x4;
	[sflag:s21] =	ssyncadd.s32 $0xFFFFE000  }
0x244: {  	_ =	swait.ge @!p0 [sflag:s0], $0x2000  }
0x245: {  	[sflag:s0] =	ssyncset.done @!p0 $0x0  }
0x246: {  	[sflag:s0] =	ssyncadd.s32 @!p0 $0xFFFFE000  }
0x247: {  	_ =	swait.ge @!p0 [sflag:s0], $0x2000  }
0x248: {  	[sflag:s0] =	ssyncset.done @!p0 $0x0  }
0x249: {  	s31 =	simm.s32 $0x0;
	[sflag:s0] =	ssyncadd.s32 @!p0 $0xFFFFE000  }
0x24a: {  	v0 =	vld [tilespmem:s31+$0xA070]  }
0x24b: {  	v1 =	vld [tilespmem:s31+$0xA000]  }
0x24c: {  	v2 =	vld [tilespmem:s31+$0xA0F0]  }
0x24d: {  	v3 =	vld [tilespmem:s31+$0xA010]  }
0x24e: {  	v5 =	vld [tilespmem:s31+$0xA020]  }
0x24f: {  	v6 =	vld [tilespmem:s31+$0xA030]  }
0x250: {  	v9 =	vld [tilespmem:s31+$0xA050]  }
0x251: {  	v12 =	vld [tilespmem:s31+$0xA060]  }
0x252: {  	v13 =	vld [tilespmem:s31+$0xA080]  }
0x253: {  	v16 =	vld [tilespmem:s31+$0xA090]  }
0x254: {  	v62 =	vld [tilespmem:s31+$0xA0A0]  }
0x255: {  	v35 =	vld [tilespmem:s31+$0x8070]  }
0x256: {  	v37 =	vld [tilespmem:s31+$0x80F0]  }
0x257: {  	v39 =	vld [tilespmem:s31+$0xA0B0]  }
0x258: {  	v42 =	vld [tilespmem:s31+$0xA0C0];
	v0 =	vadd.f32 $1.000000010e-10, v0;
	v8 =	vadd.f32 $1.000000010e-10, v1  }
0x259: {  	v29 =	vld [tilespmem:s31+$0x8000];
	v2 =	vadd.f32 $1.000000010e-10, v2;
	v11 =	vadd.f32 $1.000000010e-10, v3  }
0x25a: {  	v59 =	vld [tilespmem:s31+$0x8080];
	v14 =	vadd.f32 $1.000000010e-10, v5;
	v17 =	vadd.f32 $1.000000010e-10, v6  }
0x25b: {  	v9 =	vadd.f32 $1.000000010e-10, v9;
	v12 =	vadd.f32 $1.000000010e-10, v12  }
0x25c: {  	v28 =	vadd.f32 $1.000000010e-10, v13;
	v16 =	vadd.f32 $1.000000010e-10, v16  }
0x25d: {  	v18 =	vadd.f32 $1.000000010e-10, v62;
	v20 =	vsub.f32 v37, v35  }
0x25e: {  	v24 =	vadd.f32 $1.000000010e-10, v39;
	v27 =	vadd.f32 $1.000000010e-10, v42  }
0x25f: {  	v59 =	vsub.f32 v59, v29;
	v10 =	vadd.s32 $0xC0CAFB0D, v0;
	v4 =	vadd.s32 $0xC0CAFB0D, v8  }
0x260: {  	v15 =	vadd.s32 $0xC0CAFB0D, v2;
	v7 =	vadd.s32 $0xC0CAFB0D, v11;
	v6 =	vadd.s32 $0xC0CAFB0D, v9  }
0x261: {  	v20 =	vadd.f32 v20, v20;
	v3 =	vand.u32 $0xFF800000, v10;
	v38 =	vand.u32 $0xFF800000, v4  }
0x262: {  	v43 =	vand.u32 $0xFF800000, v7;
	v10 =	vshra.s32 v10, $0x17;
	v54 =	vand.u32 $0xFF800000, v6  }
0x263: {  	v1 =	vld [tilespmem:s31+$0xA040];
	v4 =	vshra.s32 v4, $0x17;
	v7 =	vshra.s32 v7, $0x17;
	v6 =	vshra.s32 v6, $0x17  }
0x264: {  	v13 =	vld [tilespmem:s31+$0xA0D0];
	v0 =	vsub.s32 v0, v3;
	v3 =	vand.u32 $0xFF800000, v15;
	v20 =	vmul.f32 $1.442695020e+00, v20  }
0x265: {  	v33 =	vld [tilespmem:s31+$0x8010];
	v10 =	vcvt.s32.f32 v10;
	v15 =	vshra.s32 v15, $0x17;
	v23 =	vsub.s32 v8, v38  }
0x266: {  	v35 =	vld [tilespmem:s31+$0x8090];
	v56 =	vsub.s32 v11, v43;
	v57 =	vsub.s32 v9, v54;
	v4 =	vcvt.s32.f32 v4  }
0x267: {  	v9 =	vadd.s32 $0xC0CAFB0D, v16;
	v7 =	vcvt.s32.f32 v7;
	v6 =	vcvt.s32.f32 v6  }
0x268: {  	v0 =	vadd.f32 $-1.000000000e+00, v0;
	v63 =	vadd.f32 $1.000000010e-10, v1;
	v1 =	vsub.s32 v2, v3  }
0x269: {  	v3 =	vadd.s32 $0xC0CAFB0D, v14;
	v32 =	vadd.f32 $1.000000010e-10, v13;
	v15 =	vcvt.s32.f32 v15  }
0x26a: {  	v37 =	vadd.f32 $-1.000000000e+00, v56;
	v62 =	vand.u32 $0xFF800000, v9;
	v22 =	vadd.f32 $-1.000000000e+00, v57  }
0x26b: {  	v31 =	vsub.f32 v35, v33;
	v36 =	vadd.f32 $-1.000000000e+00, v1;
	v1 =	vadd.s32 $0xC0CAFB0D, v17  }
0x26c: {  	v45 =	vand.u32 $0xFF800000, v3;
	(erf) = vpow2.f32 v20;
	v10 =	vmul.f32 $6.931471820e-01, v10  }
0x26d: {  	v4 =	vmul.f32 $6.931471820e-01, v4;
	v3 =	vshra.s32 v3, $0x17;
	v7 =	vmul.f32 $6.931471820e-01, v7  }
0x26e: {  	v6 =	vmul.f32 $6.931471820e-01, v6;
	v2 =	vmul.f32 $1.248558690e-01, v0;
	v5 =	vadd.s32 $0xC0CAFB0D, v63  }
0x26f: {  	v46 =	vand.u32 $0xFF800000, v1;
	v48 =	vmul.f32 v0, v0;
	v8 =	vmul.f32 $6.931471820e-01, v15  }
0x270: {  	v15 =	vsub.s32 v14, v45;
	v31 =	vadd.f32 v31, v31;
	v3 =	vcvt.s32.f32 v3  }
0x271: {  	v1 =	vshra.s32 v1, $0x17;
	v41 =	vmul.f32 $1.248558690e-01, v36;
	v49 =	vand.u32 $0xFF800000, v5  }
0x272: {  	v52 =	vmul.f32 v36, v36;
	v17 =	vsub.s32 v17, v46;
	v38 =	vadd.f32 $-1.000000000e+00, v15  }
0x273: {  	v44 =	vld [tilespmem:s31+$0xA0E0];
	v5 =	vshra.s32 v5, $0x17;
	v1 =	vcvt.s32.f32 v1;
	v40 =	vadd.f32 $-1.803045270e-01, v2  }
0x274: {  	v42 =	vld [tilespmem:s31+$0x80B0];
	v50 =	vmul.f32 $5.000000000e-01, v48;
	v30 =	vmul.f32 v48, v0;
	v26 =	vadd.f32 $-1.803045270e-01, v41  }
0x275: {  	v2 =	vadd.s32 $0xC0CAFB0D, v12;
	v31 =	vmul.f32 $1.442695020e+00, v31;
	v3 =	vmul.f32 $6.931471820e-01, v3  }
0x276: {  	v20 =	vld [tilespmem:s31+$0x8030];
	v19 =	vsub.s32 v63, v49;
	v25 =	vmul.f32 v40, v0;
	v26 =	vmul.f32 v26, v36  }
0x277: {  	v39 =	vadd.f32 $-1.000000000e+00, v17;
	v5 =	vcvt.s32.f32 v5;
	v53 =	vmul.f32 $5.000000000e-01, v52  }
0x278: {  	v34 =	vmul.f32 v52, v36;
	v25 =	vadd.f32 $2.019971310e-01, v25;
	v26 =	vadd.f32 $2.019971310e-01, v26  }
0x279: {  	v11 =	vand.u32 $0xFF800000, v2;
	v2 =	vshra.s32 v2, $0x17;
	v1 =	vmul.f32 $6.931471820e-01, v1  }
0x27a: {  	v58 =	vsub.s32 v12, v11;
	v25 =	vmul.f32 v25, v0;
	v47 =	vmul.f32 v26, v36  }
0x27b: {  	v11 =	vadd.s32 $0xC0CAFB0D, v32;
	v33 =	vsub.f32 v42, v20;
	v26 =	vadd.f32 $1.000000010e-10, v44  }
0x27c: {  	v2 =	vcvt.s32.f32 v2;
	v13 =	vadd.f32 $-2.497013810e-01, v25;
	v25 =	vadd.f32 $-2.497013810e-01, v47  }
0x27d: {  	v5 =	vmul.f32 $6.931471820e-01, v5;
	v17 =	vadd.f32 $-1.000000000e+00, v58;
	v33 =	vadd.f32 v33, v33  }
0x27e: {  	v12 =	vadd.s32 $0xC0CAFB0D, v26;
	v13 =	vmul.f32 v13, v0;
	v25 =	vmul.f32 v25, v36  }
0x27f: {  	v0 =	vsub.f32 v0, v50;
	v50 =	vand.u32 $0xFF800000, v11;
	v56 =	vand.u32 $0xFF800000, v12  }
0x280: {  	v12 =	vshra.s32 v12, $0x17;
	v13 =	vadd.f32 $3.333148360e-01, v13;
	v25 =	vadd.f32 $3.333148360e-01, v25  }
0x281: {  	v2 =	vmul.f32 $6.931471820e-01, v2;
	v32 =	vsub.s32 v32, v50;
	v12 =	vcvt.s32.f32 v12  }
0x282: {  	v13 =	vmul.f32 v13, v30;
	v55 =	vmul.f32 v25, v34;
	v34 =	vadd.f32 $-1.000000000e+00, v23  }
0x283: {  	v15 =	vld [tilespmem:s31+$0x8020];
	v23 =	vadd.f32 $-1.000000000e+00, v19;
	v25 =	vsub.s32 v16, v62;
	v16 =	vmul.f32 $1.248558690e-01, v37  }
0x284: {  	v44 =	vld [tilespmem:s31+$0x8040];
	v0 =	vadd.f32 v13, v0;
	v13 =	vsub.f32 v36, v53;
	v36 =	vsub.s32 v26, v56  }
0x285: {  	v19 =	vld [tilespmem:s31+$0x80A0];
	v56 =	vadd.f32 v59, v59;
	v52 =	vmul.f32 $1.248558690e-01, v34;
	v57 =	vadd.f32 $-1.803045270e-01, v16  }
0x286: {  	v53 =	vld [tilespmem:s31+$0x80C0];
	v35 =	vmul.f32 $1.248558690e-01, v23;
	v36 =	vadd.f32 $-1.000000000e+00, v36;
	v0 =	vadd.f32 v0, v10  }
0x287: {  	v10 =	vadd.f32 v55, v13;
	v59 =	vmul.f32 $1.442695020e+00, v56;
	v56 =	vmul.f32 v39, v39  }
0x288: {  	v54 =	vadd.f32 $-1.803045270e-01, v52;
	v62 =	vmul.f32 v57, v37;
	v35 =	vadd.f32 $-1.803045270e-01, v35  }
0x289: {  	v58 =	vld [tilespmem:s31+$0x80D0];
	v13 =	vadd.f32 v10, v8;
	v0 =	vmul.f32 v0, v0;
	v8 =	vadd.s32 $0xC0CAFB0D, v28  }
0x28a: {  	v14 =	vpop (erf);
	v55 =	vld [tilespmem:s31+$0x8050];
	v10 =	vadd.s32 $0xC0CAFB0D, v18;
	v43 =	vsub.f32 v19, v15;
	v61 =	vand.u32 $0xFF800000, v8  }
0x28b: {  	v42 =	vsub.f32 v53, v44;
	v44 =	vmul.f32 $1.248558690e-01, v22;
	v0 =	vmul.f32 v0, v14  }
0x28c: {  	v30 =	vmul.f32 v13, v13;
	v14 =	vadd.s32 $0xC0CAFB0D, v24;
	v13 =	vadd.s32 $0xC0CAFB0D, v27  }
0x28d: {  	v28 =	vsub.s32 v28, v61;
	v61 =	vmul.f32 $1.248558690e-01, v38;
	v43 =	vadd.f32 v43, v43  }
0x28e: {  	v48 =	vand.u32 $0xFF800000, v14;
	v49 =	vand.u32 $0xFF800000, v13;
	v16 =	vadd.f32 $-1.000000000e+00, v28  }
0x28f: {  	v41 =	vsub.f32 v58, v55;
	v55 =	vmul.f32 v34, v34;
	v13 =	vshra.s32 v13, $0x17  }
0x290: {  	v60 =	vadd.f32 v0, v30;
	v40 =	vsub.s32 v24, v48;
	v27 =	vsub.s32 v27, v49  }
0x291: {  	v24 =	vmul.f32 v54, v34;
	v48 =	vmul.f32 $1.248558690e-01, v39;
	v49 =	vadd.f32 $2.019971310e-01, v62  }
0x292: {  	vm12 =	vle.f32 v0, v30;
	v0 =	vmul.f32 v37, v37;
	v62 =	vmul.f32 $1.248558690e-01, v17  }
0x293: {  	v44 =	vadd.f32 $-1.803045270e-01, v44;
	v43 =	vmul.f32 $1.442695020e+00, v43;
	v13 =	vcvt.s32.f32 v13  }
0x294: {  	v42 =	vadd.f32 v42, v42;
	v58 =	vmul.f32 v55, v34;
	v28 =	vmul.f32 $1.248558690e-01, v16  }
0x295: {  	v15 =	vadd.f32 $-1.803045270e-01, v61;
	v29 =	vmul.f32 $5.000000000e-01, v55;
	v44 =	vmul.f32 v44, v22  }
0x296: {  	v63 =	vand.u32 $0xFF800000, v10;
	v42 =	vmul.f32 $1.442695020e+00, v42;
	(erf) = vrcp.f32 v60  }
0x297: {  	v21 =	vsub.s32 v18, v63;
	v52 =	vmul.f32 v15, v38;
	v19 =	vmul.f32 v49, v37  }
0x298: {  	v41 =	vadd.f32 v41, v41;
	v61 =	vmul.f32 v0, v37;
	v0 =	vmul.f32 $5.000000000e-01, v0  }
0x299: {  	v63 =	vld [tilespmem:s31+$0x80E0];
	v24 =	vadd.f32 $2.019971310e-01, v24;
	v13 =	vmul.f32 $6.931471820e-01, v13;
	(erf) = vpow2.f32 v59  }
0x29a: {  	v60 =	vld [tilespmem:s31+$0x8060];
	v29 =	vsub.f32 v34, v29;
	v44 =	vadd.f32 $2.019971310e-01, v44;
	v59 =	vmul.f32 v23, v23  }
0x29b: {  	v41 =	vmul.f32 $1.442695020e+00, v41;
	v28 =	vadd.f32 $-1.803045270e-01, v28;
	(erf) = vpow2.f32 v31  }
0x29c: {  	v50 =	vmul.f32 v24, v34;
	v19 =	vadd.f32 $-2.497013810e-01, v19;
	(erf) = vpow2.f32 v43  }
0x29d: {  	v54 =	vadd.f32 $2.019971310e-01, v52;
	v47 =	vmul.f32 v59, v23;
	v43 =	vmul.f32 $5.000000000e-01, v59  }
0x29e: {  	v28 =	vmul.f32 v28, v16;
	v53 =	vadd.f32 $-2.497013810e-01, v50;
	v19 =	vmul.f32 v19, v37  }
0x29f: {  	v20 =	vmul.f32 v54, v38;
	v50 =	vmul.f32 v38, v38;
	v26 =	vsub.f32 v63, v60  }
0x2a0: {  	v54 =	vmul.f32 v35, v23;
	v63 =	vadd.f32 $-1.803045270e-01, v48;
	v28 =	vadd.f32 $2.019971310e-01, v28  }
0x2a1: {  	v18 =	vmul.f32 v53, v34;
	v60 =	vadd.f32 $3.333148360e-01, v19;
	v19 =	vadd.f32 $-1.000000000e+00, v21  }
0x2a2: {  	v48 =	vadd.f32 $-2.497013810e-01, v20;
	v53 =	vmul.f32 v50, v38;
	v34 =	vmul.f32 $5.000000000e-01, v50  }
0x2a3: {  	v20 =	vadd.f32 $-1.000000000e+00, v40;
	v21 =	vmul.f32 v63, v39;
	v28 =	vmul.f32 v28, v16  }
0x2a4: {  	v57 =	vadd.f32 $3.333148360e-01, v18;
	v18 =	vadd.f32 $-1.000000000e+00, v25;
	v25 =	vmul.f32 v60, v61  }
0x2a5: {  	v26 =	vadd.f32 v26, v26;
	v49 =	vmul.f32 v48, v38;
	v60 =	vmul.f32 $1.442695020e+00, v33  }
0x2a6: {  	v0 =	vsub.f32 v37, v0;
	v61 =	vmul.f32 $5.000000000e-01, v56;
	v48 =	vmul.f32 $1.248558690e-01, v20;
	v15 =	vpop (erf)  }
0x2a7: {  	v52 =	vadd.f32 $2.019971310e-01, v21;
	v26 =	vmul.f32 $1.442695020e+00, v26;
	v15 =	vmul.f32 v15, v30  }
0x2a8: {  	v21 =	vadd.f32 $-1.000000000e+00, v27;
	v24 =	vmul.f32 v57, v58;
	v37 =	vmul.f32 $1.248558690e-01, v18  }
0x2a9: {  	v30 =	vadd.f32 $-1.803045270e-01, v62;
	v57 =	vmul.f32 v56, v39;
	v62 =	vmul.f32 v44, v22  }
0x2aa: {  	v40 =	vadd.f32 $3.333148360e-01, v49;
	(erf) = vpow2.f32 v60;
	v49 =	vmul.f32 v22, v22  }
0x2ab: {  	v27 =	vadd.f32 $2.019971310e-01, v54;
	v56 =	vmul.f32 $1.248558690e-01, v36;
	v59 =	vmul.f32 v18, v18  }
0x2ac: {  	v33 =	vsub.f32 v39, v61;
	v60 =	vmul.f32 v19, v19;
	v61 =	vmul.f32 v20, v20  }
0x2ad: {  	v28 =	vadd.f32 $-2.497013810e-01, v28;
	v55 =	vmul.f32 v52, v39;
	v27 =	vmul.f32 v27, v23  }
0x2ae: {  	(erf) = vpow2.f32 v42;
	v52 =	vmul.f32 v17, v17  }
0x2af: {  	v11 =	vshra.s32 v11, $0x17;
	v28 =	vmul.f32 v28, v16;
	v31 =	vmul.f32 v40, v53  }
0x2b0: {  	v34 =	vsub.f32 v38, v34;
	v40 =	vmul.f32 $1.248558690e-01, v19;
	v30 =	vmul.f32 v30, v17  }
0x2b1: {  	v0 =	vadd.f32 v25, v0;
	v50 =	vmul.f32 $5.000000000e-01, v49;
	v44 =	vmul.f32 v49, v22  }
0x2b2: {  	v38 =	vadd.f32 $-2.497013810e-01, v62;
	v53 =	vmul.f32 $1.248558690e-01, v21;
	(erf) = vpow2.f32 v41  }
0x2b3: {  	v37 =	vadd.f32 $-1.803045270e-01, v37;
	v24 =	vadd.f32 v24, v29;
	v45 =	vmul.f32 v59, v18  }
0x2b4: {  	v46 =	vmul.f32 v60, v19;
	v29 =	vmul.f32 $5.000000000e-01, v59;
	v0 =	vadd.f32 v0, v7  }
0x2b5: {  	v25 =	vmul.f32 $5.000000000e-01, v60;
	v35 =	vadd.f32 $-2.497013810e-01, v55;
	v27 =	vadd.f32 $-2.497013810e-01, v27  }
0x2b6: {  	v54 =	vmul.f32 v52, v17;
	v42 =	vmul.f32 $5.000000000e-01, v52;
	v28 =	vadd.f32 $3.333148360e-01, v28  }
0x2b7: {  	(erf) = vpow2.f32 v26;
	v30 =	vadd.f32 $2.019971310e-01, v30;
	v38 =	vmul.f32 v38, v22  }
0x2b8: {  	v22 =	vsub.f32 v22, v50;
	v40 =	vadd.f32 $-1.803045270e-01, v40;
	v37 =	vmul.f32 v37, v18  }
0x2b9: {  	v31 =	vadd.f32 v31, v34;
	v34 =	vmul.f32 $5.000000000e-01, v61;
	v4 =	vadd.f32 v24, v4  }
0x2ba: {  	v0 =	vmul.f32 v0, v0;
	v58 =	vmul.f32 v27, v23;
	v27 =	vadd.f32 $-1.000000000e+00, v32  }
0x2bb: {  	v35 =	vmul.f32 v35, v39;
	v23 =	vsub.f32 v23, v43;
	v32 =	vadd.f32 $-1.803045270e-01, v48  }
0x2bc: {  	v43 =	vadd.f32 $-1.803045270e-01, v53;
	v30 =	vmul.f32 v30, v17;
	v38 =	vadd.f32 $3.333148360e-01, v38  }
0x2bd: {  	v40 =	vmul.f32 v40, v19;
	v37 =	vadd.f32 $2.019971310e-01, v37;
	v4 =	vmul.f32 v4, v4  }
0x2be: {  	v3 =	vadd.f32 v31, v3;
	v55 =	vmul.f32 $1.248558690e-01, v27;
	v32 =	vmul.f32 v32, v20  }
0x2bf: {  	v63 =	vadd.f32 $3.333148360e-01, v58;
	v43 =	vmul.f32 v43, v21;
	v58 =	vmul.f32 v16, v16  }
0x2c0: {  	v35 =	vadd.f32 $3.333148360e-01, v35;
	v53 =	vmul.f32 v27, v27;
	v38 =	vmul.f32 v38, v44  }
0x2c1: {  	v60 =	vpop (erf);
	v30 =	vadd.f32 $-2.497013810e-01, v30;
	v37 =	vmul.f32 v37, v18;
	v3 =	vmul.f32 v3, v3  }
0x2c2: {  	v44 =	vadd.f32 $-1.803045270e-01, v56;
	v4 =	vmul.f32 v4, v60;
	v35 =	vmul.f32 v35, v57  }
0x2c3: {  	v40 =	vadd.f32 $2.019971310e-01, v40;
	v39 =	vmul.f32 v63, v47;
	v62 =	vmul.f32 v58, v16  }
0x2c4: {  	v41 =	vadd.f32 $-1.803045270e-01, v55;
	v63 =	vmul.f32 v21, v21;
	v26 =	vmul.f32 $5.000000000e-01, v58  }
0x2c5: {  	v32 =	vadd.f32 $2.019971310e-01, v32;
	v47 =	vmul.f32 v61, v20;
	v55 =	vmul.f32 $5.000000000e-01, v53  }
0x2c6: {  	v43 =	vadd.f32 $2.019971310e-01, v43;
	v30 =	vmul.f32 v30, v17;
	v44 =	vmul.f32 v44, v36  }
0x2c7: {  	v61 =	vpop (erf);
	v40 =	vmul.f32 v40, v19;
	v37 =	vadd.f32 $-2.497013810e-01, v37;
	v17 =	vsub.f32 v17, v42  }
0x2c8: {  	v22 =	vadd.f32 v38, v22;
	v0 =	vmul.f32 v0, v61;
	v41 =	vmul.f32 v41, v27  }
0x2c9: {  	v32 =	vmul.f32 v32, v20;
	v43 =	vmul.f32 v43, v21;
	v33 =	vadd.f32 v35, v33  }
0x2ca: {  	v23 =	vadd.f32 v39, v23;
	v28 =	vmul.f32 v28, v62;
	v16 =	vsub.f32 v16, v26  }
0x2cb: {  	v48 =	vmul.f32 v63, v21;
	v30 =	vadd.f32 $3.333148360e-01, v30;
	v44 =	vadd.f32 $2.019971310e-01, v44  }
0x2cc: {  	v40 =	vadd.f32 $-2.497013810e-01, v40;
	v37 =	vmul.f32 v37, v18;
	v18 =	vsub.f32 v18, v29  }
0x2cd: {  	v39 =	vmul.f32 $5.000000000e-01, v63;
	v6 =	vadd.f32 v22, v6;
	v41 =	vadd.f32 $2.019971310e-01, v41  }
0x2ce: {  	v29 =	vmul.f32 v53, v27;
	v32 =	vadd.f32 $-2.497013810e-01, v32;
	v43 =	vadd.f32 $-2.497013810e-01, v43  }
0x2cf: {  	v1 =	vadd.f32 v33, v1;
	v5 =	vadd.f32 v23, v5;
	v30 =	vmul.f32 v30, v54  }
0x2d0: {  	v16 =	vadd.f32 v28, v16;
	v62 =	vpop (erf);
	v44 =	vmul.f32 v44, v36;
	v40 =	vmul.f32 v40, v19  }
0x2d1: {  	v37 =	vadd.f32 $3.333148360e-01, v37;
	v54 =	vmul.f32 v36, v36;
	v3 =	vmul.f32 v3, v62  }
0x2d2: {  	v19 =	vsub.f32 v19, v25;
	v6 =	vmul.f32 v6, v6;
	v41 =	vmul.f32 v41, v27  }
0x2d3: {  	v32 =	vmul.f32 v32, v20;
	v57 =	vmul.f32 v43, v21;
	v20 =	vsub.f32 v20, v34  }
0x2d4: {  	v21 =	vsub.f32 v21, v39;
	v1 =	vmul.f32 v1, v1;
	v5 =	vmul.f32 v5, v5  }
0x2d5: {  	v40 =	vadd.f32 $3.333148360e-01, v40;
	v17 =	vadd.f32 v30, v17;
	v35 =	vmul.f32 v37, v45  }
0x2d6: {  	v52 =	vadd.f32 $-2.497013810e-01, v44;
	v56 =	vmul.f32 $5.000000000e-01, v54;
	v32 =	vadd.f32 $3.333148360e-01, v32  }
0x2d7: {  	v25 =	vmul.f32 v54, v36;
	v42 =	vadd.f32 $3.333148360e-01, v57;
	v50 =	vadd.f32 $-2.497013810e-01, v41  }
0x2d8: {  	v49 =	vmul.f32 v40, v46;
	v34 =	vsub.f32 v36, v56;
	v2 =	vadd.f32 v17, v2  }
0x2d9: {  	v17 =	vadd.f32 v35, v18;
	v30 =	vmul.f32 v32, v47;
	v26 =	vmul.f32 v42, v48  }
0x2da: {  	v63 =	vpop (erf);
	v38 =	vmul.f32 v50, v27;
	v32 =	vmul.f32 v52, v36;
	v59 =	vadd.f32 v49, v19  }
0x2db: {  	v19 =	vmul.f32 v1, v63;
	v1 =	vshra.s32 v8, $0x17;
	v8 =	vshra.s32 v9, $0x17  }
0x2dc: {  	v9 =	vshra.s32 v10, $0x17;
	v10 =	vshra.s32 v14, $0x17;
	v14 =	vcvt.s32.f32 v11  }
0x2dd: {  	v27 =	vsub.f32 v27, v55;
	v1 =	vcvt.s32.f32 v1;
	v9 =	vcvt.s32.f32 v9  }
0x2de: {  	v7 =	vadd.f32 $3.333148360e-01, v38;
	v8 =	vcvt.s32.f32 v8;
	v10 =	vcvt.s32.f32 v10  }
0x2df: {  	v21 =	vadd.f32 v26, v21;
	v1 =	vmul.f32 $6.931471820e-01, v1;
	v9 =	vmul.f32 $6.931471820e-01, v9  }
0x2e0: {  	v57 =	vadd.f32 $3.333148360e-01, v32;
	v8 =	vmul.f32 $6.931471820e-01, v8;
	v10 =	vmul.f32 $6.931471820e-01, v10  }
0x2e1: {  	v20 =	vadd.f32 v30, v20;
	v7 =	vmul.f32 v7, v29;
	v13 =	vadd.f32 v21, v13  }
0x2e2: {  	v2 =	vmul.f32 v2, v2;
	v1 =	vadd.f32 v16, v1;
	v8 =	vadd.f32 v17, v8  }
0x2e3: {  	v58 =	vmul.f32 v57, v25;
	v7 =	vadd.f32 v7, v27;
	v16 =	vadd.f32 v59, v9;
	v9 =	vpop (erf)  }
0x2e4: {  	v11 =	vmul.f32 v1, v1;
	v1 =	vadd.f32 v20, v10;
	v10 =	vpop (erf);
	v5 =	vmul.f32 v5, v9  }
0x2e5: {  	v22 =	vadd.f32 v58, v34;
	v9 =	vmul.f32 v8, v8;
	v17 =	vmul.f32 v6, v10  }
0x2e6: {  	v8 =	vpop (erf);
	v6 =	vadd.f32 v4, v11;
	v10 =	vmul.f32 $6.931471820e-01, v14;
	vm13 =	vle.f32 v4, v11  }
0x2e7: {  	v8 =	vmul.f32 v2, v8;
	v2 =	vadd.f32 v0, v9;
	vm2 =	vle.f32 v0, v9  }
0x2e8: {  	v0 =	vsub.f32 $1.000000000e+00, v15;
	(erf) = vrcp.f32 v6;
	v6 =	vmul.f32 $6.931471820e-01, v12  }
0x2e9: {  	v12 =	vadd.f32 v7, v10;
	v10 =	vmul.f32 v16, v16;
	v7 =	vmul.f32 v1, v1  }
0x2ea: {  	v1 =	vmul.f32 v13, v13;
	(erf) = vrcp.f32 v2;
	[tilespmem:s31+$0xE0F0] =	vst v0;
	v0 =	vsel vm13, $0x3F800000, v51  }
0x2eb: {  	v6 =	vadd.f32 v22, v6;
	v13 =	vadd.f32 v3, v10;
	v2 =	vmul.f32 v12, v12  }
0x2ec: {  	v12 =	vadd.f32 v19, v7;
	vm3 =	vle.f32 v3, v10;
	vm14 =	vle.f32 v19, v7  }
0x2ed: {  	v3 =	vadd.f32 v5, v1;
	vm4 =	vle.f32 v5, v1;
	v5 =	vsel vm2, $0x3F800000, v51  }
0x2ee: {  	[tilespmem:s31+$0xE070] =	vst v15;
	v15 =	vsub.f32 $1.000000000e+00, v0;
	v14 =	vsel vm4, $0x3F800000, v51;
	v4 =	vmul.f32 v6, v6  }
0x2ef: {  	(erf) = vrcp.f32 v13;
	v6 =	vsel vm12, $0x3F800000, v51;
	v13 =	vadd.f32 v17, v2  }
0x2f0: {  	[tilespmem:s31+$0xC000] =	vst v0;
	vm5 =	vle.f32 v17, v2;
	(erf) = vrcp.f32 v12;
	v12 =	vadd.f32 v8, v4  }
0x2f1: {  	[tilespmem:s31+$0xC010] =	vst v5;
	(erf) = vrcp.f32 v3;
	vm15 =	vle.f32 v8, v4;
	v3 =	vsel vm3, $0x3F800000, v51  }
0x2f2: {  	[tilespmem:s31+$0xC070] =	vst v6;
	v8 =	vsel vm5, $0x3F800000, v51;
	(erf) = vrcp.f32 v13;
	v13 =	vsub.f32 $1.000000000e+00, v5  }
0x2f3: {  	s3 =	simm.s32 $0x800;
	s0 =	simm.s32 $0x100;
	[tilespmem:s31+$0xC020] =	vst v3;
	v5 =	vsel vm15, $0x3F800000, v51;
	(erf) = vrcp.f32 v12;
	v12 =	vsel vm14, $0x3F800000, v51  }
.LBB2_5:
0x2f4: {  	v0 =	vld [tilespmem:s0+$0xA070];
	[tilespmem:s31+$0xC030] =	vst v12  }
0x2f5: {  	v20 =	vsub.f32 $1.000000000e+00, v12;
	v12 =	vld [tilespmem:s0+$0xA000]  }
0x2f6: {  	v17 =	vsub.f32 $1.000000000e+00, v3;
	[tilespmem:s31+$0xC080] =	vst v15;
	v3 =	vpop (erf)  }
0x2f7: {  	v21 =	vsub.f32 $1.000000000e+00, v14;
	v22 =	vsub.f32 $1.000000000e+00, v8;
	v16 =	vld [tilespmem:s0+$0xA0F0];
	v3 =	vmul.f32 v3, v11;
	v11 =	vpop (erf)  }
0x2f8: {  	v23 =	vsub.f32 $1.000000000e+00, v5;
	v24 =	vsub.f32 $1.000000000e+00, v6;
	[tilespmem:s31+$0xC090] =	vst v13;
	v9 =	vmul.f32 v11, v9;
	v6 =	vpop (erf)  }
0x2f9: {  	v11 =	vld [tilespmem:s0+$0xA010];
	[tilespmem:s31+$0xE000] =	vst v3;
	v3 =	vsub.f32 $1.000000000e+00, v3;
	v10 =	vmul.f32 v6, v10;
	v6 =	vpop (erf);
	v0 =	vadd.f32 $1.000000010e-10, v0  }
0x2fa: {  	v13 =	vld [tilespmem:s0+$0xA020];
	[tilespmem:s31+$0xE010] =	vst v9;
	v9 =	vsub.f32 $1.000000000e+00, v9;
	v18 =	vmul.f32 v6, v7;
	v6 =	vpop (erf);
	v15 =	vadd.f32 $1.000000010e-10, v12  }
0x2fb: {  	v7 =	vld [tilespmem:s0+$0xA030];
	[tilespmem:s31+$0xE080] =	vst v3;
	v3 =	vsub.f32 $1.000000000e+00, v10;
	v34 =	vmul.f32 v6, v1;
	v6 =	vpop (erf);
	v26 =	vadd.s32 $0xC0CAFB0D, v0  }
0x2fc: {  	v16 =	vadd.f32 $1.000000010e-10, v16;
	v12 =	vld [tilespmem:s0+$0xA040];
	[tilespmem:s31+$0xE090] =	vst v9;
	v9 =	vsub.f32 $1.000000000e+00, v18;
	v36 =	vmul.f32 v6, v2  }
0x2fd: {  	v6 =	vpop (erf);
	v1 =	vadd.s32 $0xC0CAFB0D, v15;
	v27 =	vand.u32 $0xFF800000, v26;
	v60 =	vshra.s32 v26, $0x17;
	v25 =	vld [tilespmem:s0+$0xA050];
	[tilespmem:s31+$0xE0A0] =	vst v3  }
0x2fe: {  	v37 =	vmul.f32 v6, v4;
	v19 =	vadd.f32 $1.000000010e-10, v11;
	v0 =	vsub.s32 v0, v27;
	v11 =	vld [tilespmem:s0+$0xA060]  }
0x2ff: {  	v27 =	vadd.s32 $0xC0CAFB0D, v16;
	v49 =	vand.u32 $0xFF800000, v1;
	v28 =	vld [tilespmem:s0+$0xA080];
	[tilespmem:s31+$0xE0B0] =	vst v9;
	v0 =	vadd.f32 $-1.000000000e+00, v0  }
0x300: {  	v9 =	vand.u32 $0xFF800000, v27;
	v15 =	vsub.s32 v15, v49;
	v4 =	vadd.f32 $1.000000010e-10, v13;
	v29 =	vld [tilespmem:s0+$0xA090];
	[tilespmem:s31+$0xE020] =	vst v10  }
0x301: {  	v2 =	vadd.s32 $0xC0CAFB0D, v19;
	v9 =	vsub.s32 v16, v9;
	v30 =	vadd.f32 $1.000000010e-10, v7;
	v31 =	vld [tilespmem:s0+$0xA0A0];
	[tilespmem:s31+$0xE030] =	vst v18  }
0x302: {  	v10 =	vmul.f32 $1.248558690e-01, v0;
	v47 =	vadd.f32 $-1.000000000e+00, v9;
	v50 =	vand.u32 $0xFF800000, v2;
	v33 =	vld [tilespmem:s0+$0x8070];
	[tilespmem:s31+$0xE040] =	vst v34  }
0x303: {  	v32 =	vadd.f32 $1.000000010e-10, v12;
	v12 =	vadd.s32 $0xC0CAFB0D, v4;
	v25 =	vadd.f32 $1.000000010e-10, v25;
	v35 =	vld [tilespmem:s0+$0x80F0];
	[tilespmem:s31+$0xE050] =	vst v36  }
0x304: {  	[tilespmem:$0x1FF30] =	vst v36;
	v19 =	vsub.s32 v19, v50;
	v42 =	vadd.f32 $-1.803045270e-01, v10;
	v43 =	vmul.f32 $1.248558690e-01, v47;
	v36 =	vld [tilespmem:s0+$0xA0B0]  }
0x305: {  	[tilespmem:$0x1FF20] =	vst v34;
	v3 =	vadd.s32 $0xC0CAFB0D, v30;
	v48 =	vadd.f32 $1.000000010e-10, v11;
	v38 =	vld [tilespmem:s0+$0xA0C0];
	v13 =	vadd.s32 $0xC0CAFB0D, v32  }
0x306: {  	[tilespmem:s31+$0xE060] =	vst v37;
	v16 =	vadd.f32 $1.000000010e-10, v28;
	v51 =	vand.u32 $0xFF800000, v3;
	v7 =	vadd.s32 $0xC0CAFB0D, v25  }
0x307: {  	v44 =	vld [tilespmem:s0+$0xA0D0];
	v45 =	vmul.f32 v42, v0;
	v39 =	vadd.f32 $-1.803045270e-01, v43;
	[tilespmem:s31+$0xC0A0] =	vst v17;
	v17 =	vadd.f32 $1.000000010e-10, v29  }
0x308: {  	v6 =	vadd.s32 $0xC0CAFB0D, v48;
	v18 =	vadd.f32 $1.000000010e-10, v31;
	v46 =	vld [tilespmem:s0+$0xA0E0];
	[tilespmem:s31+$0xC0B0] =	vst v20;
	v26 =	vadd.s32 $0xC0CAFB0D, v16  }
0x309: {  	v31 =	vmul.f32 v47, v47;
	v34 =	vld [tilespmem:s0+$0x8000];
	v56 =	vadd.f32 $2.019971310e-01, v45;
	[tilespmem:s31+$0xC0C0] =	vst v21;
	v21 =	vand.u32 $0xFF800000, v12  }
0x30a: {  	v57 =	vmul.f32 v39, v47;
	v33 =	vsub.f32 v35, v33;
	v21 =	vsub.s32 v4, v21  }
0x30b: {  	v35 =	vld [tilespmem:s0+$0x8080];
	[tilespmem:s31+$0xC0D0] =	vst v22;
	v11 =	vadd.s32 $0xC0CAFB0D, v18;
	v52 =	vadd.f32 $1.000000010e-10, v36;
	v20 =	vmul.f32 v56, v0  }
0x30c: {  	v36 =	vld [tilespmem:s0+$0x8010];
	v58 =	vadd.f32 $2.019971310e-01, v57;
	[tilespmem:s31+$0xC0E0] =	vst v23;
	v53 =	vadd.f32 $1.000000010e-10, v38;
	v23 =	vcvt.s32.f32 v60  }
0x30d: {  	v56 =	vmul.f32 $5.000000000e-01, v31;
	v57 =	vand.u32 $0xFF800000, v7;
	v60 =	vand.u32 $0xFF800000, v6  }
0x30e: {  	[tilespmem:$0x1FF40] =	vst v37;
	v59 =	vadd.f32 v33, v33;
	v54 =	vadd.f32 $1.000000010e-10, v44;
	v33 =	vshra.s32 v27, $0x17  }
0x30f: {  	v37 =	vld [tilespmem:s0+$0x8090];
	[tilespmem:s31+$0xC0F0] =	vst v24;
	v24 =	vmul.f32 v31, v47;
	v48 =	vsub.s32 v48, v60;
	v31 =	vadd.f32 $-1.000000000e+00, v21  }
0x310: {  	v20 =	vadd.f32 $-2.497013810e-01, v20;
	v22 =	vmul.f32 v58, v47;
	v55 =	vadd.f32 $1.000000010e-10, v46  }
0x311: {  	v38 =	vld [tilespmem:s0+$0x8020];
	[tilespmem:s31+$0xC040] =	vst v14;
	v14 =	vmul.f32 v0, v0;
	v58 =	vmul.f32 $6.931471820e-01, v23;
	v10 =	vadd.s32 $0xC0CAFB0D, v52  }
0x312: {  	v9 =	vadd.s32 $0xC0CAFB0D, v53;
	v27 =	vadd.f32 $-1.000000000e+00, v48;
	v61 =	vmul.f32 $1.442695020e+00, v59  }
0x313: {  	v39 =	vld [tilespmem:s0+$0x80A0];
	[tilespmem:s31+$0xC050] =	vst v8;
	v59 =	vcvt.s32.f32 v33;
	v33 =	vadd.f32 $-1.000000000e+00, v19;
	v8 =	vmul.f32 v20, v0  }
0x314: {  	v40 =	vld [tilespmem:s0+$0x8030];
	v62 =	vadd.f32 $-2.497013810e-01, v22;
	[tilespmem:s31+$0xC060] =	vst v5;
	v5 =	vand.u32 $0xFF800000, v13;
	v63 =	vmul.f32 $5.000000000e-01, v14  }
0x315: {  	v14 =	vmul.f32 v14, v0;
	v34 =	vsub.f32 v35, v34;
	(erf) = vpow2.f32 v61  }
0x316: {  	v61 =	vmul.f32 $6.931471820e-01, v59;
	v8 =	vadd.f32 $3.333148360e-01, v8;
	v20 =	vmul.f32 v62, v47  }
0x317: {  	v0 =	vsub.f32 v0, v63;
	v62 =	vsub.s32 v30, v51;
	v63 =	vsub.s32 v32, v5  }
0x318: {  	v32 =	vadd.f32 $-1.000000000e+00, v15;
	v15 =	vand.u32 $0xFF800000, v26;
	v51 =	vmul.f32 $1.248558690e-01, v33  }
0x319: {  	v36 =	vsub.f32 v37, v36;
	v34 =	vadd.f32 v34, v34;
	v26 =	vshra.s32 v26, $0x17  }
0x31a: {  	v30 =	vadd.f32 $-1.000000000e+00, v62;
	v28 =	vadd.f32 $-1.000000000e+00, v63;
	v15 =	vsub.s32 v16, v15  }
0x31b: {  	v26 =	vcvt.s32.f32 v26;
	v8 =	vmul.f32 v8, v14;
	v14 =	vadd.f32 $3.333148360e-01, v20  }
0x31c: {  	v41 =	vld [tilespmem:s0+$0x80B0];
	v20 =	vsub.s32 v25, v57;
	v57 =	vand.u32 $0xFF800000, v10;
	v21 =	vadd.f32 $-1.000000000e+00, v15  }
0x31d: {  	v42 =	vld [tilespmem:s0+$0x8040];
	v63 =	vmul.f32 $1.248558690e-01, v32;
	v51 =	vadd.f32 $-1.803045270e-01, v51;
	v38 =	vsub.f32 v39, v38  }
0x31e: {  	v43 =	vld [tilespmem:s0+$0x80C0];
	v36 =	vadd.f32 v36, v36;
	v34 =	vmul.f32 $1.442695020e+00, v34;
	v29 =	vadd.f32 $-1.000000000e+00, v20  }
0x31f: {  	v60 =	vsub.s32 v52, v57;
	v52 =	vmul.f32 $1.248558690e-01, v30;
	v26 =	vmul.f32 $6.931471820e-01, v26  }
0x320: {  	v0 =	vadd.f32 v8, v0;
	v8 =	vsub.f32 v47, v56;
	v14 =	vmul.f32 v14, v24  }
0x321: {  	v56 =	vand.u32 $0xFF800000, v11;
	v24 =	vmul.f32 $1.248558690e-01, v28;
	v15 =	vadd.f32 $-1.000000000e+00, v60  }
0x322: {  	v60 =	vmul.f32 $1.248558690e-01, v27;
	v51 =	vmul.f32 v51, v33;
	v40 =	vsub.f32 v41, v40  }
0x323: {  	v41 =	vsub.f32 v43, v42;
	v38 =	vadd.f32 v38, v38;
	v36 =	vmul.f32 $1.442695020e+00, v36  }
0x324: {  	v18 =	vsub.s32 v18, v56;
	v25 =	vmul.f32 $1.248558690e-01, v29;
	v52 =	vadd.f32 $-1.803045270e-01, v52  }
0x325: {  	v0 =	vadd.f32 v0, v58;
	v8 =	vadd.f32 v14, v8;
	v14 =	vadd.s32 $0xC0CAFB0D, v17  }
0x326: {  	v58 =	vand.u32 $0xFF800000, v9;
	v18 =	vadd.f32 $-1.000000000e+00, v18;
	v51 =	vadd.f32 $2.019971310e-01, v51  }
0x327: {  	v40 =	vadd.f32 v40, v40;
	v41 =	vadd.f32 v41, v41;
	v38 =	vmul.f32 $1.442695020e+00, v38  }
0x328: {  	v52 =	vmul.f32 v52, v30;
	v5 =	vadd.f32 v8, v61;
	v0 =	vmul.f32 v0, v0  }
0x329: {  	v8 =	vadd.s32 $0xC0CAFB0D, v54;
	v61 =	vsub.s32 v53, v58;
	v57 =	vmul.f32 $1.248558690e-01, v18  }
0x32a: {  	v53 =	vadd.f32 $-1.803045270e-01, v24;
	v58 =	vmul.f32 $1.248558690e-01, v15;
	v51 =	vmul.f32 v51, v33  }
0x32b: {  	v4 =	vpop (erf);
	v40 =	vmul.f32 $1.442695020e+00, v40;
	v41 =	vmul.f32 $1.442695020e+00, v41;
	v16 =	vand.u32 $0xFF800000, v8  }
0x32c: {  	v52 =	vadd.f32 $2.019971310e-01, v52;
	v0 =	vmul.f32 v0, v4;
	v5 =	vmul.f32 v5, v5  }
0x32d: {  	v62 =	vsub.s32 v54, v16;
	v16 =	vadd.f32 $-1.000000000e+00, v61;
	v54 =	vadd.f32 $-1.803045270e-01, v25  }
0x32e: {  	v4 =	vadd.s32 $0xC0CAFB0D, v55;
	v57 =	vadd.f32 $-1.803045270e-01, v57;
	v58 =	vadd.f32 $-1.803045270e-01, v58  }
0x32f: {  	v53 =	vmul.f32 v53, v28;
	v59 =	vand.u32 $0xFF800000, v4;
	v19 =	vadd.f32 $-1.000000000e+00, v62  }
0x330: {  	v62 =	vadd.f32 $-1.803045270e-01, v63;
	v63 =	vmul.f32 $1.248558690e-01, v21;
	v52 =	vmul.f32 v52, v30  }
0x331: {  	[tilespmem:$0x1FF00] =	vst v0;
	v0 =	vadd.f32 v0, v5;
	v48 =	vsub.s32 v55, v59;
	v24 =	vmul.f32 $1.248558690e-01, v16  }
0x332: {  	v55 =	vadd.f32 $-1.803045270e-01, v60;
	v54 =	vmul.f32 v54, v29;
	v57 =	vmul.f32 v57, v18  }
0x333: {  	[tilespmem:$0x1FEF0] =	vst v4;
	v58 =	vmul.f32 v58, v15;
	v53 =	vadd.f32 $2.019971310e-01, v53;
	v4 =	vmul.f32 v16, v16  }
0x334: {  	v20 =	vadd.f32 $-1.000000000e+00, v48;
	v23 =	vadd.f32 $-1.803045270e-01, v63;
	v59 =	vmul.f32 $1.248558690e-01, v19  }
0x335: {  	v49 =	vmul.f32 v62, v32;
	v63 =	vadd.f32 $-2.497013810e-01, v52;
	(erf) = vrcp.f32 v0  }
0x336: {  	v44 =	vld [tilespmem:s0+$0x8050];
	v0 =	vand.u32 $0xFF800000, v14;
	v50 =	vadd.f32 $-1.803045270e-01, v24;
	v55 =	vmul.f32 v55, v27  }
0x337: {  	v45 =	vld [tilespmem:s0+$0x80D0];
	v54 =	vadd.f32 $2.019971310e-01, v54;
	v57 =	vadd.f32 $2.019971310e-01, v57;
	v53 =	vmul.f32 v53, v28  }
0x338: {  	v46 =	vld [tilespmem:s0+$0x8060];
	[tilespmem:$0x1FEA0] =	vst v14;
	v58 =	vadd.f32 $2.019971310e-01, v58;
	v14 =	vshra.s32 v13, $0x17;
	v13 =	vshra.s32 v7, $0x17  }
0x339: {  	v47 =	vld [tilespmem:s0+$0x80E0];
	v0 =	vsub.s32 v17, v0;
	v60 =	vmul.f32 $1.248558690e-01, v20;
	v59 =	vadd.f32 $-1.803045270e-01, v59  }
0x33a: {  	v49 =	vadd.f32 $2.019971310e-01, v49;
	v14 =	vcvt.s32.f32 v14;
	v13 =	vcvt.s32.f32 v13  }
0x33b: {  	v17 =	vadd.f32 $-1.000000000e+00, v0;
	v0 =	vmul.f32 $1.248558690e-01, v31;
	v50 =	vmul.f32 v50, v16  }
0x33c: {  	v55 =	vadd.f32 $2.019971310e-01, v55;
	v54 =	vmul.f32 v54, v29;
	v37 =	vmul.f32 v57, v18  }
0x33d: {  	v39 =	vmul.f32 v58, v15;
	v57 =	vsub.f32 v45, v44;
	v59 =	vmul.f32 v59, v19  }
0x33e: {  	v58 =	vsub.f32 v47, v46;
	v49 =	vmul.f32 v49, v32;
	v14 =	vmul.f32 $6.931471820e-01, v14  }
0x33f: {  	v60 =	vadd.f32 $-1.803045270e-01, v60;
	v13 =	vmul.f32 $6.931471820e-01, v13;
	v22 =	vmul.f32 $1.248558690e-01, v17  }
0x340: {  	v0 =	vadd.f32 $-1.803045270e-01, v0;
	v55 =	vmul.f32 v55, v27;
	v50 =	vadd.f32 $2.019971310e-01, v50  }
0x341: {  	v24 =	vadd.f32 $-2.497013810e-01, v54;
	v43 =	vadd.f32 v57, v57;
	v54 =	vmul.f32 v32, v32  }
0x342: {  	v44 =	vadd.f32 v58, v58;
	v57 =	vmul.f32 v30, v30;
	v58 =	vmul.f32 v28, v28  }
0x343: {  	v37 =	vadd.f32 $-2.497013810e-01, v37;
	v60 =	vmul.f32 v60, v20;
	v0 =	vmul.f32 v0, v31  }
0x344: {  	v39 =	vadd.f32 $-2.497013810e-01, v39;
	v42 =	vmul.f32 v50, v16;
	v52 =	vmul.f32 v24, v29  }
0x345: {  	v43 =	vmul.f32 $1.442695020e+00, v43;
	v44 =	vmul.f32 $1.442695020e+00, v44  }
0x346: {  	v59 =	vadd.f32 $2.019971310e-01, v59;
	v37 =	vmul.f32 v37, v18;
	v39 =	vmul.f32 v39, v15  }
0x347: {  	[tilespmem:$0x1FEC0] =	vst v10;
	v24 =	vshra.s32 v12, $0x17;
	v10 =	vmul.f32 $5.000000000e-01, v57;
	v57 =	vmul.f32 v57, v30  }
0x348: {  	[tilespmem:$0x1FED0] =	vst v9;
	v12 =	vshra.s32 v6, $0x17;
	v9 =	vmul.f32 $5.000000000e-01, v58;
	v58 =	vmul.f32 v58, v28  }
0x349: {  	v6 =	vmul.f32 v20, v20;
	v25 =	vadd.f32 $2.019971310e-01, v60;
	v62 =	vmul.f32 v59, v19  }
0x34a: {  	v60 =	vadd.f32 $-2.497013810e-01, v49;
	v49 =	vmul.f32 v63, v30;
	v59 =	vmul.f32 v29, v29  }
0x34b: {  	v24 =	vcvt.s32.f32 v24;
	v12 =	vcvt.s32.f32 v12;
	v0 =	vadd.f32 $2.019971310e-01, v0  }
0x34c: {  	v42 =	vadd.f32 $-2.497013810e-01, v42;
	v52 =	vadd.f32 $3.333148360e-01, v52;
	v45 =	vmul.f32 v60, v32  }
0x34d: {  	v37 =	vadd.f32 $3.333148360e-01, v37;
	v60 =	vmul.f32 v27, v27;
	v7 =	vmul.f32 $5.000000000e-01, v59  }
0x34e: {  	v39 =	vadd.f32 $3.333148360e-01, v39;
	v56 =	vpop (erf);
	v59 =	vmul.f32 v59, v29;
	(erf) = vpow2.f32 v34  }
0x34f: {  	v47 =	vadd.f32 $-2.497013810e-01, v62;
	v24 =	vmul.f32 $6.931471820e-01, v24;
	v12 =	vmul.f32 $6.931471820e-01, v12  }
0x350: {  	v61 =	vmul.f32 v56, v5;
	v56 =	vadd.f32 $-1.803045270e-01, v22;
	v0 =	vmul.f32 v0, v31  }
0x351: {  	v22 =	vmul.f32 v25, v20;
	v25 =	vadd.f32 $-2.497013810e-01, v55;
	v55 =	vmul.f32 v33, v33  }
0x352: {  	[tilespmem:$0x1FF10] =	vst v5;
	v10 =	vsub.f32 v30, v10;
	v42 =	vmul.f32 v42, v16;
	v5 =	vmul.f32 v19, v19  }
0x353: {  	v49 =	vadd.f32 $3.333148360e-01, v49;
	(erf) = vpow2.f32 v36;
	v47 =	vmul.f32 v47, v19  }
0x354: {  	[tilespmem:$0x1FEE0] =	vst v8;
	v9 =	vsub.f32 v28, v9;
	v8 =	vmul.f32 $5.000000000e-01, v60;
	v60 =	vmul.f32 v60, v27  }
0x355: {  	v45 =	vadd.f32 $3.333148360e-01, v45;
	(erf) = vpow2.f32 v38;
	v30 =	vmul.f32 v49, v57  }
0x356: {  	v7 =	vsub.f32 v29, v7;
	v29 =	vmul.f32 v52, v59;
	v48 =	vsub.f32 $1.000000000e+00, v61  }
0x357: {  	[tilespmem:s0+$0xE070] =	vst v61;
	v56 =	vmul.f32 v56, v17;
	v61 =	vadd.f32 $-2.497013810e-01, v51;
	v0 =	vadd.f32 $-2.497013810e-01, v0  }
0x358: {  	v50 =	vadd.f32 $-2.497013810e-01, v22;
	v22 =	vshra.s32 v3, $0x17;
	v62 =	vmul.f32 $5.000000000e-01, v55  }
0x359: {  	v55 =	vmul.f32 v55, v33;
	v42 =	vadd.f32 $3.333148360e-01, v42;
	(erf) = vpow2.f32 v40  }
0x35a: {  	v3 =	vmul.f32 v15, v15;
	v47 =	vadd.f32 $3.333148360e-01, v47;
	(erf) = vpow2.f32 v41  }
0x35b: {  	v8 =	vsub.f32 v27, v8;
	v22 =	vcvt.s32.f32 v22;
	[tilespmem:s0+$0xE0F0] =	vst v48;
	v48 =	vmul.f32 v23, v21  }
0x35c: {  	v10 =	vadd.f32 v30, v10;
	v46 =	vmul.f32 v61, v33;
	v0 =	vmul.f32 v0, v31  }
0x35d: {  	v23 =	vadd.f32 $-2.497013810e-01, v53;
	v53 =	vmul.f32 v25, v27;
	v61 =	vmul.f32 $5.000000000e-01, v54  }
0x35e: {  	v7 =	vadd.f32 v29, v7;
	v50 =	vmul.f32 v50, v20;
	v54 =	vmul.f32 v54, v32  }
0x35f: {  	v25 =	vshra.s32 v1, $0x17;
	v1 =	vmul.f32 v17, v17;
	(erf) = vpow2.f32 v43  }
0x360: {  	v56 =	vadd.f32 $2.019971310e-01, v56;
	v49 =	vmul.f32 $5.000000000e-01, v3;
	v3 =	vmul.f32 v3, v15  }
0x361: {  	v33 =	vsub.f32 v33, v62;
	(erf) = vpow2.f32 v44;
	v25 =	vcvt.s32.f32 v25  }
0x362: {  	v59 =	vld [tilespmem:$0x1FED0];
	v22 =	vmul.f32 $6.931471820e-01, v22;
	v7 =	vadd.f32 v7, v13;
	v35 =	vmul.f32 v56, v17  }
0x363: {  	v48 =	vadd.f32 $2.019971310e-01, v48;
	v51 =	vmul.f32 v23, v28;
	v56 =	vmul.f32 v31, v31  }
0x364: {  	[tilespmem:$0x1FEB0] =	vst v11;
	v46 =	vadd.f32 $3.333148360e-01, v46;
	v11 =	vadd.f32 $3.333148360e-01, v0;
	v0 =	vmul.f32 v21, v21  }
0x365: {  	v57 =	vld [tilespmem:$0x1FEB0];
	v23 =	vshra.s32 v2, $0x17;
	v2 =	vmul.f32 v18, v18;
	v45 =	vmul.f32 v45, v54  }
0x366: {  	v53 =	vadd.f32 $3.333148360e-01, v53;
	v40 =	vmul.f32 $5.000000000e-01, v1;
	v1 =	vmul.f32 v1, v17  }
0x367: {  	v52 =	vshra.s32 v59, $0x17;
	v59 =	vmul.f32 $5.000000000e-01, v6;
	v6 =	vmul.f32 v6, v20  }
0x368: {  	v50 =	vadd.f32 $3.333148360e-01, v50;
	v3 =	vmul.f32 v39, v3;
	v23 =	vcvt.s32.f32 v23  }
0x369: {  	v32 =	vsub.f32 v32, v61;
	v25 =	vmul.f32 $6.931471820e-01, v25;
	v7 =	vmul.f32 v7, v7  }
0x36a: {  	v41 =	vshra.s32 v57, $0x17;
	v48 =	vmul.f32 v48, v21;
	v63 =	vmul.f32 $5.000000000e-01, v56  }
0x36b: {  	v15 =	vsub.f32 v15, v49;
	v56 =	vmul.f32 v56, v31;
	v34 =	vmul.f32 v46, v55  }
0x36c: {  	v10 =	vadd.f32 v10, v22;
	v27 =	vmul.f32 v53, v60;
	v36 =	vmul.f32 $5.000000000e-01, v0  }
0x36d: {  	v35 =	vadd.f32 $-2.497013810e-01, v35;
	v0 =	vmul.f32 v0, v21;
	v43 =	vmul.f32 $5.000000000e-01, v2  }
0x36e: {  	v51 =	vadd.f32 $3.333148360e-01, v51;
	v2 =	vmul.f32 v2, v18;
	v53 =	vmul.f32 $5.000000000e-01, v4  }
0x36f: {  	v4 =	vmul.f32 v4, v16;
	v32 =	vadd.f32 v45, v32;
	v6 =	vmul.f32 v50, v6  }
0x370: {  	v20 =	vsub.f32 v20, v59;
	v50 =	vcvt.s32.f32 v41;
	v3 =	vadd.f32 v3, v15  }
0x371: {  	v23 =	vmul.f32 $6.931471820e-01, v23;
	v48 =	vadd.f32 $-2.497013810e-01, v48;
	v31 =	vsub.f32 v31, v63  }
0x372: {  	v35 =	vmul.f32 v35, v17;
	v33 =	vadd.f32 v34, v33;
	v8 =	vadd.f32 v27, v8  }
0x373: {  	v11 =	vmul.f32 v11, v56;
	v17 =	vsub.f32 v17, v40;
	v18 =	vsub.f32 v18, v43  }
0x374: {  	v60 =	vld [tilespmem:$0x1FEE0];
	v28 =	vmul.f32 v51, v58;
	v16 =	vsub.f32 v16, v53;
	v25 =	vadd.f32 v32, v25  }
0x375: {  	v10 =	vmul.f32 v10, v10;
	v6 =	vadd.f32 v6, v20;
	v35 =	vadd.f32 $3.333148360e-01, v35  }
0x376: {  	v56 =	vld [tilespmem:$0x1FEA0];
	v4 =	vmul.f32 v42, v4;
	v11 =	vadd.f32 v11, v31;
	v9 =	vadd.f32 v28, v9  }
0x377: {  	v58 =	vld [tilespmem:$0x1FEC0];
	v48 =	vmul.f32 v48, v21;
	v21 =	vsub.f32 v21, v36;
	v23 =	vadd.f32 v33, v23  }
0x378: {  	v61 =	vld [tilespmem:$0x1FEF0];
	v2 =	vmul.f32 v37, v2;
	v8 =	vadd.f32 v8, v12;
	v4 =	vadd.f32 v4, v16  }
0x379: {  	v16 =	vmul.f32 v25, v25;
	v55 =	vshra.s32 v60, $0x17;
	v48 =	vadd.f32 $3.333148360e-01, v48  }
0x37a: {  	v1 =	vmul.f32 v35, v1;
	v9 =	vadd.f32 v9, v14;
	v14 =	vcvt.s32.f32 v52  }
0x37b: {  	v11 =	vadd.f32 v11, v24;
	v13 =	vcvt.s32.f32 v55;
	v8 =	vmul.f32 v8, v8  }
0x37c: {  	v38 =	vshra.s32 v56, $0x17;
	v46 =	vshra.s32 v58, $0x17;
	v56 =	vmul.f32 $5.000000000e-01, v5  }
0x37d: {  	v5 =	vmul.f32 v5, v19;
	v58 =	vshra.s32 v61, $0x17;
	v49 =	vcvt.s32.f32 v38  }
0x37e: {  	v0 =	vmul.f32 v48, v0;
	v53 =	vcvt.s32.f32 v46;
	v1 =	vadd.f32 v1, v17  }
0x37f: {  	v44 =	vpop (erf);
	v19 =	vsub.f32 v19, v56;
	v56 =	vcvt.s32.f32 v58;
	v12 =	vmul.f32 $6.931471820e-01, v49  }
0x380: {  	v51 =	vpop (erf);
	v2 =	vadd.f32 v2, v18;
	v11 =	vmul.f32 v11, v11;
	v15 =	vmul.f32 $6.931471820e-01, v53  }
0x381: {  	v54 =	vpop (erf);
	v17 =	vmul.f32 $6.931471820e-01, v50;
	v1 =	vadd.f32 v1, v12;
	v12 =	vmul.f32 $6.931471820e-01, v56  }
0x382: {  	v57 =	vpop (erf);
	v14 =	vmul.f32 $6.931471820e-01, v14;
	v3 =	vadd.f32 v3, v15;
	v15 =	vmul.f32 v11, v54;
	v11 =	vld [tilespmem:$0x1FF10]  }
0x383: {  	v60 =	vpop (erf);
	v13 =	vmul.f32 $6.931471820e-01, v13;
	v9 =	vmul.f32 v9, v9;
	v12 =	vadd.f32 v6, v12;
	v6 =	vld [tilespmem:$0x1FF00]  }
0x384: {  	v62 =	vpop (erf);
	v5 =	vmul.f32 v47, v5;
	v58 =	vmul.f32 v23, v23;
	v0 =	vadd.f32 v0, v21  }
0x385: {  	v59 =	vmul.f32 v7, v62;
	v7 =	vld [tilespmem:$0x1FF20];
	v2 =	vadd.f32 v2, v17;
	v4 =	vadd.f32 v4, v14  }
0x386: {  	v14 =	vmul.f32 v16, v44;
	v16 =	vmul.f32 v10, v57;
	v0 =	vadd.f32 v0, v26  }
0x387: {  	v63 =	vpop (erf);
	v17 =	vmul.f32 v9, v60;
	v5 =	vadd.f32 v5, v19;
	v9 =	vmul.f32 v1, v1;
	v1 =	vld [tilespmem:$0x1FF40]  }
0x388: {  	v8 =	vmul.f32 v8, v63;
	vm0 =	vle.f32 v6, v11;
	v11 =	vmul.f32 v0, v0;
	v0 =	vld [tilespmem:$0x1FF30]  }
0x389: {  	v10 =	vmul.f32 v2, v2;
	v5 =	vadd.f32 v5, v13;
	v13 =	vmul.f32 v58, v51  }
0x38a: {  	v51 =	vimm.f32 $0.0e+00;
	v60 =	vsub.f32 $1.000000000e+00, v7;
	v7 =	vmul.f32 v3, v3  }
0x38b: {  	vm2 =	vle.f32 v15, v10;
	v2 =	vmul.f32 v5, v5;
	v5 =	vadd.f32 v15, v10  }
0x38c: {  	vm1 =	vle.f32 v13, v9;
	vm3 =	vle.f32 v16, v7;
	v3 =	vsub.f32 $1.000000000e+00, v1  }
0x38d: {  	v1 =	vmul.f32 v4, v4;
	v6 =	vsel vm0, $0x3F800000, v51;
	v0 =	vsub.f32 $1.000000000e+00, v0  }
0x38e: {  	v62 =	vadd.f32 v59, v2;
	v4 =	vmul.f32 v12, v12;
	[tilespmem:s0+$0xC070] =	vst v6;
	v61 =	vadd.f32 v14, v11  }
0x38f: {  	vm5 =	vle.f32 v59, v2;
	v12 =	vadd.f32 v17, v1;
	[tilespmem:s31+$0xE0D0] =	vst v0;
	v0 =	vadd.f32 v13, v9  }
0x390: {  	v63 =	vadd.f32 v8, v4;
	vm14 =	vle.f32 v14, v11;
	(erf) = vrcp.f32 v61  }
0x391: {  	p0 =	sne.s32 s3, $0x7C00;
	vm4 =	vle.f32 v17, v1;
	[tilespmem:s31+$0xE0E0] =	vst v3;
	v3 =	vadd.f32 v16, v7;
	(erf) = vrcp.f32 v0  }
.Ltmp3:
0x392: {  	vm15 =	vle.f32 v8, v4;
	v8 =	vsel vm5, $0x3F800000, v51;
	(erf) = vrcp.f32 v5;
	(pc) =	sbr.rel @p0 .LBB2_5-.Ltmp3, $4  }
0x393: {  	[tilespmem:s31+$0xE0C0] =	vst v60;
	v14 =	vsel vm4, $0x3F800000, v51;
	s31 =	smov.u32 s0;
	v0 =	vsel vm14, $0x3F800000, v51;
	(erf) = vrcp.f32 v3  }
0x394: {  	[tilespmem:s31+$0xC000] =	vst v0;
	v5 =	vsel vm1, $0x3F800000, v51;
	v15 =	vsub.f32 $1.000000000e+00, v0;
	(erf) = vrcp.f32 v12  }
0x395: {  	v3 =	vsel vm2, $0x3F800000, v51;
	[tilespmem:s31+$0xC010] =	vst v5;
	v13 =	vsub.f32 $1.000000000e+00, v5;
	(erf) = vrcp.f32 v62  }
0x396: {  	s0 =	sshra.s32 s3, $0x2;
	s3 =	sadd.s32 $0x400, s3;
	v5 =	vsel vm15, $0x3F800000, v51;
	v12 =	vsel vm3, $0x3F800000, v51;
	[tilespmem:s31+$0xC020] =	vst v3;
	(erf) = vrcp.f32 v63  }
0x397: {  	_ = 	snop  }
0x398: {  	v0 =	vld [tilespmem:s0+$0xA070];
	[tilespmem:s31+$0xC030] =	vst v12  }
0x399: {  	v47 =	vsub.f32 $1.000000000e+00, v3;
	v16 =	vld [tilespmem:s0+$0xA000];
	[tilespmem:s31+$0xC080] =	vst v15;
	v42 =	vpop (erf)  }
0x39a: {  	v24 =	vsub.f32 $1.000000000e+00, v12;
	v25 =	vsub.f32 $1.000000000e+00, v14;
	v17 =	vld [tilespmem:s0+$0xA0F0];
	[tilespmem:s31+$0xC090] =	vst v13;
	v11 =	vmul.f32 v42, v11;
	v43 =	vpop (erf)  }
0x39b: {  	v23 =	vsub.f32 $1.000000000e+00, v8;
	v22 =	vsub.f32 $1.000000000e+00, v5;
	v44 =	vld [tilespmem:s0+$0xA010];
	v9 =	vmul.f32 v43, v9;
	v18 =	vpop (erf)  }
0x39c: {  	v21 =	vsub.f32 $1.000000000e+00, v6;
	[tilespmem:s31+$0xE000] =	vst v11;
	v11 =	vsub.f32 $1.000000000e+00, v11;
	v10 =	vmul.f32 v18, v10  }
0x39d: {  	v46 =	vpop (erf);
	v0 =	vadd.f32 $1.000000010e-10, v0;
	v45 =	vld [tilespmem:s0+$0xA020];
	[tilespmem:s31+$0xE010] =	vst v9;
	v9 =	vsub.f32 $1.000000000e+00, v9  }
0x39e: {  	v7 =	vmul.f32 v46, v7;
	v49 =	vpop (erf);
	v16 =	vadd.f32 $1.000000010e-10, v16;
	v20 =	vsub.f32 $1.000000000e+00, v10  }
0x39f: {  	v50 =	vpop (erf);
	v3 =	vmul.f32 v49, v1;
	v28 =	vadd.s32 $0xC0CAFB0D, v0;
	v53 =	vadd.f32 $1.000000010e-10, v17  }
0x3a0: {  	v48 =	vsub.f32 $1.000000000e+00, v7;
	v1 =	vmul.f32 v50, v2;
	v52 =	vpop (erf);
	v15 =	vadd.f32 $1.000000010e-10, v44  }
0x3a1: {  	v55 =	vand.u32 $0xFF800000, v28;
	v28 =	vshra.s32 v28, $0x17;
	v2 =	vmul.f32 v52, v4  }
0x3a2: {  	v19 =	vld [tilespmem:s0+$0xA030];
	[tilespmem:s31+$0xE080] =	vst v11;
	v4 =	vadd.s32 $0xC0CAFB0D, v16;
	v0 =	vsub.s32 v0, v55;
	v29 =	vadd.s32 $0xC0CAFB0D, v53  }
0x3a3: {  	v11 =	vld [tilespmem:s0+$0xA040];
	[tilespmem:s31+$0xE090] =	vst v9;
	v28 =	vcvt.s32.f32 v28;
	v0 =	vadd.f32 $-1.000000000e+00, v0;
	v56 =	vand.u32 $0xFF800000, v29  }
0x3a4: {  	v9 =	vld [tilespmem:s0+$0xA050];
	[tilespmem:s31+$0xE0A0] =	vst v20;
	v6 =	vadd.s32 $0xC0CAFB0D, v15;
	v36 =	vand.u32 $0xFF800000, v4;
	v29 =	vshra.s32 v29, $0x17  }
0x3a5: {  	v20 =	vld [tilespmem:s0+$0xA060];
	v4 =	vshra.s32 v4, $0x17;
	v13 =	vadd.f32 $1.000000010e-10, v45;
	v59 =	vand.u32 $0xFF800000, v6  }
0x3a6: {  	v26 =	vld [tilespmem:s0+$0xA080];
	[tilespmem:s31+$0xE0B0] =	vst v48;
	v28 =	vmul.f32 $6.931471820e-01, v28;
	v29 =	vcvt.s32.f32 v29;
	v6 =	vshra.s32 v6, $0x17  }
0x3a7: {  	v27 =	vld [tilespmem:s0+$0xA090];
	[tilespmem:s31+$0xE020] =	vst v10;
	v4 =	vcvt.s32.f32 v4;
	v19 =	vadd.f32 $1.000000010e-10, v19;
	v57 =	vmul.f32 $1.248558690e-01, v0  }
0x3a8: {  	v54 =	vld [tilespmem:s0+$0xA0A0];
	[tilespmem:s31+$0xE030] =	vst v7;
	v7 =	vsub.s32 v53, v56;
	v52 =	vmul.f32 v0, v0;
	v6 =	vcvt.s32.f32 v6  }
0x3a9: {  	v31 =	vadd.f32 $1.000000010e-10, v11;
	v34 =	vadd.f32 $-1.000000000e+00, v7;
	v7 =	vadd.s32 $0xC0CAFB0D, v13  }
0x3aa: {  	v30 =	vld [tilespmem:s0+$0x8070];
	[tilespmem:s31+$0xE040] =	vst v3;
	v4 =	vmul.f32 $6.931471820e-01, v4;
	v3 =	vsub.f32 $1.000000000e+00, v3;
	v33 =	vadd.f32 $1.000000010e-10, v9  }
0x3ab: {  	v9 =	vadd.s32 $0xC0CAFB0D, v19;
	v37 =	vadd.f32 $-1.803045270e-01, v57;
	v63 =	vand.u32 $0xFF800000, v7  }
0x3ac: {  	v44 =	vmul.f32 $5.000000000e-01, v52;
	v17 =	vmul.f32 v52, v0;
	v57 =	vsub.s32 v16, v36  }
0x3ad: {  	v32 =	vld [tilespmem:s0+$0x80F0];
	[tilespmem:s31+$0xE050] =	vst v1;
	v7 =	vshra.s32 v7, $0x17;
	v6 =	vmul.f32 $6.931471820e-01, v6;
	v1 =	vsub.f32 $1.000000000e+00, v1  }
0x3ae: {  	v35 =	vadd.f32 $1.000000010e-10, v20;
	v38 =	vmul.f32 $1.248558690e-01, v34;
	v12 =	vadd.s32 $0xC0CAFB0D, v31  }
0x3af: {  	v58 =	vld [tilespmem:s0+$0xA0B0];
	v26 =	vadd.f32 $1.000000010e-10, v26;
	v48 =	vand.u32 $0xFF800000, v9;
	v45 =	vmul.f32 v34, v34  }
0x3b0: {  	v39 =	vld [tilespmem:s0+$0xA0C0];
	[tilespmem:s31+$0xE060] =	vst v2;
	v9 =	vshra.s32 v9, $0x17;
	v7 =	vcvt.s32.f32 v7;
	v2 =	vsub.f32 $1.000000000e+00, v2  }
0x3b1: {  	v11 =	vadd.s32 $0xC0CAFB0D, v33;
	v37 =	vmul.f32 v37, v0;
	v41 =	vadd.f32 $1.000000010e-10, v27  }
0x3b2: {  	v53 =	vand.u32 $0xFF800000, v12;
	v12 =	vshra.s32 v12, $0x17;
	v9 =	vcvt.s32.f32 v9  }
0x3b3: {  	v10 =	vadd.s32 $0xC0CAFB0D, v35;
	v38 =	vadd.f32 $-1.803045270e-01, v38;
	v42 =	vadd.f32 $1.000000010e-10, v54  }
0x3b4: {  	v46 =	vmul.f32 $5.000000000e-01, v45;
	v45 =	vmul.f32 v45, v34;
	v55 =	vand.u32 $0xFF800000, v11  }
0x3b5: {  	v11 =	vshra.s32 v11, $0x17;
	v12 =	vcvt.s32.f32 v12;
	v7 =	vmul.f32 $6.931471820e-01, v7  }
0x3b6: {  	v61 =	vadd.f32 $2.019971310e-01, v37;
	v33 =	vsub.s32 v33, v55;
	v11 =	vcvt.s32.f32 v11  }
0x3b7: {  	v9 =	vmul.f32 $6.931471820e-01, v9;
	v62 =	vmul.f32 v38, v34;
	v30 =	vsub.f32 v32, v30  }
0x3b8: {  	v40 =	vld [tilespmem:s0+$0xA0D0];
	v56 =	vsub.f32 v34, v46;
	v12 =	vmul.f32 $6.931471820e-01, v12;
	v43 =	vadd.f32 $1.000000010e-10, v58  }
0x3b9: {  	[tilespmem:s31+$0xC0A0] =	vst v47;
	v49 =	vmul.f32 v61, v0;
	v37 =	vadd.f32 $1.000000010e-10, v39;
	v58 =	vsub.s32 v15, v59  }
0x3ba: {  	v60 =	vld [tilespmem:s0+$0xA0E0];
	v59 =	vand.u32 $0xFF800000, v10;
	v61 =	vsub.s32 v13, v63;
	v63 =	vsub.s32 v31, v53  }
0x3bb: {  	v13 =	vadd.s32 $0xC0CAFB0D, v41;
	v15 =	vadd.s32 $0xC0CAFB0D, v42;
	v10 =	vshra.s32 v10, $0x17  }
0x3bc: {  	v11 =	vmul.f32 $6.931471820e-01, v11;
	v50 =	vadd.f32 $2.019971310e-01, v62;
	v30 =	vadd.f32 v30, v30  }
0x3bd: {  	v39 =	vadd.f32 $1.000000010e-10, v40;
	v62 =	vsub.s32 v19, v48;
	v35 =	vsub.s32 v35, v59  }
0x3be: {  	v32 =	vadd.f32 $-1.000000000e+00, v58;
	v31 =	vadd.f32 $-1.000000000e+00, v61;
	v10 =	vcvt.s32.f32 v10  }
0x3bf: {  	v20 =	vadd.f32 $-2.497013810e-01, v49;
	v40 =	vadd.f32 $1.000000010e-10, v60;
	v60 =	vmul.f32 $6.931471820e-01, v29  }
0x3c0: {  	v19 =	vadd.s32 $0xC0CAFB0D, v43;
	v18 =	vadd.s32 $0xC0CAFB0D, v37;
	v49 =	vand.u32 $0xFF800000, v13  }
0x3c1: {  	v13 =	vshra.s32 v13, $0x17;
	v27 =	vmul.f32 v50, v34;
	v30 =	vmul.f32 $1.442695020e+00, v30  }
0x3c2: {  	v50 =	vand.u32 $0xFF800000, v15;
	v52 =	vand.u32 $0xFF800000, v19;
	v53 =	vand.u32 $0xFF800000, v18  }
0x3c3: {  	v10 =	vmul.f32 $6.931471820e-01, v10;
	v15 =	vshra.s32 v15, $0x17;
	v19 =	vshra.s32 v19, $0x17  }
0x3c4: {  	v13 =	vcvt.s32.f32 v13;
	v18 =	vshra.s32 v18, $0x17;
	v20 =	vmul.f32 v20, v0  }
0x3c5: {  	v0 =	vsub.f32 v0, v44;
	v15 =	vcvt.s32.f32 v15;
	v27 =	vadd.f32 $-2.497013810e-01, v27  }
0x3c6: {  	v19 =	vcvt.s32.f32 v19;
	v18 =	vcvt.s32.f32 v18;
	v20 =	vadd.f32 $3.333148360e-01, v20  }
0x3c7: {  	v58 =	vsub.s32 v37, v53;
	(erf) = vpow2.f32 v30;
	v27 =	vmul.f32 v27, v34  }
0x3c8: {  	v30 =	vadd.f32 $-1.000000000e+00, v62;
	v62 =	vmul.f32 $1.248558690e-01, v32;
	v17 =	vmul.f32 v20, v17  }
0x3c9: {  	v13 =	vmul.f32 $6.931471820e-01, v13;
	v15 =	vmul.f32 $6.931471820e-01, v15;
	v54 =	vadd.f32 $3.333148360e-01, v27  }
0x3ca: {  	[tilespmem:s31+$0xC0B0] =	vst v24;
	v19 =	vmul.f32 $6.931471820e-01, v19;
	v34 =	vadd.f32 $-1.000000000e+00, v57;
	v0 =	vadd.f32 v17, v0  }
0x3cb: {  	v27 =	vadd.f32 $-1.000000000e+00, v63;
	v20 =	vmul.f32 v54, v45;
	v45 =	vld [tilespmem:s0+$0x8000];
	[tilespmem:s31+$0xC0C0] =	vst v25;
	v25 =	vadd.f32 $-1.000000000e+00, v35  }
0x3cc: {  	v57 =	vsub.s32 v43, v52;
	v0 =	vadd.f32 v0, v28;
	v28 =	vadd.f32 $-1.000000000e+00, v33  }
0x3cd: {  	v52 =	vmul.f32 $1.248558690e-01, v30;
	v46 =	vld [tilespmem:s0+$0x8080];
	[tilespmem:s31+$0xC0D0] =	vst v23;
	v23 =	vadd.f32 $-1.000000000e+00, v58;
	v17 =	vadd.f32 v20, v56  }
0x3ce: {  	v20 =	vadd.s32 $0xC0CAFB0D, v26;
	v29 =	vld [tilespmem:s0+$0x8010];
	[tilespmem:s31+$0xC0E0] =	vst v22;
	v22 =	vsub.s32 v42, v50;
	v50 =	vmul.f32 $1.248558690e-01, v31  }
0x3cf: {  	v56 =	vsub.s32 v41, v49;
	v42 =	vmul.f32 $1.248558690e-01, v27;
	v0 =	vmul.f32 v0, v0  }
0x3d0: {  	v47 =	vpop (erf);
	v35 =	vld [tilespmem:s0+$0x8090];
	[tilespmem:s31+$0xC0F0] =	vst v21;
	v21 =	vadd.f32 $-1.000000000e+00, v56;
	v16 =	vadd.f32 v17, v60;
	v17 =	vadd.s32 $0xC0CAFB0D, v40  }
0x3d1: {  	v41 =	vld [tilespmem:s0+$0x8020];
	v60 =	vmul.f32 $1.248558690e-01, v34;
	[tilespmem:s31+$0xC040] =	vst v14;
	v42 =	vadd.f32 $-1.803045270e-01, v42;
	v0 =	vmul.f32 v0, v47  }
0x3d2: {  	v47 =	vand.u32 $0xFF800000, v20;
	v55 =	vand.u32 $0xFF800000, v17;
	v63 =	vld [tilespmem:s0+$0x80A0];
	[tilespmem:s31+$0xC050] =	vst v8;
	v8 =	vadd.f32 $-1.000000000e+00, v22  }
0x3d3: {  	v22 =	vadd.f32 $-1.000000000e+00, v57;
	v20 =	vshra.s32 v20, $0x17;
	v17 =	vshra.s32 v17, $0x17  }
0x3d4: {  	v44 =	vmul.f32 v16, v16;
	v16 =	vadd.s32 $0xC0CAFB0D, v39;
	v26 =	vsub.s32 v26, v47  }
0x3d5: {  	v61 =	vsub.s32 v40, v55;
	v36 =	vadd.f32 $-1.803045270e-01, v60;
	v47 =	vmul.f32 $1.248558690e-01, v28  }
0x3d6: {  	v40 =	vadd.f32 $-1.803045270e-01, v52;
	v45 =	vsub.f32 v46, v45;
	v42 =	vmul.f32 v42, v27  }
0x3d7: {  	v20 =	vcvt.s32.f32 v20;
	v17 =	vcvt.s32.f32 v17;
	v54 =	vand.u32 $0xFF800000, v16  }
0x3d8: {  	v14 =	vadd.f32 $-1.000000000e+00, v26;
	v26 =	vadd.f32 $-1.803045270e-01, v62;
	v16 =	vshra.s32 v16, $0x17  }
0x3d9: {  	v48 =	vadd.f32 v0, v44;
	v59 =	vsub.s32 v39, v54;
	v36 =	vmul.f32 v36, v34  }
0x3da: {  	v53 =	vld [tilespmem:s0+$0x8030];
	[tilespmem:s31+$0xC060] =	vst v5;
	v54 =	vadd.f32 $-1.803045270e-01, v50;
	v29 =	vsub.f32 v35, v29;
	vm0 =	vle.f32 v0, v44  }
0x3db: {  	v55 =	vld [tilespmem:s0+$0x80B0];
	v47 =	vadd.f32 $-1.803045270e-01, v47;
	v20 =	vmul.f32 $6.931471820e-01, v20;
	v16 =	vcvt.s32.f32 v16  }
0x3dc: {  	v49 =	vld [tilespmem:s0+$0x8040];
	v42 =	vadd.f32 $2.019971310e-01, v42;
	v17 =	vmul.f32 $6.931471820e-01, v17;
	v26 =	vmul.f32 v26, v32  }
0x3dd: {  	v56 =	vld [tilespmem:s0+$0x80C0];
	v24 =	vadd.f32 $-1.000000000e+00, v59;
	v59 =	vmul.f32 v40, v30;
	(erf) = vrcp.f32 v48  }
0x3de: {  	v57 =	vld [tilespmem:s0+$0x8050];
	v48 =	vmul.f32 $1.248558690e-01, v25;
	v36 =	vadd.f32 $2.019971310e-01, v36;
	v5 =	vmul.f32 v54, v31  }
0x3df: {  	v58 =	vld [tilespmem:s0+$0x80D0];
	v38 =	vsub.f32 v63, v41;
	v41 =	vmul.f32 v34, v34;
	v47 =	vmul.f32 v47, v28  }
0x3e0: {  	v29 =	vadd.f32 v29, v29;
	v42 =	vmul.f32 v42, v27;
	v16 =	vmul.f32 $6.931471820e-01, v16  }
0x3e1: {  	v26 =	vadd.f32 $2.019971310e-01, v26;
	v37 =	vadd.f32 $2.019971310e-01, v59;
	v59 =	vmul.f32 v30, v30  }
0x3e2: {  	v36 =	vmul.f32 v36, v34;
	v5 =	vadd.f32 $2.019971310e-01, v5;
	v39 =	vsub.f32 v55, v53  }
0x3e3: {  	v33 =	vsub.f32 v56, v49;
	v62 =	vmul.f32 v41, v34;
	v55 =	vmul.f32 v31, v31  }
0x3e4: {  	v35 =	vsub.f32 v58, v57;
	v29 =	vmul.f32 $1.442695020e+00, v29;
	v57 =	vmul.f32 $1.248558690e-01, v14  }
0x3e5: {  	v38 =	vadd.f32 v38, v38;
	v41 =	vmul.f32 $5.000000000e-01, v41;
	v50 =	vmul.f32 v26, v32  }
0x3e6: {  	v26 =	vadd.f32 $-1.000000000e+00, v61;
	v61 =	vadd.f32 v45, v45;
	v45 =	vmul.f32 v32, v32  }
0x3e7: {  	v42 =	vadd.f32 $-2.497013810e-01, v42;
	v37 =	vmul.f32 v37, v30;
	v0 =	vmul.f32 $5.000000000e-01, v59  }
0x3e8: {  	v36 =	vadd.f32 $-2.497013810e-01, v36;
	v5 =	vmul.f32 v5, v31;
	v58 =	vmul.f32 v55, v31  }
0x3e9: {  	v38 =	vmul.f32 $1.442695020e+00, v38;
	v39 =	vadd.f32 v39, v39;
	v42 =	vmul.f32 v42, v27  }
0x3ea: {  	v33 =	vadd.f32 v33, v33;
	v35 =	vadd.f32 v35, v35;
	v43 =	vmul.f32 $1.442695020e+00, v61  }
0x3eb: {  	v60 =	vadd.f32 $-2.497013810e-01, v50;
	v53 =	vmul.f32 v45, v32;
	v50 =	vmul.f32 $1.248558690e-01, v21  }
0x3ec: {  	v54 =	vld [tilespmem:s0+$0x8060];
	v37 =	vadd.f32 $-2.497013810e-01, v37;
	v61 =	vmul.f32 v59, v30;
	v45 =	vmul.f32 $5.000000000e-01, v45  }
0x3ed: {  	v56 =	vld [tilespmem:s0+$0x80E0];
	v0 =	vsub.f32 v30, v0;
	v59 =	vmul.f32 $1.248558690e-01, v24;
	v36 =	vmul.f32 v36, v34  }
0x3ee: {  	v63 =	vadd.f32 $-2.497013810e-01, v5;
	v39 =	vmul.f32 $1.442695020e+00, v39;
	v33 =	vmul.f32 $1.442695020e+00, v33  }
0x3ef: {  	v34 =	vsub.f32 v34, v41;
	v35 =	vmul.f32 $1.442695020e+00, v35;
	v40 =	vmul.f32 v60, v32  }
0x3f0: {  	v42 =	vadd.f32 $3.333148360e-01, v42;
	(erf) = vpow2.f32 v43;
	v37 =	vmul.f32 v37, v30  }
0x3f1: {  	v60 =	vadd.f32 $2.019971310e-01, v47;
	v36 =	vadd.f32 $3.333148360e-01, v36;
	v46 =	vmul.f32 v63, v31  }
0x3f2: {  	(erf) = vpow2.f32 v29;
	v29 =	vsub.f32 v56, v54;
	v54 =	vmul.f32 v27, v27  }
0x3f3: {  	v32 =	vsub.f32 v32, v45;
	v52 =	vpop (erf);
	(erf) = vpow2.f32 v38;
	v43 =	vmul.f32 v60, v28  }
0x3f4: {  	v63 =	vadd.f32 $-1.803045270e-01, v48;
	v36 =	vmul.f32 v36, v62;
	v5 =	vmul.f32 v52, v44  }
0x3f5: {  	v40 =	vadd.f32 $3.333148360e-01, v40;
	v62 =	vmul.f32 $1.248558690e-01, v8;
	v52 =	vmul.f32 $1.248558690e-01, v22  }
0x3f6: {  	v37 =	vadd.f32 $3.333148360e-01, v37;
	(erf) = vpow2.f32 v39;
	v56 =	vmul.f32 v54, v27  }
0x3f7: {  	v44 =	vadd.f32 $-1.803045270e-01, v57;
	v57 =	vmul.f32 $1.248558690e-01, v23;
	v47 =	vmul.f32 v63, v25  }
0x3f8: {  	v60 =	vadd.f32 $-1.803045270e-01, v50;
	v45 =	vmul.f32 $5.000000000e-01, v54;
	v54 =	vmul.f32 v21, v21  }
0x3f9: {  	v46 =	vadd.f32 $3.333148360e-01, v46;
	v40 =	vmul.f32 v40, v53;
	v37 =	vmul.f32 v37, v61  }
0x3fa: {  	v43 =	vadd.f32 $-2.497013810e-01, v43;
	v53 =	vmul.f32 $5.000000000e-01, v55;
	v55 =	vmul.f32 v28, v28  }
0x3fb: {  	(erf) = vpow2.f32 v33;
	v61 =	vmul.f32 $1.248558690e-01, v26;
	v33 =	vadd.f32 $-1.803045270e-01, v59  }
0x3fc: {  	v49 =	vmul.f32 v60, v21;
	v46 =	vmul.f32 v46, v58;
	v41 =	vadd.f32 $-1.803045270e-01, v62  }
0x3fd: {  	v39 =	vmul.f32 v42, v56;
	v38 =	vadd.f32 $-1.803045270e-01, v52;
	v30 =	vadd.f32 $-1.803045270e-01, v57  }
0x3fe: {  	v44 =	vmul.f32 v44, v14;
	v47 =	vadd.f32 $2.019971310e-01, v47;
	v62 =	vmul.f32 v25, v25  }
0x3ff: {  	v27 =	vsub.f32 v27, v45;
	(erf) = vpow2.f32 v35;
	v57 =	vmul.f32 v22, v22  }
0x400: {  	v34 =	vadd.f32 v36, v34;
	v59 =	vmul.f32 v54, v21;
	v43 =	vmul.f32 v43, v28  }
0x401: {  	v31 =	vsub.f32 v31, v53;
	v58 =	vmul.f32 v55, v28;
	v33 =	vmul.f32 v33, v24  }
0x402: {  	v49 =	vadd.f32 $2.019971310e-01, v49;
	v48 =	vmul.f32 $5.000000000e-01, v55;
	v53 =	vmul.f32 v14, v14  }
0x403: {  	v55 =	vmul.f32 v8, v8;
	v32 =	vadd.f32 v40, v32;
	v41 =	vmul.f32 v41, v8  }
0x404: {  	v0 =	vadd.f32 v37, v0;
	v38 =	vmul.f32 v38, v22;
	v30 =	vmul.f32 v30, v23  }
0x405: {  	v44 =	vadd.f32 $2.019971310e-01, v44;
	v47 =	vmul.f32 v47, v25;
	v52 =	vmul.f32 $5.000000000e-01, v62  }
0x406: {  	v45 =	vmul.f32 v62, v25;
	v27 =	vadd.f32 v39, v27;
	v50 =	vmul.f32 $5.000000000e-01, v57  }
0x407: {  	v4 =	vadd.f32 v34, v4;
	v43 =	vadd.f32 $3.333148360e-01, v43;
	v49 =	vmul.f32 v49, v21  }
0x408: {  	v28 =	vsub.f32 v28, v48;
	v56 =	vmul.f32 v53, v14;
	v31 =	vadd.f32 v46, v31  }
0x409: {  	v60 =	vmul.f32 v55, v8;
	v33 =	vadd.f32 $2.019971310e-01, v33;
	v35 =	vmul.f32 $5.000000000e-01, v53  }
0x40a: {  	v36 =	vmul.f32 $5.000000000e-01, v55;
	v6 =	vadd.f32 v32, v6;
	v0 =	vadd.f32 v0, v9  }
0x40b: {  	v32 =	vsel vm0, $0x3F800000, v51;
	v41 =	vadd.f32 $2.019971310e-01, v41;
	v38 =	vadd.f32 $2.019971310e-01, v38  }
0x40c: {  	v44 =	vmul.f32 v44, v14;
	v30 =	vadd.f32 $2.019971310e-01, v30;
	v4 =	vmul.f32 v4, v4  }
0x40d: {  	v47 =	vadd.f32 $-2.497013810e-01, v47;
	v42 =	vmul.f32 v43, v58;
	v58 =	vmul.f32 v23, v23  }
0x40e: {  	v43 =	vadd.f32 $-1.803045270e-01, v61;
	v61 =	vmul.f32 v57, v22;
	v33 =	vmul.f32 v33, v24  }
0x40f: {  	v49 =	vadd.f32 $-2.497013810e-01, v49;
	v6 =	vmul.f32 v6, v6;
	v0 =	vmul.f32 v0, v0  }
0x410: {  	v7 =	vadd.f32 v31, v7;
	v41 =	vmul.f32 v41, v8;
	v38 =	vmul.f32 v38, v22  }
0x411: {  	v30 =	vmul.f32 v30, v23;
	v44 =	vadd.f32 $-2.497013810e-01, v44;
	v47 =	vmul.f32 v47, v25  }
0x412: {  	v25 =	vsub.f32 v25, v52;
	v52 =	vmul.f32 v26, v26;
	v43 =	vmul.f32 v43, v26  }
0x413: {  	v63 =	vmul.f32 v49, v21;
	v28 =	vadd.f32 v42, v28;
	v62 =	vmul.f32 v58, v23  }
0x414: {  	v49 =	vmul.f32 v24, v24;
	v37 =	vmul.f32 $5.000000000e-01, v58;
	v33 =	vadd.f32 $-2.497013810e-01, v33  }
0x415: {  	v7 =	vmul.f32 v7, v7;
	v41 =	vadd.f32 $-2.497013810e-01, v41;
	v38 =	vadd.f32 $-2.497013810e-01, v38  }
0x416: {  	v44 =	vmul.f32 v44, v14;
	v30 =	vadd.f32 $-2.497013810e-01, v30;
	v47 =	vadd.f32 $3.333148360e-01, v47  }
0x417: {  	v14 =	vsub.f32 v14, v35;
	v48 =	vadd.f32 $3.333148360e-01, v63;
	v53 =	vmul.f32 $5.000000000e-01, v49  }
0x418: {  	v63 =	vadd.f32 $2.019971310e-01, v43;
	v33 =	vmul.f32 v33, v24;
	v42 =	vmul.f32 v49, v24  }
0x419: {  	v11 =	vadd.f32 v28, v11;
	v41 =	vmul.f32 v41, v8;
	v38 =	vmul.f32 v38, v22  }
0x41a: {  	v44 =	vadd.f32 $3.333148360e-01, v44;
	v30 =	vmul.f32 v30, v23;
	v45 =	vmul.f32 v47, v45  }
0x41b: {  	v47 =	vmul.f32 $5.000000000e-01, v54;
	v8 =	vsub.f32 v8, v36;
	v22 =	vsub.f32 v22, v50  }
0x41c: {  	v23 =	vsub.f32 v23, v37;
	v54 =	vmul.f32 $5.000000000e-01, v52;
	v36 =	vmul.f32 v52, v26  }
0x41d: {  	v39 =	vmul.f32 v48, v59;
	v24 =	vsub.f32 v24, v53;
	v55 =	vadd.f32 $3.333148360e-01, v33  }
0x41e: {  	v48 =	vmul.f32 v63, v26;
	v59 =	vadd.f32 v29, v29;
	v41 =	vadd.f32 $3.333148360e-01, v41  }
0x41f: {  	v11 =	vmul.f32 v11, v11;
	v38 =	vadd.f32 $3.333148360e-01, v38;
	v30 =	vadd.f32 $3.333148360e-01, v30  }
0x420: {  	v40 =	vmul.f32 v44, v56;
	v25 =	vadd.f32 v45, v25;
	v21 =	vsub.f32 v21, v47  }
0x421: {  	v56 =	vadd.f32 v27, v12;
	v57 =	vmul.f32 v55, v42;
	v27 =	vmul.f32 $1.442695020e+00, v59  }
0x422: {  	v35 =	vadd.f32 $-2.497013810e-01, v48;
	v41 =	vmul.f32 v41, v60;
	v38 =	vmul.f32 v38, v61  }
0x423: {  	v30 =	vmul.f32 v30, v62;
	v14 =	vadd.f32 v40, v14;
	v10 =	vadd.f32 v25, v10  }
0x424: {  	v21 =	vadd.f32 v39, v21;
	v62 =	vmul.f32 $6.931471820e-01, v18;
	v9 =	vmul.f32 v56, v56  }
0x425: {  	v60 =	vpop (erf);
	v35 =	vmul.f32 v35, v26;
	v26 =	vsub.f32 v26, v54;
	v12 =	vadd.f32 v57, v24  }
0x426: {  	v4 =	vmul.f32 v4, v60;
	v24 =	vsub.f32 $1.000000000e+00, v5;
	v60 =	vsub.f32 $1.000000000e+00, v32  }
0x427: {  	(erf) = vpow2.f32 v27;
	v61 =	vpop (erf);
	v8 =	vadd.f32 v41, v8;
	v22 =	vadd.f32 v38, v22  }
0x428: {  	v23 =	vadd.f32 v30, v23;
	v14 =	vadd.f32 v14, v20;
	v6 =	vmul.f32 v6, v61  }
0x429: {  	[tilespmem:s0+$0xE070] =	vst v5;
	v13 =	vadd.f32 v21, v13;
	v10 =	vmul.f32 v10, v10;
	v58 =	vadd.f32 $3.333148360e-01, v35  }
0x42a: {  	[tilespmem:s0+$0xC070] =	vst v32;
	v12 =	vadd.f32 v12, v16;
	v8 =	vadd.f32 v8, v15;
	v14 =	vmul.f32 v14, v14  }
0x42b: {  	[tilespmem:s0+$0xE0F0] =	vst v24;
	v63 =	vadd.f32 v22, v19;
	v13 =	vmul.f32 v13, v13;
	v25 =	vmul.f32 v58, v36  }
0x42c: {  	v15 =	vadd.f32 v23, v62;
	[tilespmem:s31+$0xE0C0] =	vst v3;
	v12 =	vmul.f32 v12, v12;
	v8 =	vmul.f32 v8, v8  }
0x42d: {  	[tilespmem:s31+$0xE0D0] =	vst v1;
	v29 =	vadd.f32 v4, v14;
	v30 =	vmul.f32 v63, v63;
	v31 =	vadd.f32 v6, v13  }
0x42e: {  	[tilespmem:s31+$0xE0E0] =	vst v2;
	v22 =	vpop (erf);
	v36 =	vmul.f32 v15, v15;
	vm10 =	vle.f32 v4, v14;
	vm1 =	vle.f32 v6, v13  }
0x42f: {  	[tilespmem:s0+$0xC0F0] =	vst v60;
	v25 =	vadd.f32 v25, v26;
	v7 =	vmul.f32 v7, v22;
	v26 =	vpop (erf);
	v4 =	vsel vm10, $0x3F800000, v51  }
0x430: {  	v40 =	vsel vm1, $0x3F800000, v51;
	v0 =	vmul.f32 v0, v26;
	[tilespmem:s0+$0xC000] =	vst v4;
	v4 =	vsub.f32 $1.000000000e+00, v4  }
0x431: {  	v27 =	vpop (erf);
	(erf) = vrcp.f32 v29;
	[tilespmem:s0+$0xC010] =	vst v40;
	v44 =	vsub.f32 $1.000000000e+00, v40;
	v17 =	vadd.f32 v25, v17  }
0x432: {  	v28 =	vpop (erf);
	v9 =	vmul.f32 v9, v27;
	v33 =	vadd.f32 v7, v8;
	vm11 =	vle.f32 v7, v8;
	[tilespmem:s0+$0xC080] =	vst v4  }
0x433: {  	v34 =	vpop (erf);
	(erf) = vrcp.f32 v31;
	vm12 =	vle.f32 v0, v30;
	v42 =	vsel vm11, $0x3F800000, v51;
	[tilespmem:s0+$0xC090] =	vst v44  }
0x434: {  	v35 =	vadd.f32 v0, v30;
	v43 =	vsel vm12, $0x3F800000, v51;
	[tilespmem:s0+$0xC020] =	vst v42;
	v0 =	vsub.f32 $1.000000000e+00, v42  }
0x435: {  	v11 =	vmul.f32 v11, v28;
	(erf) = vrcp.f32 v33;
	vm13 =	vle.f32 v9, v36;
	[tilespmem:s0+$0xC030] =	vst v43  }
0x436: {  	v10 =	vmul.f32 v10, v34;
	v3 =	vsel vm13, $0x3F800000, v51;
	v2 =	vsub.f32 $1.000000000e+00, v43;
	[tilespmem:s0+$0xC0A0] =	vst v0  }
0x437: {  	v37 =	vmul.f32 v17, v17;
	(erf) = vrcp.f32 v35;
	vm14 =	vle.f32 v11, v12;
	[tilespmem:s0+$0xC040] =	vst v3  }
0x438: {  	v38 =	vadd.f32 v9, v36;
	v55 =	vsel vm14, $0x3F800000, v51;
	v56 =	vsub.f32 $1.000000000e+00, v3;
	[tilespmem:s0+$0xC0B0] =	vst v2  }
0x439: {  	v39 =	vadd.f32 v11, v12;
	vm15 =	vle.f32 v10, v37;
	[tilespmem:s0+$0xC050] =	vst v55  }
0x43a: {  	(erf) = vrcp.f32 v38;
	v57 =	vsel vm15, $0x3F800000, v51;
	v58 =	vsub.f32 $1.000000000e+00, v55;
	[tilespmem:s0+$0xC0C0] =	vst v56  }
0x43b: {  	v41 =	vadd.f32 v10, v37;
	(erf) = vrcp.f32 v39;
	v59 =	vsub.f32 $1.000000000e+00, v57;
	[tilespmem:s0+$0xC060] =	vst v57;
	v45 =	vpop (erf)  }
0x43c: {  	[tilespmem:s0+$0xC0D0] =	vst v58;
	v7 =	vmul.f32 v45, v14;
	v46 =	vpop (erf)  }
0x43d: {  	(erf) = vrcp.f32 v41;
	[tilespmem:s0+$0xC0E0] =	vst v59;
	v4 =	vmul.f32 v46, v13  }
0x43e: {  	v47 =	vpop (erf);
	[tilespmem:s0+$0xE000] =	vst v7;
	v7 =	vsub.f32 $1.000000000e+00, v7  }
0x43f: {  	v6 =	vmul.f32 v47, v8;
	[tilespmem:s0+$0xE010] =	vst v4  }
0x440: {  	v48 =	vpop (erf);
	v4 =	vsub.f32 $1.000000000e+00, v4;
	[tilespmem:s0+$0xE080] =	vst v7  }
0x441: {  	v8 =	vmul.f32 v48, v30;
	[tilespmem:s0+$0xE020] =	vst v6  }
0x442: {  	v49 =	vsub.f32 $1.000000000e+00, v6;
	[tilespmem:s0+$0xE090] =	vst v4  }
0x443: {  	v52 =	vpop (erf);
	v50 =	vsub.f32 $1.000000000e+00, v8;
	[tilespmem:s0+$0xE030] =	vst v8  }
0x444: {  	v53 =	vpop (erf);
	v4 =	vmul.f32 v52, v36;
	[tilespmem:s0+$0xE0A0] =	vst v49  }
0x445: {  	v6 =	vmul.f32 v53, v12;
	[tilespmem:s0+$0xE0B0] =	vst v50  }
0x446: {  	v54 =	vpop (erf);
	[tilespmem:s0+$0xE040] =	vst v4;
	v61 =	vsub.f32 $1.000000000e+00, v4  }
0x447: {  	[tilespmem:s0+$0xE050] =	vst v6;
	v62 =	vsub.f32 $1.000000000e+00, v6;
	v7 =	vmul.f32 v54, v37  }
0x448: {  	[tilespmem:s0+$0xE0C0] =	vst v61  }
0x449: {  	[tilespmem:s0+$0xE0D0] =	vst v62;
	v63 =	vsub.f32 $1.000000000e+00, v7  }
.Ltmp4:
0x44a: {  	s3 =	sor.u32 $0x400, s30;
	[tilespmem:s0+$0xE060] =	vst v7;
	(pc) =	sbr.rel @p1 .LBB2_8-.Ltmp4, $4  }
0x44b: {  	s30 =	sadd.s32 s4, s3;
	[tilespmem:s0+$0xE0E0] =	vst v63  }
0x44c: {  	[hbm4b:s30+s6] =	stream.linear.scatter [tilespmem:s22], [sflag:$0x4], $0x2000, $0x38;
	[tilespmem:$0x10000] =	vst v63  }
0x44d: {  	s31 =	sadd.s32 s5, s3  }
0x44e: {  	[hbm4b:s31+s6] =	stream.linear.scatter [tilespmem:s23], [sflag:$0x4], $0x2000, $0x38;
	[tilespmem:$0x10000] =	vst v63  }
0x44f: {  	s0 =	sadd.s32 s29, s13  }
.Ltmp5:
0x450: {  	s0 =	sshrl.u32 s0, $0x3;
	(pc) =	sbr.rel .LBB2_2-.Ltmp5, $4  }
0x451: {  	s3 =	sadd.s32 s1, s0  }
0x452: {  	[tilespmem:s16], [sflag:$0x2] =	stream.linear.gather [hbm4b:s3+s6], $0x2000, $0x38;
	[tilespmem:$0x10000] =	vst v63  }
0x453: {  	s28 =	sadd.s32 $0x1, s28;
	s0 =	sadd.s32 s2, s0  }
0x454: {  	[tilespmem:s17], [sflag:$0x2] =	stream.linear.gather [hbm4b:s0+s6], $0x2000, $0x38;
	[tilespmem:$0x10000] =	vst v63  }
.LBB2_9:
0x455: {  	_ =	sfence.sel $0x180000  }
0x456: {  	[bflag:$0x0] =	sbarrier.arrive $0xFFFF  }
0x457: {  	_ =	strace $0x90000047  }
0x458: {  	s0 =	stileid.u32;
	[bflag:$0x2] =	sbarrier.arrive $0xFFFF  }
0x459: {  	p0 =	sne.s32 s0, $0x0;
	s0 =	rddreg [dreg:$0x4]  }
0x45a: {  	s0 =	sadd.s32 @!p0 $0x100000, s0  }
0x45b: {  	[sflag:s0] =	ssyncadd.tile.s32 @!p0 $0x1;
	_ =	shalt  }
.Lfunc_end2:
_tile_overlayer_lowered:
.L_overlay_start_2:
0x45c: {  	(tag) =	ssettag $0x2  }
0x45d: {  	s0 =	rddreg [dreg:$0x0];
	s2 =	stileid.u32  }
0x45e: {  	s1 =	rddreg [dreg:$0x1];
	p0 =	sne.s32 s2, $0x0  }
0x45f: {  	s3 =	rddreg [dreg:$0x2];
	[bflag:$0x3] =	sbarrier.arrive $0xFFFF;
	s2 =	simm.s32 @!p0 $0x1C05  }
0x460: {  	[timem:s3], [sflag:s2] =	dma.local @!p0 [hbm:s0], s1  }
0x461: {  	s0 =	simm.s32 @!p0 $0x5  }
0x462: {  	_ =	swait.ge @!p0 [sflag:s0], s1  }
0x463: {  	s1 =	ssub.s32 @!p0 $0x0, s1;
	[sflag:s0] =	ssyncset.done @!p0 $0x0  }
0x464: {  	[sflag:s0] =	ssyncadd.s32 @!p0 s1  }
0x465: {  	[bflag:$0x3] =	sbarrier.arrive $0xFFFF  }
0x466: {  	_ =	shalt  }

</sc_bundles>
